<compile_context>
chip_gen: v7x
topology: tpu7x:2x2x1
jax: 0.10.2.dev20260603
libtpu: 0.0.44.dev20260713+nightly
codegen_flags: <defaults>
</compile_context>

<pallas_src>
import functools

import jax
import jax.numpy as jnp
from jax import lax
from jax.experimental import pallas as pl
from jax.experimental.pallas import tpu as pltpu
from jax.experimental.pallas import tpu_sc as plsc

NN = 10000
DD = 128
NB = 10240
NC, NS = 2, 16
NW = NC * NS
CH = 128
NBUF = 2
SEGA = 40
CPS = 160
CPT = CPS // NC
EP = NS * CPS * CH
JUNK = NB - NN
RPT = NB // NS
EPS_BN = 1e-5


@functools.lru_cache(maxsize=None)
def _mesh():
    return plsc.VectorSubcoreMesh(core_axis_name="c", subcore_axis_name="s",
                                  num_cores=NC, num_subcores=NS)


@functools.lru_cache(maxsize=None)
def _mesh1():
    return plsc.VectorSubcoreMesh(core_axis_name="c", subcore_axis_name="s",
                                  num_cores=1, num_subcores=NS)


def _deg_body(srcs_hbm, dsts_hbm, out_hbm, sseg_v, dseg_v, histf_v):
    c = lax.axis_index("c")
    t = lax.axis_index("s")
    slab = c * NS + t

    zeros16 = jnp.zeros((16,), jnp.float32)
    ones16 = jnp.ones((16,), jnp.float32)

    @pl.loop(0, 2 * NB // 128)
    def _(r):
        for k in range(8):
            histf_v[pl.ds(r * 128 + k * 16, 16)] = zeros16

    pltpu.sync_copy(srcs_hbm.at[t, pl.ds(c * CPT, CPT)], sseg_v)
    pltpu.sync_copy(dsts_hbm.at[t, pl.ds(c * CPT, CPT)], dseg_v)

    @pl.loop(0, CPT)
    def _(ci):
        for k8 in range(8):
            si = sseg_v[ci, pl.ds(k8 * 16, 16)]
            plsc.addupdate_scatter(histf_v, [si], ones16)
            di = dseg_v[ci, pl.ds(k8 * 16, 16)]
            plsc.addupdate_scatter(histf_v, [NB + di], ones16)

    pltpu.sync_copy(histf_v, out_hbm.at[pl.ds(slab * 2 * NB, 2 * NB)])


@functools.lru_cache(maxsize=None)
def _deg_call():
    return pl.kernel(
        _deg_body,
        out_type=jax.ShapeDtypeStruct((NW * 2 * NB,), jnp.float32),
        mesh=_mesh(),
        scratch_types=[
            pltpu.VMEM((CPT, CH), jnp.int32),
            pltpu.VMEM((CPT, CH), jnp.int32),
            pltpu.VMEM((2 * NB,), jnp.float32),
        ],
        compiler_params=pltpu.CompilerParams(needs_layout_passes=False),
    )


def _agg_body(s_hbm, srcs_hbm, dsts_hbm, out_hbm, sidx_v, didx_v, bufs_v,
              acc_sh, *sems):
    c = lax.axis_index("c")
    t = lax.axis_index("s")

    zeros16 = jnp.zeros((16,), jnp.float32)

    @pl.loop(0, CH)
    def _(r):
        for k in range(DD // 16):
            bufs_v[0, r, pl.ds(k * 16, 16)] = zeros16
    for k in range(RPT // CH):
        pltpu.sync_copy(bufs_v.at[0], acc_sh.at[pl.ds(t * RPT + k * CH, CH)])
    plsc.subcore_barrier()

    @pl.loop(0, CPT // SEGA)
    def _(g):
        base = c * CPT + g * SEGA
        pltpu.sync_copy(srcs_hbm.at[t, pl.ds(base, SEGA)], sidx_v)
        pltpu.sync_copy(dsts_hbm.at[t, pl.ds(base, SEGA)], didx_v)
        for b in range(NBUF):
            pltpu.async_copy(s_hbm.at[sidx_v.at[b]], bufs_v.at[b], sems[b])
        for jj in range(SEGA):
            b = jj % NBUF
            pltpu.make_async_copy(
                s_hbm.at[sidx_v.at[jj]], bufs_v.at[b], sems[b]).wait()
            pltpu.sync_copy(bufs_v.at[b], acc_sh.at[didx_v.at[jj]], add=True)
            if jj + NBUF < SEGA:
                pltpu.async_copy(
                    s_hbm.at[sidx_v.at[jj + NBUF]], bufs_v.at[b], sems[b])

    plsc.subcore_barrier()
    for k in range(RPT // CH):
        pltpu.sync_copy(acc_sh.at[pl.ds(t * RPT + k * CH, CH)],
                        out_hbm.at[pl.ds(c * NB + t * RPT + k * CH, CH)])


@functools.lru_cache(maxsize=None)
def _agg_call():
    return pl.kernel(
        _agg_body,
        out_type=jax.ShapeDtypeStruct((2 * NB, DD), jnp.float32),
        mesh=_mesh(),
        scratch_types=[
            pltpu.VMEM((SEGA, CH), jnp.int32),
            pltpu.VMEM((SEGA, CH), jnp.int32),
            pltpu.VMEM((NBUF, CH, DD), jnp.float32),
            pltpu.VMEM_SHARED((NB, DD), jnp.float32),
        ] + [pltpu.SemaphoreType.DMA] * NBUF,
        compiler_params=pltpu.CompilerParams(needs_layout_passes=False),
    )


def _prescale_body(x_ref, h_ref, s_ref):
    rsum = jnp.sum(h_ref[...], axis=0, keepdims=True)
    dsrc = jnp.transpose(
        lax.rsqrt(jnp.maximum(rsum[:, 0:NN], 1.0)))
    s_ref[0:NN, :] = x_ref[...] * dsrc
    s_ref[NN:NB, :] = jnp.zeros((NB - NN, DD), jnp.float32)


_prescale_call = pl.pallas_call(
    _prescale_body,
    out_shape=jax.ShapeDtypeStruct((NB, DD), jnp.float32),
)


def _bn_head(h, W1, b1, g, be, W2, b2):
    y = jnp.dot(h, W1, preferred_element_type=jnp.float32) + b1
    mu = jnp.mean(y, axis=0, keepdims=True)
    var = jnp.mean((y - mu) ** 2, axis=0, keepdims=True)
    y = (y - mu) / jnp.sqrt(var + EPS_BN) * g + be
    y = jnp.maximum(y, 0.0)
    return jnp.dot(y, W2, preferred_element_type=jnp.float32) + b2


def _dense_body(p_ref, dT_ref, W_ref, b_ref, Wp1_ref, bp1_ref, gp1_ref,
                bep1_ref, Wp2_ref, bp2_ref, Wq1_ref, bq1_ref, gq1_ref,
                beq1_ref, Wq2_ref, bq2_ref, out_ref):
    rsum = jnp.sum(dT_ref[...], axis=0, keepdims=True)
    ddst = jnp.transpose(
        lax.rsqrt(jnp.maximum(rsum[:, NB:NB + NN], 1.0)))
    agg = (p_ref[0:NN, :] + p_ref[NB:NB + NN, :]) * ddst
    h = jnp.maximum(
        jnp.dot(agg, W_ref[...], preferred_element_type=jnp.float32)
        + b_ref[...], 0.0)
    z = _bn_head(h, Wp1_ref[...], bp1_ref[...], gp1_ref[...], bep1_ref[...],
                 Wp2_ref[...], bp2_ref[...])
    pred = _bn_head(z, Wq1_ref[...], bq1_ref[...], gq1_ref[...], beq1_ref[...],
                    Wq2_ref[...], bq2_ref[...])
    nx = jnp.sqrt(jnp.sum(pred * pred, axis=1, keepdims=True))
    ny = jnp.sqrt(jnp.sum(z * z, axis=1, keepdims=True))
    xn = pred / jnp.maximum(nx, 1e-12)
    yn = z / jnp.maximum(ny, 1e-12)
    ip = jnp.sum(xn * yn, axis=1, keepdims=True)
    loss = 2.0 - 2.0 * jnp.sum(ip) / NN
    out_ref[...] = jnp.broadcast_to(loss, (1, 128))


_dense_call = pl.pallas_call(
    _dense_body,
    out_shape=jax.ShapeDtypeStruct((1, 128), jnp.float32),
)


def kernel(x, edge_index, W_gcn, b_gcn, Wp1, bp1, gp1, bep1, Wp2, bp2,
           Wq1, bq1, gq1, beq1, Wq2, bq2):
    E = edge_index.shape[1]
    pad = EP - E
    ar = jnp.arange(pad, dtype=jnp.int32)
    fill_s = NN + ar % JUNK
    fill_d = NN + (ar * 7 + 3) % JUNK
    srcs = jnp.concatenate([edge_index[0], fill_s]).reshape(NS, CPS, CH)
    dsts = jnp.concatenate([edge_index[1], fill_d]).reshape(NS, CPS, CH)

    hists = _deg_call()(srcs, dsts).reshape(NW, 2 * NB)
    s = _prescale_call(x, hists)
    p = _agg_call()(s, srcs, dsts)
    loss = _dense_call(p, hists, W_gcn, b_gcn.reshape(1, DD),
                       Wp1, bp1.reshape(1, DD), gp1.reshape(1, DD),
                       bep1.reshape(1, DD), Wp2, bp2.reshape(1, DD),
                       Wq1, bq1.reshape(1, DD), gq1.reshape(1, DD),
                       beq1.reshape(1, DD), Wq2, bq2.reshape(1, DD))
    return loss[0, 0]

# --- scband reference (transcript-rebuilt; emitter-appended) ---
"""Pipeline reference for scband-conad-52192442581574 (READ-ONLY COPY).

The authoritative reference and input builder live on the scoring server;
editing this copy changes nothing except your own understanding.
"""

import jax, jax.numpy as jnp
import numpy as np

N = 10000
E = 320000
D = 128   # in_feats
H = 128   # hid_feats
M = 128   # mlp_hidden_size
P = 128   # projection_size
EPS_BN = 1e-5


def _xavier(key, shape):
    fan_in, fan_out = shape[0], shape[1]
    lim = jnp.sqrt(6.0 / (fan_in + fan_out))
    return jax.random.uniform(key, shape, jnp.float32, -lim, lim)


def setup_inputs(seed: int = 0) -> dict:
    key = jax.random.key(seed)
    ks = jax.random.split(key, 16)
    x = jax.random.normal(ks[0], (N, D), jnp.float32)
    edge_index = jax.random.randint(ks[1], (2, E), 0, N, dtype=jnp.int32)
    # GCN encoder (GraphConv): weight [D, H], bias [H]
    W_gcn = _xavier(ks[2], (D, H))
    b_gcn = jnp.zeros((H,), jnp.float32)
    # projection MLPHead: Linear(H,M) -> BN(M) -> ReLU -> Linear(M,P)
    Wp1 = _xavier(ks[3], (H, M)); bp1 = jnp.zeros((M,), jnp.float32)
    gp1 = jnp.ones((M,), jnp.float32); bep1 = jnp.zeros((M,), jnp.float32)
    Wp2 = _xavier(ks[4], (M, P)); bp2 = jnp.zeros((P,), jnp.float32)
    # predictor MLPHead: Linear(P,M) -> BN(M) -> ReLU -> Linear(M,P)
    Wq1 = _xavier(ks[5], (P, M)); bq1 = jnp.zeros((M,), jnp.float32)
    gq1 = jnp.ones((M,), jnp.float32); beq1 = jnp.zeros((M,), jnp.float32)
    Wq2 = _xavier(ks[6], (M, P)); bq2 = jnp.zeros((P,), jnp.float32)
    return {
        'x': x, 'edge_index': edge_index,
        'W_gcn': W_gcn, 'b_gcn': b_gcn,
        'Wp1': Wp1, 'bp1': bp1, 'gp1': gp1, 'bep1': bep1, 'Wp2': Wp2, 'bp2': bp2,
        'Wq1': Wq1, 'bq1': bq1, 'gq1': gq1, 'beq1': beq1, 'Wq2': Wq2, 'bq2': bq2,
    }


def _gcn_layer(x, src, dst, W, b):
    # DGL GraphConv with norm='both' and ReLU activation
    ones = jnp.ones((E,), jnp.float32)
    deg_out = jnp.clip(jax.ops.segment_sum(ones, src, num_segments=N), 1.0)
    deg_in = jnp.clip(jax.ops.segment_sum(ones, dst, num_segments=N), 1.0)
    h = x * (deg_out ** -0.5)[:, None]
    msg = jnp.take(h, src, axis=0)                      # gather (memory-bound)
    agg = jax.ops.segment_sum(msg, dst, num_segments=N)  # scatter-add
    agg = agg * (deg_in ** -0.5)[:, None]
    return jax.nn.relu(agg @ W + b)


def _mlp_head(h, W1, b1, g, be, W2, b2):
    h = h @ W1 + b1
    mu = jnp.mean(h, axis=0)
    var = jnp.var(h, axis=0)
    h = (h - mu) / jnp.sqrt(var + EPS_BN) * g + be
    h = jax.nn.relu(h)
    return h @ W2 + b2


def _l2norm(x):
    n = jnp.linalg.norm(x, axis=1, keepdims=True)
    return x / jnp.maximum(n, 1e-12)


def reference(x, edge_index, W_gcn, b_gcn, Wp1, bp1, gp1, bep1, Wp2, bp2,
              Wq1, bq1, gq1, beq1, Wq2, bq2):
    src = edge_index[0]
    dst = edge_index[1]
    # online network: GCN encoder + projection head
    h_on = _gcn_layer(x, src, dst, W_gcn, b_gcn)
    z_on = _mlp_head(h_on, Wp1, bp1, gp1, bep1, Wp2, bp2)
    # predictor on top of online projection
    pred = _mlp_head(z_on, Wq1, bq1, gq1, beq1, Wq2, bq2)
    # target network: parameters initialized as a copy of online network; no grad
    h_tg = _gcn_layer(x, src, dst, W_gcn, b_gcn)
    z_tg = _mlp_head(h_tg, Wp1, bp1, gp1, bep1, Wp2, bp2)
    target = jax.lax.stop_gradient(z_tg)
    # BYOL regression loss: 2 - 2 * cos(pred, target), mean over nodes
    xn = _l2norm(pred)
    yn = _l2norm(target)
    loss = (2.0 - 2.0 * jnp.sum(xn * yn, axis=-1)).mean()
    return loss

if __name__ == "__main__":
    import jax
    _d = setup_inputs()
    print(jax.jit(kernel)(*tuple(_d.values())))

</pallas_src>

<mosaic_0001>
#map = affine_map<(d0, d1) -> (0, 0, 0)>
#map1 = affine_map<(d0, d1) -> (0)>
module attributes {stable_mosaic.version = 14 : i64} {
  func.func @_deg_body(%arg0: i32, %arg1: i32, %arg2: memref<16x160x128xi32, #tpu.memory_space<hbm>>, %arg3: memref<16x160x128xi32, #tpu.memory_space<hbm>>, %arg4: memref<655360xf32, #tpu.memory_space<hbm>>, %arg5: memref<80x128xi32, #tpu.memory_space<vmem>>, %arg6: memref<80x128xi32, #tpu.memory_space<vmem>>, %arg7: memref<20480xf32, #tpu.memory_space<vmem>>) attributes {dimension_semantics = [#tpu.dimension_semantics<core_parallel>, #tpu.dimension_semantics<subcore_parallel>], iteration_bounds = array<i64: 2, 16>, scalar_prefetch = 0 : i64, scratch_operands = 3 : i64, tpu.core_type = #tpu.core_type<sc_vector_subcore>, window_params = [{transform_indices = #map}, {transform_indices = #map}, {transform_indices = #map1}]} {
    %mul3A = arith.constant 16 : i32
    %mul3A_0 = arith.muli %arg0, %mul3A : i32
    %add3A = arith.addi %mul3A_0, %arg1 : i32
    %broadcast_in_dim3A = arith.constant 0.000000e+00 : f32
    %broadcast_in_dim3A_1 = vector.broadcast %broadcast_in_dim3A : f32 to vector<16xf32>
    %broadcast_in_dim3A_2 = arith.constant 1.000000e+00 : f32
    %broadcast_in_dim3A_3 = vector.broadcast %broadcast_in_dim3A_2 : f32 to vector<16xf32>
    %scan3A = arith.constant 0 : i32
    %scan3A_4 = arith.constant 160 : i32
    %scan3A_5 = arith.addi %scan3A, %scan3A_4 : i32
    %scan3A_6 = arith.constant 1 : i32
    scf.for %scan3A_21 = %scan3A to %scan3A_5 step %scan3A_6  : i32 {
      %mul3A_22 = arith.constant 1 : i32
      %mul3A_23 = arith.muli %scan3A_21, %mul3A_22 : i32
      %add3A_24 = arith.constant 0 : i32
      %add3A_25 = arith.addi %add3A_24, %mul3A_23 : i32
      %mul3A_26 = arith.constant 128 : i32
      %mul3A_27 = arith.muli %add3A_25, %mul3A_26 : i32
      %add3A_28 = arith.constant 0 : i32
      %add3A_29 = arith.addi %mul3A_27, %add3A_28 : i32
      %swap3A = arith.index_cast %add3A_29 : i32 to index
      %swap3A_30 = tpu.vector_load %arg7[%swap3A] {strides = array<i32>} : memref<20480xf32, #tpu.memory_space<vmem>>, vector<16xf32>,
      tpu.vector_store %arg7[%swap3A], %broadcast_in_dim3A_1 {strides = array<i32>} : memref<20480xf32, #tpu.memory_space<vmem>>, vector<16xf32>,
      %mul3A_31 = arith.constant 128 : i32
      %mul3A_32 = arith.muli %add3A_25, %mul3A_31 : i32
      %add3A_33 = arith.constant 16 : i32
      %add3A_34 = arith.addi %mul3A_32, %add3A_33 : i32
      %swap3A_35 = arith.index_cast %add3A_34 : i32 to index
      %swap3A_36 = tpu.vector_load %arg7[%swap3A_35] {strides = array<i32>} : memref<20480xf32, #tpu.memory_space<vmem>>, vector<16xf32>,
      tpu.vector_store %arg7[%swap3A_35], %broadcast_in_dim3A_1 {strides = array<i32>} : memref<20480xf32, #tpu.memory_space<vmem>>, vector<16xf32>,
      %mul3A_37 = arith.constant 128 : i32
      %mul3A_38 = arith.muli %add3A_25, %mul3A_37 : i32
      %add3A_39 = arith.constant 32 : i32
      %add3A_40 = arith.addi %mul3A_38, %add3A_39 : i32
      %swap3A_41 = arith.index_cast %add3A_40 : i32 to index
      %swap3A_42 = tpu.vector_load %arg7[%swap3A_41] {strides = array<i32>} : memref<20480xf32, #tpu.memory_space<vmem>>, vector<16xf32>,
      tpu.vector_store %arg7[%swap3A_41], %broadcast_in_dim3A_1 {strides = array<i32>} : memref<20480xf32, #tpu.memory_space<vmem>>, vector<16xf32>,
      %mul3A_43 = arith.constant 128 : i32
      %mul3A_44 = arith.muli %add3A_25, %mul3A_43 : i32
      %add3A_45 = arith.constant 48 : i32
      %add3A_46 = arith.addi %mul3A_44, %add3A_45 : i32
      %swap3A_47 = arith.index_cast %add3A_46 : i32 to index
      %swap3A_48 = tpu.vector_load %arg7[%swap3A_47] {strides = array<i32>} : memref<20480xf32, #tpu.memory_space<vmem>>, vector<16xf32>,
      tpu.vector_store %arg7[%swap3A_47], %broadcast_in_dim3A_1 {strides = array<i32>} : memref<20480xf32, #tpu.memory_space<vmem>>, vector<16xf32>,
      %mul3A_49 = arith.constant 128 : i32
      %mul3A_50 = arith.muli %add3A_25, %mul3A_49 : i32
      %add3A_51 = arith.constant 64 : i32
      %add3A_52 = arith.addi %mul3A_50, %add3A_51 : i32
      %swap3A_53 = arith.index_cast %add3A_52 : i32 to index
      %swap3A_54 = tpu.vector_load %arg7[%swap3A_53] {strides = array<i32>} : memref<20480xf32, #tpu.memory_space<vmem>>, vector<16xf32>,
      tpu.vector_store %arg7[%swap3A_53], %broadcast_in_dim3A_1 {strides = array<i32>} : memref<20480xf32, #tpu.memory_space<vmem>>, vector<16xf32>,
      %mul3A_55 = arith.constant 128 : i32
      %mul3A_56 = arith.muli %add3A_25, %mul3A_55 : i32
      %add3A_57 = arith.constant 80 : i32
      %add3A_58 = arith.addi %mul3A_56, %add3A_57 : i32
      %swap3A_59 = arith.index_cast %add3A_58 : i32 to index
      %swap3A_60 = tpu.vector_load %arg7[%swap3A_59] {strides = array<i32>} : memref<20480xf32, #tpu.memory_space<vmem>>, vector<16xf32>,
      tpu.vector_store %arg7[%swap3A_59], %broadcast_in_dim3A_1 {strides = array<i32>} : memref<20480xf32, #tpu.memory_space<vmem>>, vector<16xf32>,
      %mul3A_61 = arith.constant 128 : i32
      %mul3A_62 = arith.muli %add3A_25, %mul3A_61 : i32
      %add3A_63 = arith.constant 96 : i32
      %add3A_64 = arith.addi %mul3A_62, %add3A_63 : i32
      %swap3A_65 = arith.index_cast %add3A_64 : i32 to index
      %swap3A_66 = tpu.vector_load %arg7[%swap3A_65] {strides = array<i32>} : memref<20480xf32, #tpu.memory_space<vmem>>, vector<16xf32>,
      tpu.vector_store %arg7[%swap3A_65], %broadcast_in_dim3A_1 {strides = array<i32>} : memref<20480xf32, #tpu.memory_space<vmem>>, vector<16xf32>,
      %mul3A_67 = arith.constant 128 : i32
      %mul3A_68 = arith.muli %add3A_25, %mul3A_67 : i32
      %add3A_69 = arith.constant 112 : i32
      %add3A_70 = arith.addi %mul3A_68, %add3A_69 : i32
      %swap3A_71 = arith.index_cast %add3A_70 : i32 to index
      %swap3A_72 = tpu.vector_load %arg7[%swap3A_71] {strides = array<i32>} : memref<20480xf32, #tpu.memory_space<vmem>>, vector<16xf32>,
      tpu.vector_store %arg7[%swap3A_71], %broadcast_in_dim3A_1 {strides = array<i32>} : memref<20480xf32, #tpu.memory_space<vmem>>, vector<16xf32>,
    }
    %scan3A_7 = arith.constant 160 : i32
    %mul3A_8 = arith.constant 80 : i32
    %mul3A_9 = arith.muli %arg0, %mul3A_8 : i32
    "tpu.region"() ({
      %run_scoped3A = tpu.sem_alloc : memref<!tpu.dma_semaphore, #tpu.memory_space<semaphore_mem>>
      %dma_start3A = arith.constant 0 : i32
      %dma_start3A_21 = tpu.memref_slice %arg2[%arg1, %mul3A_9, %dma_start3A] : memref<16x160x128xi32, #tpu.memory_space<hbm>> -> memref<1x80x128xi32, #tpu.memory_space<hbm>>
      %dma_start3A_22 = tpu.memref_squeeze %dma_start3A_21 : memref<1x80x128xi32, #tpu.memory_space<hbm>> -> memref<80x128xi32, #tpu.memory_space<hbm>>
      %dma_start3A_23 = arith.constant 0 : i32
      %dma_start3A_24 = tpu.memref_slice %arg2[%arg1, %mul3A_9, %dma_start3A_23] : memref<16x160x128xi32, #tpu.memory_space<hbm>> -> memref<1x80x128xi32, #tpu.memory_space<hbm>>
      %dma_start3A_25 = tpu.memref_squeeze %dma_start3A_24 : memref<1x80x128xi32, #tpu.memory_space<hbm>> -> memref<80x128xi32, #tpu.memory_space<hbm>>
      tpu.enqueue_dma source(%dma_start3A_25 : memref<80x128xi32, #tpu.memory_space<hbm>>) target(%arg5 : memref<80x128xi32, #tpu.memory_space<vmem>>) target_semaphore(%run_scoped3A : memref<!tpu.dma_semaphore, #tpu.memory_space<semaphore_mem>>)
      %dma_wait3A = arith.constant 0 : i32
      %dma_wait3A_26 = tpu.memref_slice %arg2[%arg1, %mul3A_9, %dma_wait3A] : memref<16x160x128xi32, #tpu.memory_space<hbm>> -> memref<1x80x128xi32, #tpu.memory_space<hbm>>
      %dma_wait3A_27 = tpu.memref_squeeze %dma_wait3A_26 : memref<1x80x128xi32, #tpu.memory_space<hbm>> -> memref<80x128xi32, #tpu.memory_space<hbm>>
      %dma_wait3A_28 = arith.constant 0 : i32
      %dma_wait3A_29 = tpu.memref_slice %arg2[%arg1, %mul3A_9, %dma_wait3A_28] : memref<16x160x128xi32, #tpu.memory_space<hbm>> -> memref<1x80x128xi32, #tpu.memory_space<hbm>>
      %dma_wait3A_30 = tpu.memref_squeeze %dma_wait3A_29 : memref<1x80x128xi32, #tpu.memory_space<hbm>> -> memref<80x128xi32, #tpu.memory_space<hbm>>
      tpu.wait_dma2 semaphore(%run_scoped3A : memref<!tpu.dma_semaphore, #tpu.memory_space<semaphore_mem>>) src(%dma_wait3A_30 : memref<80x128xi32, #tpu.memory_space<hbm>>) dst(%arg5 : memref<80x128xi32, #tpu.memory_space<vmem>>)
      tpu.yield
    }) : () -> ()
    %mul3A_10 = arith.constant 80 : i32
    %mul3A_11 = arith.muli %arg0, %mul3A_10 : i32
    "tpu.region"() ({
      %run_scoped3A = tpu.sem_alloc : memref<!tpu.dma_semaphore, #tpu.memory_space<semaphore_mem>>
      %dma_start3A = arith.constant 0 : i32
      %dma_start3A_21 = tpu.memref_slice %arg3[%arg1, %mul3A_11, %dma_start3A] : memref<16x160x128xi32, #tpu.memory_space<hbm>> -> memref<1x80x128xi32, #tpu.memory_space<hbm>>
      %dma_start3A_22 = tpu.memref_squeeze %dma_start3A_21 : memref<1x80x128xi32, #tpu.memory_space<hbm>> -> memref<80x128xi32, #tpu.memory_space<hbm>>
      %dma_start3A_23 = arith.constant 0 : i32
      %dma_start3A_24 = tpu.memref_slice %arg3[%arg1, %mul3A_11, %dma_start3A_23] : memref<16x160x128xi32, #tpu.memory_space<hbm>> -> memref<1x80x128xi32, #tpu.memory_space<hbm>>
      %dma_start3A_25 = tpu.memref_squeeze %dma_start3A_24 : memref<1x80x128xi32, #tpu.memory_space<hbm>> -> memref<80x128xi32, #tpu.memory_space<hbm>>
      tpu.enqueue_dma source(%dma_start3A_25 : memref<80x128xi32, #tpu.memory_space<hbm>>) target(%arg6 : memref<80x128xi32, #tpu.memory_space<vmem>>) target_semaphore(%run_scoped3A : memref<!tpu.dma_semaphore, #tpu.memory_space<semaphore_mem>>)
      %dma_wait3A = arith.constant 0 : i32
      %dma_wait3A_26 = tpu.memref_slice %arg3[%arg1, %mul3A_11, %dma_wait3A] : memref<16x160x128xi32, #tpu.memory_space<hbm>> -> memref<1x80x128xi32, #tpu.memory_space<hbm>>
      %dma_wait3A_27 = tpu.memref_squeeze %dma_wait3A_26 : memref<1x80x128xi32, #tpu.memory_space<hbm>> -> memref<80x128xi32, #tpu.memory_space<hbm>>
      %dma_wait3A_28 = arith.constant 0 : i32
      %dma_wait3A_29 = tpu.memref_slice %arg3[%arg1, %mul3A_11, %dma_wait3A_28] : memref<16x160x128xi32, #tpu.memory_space<hbm>> -> memref<1x80x128xi32, #tpu.memory_space<hbm>>
      %dma_wait3A_30 = tpu.memref_squeeze %dma_wait3A_29 : memref<1x80x128xi32, #tpu.memory_space<hbm>> -> memref<80x128xi32, #tpu.memory_space<hbm>>
      tpu.wait_dma2 semaphore(%run_scoped3A : memref<!tpu.dma_semaphore, #tpu.memory_space<semaphore_mem>>) src(%dma_wait3A_30 : memref<80x128xi32, #tpu.memory_space<hbm>>) dst(%arg6 : memref<80x128xi32, #tpu.memory_space<vmem>>)
      tpu.yield
    }) : () -> ()
    %scan3A_12 = arith.constant 0 : i32
    %scan3A_13 = arith.constant 80 : i32
    %scan3A_14 = arith.addi %scan3A_12, %scan3A_13 : i32
    %scan3A_15 = arith.constant 1 : i32
    scf.for %scan3A_21 = %scan3A_12 to %scan3A_14 step %scan3A_15  : i32 {
      %mul3A_22 = arith.constant 1 : i32
      %mul3A_23 = arith.muli %scan3A_21, %mul3A_22 : i32
      %add3A_24 = arith.constant 0 : i32
      %add3A_25 = arith.addi %add3A_24, %mul3A_23 : i32
      %get3A = arith.index_cast %add3A_25 : i32 to index
      %get3A_26 = arith.constant 0 : index
      %get3A_27 = tpu.vector_load %arg5[%get3A, %get3A_26] {strides = array<i32>} : memref<80x128xi32, #tpu.memory_space<vmem>>, vector<16xi32>,
      tpu.vector_store_idx %arg7[%get3A_27], %broadcast_in_dim3A_3 {add = true} : memref<20480xf32, #tpu.memory_space<vmem>>[vector<16xi32>], vector<16xf32>,
      %get3A_28 = arith.index_cast %add3A_25 : i32 to index
      %get3A_29 = arith.constant 0 : index
      %get3A_30 = tpu.vector_load %arg6[%get3A_28, %get3A_29] {strides = array<i32>} : memref<80x128xi32, #tpu.memory_space<vmem>>, vector<16xi32>,
      %add3A_31 = arith.constant 10240 : i32
      %add3A_32 = vector.broadcast %add3A_31 : i32 to vector<16xi32>
      %add3A_33 = arith.addi %add3A_32, %get3A_30 : vector<16xi32>
      tpu.vector_store_idx %arg7[%add3A_33], %broadcast_in_dim3A_3 {add = true} : memref<20480xf32, #tpu.memory_space<vmem>>[vector<16xi32>], vector<16xf32>,
      %get3A_34 = arith.index_cast %add3A_25 : i32 to index
      %get3A_35 = arith.constant 16 : index
      %get3A_36 = tpu.vector_load %arg5[%get3A_34, %get3A_35] {strides = array<i32>} : memref<80x128xi32, #tpu.memory_space<vmem>>, vector<16xi32>,
      tpu.vector_store_idx %arg7[%get3A_36], %broadcast_in_dim3A_3 {add = true} : memref<20480xf32, #tpu.memory_space<vmem>>[vector<16xi32>], vector<16xf32>,
      %get3A_37 = arith.index_cast %add3A_25 : i32 to index
      %get3A_38 = arith.constant 16 : index
      %get3A_39 = tpu.vector_load %arg6[%get3A_37, %get3A_38] {strides = array<i32>} : memref<80x128xi32, #tpu.memory_space<vmem>>, vector<16xi32>,
      %add3A_40 = arith.constant 10240 : i32
      %add3A_41 = vector.broadcast %add3A_40 : i32 to vector<16xi32>
      %add3A_42 = arith.addi %add3A_41, %get3A_39 : vector<16xi32>
      tpu.vector_store_idx %arg7[%add3A_42], %broadcast_in_dim3A_3 {add = true} : memref<20480xf32, #tpu.memory_space<vmem>>[vector<16xi32>], vector<16xf32>,
      %get3A_43 = arith.index_cast %add3A_25 : i32 to index
      %get3A_44 = arith.constant 32 : index
      %get3A_45 = tpu.vector_load %arg5[%get3A_43, %get3A_44] {strides = array<i32>} : memref<80x128xi32, #tpu.memory_space<vmem>>, vector<16xi32>,
      tpu.vector_store_idx %arg7[%get3A_45], %broadcast_in_dim3A_3 {add = true} : memref<20480xf32, #tpu.memory_space<vmem>>[vector<16xi32>], vector<16xf32>,
      %get3A_46 = arith.index_cast %add3A_25 : i32 to index
      %get3A_47 = arith.constant 32 : index
      %get3A_48 = tpu.vector_load %arg6[%get3A_46, %get3A_47] {strides = array<i32>} : memref<80x128xi32, #tpu.memory_space<vmem>>, vector<16xi32>,
      %add3A_49 = arith.constant 10240 : i32
      %add3A_50 = vector.broadcast %add3A_49 : i32 to vector<16xi32>
      %add3A_51 = arith.addi %add3A_50, %get3A_48 : vector<16xi32>
      tpu.vector_store_idx %arg7[%add3A_51], %broadcast_in_dim3A_3 {add = true} : memref<20480xf32, #tpu.memory_space<vmem>>[vector<16xi32>], vector<16xf32>,
      %get3A_52 = arith.index_cast %add3A_25 : i32 to index
      %get3A_53 = arith.constant 48 : index
      %get3A_54 = tpu.vector_load %arg5[%get3A_52, %get3A_53] {strides = array<i32>} : memref<80x128xi32, #tpu.memory_space<vmem>>, vector<16xi32>,
      tpu.vector_store_idx %arg7[%get3A_54], %broadcast_in_dim3A_3 {add = true} : memref<20480xf32, #tpu.memory_space<vmem>>[vector<16xi32>], vector<16xf32>,
      %get3A_55 = arith.index_cast %add3A_25 : i32 to index
      %get3A_56 = arith.constant 48 : index
      %get3A_57 = tpu.vector_load %arg6[%get3A_55, %get3A_56] {strides = array<i32>} : memref<80x128xi32, #tpu.memory_space<vmem>>, vector<16xi32>,
      %add3A_58 = arith.constant 10240 : i32
      %add3A_59 = vector.broadcast %add3A_58 : i32 to vector<16xi32>
      %add3A_60 = arith.addi %add3A_59, %get3A_57 : vector<16xi32>
      tpu.vector_store_idx %arg7[%add3A_60], %broadcast_in_dim3A_3 {add = true} : memref<20480xf32, #tpu.memory_space<vmem>>[vector<16xi32>], vector<16xf32>,
      %get3A_61 = arith.index_cast %add3A_25 : i32 to index
      %get3A_62 = arith.constant 64 : index
      %get3A_63 = tpu.vector_load %arg5[%get3A_61, %get3A_62] {strides = array<i32>} : memref<80x128xi32, #tpu.memory_space<vmem>>, vector<16xi32>,
      tpu.vector_store_idx %arg7[%get3A_63], %broadcast_in_dim3A_3 {add = true} : memref<20480xf32, #tpu.memory_space<vmem>>[vector<16xi32>], vector<16xf32>,
      %get3A_64 = arith.index_cast %add3A_25 : i32 to index
      %get3A_65 = arith.constant 64 : index
      %get3A_66 = tpu.vector_load %arg6[%get3A_64, %get3A_65] {strides = array<i32>} : memref<80x128xi32, #tpu.memory_space<vmem>>, vector<16xi32>,
      %add3A_67 = arith.constant 10240 : i32
      %add3A_68 = vector.broadcast %add3A_67 : i32 to vector<16xi32>
      %add3A_69 = arith.addi %add3A_68, %get3A_66 : vector<16xi32>
      tpu.vector_store_idx %arg7[%add3A_69], %broadcast_in_dim3A_3 {add = true} : memref<20480xf32, #tpu.memory_space<vmem>>[vector<16xi32>], vector<16xf32>,
      %get3A_70 = arith.index_cast %add3A_25 : i32 to index
      %get3A_71 = arith.constant 80 : index
      %get3A_72 = tpu.vector_load %arg5[%get3A_70, %get3A_71] {strides = array<i32>} : memref<80x128xi32, #tpu.memory_space<vmem>>, vector<16xi32>,
      tpu.vector_store_idx %arg7[%get3A_72], %broadcast_in_dim3A_3 {add = true} : memref<20480xf32, #tpu.memory_space<vmem>>[vector<16xi32>], vector<16xf32>,
      %get3A_73 = arith.index_cast %add3A_25 : i32 to index
      %get3A_74 = arith.constant 80 : index
      %get3A_75 = tpu.vector_load %arg6[%get3A_73, %get3A_74] {strides = array<i32>} : memref<80x128xi32, #tpu.memory_space<vmem>>, vector<16xi32>,
      %add3A_76 = arith.constant 10240 : i32
      %add3A_77 = vector.broadcast %add3A_76 : i32 to vector<16xi32>
      %add3A_78 = arith.addi %add3A_77, %get3A_75 : vector<16xi32>
      tpu.vector_store_idx %arg7[%add3A_78], %broadcast_in_dim3A_3 {add = true} : memref<20480xf32, #tpu.memory_space<vmem>>[vector<16xi32>], vector<16xf32>,
      %get3A_79 = arith.index_cast %add3A_25 : i32 to index
      %get3A_80 = arith.constant 96 : index
      %get3A_81 = tpu.vector_load %arg5[%get3A_79, %get3A_80] {strides = array<i32>} : memref<80x128xi32, #tpu.memory_space<vmem>>, vector<16xi32>,
      tpu.vector_store_idx %arg7[%get3A_81], %broadcast_in_dim3A_3 {add = true} : memref<20480xf32, #tpu.memory_space<vmem>>[vector<16xi32>], vector<16xf32>,
      %get3A_82 = arith.index_cast %add3A_25 : i32 to index
      %get3A_83 = arith.constant 96 : index
      %get3A_84 = tpu.vector_load %arg6[%get3A_82, %get3A_83] {strides = array<i32>} : memref<80x128xi32, #tpu.memory_space<vmem>>, vector<16xi32>,
      %add3A_85 = arith.constant 10240 : i32
      %add3A_86 = vector.broadcast %add3A_85 : i32 to vector<16xi32>
      %add3A_87 = arith.addi %add3A_86, %get3A_84 : vector<16xi32>
      tpu.vector_store_idx %arg7[%add3A_87], %broadcast_in_dim3A_3 {add = true} : memref<20480xf32, #tpu.memory_space<vmem>>[vector<16xi32>], vector<16xf32>,
      %get3A_88 = arith.index_cast %add3A_25 : i32 to index
      %get3A_89 = arith.constant 112 : index
      %get3A_90 = tpu.vector_load %arg5[%get3A_88, %get3A_89] {strides = array<i32>} : memref<80x128xi32, #tpu.memory_space<vmem>>, vector<16xi32>,
      tpu.vector_store_idx %arg7[%get3A_90], %broadcast_in_dim3A_3 {add = true} : memref<20480xf32, #tpu.memory_space<vmem>>[vector<16xi32>], vector<16xf32>,
      %get3A_91 = arith.index_cast %add3A_25 : i32 to index
      %get3A_92 = arith.constant 112 : index
      %get3A_93 = tpu.vector_load %arg6[%get3A_91, %get3A_92] {strides = array<i32>} : memref<80x128xi32, #tpu.memory_space<vmem>>, vector<16xi32>,
      %add3A_94 = arith.constant 10240 : i32
      %add3A_95 = vector.broadcast %add3A_94 : i32 to vector<16xi32>
      %add3A_96 = arith.addi %add3A_95, %get3A_93 : vector<16xi32>
      tpu.vector_store_idx %arg7[%add3A_96], %broadcast_in_dim3A_3 {add = true} : memref<20480xf32, #tpu.memory_space<vmem>>[vector<16xi32>], vector<16xf32>,
    }
    %scan3A_16 = arith.constant 80 : i32
    %mul3A_17 = arith.constant 2 : i32
    %mul3A_18 = arith.muli %add3A, %mul3A_17 : i32
    %mul3A_19 = arith.constant 10240 : i32
    %mul3A_20 = arith.muli %mul3A_18, %mul3A_19 : i32
    "tpu.region"() ({
      %run_scoped3A = tpu.sem_alloc : memref<!tpu.dma_semaphore, #tpu.memory_space<semaphore_mem>>
      %dma_start3A = tpu.memref_slice %arg4[%mul3A_20] : memref<655360xf32, #tpu.memory_space<hbm>> -> memref<20480xf32, #tpu.memory_space<hbm>>
      %dma_start3A_21 = tpu.memref_slice %arg4[%mul3A_20] : memref<655360xf32, #tpu.memory_space<hbm>> -> memref<20480xf32, #tpu.memory_space<hbm>>
      tpu.enqueue_dma source(%arg7 : memref<20480xf32, #tpu.memory_space<vmem>>) target(%dma_start3A_21 : memref<20480xf32, #tpu.memory_space<hbm>>) target_semaphore(%run_scoped3A : memref<!tpu.dma_semaphore, #tpu.memory_space<semaphore_mem>>)
      %dma_wait3A = tpu.memref_slice %arg4[%mul3A_20] : memref<655360xf32, #tpu.memory_space<hbm>> -> memref<20480xf32, #tpu.memory_space<hbm>>
      %dma_wait3A_22 = tpu.memref_slice %arg4[%mul3A_20] : memref<655360xf32, #tpu.memory_space<hbm>> -> memref<20480xf32, #tpu.memory_space<hbm>>
      tpu.wait_dma2 semaphore(%run_scoped3A : memref<!tpu.dma_semaphore, #tpu.memory_space<semaphore_mem>>) src(%arg7 : memref<20480xf32, #tpu.memory_space<vmem>>) dst(%dma_wait3A_22 : memref<20480xf32, #tpu.memory_space<hbm>>)
      tpu.yield
    }) : () -> ()
    return
  }
}

#map = affine_map<(d0, d1) -> (0, 0)>
#map1 = affine_map<(d0, d1) -> (0, 0, 0)>
module attributes {stable_mosaic.version = 14 : i64} {
  func.func @_agg_body(%arg0: i32, %arg1: i32, %arg2: memref<10240x128xf32, #tpu.memory_space<hbm>>, %arg3: memref<16x160x128xi32, #tpu.memory_space<hbm>>, %arg4: memref<16x160x128xi32, #tpu.memory_space<hbm>>, %arg5: memref<20480x128xf32, #tpu.memory_space<hbm>>, %arg6: memref<40x128xi32, #tpu.memory_space<vmem>>, %arg7: memref<40x128xi32, #tpu.memory_space<vmem>>, %arg8: memref<2x128x128xf32, #tpu.memory_space<vmem>>, %arg9: memref<10240x128xf32, #tpu.memory_space<vmem_shared>>, %arg10: memref<!tpu.dma_semaphore, #tpu.memory_space<semaphore_mem>>, %arg11: memref<!tpu.dma_semaphore, #tpu.memory_space<semaphore_mem>>) attributes {dimension_semantics = [#tpu.dimension_semantics<core_parallel>, #tpu.dimension_semantics<subcore_parallel>], iteration_bounds = array<i64: 2, 16>, scalar_prefetch = 0 : i64, scratch_operands = 6 : i64, tpu.core_type = #tpu.core_type<sc_vector_subcore>, window_params = [{transform_indices = #map}, {transform_indices = #map1}, {transform_indices = #map1}, {transform_indices = #map}]} {
    %broadcast_in_dim3A = arith.constant 0.000000e+00 : f32
    %broadcast_in_dim3A_0 = vector.broadcast %broadcast_in_dim3A : f32 to vector<16xf32>
    %scan3A = arith.constant 0 : i32
    %scan3A_1 = arith.constant 128 : i32
    %scan3A_2 = arith.addi %scan3A, %scan3A_1 : i32
    %scan3A_3 = arith.constant 1 : i32
    scf.for %scan3A_88 = %scan3A to %scan3A_2 step %scan3A_3  : i32 {
      %mul3A_89 = arith.constant 1 : i32
      %mul3A_90 = arith.muli %scan3A_88, %mul3A_89 : i32
      %add3A_91 = arith.constant 0 : i32
      %add3A_92 = arith.addi %add3A_91, %mul3A_90 : i32
      %swap3A = arith.constant 0 : i32
      %swap3A_93 = arith.index_cast %swap3A : i32 to index
      %swap3A_94 = arith.index_cast %add3A_92 : i32 to index
      %swap3A_95 = arith.constant 0 : index
      %swap3A_96 = tpu.vector_load %arg8[%swap3A_93, %swap3A_94, %swap3A_95] {strides = array<i32>} : memref<2x128x128xf32, #tpu.memory_space<vmem>>, vector<16xf32>,
      tpu.vector_store %arg8[%swap3A_93, %swap3A_94, %swap3A_95], %broadcast_in_dim3A_0 {strides = array<i32>} : memref<2x128x128xf32, #tpu.memory_space<vmem>>, vector<16xf32>,
      %swap3A_97 = arith.constant 0 : i32
      %swap3A_98 = arith.index_cast %swap3A_97 : i32 to index
      %swap3A_99 = arith.index_cast %add3A_92 : i32 to index
      %swap3A_100 = arith.constant 16 : index
      %swap3A_101 = tpu.vector_load %arg8[%swap3A_98, %swap3A_99, %swap3A_100] {strides = array<i32>} : memref<2x128x128xf32, #tpu.memory_space<vmem>>, vector<16xf32>,
      tpu.vector_store %arg8[%swap3A_98, %swap3A_99, %swap3A_100], %broadcast_in_dim3A_0 {strides = array<i32>} : memref<2x128x128xf32, #tpu.memory_space<vmem>>, vector<16xf32>,
      %swap3A_102 = arith.constant 0 : i32
      %swap3A_103 = arith.index_cast %swap3A_102 : i32 to index
      %swap3A_104 = arith.index_cast %add3A_92 : i32 to index
      %swap3A_105 = arith.constant 32 : index
      %swap3A_106 = tpu.vector_load %arg8[%swap3A_103, %swap3A_104, %swap3A_105] {strides = array<i32>} : memref<2x128x128xf32, #tpu.memory_space<vmem>>, vector<16xf32>,
      tpu.vector_store %arg8[%swap3A_103, %swap3A_104, %swap3A_105], %broadcast_in_dim3A_0 {strides = array<i32>} : memref<2x128x128xf32, #tpu.memory_space<vmem>>, vector<16xf32>,
      %swap3A_107 = arith.constant 0 : i32
      %swap3A_108 = arith.index_cast %swap3A_107 : i32 to index
      %swap3A_109 = arith.index_cast %add3A_92 : i32 to index
      %swap3A_110 = arith.constant 48 : index
      %swap3A_111 = tpu.vector_load %arg8[%swap3A_108, %swap3A_109, %swap3A_110] {strides = array<i32>} : memref<2x128x128xf32, #tpu.memory_space<vmem>>, vector<16xf32>,
      tpu.vector_store %arg8[%swap3A_108, %swap3A_109, %swap3A_110], %broadcast_in_dim3A_0 {strides = array<i32>} : memref<2x128x128xf32, #tpu.memory_space<vmem>>, vector<16xf32>,
      %swap3A_112 = arith.constant 0 : i32
      %swap3A_113 = arith.index_cast %swap3A_112 : i32 to index
      %swap3A_114 = arith.index_cast %add3A_92 : i32 to index
      %swap3A_115 = arith.constant 64 : index
      %swap3A_116 = tpu.vector_load %arg8[%swap3A_113, %swap3A_114, %swap3A_115] {strides = array<i32>} : memref<2x128x128xf32, #tpu.memory_space<vmem>>, vector<16xf32>,
      tpu.vector_store %arg8[%swap3A_113, %swap3A_114, %swap3A_115], %broadcast_in_dim3A_0 {strides = array<i32>} : memref<2x128x128xf32, #tpu.memory_space<vmem>>, vector<16xf32>,
      %swap3A_117 = arith.constant 0 : i32
      %swap3A_118 = arith.index_cast %swap3A_117 : i32 to index
      %swap3A_119 = arith.index_cast %add3A_92 : i32 to index
      %swap3A_120 = arith.constant 80 : index
      %swap3A_121 = tpu.vector_load %arg8[%swap3A_118, %swap3A_119, %swap3A_120] {strides = array<i32>} : memref<2x128x128xf32, #tpu.memory_space<vmem>>, vector<16xf32>,
      tpu.vector_store %arg8[%swap3A_118, %swap3A_119, %swap3A_120], %broadcast_in_dim3A_0 {strides = array<i32>} : memref<2x128x128xf32, #tpu.memory_space<vmem>>, vector<16xf32>,
      %swap3A_122 = arith.constant 0 : i32
      %swap3A_123 = arith.index_cast %swap3A_122 : i32 to index
      %swap3A_124 = arith.index_cast %add3A_92 : i32 to index
      %swap3A_125 = arith.constant 96 : index
      %swap3A_126 = tpu.vector_load %arg8[%swap3A_123, %swap3A_124, %swap3A_125] {strides = array<i32>} : memref<2x128x128xf32, #tpu.memory_space<vmem>>, vector<16xf32>,
      tpu.vector_store %arg8[%swap3A_123, %swap3A_124, %swap3A_125], %broadcast_in_dim3A_0 {strides = array<i32>} : memref<2x128x128xf32, #tpu.memory_space<vmem>>, vector<16xf32>,
      %swap3A_127 = arith.constant 0 : i32
      %swap3A_128 = arith.index_cast %swap3A_127 : i32 to index
      %swap3A_129 = arith.index_cast %add3A_92 : i32 to index
      %swap3A_130 = arith.constant 112 : index
      %swap3A_131 = tpu.vector_load %arg8[%swap3A_128, %swap3A_129, %swap3A_130] {strides = array<i32>} : memref<2x128x128xf32, #tpu.memory_space<vmem>>, vector<16xf32>,
      tpu.vector_store %arg8[%swap3A_128, %swap3A_129, %swap3A_130], %broadcast_in_dim3A_0 {strides = array<i32>} : memref<2x128x128xf32, #tpu.memory_space<vmem>>, vector<16xf32>,
    }
    %scan3A_4 = arith.constant 128 : i32
    %mul3A = arith.constant 640 : i32
    %mul3A_5 = arith.muli %arg1, %mul3A : i32
    %add3A = arith.constant 0 : i32
    %add3A_6 = arith.addi %mul3A_5, %add3A : i32
    %run_scoped3A = arith.constant 0 : i32
    "tpu.region"() ({
      %run_scoped3A_88 = tpu.sem_alloc : memref<!tpu.dma_semaphore, #tpu.memory_space<semaphore_mem>>
      %dma_start3A = arith.constant 0 : i32
      %dma_start3A_89 = arith.constant 0 : i32
      %dma_start3A_90 = tpu.memref_slice %arg8[%run_scoped3A, %dma_start3A, %dma_start3A_89] : memref<2x128x128xf32, #tpu.memory_space<vmem>> -> memref<1x128x128xf32, #tpu.memory_space<vmem>>
      %dma_start3A_91 = tpu.memref_squeeze %dma_start3A_90 : memref<1x128x128xf32, #tpu.memory_space<vmem>> -> memref<128x128xf32, #tpu.memory_space<vmem>>
      %dma_start3A_92 = arith.constant 0 : i32
      %dma_start3A_93 = tpu.memref_slice %arg9[%add3A_6, %dma_start3A_92] : memref<10240x128xf32, #tpu.memory_space<vmem_shared>> -> memref<128x128xf32, #tpu.memory_space<vmem_shared>>
      %dma_start3A_94 = arith.constant 0 : i32
      %dma_start3A_95 = tpu.memref_slice %arg9[%add3A_6, %dma_start3A_94] : memref<10240x128xf32, #tpu.memory_space<vmem_shared>> -> memref<128x128xf32, #tpu.memory_space<vmem_shared>>
      %dma_start3A_96 = arith.constant 0 : i32
      %dma_start3A_97 = arith.constant 0 : i32
      %dma_start3A_98 = tpu.memref_slice %arg8[%run_scoped3A, %dma_start3A_96, %dma_start3A_97] : memref<2x128x128xf32, #tpu.memory_space<vmem>> -> memref<1x128x128xf32, #tpu.memory_space<vmem>>
      %dma_start3A_99 = tpu.memref_squeeze %dma_start3A_98 : memref<1x128x128xf32, #tpu.memory_space<vmem>> -> memref<128x128xf32, #tpu.memory_space<vmem>>
      tpu.enqueue_dma source(%dma_start3A_99 : memref<128x128xf32, #tpu.memory_space<vmem>>) target(%dma_start3A_95 : memref<128x128xf32, #tpu.memory_space<vmem_shared>>) target_semaphore(%run_scoped3A_88 : memref<!tpu.dma_semaphore, #tpu.memory_space<semaphore_mem>>)
      %dma_wait3A = arith.constant 0 : i32
      %dma_wait3A_100 = arith.constant 0 : i32
      %dma_wait3A_101 = tpu.memref_slice %arg8[%run_scoped3A, %dma_wait3A, %dma_wait3A_100] : memref<2x128x128xf32, #tpu.memory_space<vmem>> -> memref<1x128x128xf32, #tpu.memory_space<vmem>>
      %dma_wait3A_102 = tpu.memref_squeeze %dma_wait3A_101 : memref<1x128x128xf32, #tpu.memory_space<vmem>> -> memref<128x128xf32, #tpu.memory_space<vmem>>
      %dma_wait3A_103 = arith.constant 0 : i32
      %dma_wait3A_104 = tpu.memref_slice %arg9[%add3A_6, %dma_wait3A_103] : memref<10240x128xf32, #tpu.memory_space<vmem_shared>> -> memref<128x128xf32, #tpu.memory_space<vmem_shared>>
      %dma_wait3A_105 = arith.constant 0 : i32
      %dma_wait3A_106 = tpu.memref_slice %arg9[%add3A_6, %dma_wait3A_105] : memref<10240x128xf32, #tpu.memory_space<vmem_shared>> -> memref<128x128xf32, #tpu.memory_space<vmem_shared>>
      %dma_wait3A_107 = arith.constant 0 : i32
      %dma_wait3A_108 = arith.constant 0 : i32
      %dma_wait3A_109 = tpu.memref_slice %arg8[%run_scoped3A, %dma_wait3A_107, %dma_wait3A_108] : memref<2x128x128xf32, #tpu.memory_space<vmem>> -> memref<1x128x128xf32, #tpu.memory_space<vmem>>
      %dma_wait3A_110 = tpu.memref_squeeze %dma_wait3A_109 : memref<1x128x128xf32, #tpu.memory_space<vmem>> -> memref<128x128xf32, #tpu.memory_space<vmem>>
      tpu.wait_dma2 semaphore(%run_scoped3A_88 : memref<!tpu.dma_semaphore, #tpu.memory_space<semaphore_mem>>) src(%dma_wait3A_110 : memref<128x128xf32, #tpu.memory_space<vmem>>) dst(%dma_wait3A_106 : memref<128x128xf32, #tpu.memory_space<vmem_shared>>)
      tpu.yield
    }) : () -> ()
    %mul3A_7 = arith.constant 640 : i32
    %mul3A_8 = arith.muli %arg1, %mul3A_7 : i32
    %add3A_9 = arith.constant 128 : i32
    %add3A_10 = arith.addi %mul3A_8, %add3A_9 : i32
    %run_scoped3A_11 = arith.constant 0 : i32
    "tpu.region"() ({
      %run_scoped3A_88 = tpu.sem_alloc : memref<!tpu.dma_semaphore, #tpu.memory_space<semaphore_mem>>
      %dma_start3A = arith.constant 0 : i32
      %dma_start3A_89 = arith.constant 0 : i32
      %dma_start3A_90 = tpu.memref_slice %arg8[%run_scoped3A_11, %dma_start3A, %dma_start3A_89] : memref<2x128x128xf32, #tpu.memory_space<vmem>> -> memref<1x128x128xf32, #tpu.memory_space<vmem>>
      %dma_start3A_91 = tpu.memref_squeeze %dma_start3A_90 : memref<1x128x128xf32, #tpu.memory_space<vmem>> -> memref<128x128xf32, #tpu.memory_space<vmem>>
      %dma_start3A_92 = arith.constant 0 : i32
      %dma_start3A_93 = tpu.memref_slice %arg9[%add3A_10, %dma_start3A_92] : memref<10240x128xf32, #tpu.memory_space<vmem_shared>> -> memref<128x128xf32, #tpu.memory_space<vmem_shared>>
      %dma_start3A_94 = arith.constant 0 : i32
      %dma_start3A_95 = tpu.memref_slice %arg9[%add3A_10, %dma_start3A_94] : memref<10240x128xf32, #tpu.memory_space<vmem_shared>> -> memref<128x128xf32, #tpu.memory_space<vmem_shared>>
      %dma_start3A_96 = arith.constant 0 : i32
      %dma_start3A_97 = arith.constant 0 : i32
      %dma_start3A_98 = tpu.memref_slice %arg8[%run_scoped3A_11, %dma_start3A_96, %dma_start3A_97] : memref<2x128x128xf32, #tpu.memory_space<vmem>> -> memref<1x128x128xf32, #tpu.memory_space<vmem>>
      %dma_start3A_99 = tpu.memref_squeeze %dma_start3A_98 : memref<1x128x128xf32, #tpu.memory_space<vmem>> -> memref<128x128xf32, #tpu.memory_space<vmem>>
      tpu.enqueue_dma source(%dma_start3A_99 : memref<128x128xf32, #tpu.memory_space<vmem>>) target(%dma_start3A_95 : memref<128x128xf32, #tpu.memory_space<vmem_shared>>) target_semaphore(%run_scoped3A_88 : memref<!tpu.dma_semaphore, #tpu.memory_space<semaphore_mem>>)
      %dma_wait3A = arith.constant 0 : i32
      %dma_wait3A_100 = arith.constant 0 : i32
      %dma_wait3A_101 = tpu.memref_slice %arg8[%run_scoped3A_11, %dma_wait3A, %dma_wait3A_100] : memref<2x128x128xf32, #tpu.memory_space<vmem>> -> memref<1x128x128xf32, #tpu.memory_space<vmem>>
      %dma_wait3A_102 = tpu.memref_squeeze %dma_wait3A_101 : memref<1x128x128xf32, #tpu.memory_space<vmem>> -> memref<128x128xf32, #tpu.memory_space<vmem>>
      %dma_wait3A_103 = arith.constant 0 : i32
      %dma_wait3A_104 = tpu.memref_slice %arg9[%add3A_10, %dma_wait3A_103] : memref<10240x128xf32, #tpu.memory_space<vmem_shared>> -> memref<128x128xf32, #tpu.memory_space<vmem_shared>>
      %dma_wait3A_105 = arith.constant 0 : i32
      %dma_wait3A_106 = tpu.memref_slice %arg9[%add3A_10, %dma_wait3A_105] : memref<10240x128xf32, #tpu.memory_space<vmem_shared>> -> memref<128x128xf32, #tpu.memory_space<vmem_shared>>
      %dma_wait3A_107 = arith.constant 0 : i32
      %dma_wait3A_108 = arith.constant 0 : i32
      %dma_wait3A_109 = tpu.memref_slice %arg8[%run_scoped3A_11, %dma_wait3A_107, %dma_wait3A_108] : memref<2x128x128xf32, #tpu.memory_space<vmem>> -> memref<1x128x128xf32, #tpu.memory_space<vmem>>
      %dma_wait3A_110 = tpu.memref_squeeze %dma_wait3A_109 : memref<1x128x128xf32, #tpu.memory_space<vmem>> -> memref<128x128xf32, #tpu.memory_space<vmem>>
      tpu.wait_dma2 semaphore(%run_scoped3A_88 : memref<!tpu.dma_semaphore, #tpu.memory_space<semaphore_mem>>) src(%dma_wait3A_110 : memref<128x128xf32, #tpu.memory_space<vmem>>) dst(%dma_wait3A_106 : memref<128x128xf32, #tpu.memory_space<vmem_shared>>)
      tpu.yield
    }) : () -> ()
    %mul3A_12 = arith.constant 640 : i32
    %mul3A_13 = arith.muli %arg1, %mul3A_12 : i32
    %add3A_14 = arith.constant 256 : i32
    %add3A_15 = arith.addi %mul3A_13, %add3A_14 : i32
    %run_scoped3A_16 = arith.constant 0 : i32
    "tpu.region"() ({
      %run_scoped3A_88 = tpu.sem_alloc : memref<!tpu.dma_semaphore, #tpu.memory_space<semaphore_mem>>
      %dma_start3A = arith.constant 0 : i32
      %dma_start3A_89 = arith.constant 0 : i32
      %dma_start3A_90 = tpu.memref_slice %arg8[%run_scoped3A_16, %dma_start3A, %dma_start3A_89] : memref<2x128x128xf32, #tpu.memory_space<vmem>> -> memref<1x128x128xf32, #tpu.memory_space<vmem>>
      %dma_start3A_91 = tpu.memref_squeeze %dma_start3A_90 : memref<1x128x128xf32, #tpu.memory_space<vmem>> -> memref<128x128xf32, #tpu.memory_space<vmem>>
      %dma_start3A_92 = arith.constant 0 : i32
      %dma_start3A_93 = tpu.memref_slice %arg9[%add3A_15, %dma_start3A_92] : memref<10240x128xf32, #tpu.memory_space<vmem_shared>> -> memref<128x128xf32, #tpu.memory_space<vmem_shared>>
      %dma_start3A_94 = arith.constant 0 : i32
      %dma_start3A_95 = tpu.memref_slice %arg9[%add3A_15, %dma_start3A_94] : memref<10240x128xf32, #tpu.memory_space<vmem_shared>> -> memref<128x128xf32, #tpu.memory_space<vmem_shared>>
      %dma_start3A_96 = arith.constant 0 : i32
      %dma_start3A_97 = arith.constant 0 : i32
      %dma_start3A_98 = tpu.memref_slice %arg8[%run_scoped3A_16, %dma_start3A_96, %dma_start3A_97] : memref<2x128x128xf32, #tpu.memory_space<vmem>> -> memref<1x128x128xf32, #tpu.memory_space<vmem>>
      %dma_start3A_99 = tpu.memref_squeeze %dma_start3A_98 : memref<1x128x128xf32, #tpu.memory_space<vmem>> -> memref<128x128xf32, #tpu.memory_space<vmem>>
      tpu.enqueue_dma source(%dma_start3A_99 : memref<128x128xf32, #tpu.memory_space<vmem>>) target(%dma_start3A_95 : memref<128x128xf32, #tpu.memory_space<vmem_shared>>) target_semaphore(%run_scoped3A_88 : memref<!tpu.dma_semaphore, #tpu.memory_space<semaphore_mem>>)
      %dma_wait3A = arith.constant 0 : i32
      %dma_wait3A_100 = arith.constant 0 : i32
      %dma_wait3A_101 = tpu.memref_slice %arg8[%run_scoped3A_16, %dma_wait3A, %dma_wait3A_100] : memref<2x128x128xf32, #tpu.memory_space<vmem>> -> memref<1x128x128xf32, #tpu.memory_space<vmem>>
      %dma_wait3A_102 = tpu.memref_squeeze %dma_wait3A_101 : memref<1x128x128xf32, #tpu.memory_space<vmem>> -> memref<128x128xf32, #tpu.memory_space<vmem>>
      %dma_wait3A_103 = arith.constant 0 : i32
      %dma_wait3A_104 = tpu.memref_slice %arg9[%add3A_15, %dma_wait3A_103] : memref<10240x128xf32, #tpu.memory_space<vmem_shared>> -> memref<128x128xf32, #tpu.memory_space<vmem_shared>>
      %dma_wait3A_105 = arith.constant 0 : i32
      %dma_wait3A_106 = tpu.memref_slice %arg9[%add3A_15, %dma_wait3A_105] : memref<10240x128xf32, #tpu.memory_space<vmem_shared>> -> memref<128x128xf32, #tpu.memory_space<vmem_shared>>
      %dma_wait3A_107 = arith.constant 0 : i32
      %dma_wait3A_108 = arith.constant 0 : i32
      %dma_wait3A_109 = tpu.memref_slice %arg8[%run_scoped3A_16, %dma_wait3A_107, %dma_wait3A_108] : memref<2x128x128xf32, #tpu.memory_space<vmem>> -> memref<1x128x128xf32, #tpu.memory_space<vmem>>
      %dma_wait3A_110 = tpu.memref_squeeze %dma_wait3A_109 : memref<1x128x128xf32, #tpu.memory_space<vmem>> -> memref<128x128xf32, #tpu.memory_space<vmem>>
      tpu.wait_dma2 semaphore(%run_scoped3A_88 : memref<!tpu.dma_semaphore, #tpu.memory_space<semaphore_mem>>) src(%dma_wait3A_110 : memref<128x128xf32, #tpu.memory_space<vmem>>) dst(%dma_wait3A_106 : memref<128x128xf32, #tpu.memory_space<vmem_shared>>)
      tpu.yield
    }) : () -> ()
    %mul3A_17 = arith.constant 640 : i32
    %mul3A_18 = arith.muli %arg1, %mul3A_17 : i32
    %add3A_19 = arith.constant 384 : i32
    %add3A_20 = arith.addi %mul3A_18, %add3A_19 : i32
    %run_scoped3A_21 = arith.constant 0 : i32
    "tpu.region"() ({
      %run_scoped3A_88 = tpu.sem_alloc : memref<!tpu.dma_semaphore, #tpu.memory_space<semaphore_mem>>
      %dma_start3A = arith.constant 0 : i32
      %dma_start3A_89 = arith.constant 0 : i32
      %dma_start3A_90 = tpu.memref_slice %arg8[%run_scoped3A_21, %dma_start3A, %dma_start3A_89] : memref<2x128x128xf32, #tpu.memory_space<vmem>> -> memref<1x128x128xf32, #tpu.memory_space<vmem>>
      %dma_start3A_91 = tpu.memref_squeeze %dma_start3A_90 : memref<1x128x128xf32, #tpu.memory_space<vmem>> -> memref<128x128xf32, #tpu.memory_space<vmem>>
      %dma_start3A_92 = arith.constant 0 : i32
      %dma_start3A_93 = tpu.memref_slice %arg9[%add3A_20, %dma_start3A_92] : memref<10240x128xf32, #tpu.memory_space<vmem_shared>> -> memref<128x128xf32, #tpu.memory_space<vmem_shared>>
      %dma_start3A_94 = arith.constant 0 : i32
      %dma_start3A_95 = tpu.memref_slice %arg9[%add3A_20, %dma_start3A_94] : memref<10240x128xf32, #tpu.memory_space<vmem_shared>> -> memref<128x128xf32, #tpu.memory_space<vmem_shared>>
      %dma_start3A_96 = arith.constant 0 : i32
      %dma_start3A_97 = arith.constant 0 : i32
      %dma_start3A_98 = tpu.memref_slice %arg8[%run_scoped3A_21, %dma_start3A_96, %dma_start3A_97] : memref<2x128x128xf32, #tpu.memory_space<vmem>> -> memref<1x128x128xf32, #tpu.memory_space<vmem>>
      %dma_start3A_99 = tpu.memref_squeeze %dma_start3A_98 : memref<1x128x128xf32, #tpu.memory_space<vmem>> -> memref<128x128xf32, #tpu.memory_space<vmem>>
      tpu.enqueue_dma source(%dma_start3A_99 : memref<128x128xf32, #tpu.memory_space<vmem>>) target(%dma_start3A_95 : memref<128x128xf32, #tpu.memory_space<vmem_shared>>) target_semaphore(%run_scoped3A_88 : memref<!tpu.dma_semaphore, #tpu.memory_space<semaphore_mem>>)
      %dma_wait3A = arith.constant 0 : i32
      %dma_wait3A_100 = arith.constant 0 : i32
      %dma_wait3A_101 = tpu.memref_slice %arg8[%run_scoped3A_21, %dma_wait3A, %dma_wait3A_100] : memref<2x128x128xf32, #tpu.memory_space<vmem>> -> memref<1x128x128xf32, #tpu.memory_space<vmem>>
      %dma_wait3A_102 = tpu.memref_squeeze %dma_wait3A_101 : memref<1x128x128xf32, #tpu.memory_space<vmem>> -> memref<128x128xf32, #tpu.memory_space<vmem>>
      %dma_wait3A_103 = arith.constant 0 : i32
      %dma_wait3A_104 = tpu.memref_slice %arg9[%add3A_20, %dma_wait3A_103] : memref<10240x128xf32, #tpu.memory_space<vmem_shared>> -> memref<128x128xf32, #tpu.memory_space<vmem_shared>>
      %dma_wait3A_105 = arith.constant 0 : i32
      %dma_wait3A_106 = tpu.memref_slice %arg9[%add3A_20, %dma_wait3A_105] : memref<10240x128xf32, #tpu.memory_space<vmem_shared>> -> memref<128x128xf32, #tpu.memory_space<vmem_shared>>
      %dma_wait3A_107 = arith.constant 0 : i32
      %dma_wait3A_108 = arith.constant 0 : i32
      %dma_wait3A_109 = tpu.memref_slice %arg8[%run_scoped3A_21, %dma_wait3A_107, %dma_wait3A_108] : memref<2x128x128xf32, #tpu.memory_space<vmem>> -> memref<1x128x128xf32, #tpu.memory_space<vmem>>
      %dma_wait3A_110 = tpu.memref_squeeze %dma_wait3A_109 : memref<1x128x128xf32, #tpu.memory_space<vmem>> -> memref<128x128xf32, #tpu.memory_space<vmem>>
      tpu.wait_dma2 semaphore(%run_scoped3A_88 : memref<!tpu.dma_semaphore, #tpu.memory_space<semaphore_mem>>) src(%dma_wait3A_110 : memref<128x128xf32, #tpu.memory_space<vmem>>) dst(%dma_wait3A_106 : memref<128x128xf32, #tpu.memory_space<vmem_shared>>)
      tpu.yield
    }) : () -> ()
    %mul3A_22 = arith.constant 640 : i32
    %mul3A_23 = arith.muli %arg1, %mul3A_22 : i32
    %add3A_24 = arith.constant 512 : i32
    %add3A_25 = arith.addi %mul3A_23, %add3A_24 : i32
    %run_scoped3A_26 = arith.constant 0 : i32
    "tpu.region"() ({
      %run_scoped3A_88 = tpu.sem_alloc : memref<!tpu.dma_semaphore, #tpu.memory_space<semaphore_mem>>
      %dma_start3A = arith.constant 0 : i32
      %dma_start3A_89 = arith.constant 0 : i32
      %dma_start3A_90 = tpu.memref_slice %arg8[%run_scoped3A_26, %dma_start3A, %dma_start3A_89] : memref<2x128x128xf32, #tpu.memory_space<vmem>> -> memref<1x128x128xf32, #tpu.memory_space<vmem>>
      %dma_start3A_91 = tpu.memref_squeeze %dma_start3A_90 : memref<1x128x128xf32, #tpu.memory_space<vmem>> -> memref<128x128xf32, #tpu.memory_space<vmem>>
      %dma_start3A_92 = arith.constant 0 : i32
      %dma_start3A_93 = tpu.memref_slice %arg9[%add3A_25, %dma_start3A_92] : memref<10240x128xf32, #tpu.memory_space<vmem_shared>> -> memref<128x128xf32, #tpu.memory_space<vmem_shared>>
      %dma_start3A_94 = arith.constant 0 : i32
      %dma_start3A_95 = tpu.memref_slice %arg9[%add3A_25, %dma_start3A_94] : memref<10240x128xf32, #tpu.memory_space<vmem_shared>> -> memref<128x128xf32, #tpu.memory_space<vmem_shared>>
      %dma_start3A_96 = arith.constant 0 : i32
      %dma_start3A_97 = arith.constant 0 : i32
      %dma_start3A_98 = tpu.memref_slice %arg8[%run_scoped3A_26, %dma_start3A_96, %dma_start3A_97] : memref<2x128x128xf32, #tpu.memory_space<vmem>> -> memref<1x128x128xf32, #tpu.memory_space<vmem>>
      %dma_start3A_99 = tpu.memref_squeeze %dma_start3A_98 : memref<1x128x128xf32, #tpu.memory_space<vmem>> -> memref<128x128xf32, #tpu.memory_space<vmem>>
      tpu.enqueue_dma source(%dma_start3A_99 : memref<128x128xf32, #tpu.memory_space<vmem>>) target(%dma_start3A_95 : memref<128x128xf32, #tpu.memory_space<vmem_shared>>) target_semaphore(%run_scoped3A_88 : memref<!tpu.dma_semaphore, #tpu.memory_space<semaphore_mem>>)
      %dma_wait3A = arith.constant 0 : i32
      %dma_wait3A_100 = arith.constant 0 : i32
      %dma_wait3A_101 = tpu.memref_slice %arg8[%run_scoped3A_26, %dma_wait3A, %dma_wait3A_100] : memref<2x128x128xf32, #tpu.memory_space<vmem>> -> memref<1x128x128xf32, #tpu.memory_space<vmem>>
      %dma_wait3A_102 = tpu.memref_squeeze %dma_wait3A_101 : memref<1x128x128xf32, #tpu.memory_space<vmem>> -> memref<128x128xf32, #tpu.memory_space<vmem>>
      %dma_wait3A_103 = arith.constant 0 : i32
      %dma_wait3A_104 = tpu.memref_slice %arg9[%add3A_25, %dma_wait3A_103] : memref<10240x128xf32, #tpu.memory_space<vmem_shared>> -> memref<128x128xf32, #tpu.memory_space<vmem_shared>>
      %dma_wait3A_105 = arith.constant 0 : i32
      %dma_wait3A_106 = tpu.memref_slice %arg9[%add3A_25, %dma_wait3A_105] : memref<10240x128xf32, #tpu.memory_space<vmem_shared>> -> memref<128x128xf32, #tpu.memory_space<vmem_shared>>
      %dma_wait3A_107 = arith.constant 0 : i32
      %dma_wait3A_108 = arith.constant 0 : i32
      %dma_wait3A_109 = tpu.memref_slice %arg8[%run_scoped3A_26, %dma_wait3A_107, %dma_wait3A_108] : memref<2x128x128xf32, #tpu.memory_space<vmem>> -> memref<1x128x128xf32, #tpu.memory_space<vmem>>
      %dma_wait3A_110 = tpu.memref_squeeze %dma_wait3A_109 : memref<1x128x128xf32, #tpu.memory_space<vmem>> -> memref<128x128xf32, #tpu.memory_space<vmem>>
      tpu.wait_dma2 semaphore(%run_scoped3A_88 : memref<!tpu.dma_semaphore, #tpu.memory_space<semaphore_mem>>) src(%dma_wait3A_110 : memref<128x128xf32, #tpu.memory_space<vmem>>) dst(%dma_wait3A_106 : memref<128x128xf32, #tpu.memory_space<vmem_shared>>)
      tpu.yield
    }) : () -> ()
    %barrier3A = arith.constant 0 : index
    tpu.barrier barrier_id(%barrier3A)
    %scan3A_27 = arith.constant 0 : i32
    %scan3A_28 = arith.constant 2 : i32
    %scan3A_29 = arith.addi %scan3A_27, %scan3A_28 : i32
    %scan3A_30 = arith.constant 1 : i32
    scf.for %scan3A_88 = %scan3A_27 to %scan3A_29 step %scan3A_30  : i32 {
      %mul3A_89 = arith.constant 1 : i32
      %mul3A_90 = arith.muli %scan3A_88, %mul3A_89 : i32
      %add3A_91 = arith.constant 0 : i32
      %add3A_92 = arith.addi %add3A_91, %mul3A_90 : i32
      %mul3A_93 = arith.constant 80 : i32
      %mul3A_94 = arith.muli %arg0, %mul3A_93 : i32
      %mul3A_95 = arith.constant 40 : i32
      %mul3A_96 = arith.muli %add3A_92, %mul3A_95 : i32
      %add3A_97 = arith.addi %mul3A_94, %mul3A_96 : i32
      "tpu.region"() ({
        %run_scoped3A_1136 = tpu.sem_alloc : memref<!tpu.dma_semaphore, #tpu.memory_space<semaphore_mem>>
        %dma_start3A_1137 = arith.constant 0 : i32
        %dma_start3A_1138 = tpu.memref_slice %arg3[%arg1, %add3A_97, %dma_start3A_1137] : memref<16x160x128xi32, #tpu.memory_space<hbm>> -> memref<1x40x128xi32, #tpu.memory_space<hbm>>
        %dma_start3A_1139 = tpu.memref_squeeze %dma_start3A_1138 : memref<1x40x128xi32, #tpu.memory_space<hbm>> -> memref<40x128xi32, #tpu.memory_space<hbm>>
        %dma_start3A_1140 = arith.constant 0 : i32
        %dma_start3A_1141 = tpu.memref_slice %arg3[%arg1, %add3A_97, %dma_start3A_1140] : memref<16x160x128xi32, #tpu.memory_space<hbm>> -> memref<1x40x128xi32, #tpu.memory_space<hbm>>
        %dma_start3A_1142 = tpu.memref_squeeze %dma_start3A_1141 : memref<1x40x128xi32, #tpu.memory_space<hbm>> -> memref<40x128xi32, #tpu.memory_space<hbm>>
        tpu.enqueue_dma source(%dma_start3A_1142 : memref<40x128xi32, #tpu.memory_space<hbm>>) target(%arg6 : memref<40x128xi32, #tpu.memory_space<vmem>>) target_semaphore(%run_scoped3A_1136 : memref<!tpu.dma_semaphore, #tpu.memory_space<semaphore_mem>>)
        %dma_wait3A_1143 = arith.constant 0 : i32
        %dma_wait3A_1144 = tpu.memref_slice %arg3[%arg1, %add3A_97, %dma_wait3A_1143] : memref<16x160x128xi32, #tpu.memory_space<hbm>> -> memref<1x40x128xi32, #tpu.memory_space<hbm>>
        %dma_wait3A_1145 = tpu.memref_squeeze %dma_wait3A_1144 : memref<1x40x128xi32, #tpu.memory_space<hbm>> -> memref<40x128xi32, #tpu.memory_space<hbm>>
        %dma_wait3A_1146 = arith.constant 0 : i32
        %dma_wait3A_1147 = tpu.memref_slice %arg3[%arg1, %add3A_97, %dma_wait3A_1146] : memref<16x160x128xi32, #tpu.memory_space<hbm>> -> memref<1x40x128xi32, #tpu.memory_space<hbm>>
        %dma_wait3A_1148 = tpu.memref_squeeze %dma_wait3A_1147 : memref<1x40x128xi32, #tpu.memory_space<hbm>> -> memref<40x128xi32, #tpu.memory_space<hbm>>
        tpu.wait_dma2 semaphore(%run_scoped3A_1136 : memref<!tpu.dma_semaphore, #tpu.memory_space<semaphore_mem>>) src(%dma_wait3A_1148 : memref<40x128xi32, #tpu.memory_space<hbm>>) dst(%arg6 : memref<40x128xi32, #tpu.memory_space<vmem>>)
        tpu.yield
      }) : () -> ()
      "tpu.region"() ({
        %run_scoped3A_1136 = tpu.sem_alloc : memref<!tpu.dma_semaphore, #tpu.memory_space<semaphore_mem>>
        %dma_start3A_1137 = arith.constant 0 : i32
        %dma_start3A_1138 = tpu.memref_slice %arg4[%arg1, %add3A_97, %dma_start3A_1137] : memref<16x160x128xi32, #tpu.memory_space<hbm>> -> memref<1x40x128xi32, #tpu.memory_space<hbm>>
        %dma_start3A_1139 = tpu.memref_squeeze %dma_start3A_1138 : memref<1x40x128xi32, #tpu.memory_space<hbm>> -> memref<40x128xi32, #tpu.memory_space<hbm>>
        %dma_start3A_1140 = arith.constant 0 : i32
        %dma_start3A_1141 = tpu.memref_slice %arg4[%arg1, %add3A_97, %dma_start3A_1140] : memref<16x160x128xi32, #tpu.memory_space<hbm>> -> memref<1x40x128xi32, #tpu.memory_space<hbm>>
        %dma_start3A_1142 = tpu.memref_squeeze %dma_start3A_1141 : memref<1x40x128xi32, #tpu.memory_space<hbm>> -> memref<40x128xi32, #tpu.memory_space<hbm>>
        tpu.enqueue_dma source(%dma_start3A_1142 : memref<40x128xi32, #tpu.memory_space<hbm>>) target(%arg7 : memref<40x128xi32, #tpu.memory_space<vmem>>) target_semaphore(%run_scoped3A_1136 : memref<!tpu.dma_semaphore, #tpu.memory_space<semaphore_mem>>)
        %dma_wait3A_1143 = arith.constant 0 : i32
        %dma_wait3A_1144 = tpu.memref_slice %arg4[%arg1, %add3A_97, %dma_wait3A_1143] : memref<16x160x128xi32, #tpu.memory_space<hbm>> -> memref<1x40x128xi32, #tpu.memory_space<hbm>>
        %dma_wait3A_1145 = tpu.memref_squeeze %dma_wait3A_1144 : memref<1x40x128xi32, #tpu.memory_space<hbm>> -> memref<40x128xi32, #tpu.memory_space<hbm>>
        %dma_wait3A_1146 = arith.constant 0 : i32
        %dma_wait3A_1147 = tpu.memref_slice %arg4[%arg1, %add3A_97, %dma_wait3A_1146] : memref<16x160x128xi32, #tpu.memory_space<hbm>> -> memref<1x40x128xi32, #tpu.memory_space<hbm>>
        %dma_wait3A_1148 = tpu.memref_squeeze %dma_wait3A_1147 : memref<1x40x128xi32, #tpu.memory_space<hbm>> -> memref<40x128xi32, #tpu.memory_space<hbm>>
        tpu.wait_dma2 semaphore(%run_scoped3A_1136 : memref<!tpu.dma_semaphore, #tpu.memory_space<semaphore_mem>>) src(%dma_wait3A_1148 : memref<40x128xi32, #tpu.memory_space<hbm>>) dst(%arg7 : memref<40x128xi32, #tpu.memory_space<vmem>>)
        tpu.yield
      }) : () -> ()
      %dma_start3A = arith.constant 0 : i32
      %dma_start3A_98 = arith.constant 0 : i32
      %dma_start3A_99 = arith.constant 0 : i32
      %dma_start3A_100 = arith.constant 0 : i32
      %dma_start3A_101 = tpu.memref_slice %arg8[%dma_start3A_98, %dma_start3A_99, %dma_start3A_100] : memref<2x128x128xf32, #tpu.memory_space<vmem>> -> memref<1x128x128xf32, #tpu.memory_space<vmem>>
      %dma_start3A_102 = tpu.memref_squeeze %dma_start3A_101 : memref<1x128x128xf32, #tpu.memory_space<vmem>> -> memref<128x128xf32, #tpu.memory_space<vmem>>
      %dma_start3A_103 = arith.constant 0 : i32
      %dma_start3A_104 = tpu.memref_slice %arg6[%dma_start3A, %dma_start3A_103] : memref<40x128xi32, #tpu.memory_space<vmem>> -> memref<1x128xi32, #tpu.memory_space<vmem>>
      %dma_start3A_105 = tpu.memref_squeeze %dma_start3A_104 : memref<1x128xi32, #tpu.memory_space<vmem>> -> memref<128xi32, #tpu.memory_space<vmem>>
      %dma_start3A_106 = arith.constant 0 : i32
      %dma_start3A_107 = arith.constant 0 : i32
      %dma_start3A_108 = tpu.memref_slice %arg2[%dma_start3A_106, %dma_start3A_107] : memref<10240x128xf32, #tpu.memory_space<hbm>> -> memref<10240x128xf32, #tpu.memory_space<hbm>>
      tpu.enqueue_indirect_dma source(%dma_start3A_108 : memref<10240x128xf32, #tpu.memory_space<hbm>>) target(%dma_start3A_102 : memref<128x128xf32, #tpu.memory_space<vmem>>) offsets(%dma_start3A_105 : memref<128xi32, #tpu.memory_space<vmem>>) semaphore(%arg10 : memref<!tpu.dma_semaphore, #tpu.memory_space<semaphore_mem>>)
      %dma_start3A_109 = arith.constant 1 : i32
      %dma_start3A_110 = arith.constant 1 : i32
      %dma_start3A_111 = arith.constant 0 : i32
      %dma_start3A_112 = arith.constant 0 : i32
      %dma_start3A_113 = tpu.memref_slice %arg8[%dma_start3A_110, %dma_start3A_111, %dma_start3A_112] : memref<2x128x128xf32, #tpu.memory_space<vmem>> -> memref<1x128x128xf32, #tpu.memory_space<vmem>>
      %dma_start3A_114 = tpu.memref_squeeze %dma_start3A_113 : memref<1x128x128xf32, #tpu.memory_space<vmem>> -> memref<128x128xf32, #tpu.memory_space<vmem>>
      %dma_start3A_115 = arith.constant 0 : i32
      %dma_start3A_116 = tpu.memref_slice %arg6[%dma_start3A_109, %dma_start3A_115] : memref<40x128xi32, #tpu.memory_space<vmem>> -> memref<1x128xi32, #tpu.memory_space<vmem>>
      %dma_start3A_117 = tpu.memref_squeeze %dma_start3A_116 : memref<1x128xi32, #tpu.memory_space<vmem>> -> memref<128xi32, #tpu.memory_space<vmem>>
      %dma_start3A_118 = arith.constant 0 : i32
      %dma_start3A_119 = arith.constant 0 : i32
      %dma_start3A_120 = tpu.memref_slice %arg2[%dma_start3A_118, %dma_start3A_119] : memref<10240x128xf32, #tpu.memory_space<hbm>> -> memref<10240x128xf32, #tpu.memory_space<hbm>>
      tpu.enqueue_indirect_dma source(%dma_start3A_120 : memref<10240x128xf32, #tpu.memory_space<hbm>>) target(%dma_start3A_114 : memref<128x128xf32, #tpu.memory_space<vmem>>) offsets(%dma_start3A_117 : memref<128xi32, #tpu.memory_space<vmem>>) semaphore(%arg11 : memref<!tpu.dma_semaphore, #tpu.memory_space<semaphore_mem>>)
      %dma_wait3A = arith.constant 0 : i32
      %dma_wait3A_121 = arith.constant 0 : i32
      %dma_wait3A_122 = arith.constant 0 : i32
      %dma_wait3A_123 = arith.constant 0 : i32
      %dma_wait3A_124 = tpu.memref_slice %arg8[%dma_wait3A_121, %dma_wait3A_122, %dma_wait3A_123] : memref<2x128x128xf32, #tpu.memory_space<vmem>> -> memref<1x128x128xf32, #tpu.memory_space<vmem>>
      %dma_wait3A_125 = tpu.memref_squeeze %dma_wait3A_124 : memref<1x128x128xf32, #tpu.memory_space<vmem>> -> memref<128x128xf32, #tpu.memory_space<vmem>>
      %dma_wait3A_126 = arith.constant 0 : i32
      %dma_wait3A_127 = tpu.memref_slice %arg6[%dma_wait3A, %dma_wait3A_126] : memref<40x128xi32, #tpu.memory_space<vmem>> -> memref<1x128xi32, #tpu.memory_space<vmem>>
      %dma_wait3A_128 = tpu.memref_squeeze %dma_wait3A_127 : memref<1x128xi32, #tpu.memory_space<vmem>> -> memref<128xi32, #tpu.memory_space<vmem>>
      %dma_wait3A_129 = arith.constant 0 : i32
      %dma_wait3A_130 = arith.constant 0 : i32
      %dma_wait3A_131 = tpu.memref_slice %arg2[%dma_wait3A_129, %dma_wait3A_130] : memref<10240x128xf32, #tpu.memory_space<hbm>> -> memref<10240x128xf32, #tpu.memory_space<hbm>>
      tpu.wait_indirect_dma semaphore(%arg10 : memref<!tpu.dma_semaphore, #tpu.memory_space<semaphore_mem>>) src(%dma_wait3A_131 : memref<10240x128xf32, #tpu.memory_space<hbm>>) dst(%dma_wait3A_125 : memref<128x128xf32, #tpu.memory_space<vmem>>)
      %run_scoped3A_132 = arith.constant 0 : i32
      %run_scoped3A_133 = arith.constant 0 : i32
      "tpu.region"() ({
        %run_scoped3A_1136 = tpu.sem_alloc : memref<!tpu.dma_semaphore, #tpu.memory_space<semaphore_mem>>
        %dma_start3A_1137 = arith.constant 0 : i32
        %dma_start3A_1138 = arith.constant 0 : i32
        %dma_start3A_1139 = tpu.memref_slice %arg8[%run_scoped3A_132, %dma_start3A_1137, %dma_start3A_1138] : memref<2x128x128xf32, #tpu.memory_space<vmem>> -> memref<1x128x128xf32, #tpu.memory_space<vmem>>
        %dma_start3A_1140 = tpu.memref_squeeze %dma_start3A_1139 : memref<1x128x128xf32, #tpu.memory_space<vmem>> -> memref<128x128xf32, #tpu.memory_space<vmem>>
        %dma_start3A_1141 = arith.constant 0 : i32
        %dma_start3A_1142 = tpu.memref_slice %arg7[%run_scoped3A_133, %dma_start3A_1141] : memref<40x128xi32, #tpu.memory_space<vmem>> -> memref<1x128xi32, #tpu.memory_space<vmem>>
        %dma_start3A_1143 = tpu.memref_squeeze %dma_start3A_1142 : memref<1x128xi32, #tpu.memory_space<vmem>> -> memref<128xi32, #tpu.memory_space<vmem>>
        %dma_start3A_1144 = arith.constant 0 : i32
        %dma_start3A_1145 = arith.constant 0 : i32
        %dma_start3A_1146 = tpu.memref_slice %arg9[%dma_start3A_1144, %dma_start3A_1145] : memref<10240x128xf32, #tpu.memory_space<vmem_shared>> -> memref<10240x128xf32, #tpu.memory_space<vmem_shared>>
        tpu.enqueue_indirect_dma source(%dma_start3A_1140 : memref<128x128xf32, #tpu.memory_space<vmem>>) target(%dma_start3A_1146 : memref<10240x128xf32, #tpu.memory_space<vmem_shared>>) offsets(%dma_start3A_1143 : memref<128xi32, #tpu.memory_space<vmem>>) semaphore(%run_scoped3A_1136 : memref<!tpu.dma_semaphore, #tpu.memory_space<semaphore_mem>>) {add = true}
        %dma_wait3A_1147 = arith.constant 0 : i32
        %dma_wait3A_1148 = arith.constant 0 : i32
        %dma_wait3A_1149 = tpu.memref_slice %arg8[%run_scoped3A_132, %dma_wait3A_1147, %dma_wait3A_1148] : memref<2x128x128xf32, #tpu.memory_space<vmem>> -> memref<1x128x128xf32, #tpu.memory_space<vmem>>
        %dma_wait3A_1150 = tpu.memref_squeeze %dma_wait3A_1149 : memref<1x128x128xf32, #tpu.memory_space<vmem>> -> memref<128x128xf32, #tpu.memory_space<vmem>>
        %dma_wait3A_1151 = arith.constant 0 : i32
        %dma_wait3A_1152 = tpu.memref_slice %arg7[%run_scoped3A_133, %dma_wait3A_1151] : memref<40x128xi32, #tpu.memory_space<vmem>> -> memref<1x128xi32, #tpu.memory_space<vmem>>
        %dma_wait3A_1153 = tpu.memref_squeeze %dma_wait3A_1152 : memref<1x128xi32, #tpu.memory_space<vmem>> -> memref<128xi32, #tpu.memory_space<vmem>>
        %dma_wait3A_1154 = arith.constant 0 : i32
        %dma_wait3A_1155 = arith.constant 0 : i32
        %dma_wait3A_1156 = tpu.memref_slice %arg9[%dma_wait3A_1154, %dma_wait3A_1155] : memref<10240x128xf32, #tpu.memory_space<vmem_shared>> -> memref<10240x128xf32, #tpu.memory_space<vmem_shared>>
        tpu.wait_indirect_dma semaphore(%run_scoped3A_1136 : memref<!tpu.dma_semaphore, #tpu.memory_space<semaphore_mem>>) src(%dma_wait3A_1150 : memref<128x128xf32, #tpu.memory_space<vmem>>) dst(%dma_wait3A_1156 : memref<10240x128xf32, #tpu.memory_space<vmem_shared>>)
        tpu.yield
      }) : () -> ()
      %dma_start3A_134 = arith.constant 2 : i32
      %dma_start3A_135 = arith.constant 0 : i32
      %dma_start3A_136 = arith.constant 0 : i32
      %dma_start3A_137 = arith.constant 0 : i32
      %dma_start3A_138 = tpu.memref_slice %arg8[%dma_start3A_135, %dma_start3A_136, %dma_start3A_137] : memref<2x128x128xf32, #tpu.memory_space<vmem>> -> memref<1x128x128xf32, #tpu.memory_space<vmem>>
      %dma_start3A_139 = tpu.memref_squeeze %dma_start3A_138 : memref<1x128x128xf32, #tpu.memory_space<vmem>> -> memref<128x128xf32, #tpu.memory_space<vmem>>
      %dma_start3A_140 = arith.constant 0 : i32
      %dma_start3A_141 = tpu.memref_slice %arg6[%dma_start3A_134, %dma_start3A_140] : memref<40x128xi32, #tpu.memory_space<vmem>> -> memref<1x128xi32, #tpu.memory_space<vmem>>
      %dma_start3A_142 = tpu.memref_squeeze %dma_start3A_141 : memref<1x128xi32, #tpu.memory_space<vmem>> -> memref<128xi32, #tpu.memory_space<vmem>>
      %dma_start3A_143 = arith.constant 0 : i32
      %dma_start3A_144 = arith.constant 0 : i32
      %dma_start3A_145 = tpu.memref_slice %arg2[%dma_start3A_143, %dma_start3A_144] : memref<10240x128xf32, #tpu.memory_space<hbm>> -> memref<10240x128xf32, #tpu.memory_space<hbm>>
      tpu.enqueue_indirect_dma source(%dma_start3A_145 : memref<10240x128xf32, #tpu.memory_space<hbm>>) target(%dma_start3A_139 : memref<128x128xf32, #tpu.memory_space<vmem>>) offsets(%dma_start3A_142 : memref<128xi32, #tpu.memory_space<vmem>>) semaphore(%arg10 : memref<!tpu.dma_semaphore, #tpu.memory_space<semaphore_mem>>)
      %dma_wait3A_146 = arith.constant 1 : i32
      %dma_wait3A_147 = arith.constant 1 : i32
      %dma_wait3A_148 = arith.constant 0 : i32
      %dma_wait3A_149 = arith.constant 0 : i32
      %dma_wait3A_150 = tpu.memref_slice %arg8[%dma_wait3A_147, %dma_wait3A_148, %dma_wait3A_149] : memref<2x128x128xf32, #tpu.memory_space<vmem>> -> memref<1x128x128xf32, #tpu.memory_space<vmem>>
      %dma_wait3A_151 = tpu.memref_squeeze %dma_wait3A_150 : memref<1x128x128xf32, #tpu.memory_space<vmem>> -> memref<128x128xf32, #tpu.memory_space<vmem>>
      %dma_wait3A_152 = arith.constant 0 : i32
      %dma_wait3A_153 = tpu.memref_slice %arg6[%dma_wait3A_146, %dma_wait3A_152] : memref<40x128xi32, #tpu.memory_space<vmem>> -> memref<1x128xi32, #tpu.memory_space<vmem>>
      %dma_wait3A_154 = tpu.memref_squeeze %dma_wait3A_153 : memref<1x128xi32, #tpu.memory_space<vmem>> -> memref<128xi32, #tpu.memory_space<vmem>>
      %dma_wait3A_155 = arith.constant 0 : i32
      %dma_wait3A_156 = arith.constant 0 : i32
      %dma_wait3A_157 = tpu.memref_slice %arg2[%dma_wait3A_155, %dma_wait3A_156] : memref<10240x128xf32, #tpu.memory_space<hbm>> -> memref<10240x128xf32, #tpu.memory_space<hbm>>
      tpu.wait_indirect_dma semaphore(%arg11 : memref<!tpu.dma_semaphore, #tpu.memory_space<semaphore_mem>>) src(%dma_wait3A_157 : memref<10240x128xf32, #tpu.memory_space<hbm>>) dst(%dma_wait3A_151 : memref<128x128xf32, #tpu.memory_space<vmem>>)
      %run_scoped3A_158 = arith.constant 1 : i32
      %run_scoped3A_159 = arith.constant 1 : i32
      "tpu.region"() ({
        %run_scoped3A_1136 = tpu.sem_alloc : memref<!tpu.dma_semaphore, #tpu.memory_space<semaphore_mem>>
        %dma_start3A_1137 = arith.constant 0 : i32
        %dma_start3A_1138 = arith.constant 0 : i32
        %dma_start3A_1139 = tpu.memref_slice %arg8[%run_scoped3A_158, %dma_start3A_1137, %dma_start3A_1138] : memref<2x128x128xf32, #tpu.memory_space<vmem>> -> memref<1x128x128xf32, #tpu.memory_space<vmem>>
        %dma_start3A_1140 = tpu.memref_squeeze %dma_start3A_1139 : memref<1x128x128xf32, #tpu.memory_space<vmem>> -> memref<128x128xf32, #tpu.memory_space<vmem>>
        %dma_start3A_1141 = arith.constant 0 : i32
        %dma_start3A_1142 = tpu.memref_slice %arg7[%run_scoped3A_159, %dma_start3A_1141] : memref<40x128xi32, #tpu.memory_space<vmem>> -> memref<1x128xi32, #tpu.memory_space<vmem>>
        %dma_start3A_1143 = tpu.memref_squeeze %dma_start3A_1142 : memref<1x128xi32, #tpu.memory_space<vmem>> -> memref<128xi32, #tpu.memory_space<vmem>>
        %dma_start3A_1144 = arith.constant 0 : i32
        %dma_start3A_1145 = arith.constant 0 : i32
        %dma_start3A_1146 = tpu.memref_slice %arg9[%dma_start3A_1144, %dma_start3A_1145] : memref<10240x128xf32, #tpu.memory_space<vmem_shared>> -> memref<10240x128xf32, #tpu.memory_space<vmem_shared>>
        tpu.enqueue_indirect_dma source(%dma_start3A_1140 : memref<128x128xf32, #tpu.memory_space<vmem>>) target(%dma_start3A_1146 : memref<10240x128xf32, #tpu.memory_space<vmem_shared>>) offsets(%dma_start3A_1143 : memref<128xi32, #tpu.memory_space<vmem>>) semaphore(%run_scoped3A_1136 : memref<!tpu.dma_semaphore, #tpu.memory_space<semaphore_mem>>) {add = true}
        %dma_wait3A_1147 = arith.constant 0 : i32
        %dma_wait3A_1148 = arith.constant 0 : i32
        %dma_wait3A_1149 = tpu.memref_slice %arg8[%run_scoped3A_158, %dma_wait3A_1147, %dma_wait3A_1148] : memref<2x128x128xf32, #tpu.memory_space<vmem>> -> memref<1x128x128xf32, #tpu.memory_space<vmem>>
        %dma_wait3A_1150 = tpu.memref_squeeze %dma_wait3A_1149 : memref<1x128x128xf32, #tpu.memory_space<vmem>> -> memref<128x128xf32, #tpu.memory_space<vmem>>
        %dma_wait3A_1151 = arith.constant 0 : i32
        %dma_wait3A_1152 = tpu.memref_slice %arg7[%run_scoped3A_159, %dma_wait3A_1151] : memref<40x128xi32, #tpu.memory_space<vmem>> -> memref<1x128xi32, #tpu.memory_space<vmem>>
        %dma_wait3A_1153 = tpu.memref_squeeze %dma_wait3A_1152 : memref<1x128xi32, #tpu.memory_space<vmem>> -> memref<128xi32, #tpu.memory_space<vmem>>
        %dma_wait3A_1154 = arith.constant 0 : i32
        %dma_wait3A_1155 = arith.constant 0 : i32
        %dma_wait3A_1156 = tpu.memref_slice %arg9[%dma_wait3A_1154, %dma_wait3A_1155] : memref<10240x128xf32, #tpu.memory_space<vmem_shared>> -> memref<10240x128xf32, #tpu.memory_space<vmem_shared>>
        tpu.wait_indirect_dma semaphore(%run_scoped3A_1136 : memref<!tpu.dma_semaphore, #tpu.memory_space<semaphore_mem>>) src(%dma_wait3A_1150 : memref<128x128xf32, #tpu.memory_space<vmem>>) dst(%dma_wait3A_1156 : memref<10240x128xf32, #tpu.memory_space<vmem_shared>>)
        tpu.yield
      }) : () -> ()
      %dma_start3A_160 = arith.constant 3 : i32
      %dma_start3A_161 = arith.constant 1 : i32
      %dma_start3A_162 = arith.constant 0 : i32
      %dma_start3A_163 = arith.constant 0 : i32
      %dma_start3A_164 = tpu.memref_slice %arg8[%dma_start3A_161, %dma_start3A_162, %dma_start3A_163] : memref<2x128x128xf32, #tpu.memory_space<vmem>> -> memref<1x128x128xf32, #tpu.memory_space<vmem>>
      %dma_start3A_165 = tpu.memref_squeeze %dma_start3A_164 : memref<1x128x128xf32, #tpu.memory_space<vmem>> -> memref<128x128xf32, #tpu.memory_space<vmem>>
      %dma_start3A_166 = arith.constant 0 : i32
      %dma_start3A_167 = tpu.memref_slice %arg6[%dma_start3A_160, %dma_start3A_166] : memref<40x128xi32, #tpu.memory_space<vmem>> -> memref<1x128xi32, #tpu.memory_space<vmem>>
      %dma_start3A_168 = tpu.memref_squeeze %dma_start3A_167 : memref<1x128xi32, #tpu.memory_space<vmem>> -> memref<128xi32, #tpu.memory_space<vmem>>
      %dma_start3A_169 = arith.constant 0 : i32
      %dma_start3A_170 = arith.constant 0 : i32
      %dma_start3A_171 = tpu.memref_slice %arg2[%dma_start3A_169, %dma_start3A_170] : memref<10240x128xf32, #tpu.memory_space<hbm>> -> memref<10240x128xf32, #tpu.memory_space<hbm>>
      tpu.enqueue_indirect_dma source(%dma_start3A_171 : memref<10240x128xf32, #tpu.memory_space<hbm>>) target(%dma_start3A_165 : memref<128x128xf32, #tpu.memory_space<vmem>>) offsets(%dma_start3A_168 : memref<128xi32, #tpu.memory_space<vmem>>) semaphore(%arg11 : memref<!tpu.dma_semaphore, #tpu.memory_space<semaphore_mem>>)
      %dma_wait3A_172 = arith.constant 2 : i32
      %dma_wait3A_173 = arith.constant 0 : i32
      %dma_wait3A_174 = arith.constant 0 : i32
      %dma_wait3A_175 = arith.constant 0 : i32
      %dma_wait3A_176 = tpu.memref_slice %arg8[%dma_wait3A_173, %dma_wait3A_174, %dma_wait3A_175] : memref<2x128x128xf32, #tpu.memory_space<vmem>> -> memref<1x128x128xf32, #tpu.memory_space<vmem>>
      %dma_wait3A_177 = tpu.memref_squeeze %dma_wait3A_176 : memref<1x128x128xf32, #tpu.memory_space<vmem>> -> memref<128x128xf32, #tpu.memory_space<vmem>>
      %dma_wait3A_178 = arith.constant 0 : i32
      %dma_wait3A_179 = tpu.memref_slice %arg6[%dma_wait3A_172, %dma_wait3A_178] : memref<40x128xi32, #tpu.memory_space<vmem>> -> memref<1x128xi32, #tpu.memory_space<vmem>>
      %dma_wait3A_180 = tpu.memref_squeeze %dma_wait3A_179 : memref<1x128xi32, #tpu.memory_space<vmem>> -> memref<128xi32, #tpu.memory_space<vmem>>
      %dma_wait3A_181 = arith.constant 0 : i32
      %dma_wait3A_182 = arith.constant 0 : i32
      %dma_wait3A_183 = tpu.memref_slice %arg2[%dma_wait3A_181, %dma_wait3A_182] : memref<10240x128xf32, #tpu.memory_space<hbm>> -> memref<10240x128xf32, #tpu.memory_space<hbm>>
      tpu.wait_indirect_dma semaphore(%arg10 : memref<!tpu.dma_semaphore, #tpu.memory_space<semaphore_mem>>) src(%dma_wait3A_183 : memref<10240x128xf32, #tpu.memory_space<hbm>>) dst(%dma_wait3A_177 : memref<128x128xf32, #tpu.memory_space<vmem>>)
      %run_scoped3A_184 = arith.constant 0 : i32
      %run_scoped3A_185 = arith.constant 2 : i32
      "tpu.region"() ({
        %run_scoped3A_1136 = tpu.sem_alloc : memref<!tpu.dma_semaphore, #tpu.memory_space<semaphore_mem>>
        %dma_start3A_1137 = arith.constant 0 : i32
        %dma_start3A_1138 = arith.constant 0 : i32
        %dma_start3A_1139 = tpu.memref_slice %arg8[%run_scoped3A_184, %dma_start3A_1137, %dma_start3A_1138] : memref<2x128x128xf32, #tpu.memory_space<vmem>> -> memref<1x128x128xf32, #tpu.memory_space<vmem>>
        %dma_start3A_1140 = tpu.memref_squeeze %dma_start3A_1139 : memref<1x128x128xf32, #tpu.memory_space<vmem>> -> memref<128x128xf32, #tpu.memory_space<vmem>>
        %dma_start3A_1141 = arith.constant 0 : i32
        %dma_start3A_1142 = tpu.memref_slice %arg7[%run_scoped3A_185, %dma_start3A_1141] : memref<40x128xi32, #tpu.memory_space<vmem>> -> memref<1x128xi32, #tpu.memory_space<vmem>>
        %dma_start3A_1143 = tpu.memref_squeeze %dma_start3A_1142 : memref<1x128xi32, #tpu.memory_space<vmem>> -> memref<128xi32, #tpu.memory_space<vmem>>
        %dma_start3A_1144 = arith.constant 0 : i32
        %dma_start3A_1145 = arith.constant 0 : i32
        %dma_start3A_1146 = tpu.memref_slice %arg9[%dma_start3A_1144, %dma_start3A_1145] : memref<10240x128xf32, #tpu.memory_space<vmem_shared>> -> memref<10240x128xf32, #tpu.memory_space<vmem_shared>>
        tpu.enqueue_indirect_dma source(%dma_start3A_1140 : memref<128x128xf32, #tpu.memory_space<vmem>>) target(%dma_start3A_1146 : memref<10240x128xf32, #tpu.memory_space<vmem_shared>>) offsets(%dma_start3A_1143 : memref<128xi32, #tpu.memory_space<vmem>>) semaphore(%run_scoped3A_1136 : memref<!tpu.dma_semaphore, #tpu.memory_space<semaphore_mem>>) {add = true}
        %dma_wait3A_1147 = arith.constant 0 : i32
        %dma_wait3A_1148 = arith.constant 0 : i32
        %dma_wait3A_1149 = tpu.memref_slice %arg8[%run_scoped3A_184, %dma_wait3A_1147, %dma_wait3A_1148] : memref<2x128x128xf32, #tpu.memory_space<vmem>> -> memref<1x128x128xf32, #tpu.memory_space<vmem>>
        %dma_wait3A_1150 = tpu.memref_squeeze %dma_wait3A_1149 : memref<1x128x128xf32, #tpu.memory_space<vmem>> -> memref<128x128xf32, #tpu.memory_space<vmem>>
        %dma_wait3A_1151 = arith.constant 0 : i32
        %dma_wait3A_1152 = tpu.memref_slice %arg7[%run_scoped3A_185, %dma_wait3A_1151] : memref<40x128xi32, #tpu.memory_space<vmem>> -> memref<1x128xi32, #tpu.memory_space<vmem>>
        %dma_wait3A_1153 = tpu.memref_squeeze %dma_wait3A_1152 : memref<1x128xi32, #tpu.memory_space<vmem>> -> memref<128xi32, #tpu.memory_space<vmem>>
        %dma_wait3A_1154 = arith.constant 0 : i32
        %dma_wait3A_1155 = arith.constant 0 : i32
        %dma_wait3A_1156 = tpu.memref_slice %arg9[%dma_wait3A_1154, %dma_wait3A_1155] : memref<10240x128xf32, #tpu.memory_space<vmem_shared>> -> memref<10240x128xf32, #tpu.memory_space<vmem_shared>>
        tpu.wait_indirect_dma semaphore(%run_scoped3A_1136 : memref<!tpu.dma_semaphore, #tpu.memory_space<semaphore_mem>>) src(%dma_wait3A_1150 : memref<128x128xf32, #tpu.memory_space<vmem>>) dst(%dma_wait3A_1156 : memref<10240x128xf32, #tpu.memory_space<vmem_shared>>)
        tpu.yield
      }) : () -> ()
      %dma_start3A_186 = arith.constant 4 : i32
      %dma_start3A_187 = arith.constant 0 : i32
      %dma_start3A_188 = arith.constant 0 : i32
      %dma_start3A_189 = arith.constant 0 : i32
      %dma_start3A_190 = tpu.memref_slice %arg8[%dma_start3A_187, %dma_start3A_188, %dma_start3A_189] : memref<2x128x128xf32, #tpu.memory_space<vmem>> -> memref<1x128x128xf32, #tpu.memory_space<vmem>>
      %dma_start3A_191 = tpu.memref_squeeze %dma_start3A_190 : memref<1x128x128xf32, #tpu.memory_space<vmem>> -> memref<128x128xf32, #tpu.memory_space<vmem>>
      %dma_start3A_192 = arith.constant 0 : i32
      %dma_start3A_193 = tpu.memref_slice %arg6[%dma_start3A_186, %dma_start3A_192] : memref<40x128xi32, #tpu.memory_space<vmem>> -> memref<1x128xi32, #tpu.memory_space<vmem>>
      %dma_start3A_194 = tpu.memref_squeeze %dma_start3A_193 : memref<1x128xi32, #tpu.memory_space<vmem>> -> memref<128xi32, #tpu.memory_space<vmem>>
      %dma_start3A_195 = arith.constant 0 : i32
      %dma_start3A_196 = arith.constant 0 : i32
      %dma_start3A_197 = tpu.memref_slice %arg2[%dma_start3A_195, %dma_start3A_196] : memref<10240x128xf32, #tpu.memory_space<hbm>> -> memref<10240x128xf32, #tpu.memory_space<hbm>>
      tpu.enqueue_indirect_dma source(%dma_start3A_197 : memref<10240x128xf32, #tpu.memory_space<hbm>>) target(%dma_start3A_191 : memref<128x128xf32, #tpu.memory_space<vmem>>) offsets(%dma_start3A_194 : memref<128xi32, #tpu.memory_space<vmem>>) semaphore(%arg10 : memref<!tpu.dma_semaphore, #tpu.memory_space<semaphore_mem>>)
      %dma_wait3A_198 = arith.constant 3 : i32
      %dma_wait3A_199 = arith.constant 1 : i32
      %dma_wait3A_200 = arith.constant 0 : i32
      %dma_wait3A_201 = arith.constant 0 : i32
      %dma_wait3A_202 = tpu.memref_slice %arg8[%dma_wait3A_199, %dma_wait3A_200, %dma_wait3A_201] : memref<2x128x128xf32, #tpu.memory_space<vmem>> -> memref<1x128x128xf32, #tpu.memory_space<vmem>>
      %dma_wait3A_203 = tpu.memref_squeeze %dma_wait3A_202 : memref<1x128x128xf32, #tpu.memory_space<vmem>> -> memref<128x128xf32, #tpu.memory_space<vmem>>
      %dma_wait3A_204 = arith.constant 0 : i32
      %dma_wait3A_205 = tpu.memref_slice %arg6[%dma_wait3A_198, %dma_wait3A_204] : memref<40x128xi32, #tpu.memory_space<vmem>> -> memref<1x128xi32, #tpu.memory_space<vmem>>
      %dma_wait3A_206 = tpu.memref_squeeze %dma_wait3A_205 : memref<1x128xi32, #tpu.memory_space<vmem>> -> memref<128xi32, #tpu.memory_space<vmem>>
      %dma_wait3A_207 = arith.constant 0 : i32
      %dma_wait3A_208 = arith.constant 0 : i32
      %dma_wait3A_209 = tpu.memref_slice %arg2[%dma_wait3A_207, %dma_wait3A_208] : memref<10240x128xf32, #tpu.memory_space<hbm>> -> memref<10240x128xf32, #tpu.memory_space<hbm>>
      tpu.wait_indirect_dma semaphore(%arg11 : memref<!tpu.dma_semaphore, #tpu.memory_space<semaphore_mem>>) src(%dma_wait3A_209 : memref<10240x128xf32, #tpu.memory_space<hbm>>) dst(%dma_wait3A_203 : memref<128x128xf32, #tpu.memory_space<vmem>>)
      %run_scoped3A_210 = arith.constant 1 : i32
      %run_scoped3A_211 = arith.constant 3 : i32
      "tpu.region"() ({
        %run_scoped3A_1136 = tpu.sem_alloc : memref<!tpu.dma_semaphore, #tpu.memory_space<semaphore_mem>>
        %dma_start3A_1137 = arith.constant 0 : i32
        %dma_start3A_1138 = arith.constant 0 : i32
        %dma_start3A_1139 = tpu.memref_slice %arg8[%run_scoped3A_210, %dma_start3A_1137, %dma_start3A_1138] : memref<2x128x128xf32, #tpu.memory_space<vmem>> -> memref<1x128x128xf32, #tpu.memory_space<vmem>>
        %dma_start3A_1140 = tpu.memref_squeeze %dma_start3A_1139 : memref<1x128x128xf32, #tpu.memory_space<vmem>> -> memref<128x128xf32, #tpu.memory_space<vmem>>
        %dma_start3A_1141 = arith.constant 0 : i32
        %dma_start3A_1142 = tpu.memref_slice %arg7[%run_scoped3A_211, %dma_start3A_1141] : memref<40x128xi32, #tpu.memory_space<vmem>> -> memref<1x128xi32, #tpu.memory_space<vmem>>
        %dma_start3A_1143 = tpu.memref_squeeze %dma_start3A_1142 : memref<1x128xi32, #tpu.memory_space<vmem>> -> memref<128xi32, #tpu.memory_space<vmem>>
        %dma_start3A_1144 = arith.constant 0 : i32
        %dma_start3A_1145 = arith.constant 0 : i32
        %dma_start3A_1146 = tpu.memref_slice %arg9[%dma_start3A_1144, %dma_start3A_1145] : memref<10240x128xf32, #tpu.memory_space<vmem_shared>> -> memref<10240x128xf32, #tpu.memory_space<vmem_shared>>
        tpu.enqueue_indirect_dma source(%dma_start3A_1140 : memref<128x128xf32, #tpu.memory_space<vmem>>) target(%dma_start3A_1146 : memref<10240x128xf32, #tpu.memory_space<vmem_shared>>) offsets(%dma_start3A_1143 : memref<128xi32, #tpu.memory_space<vmem>>) semaphore(%run_scoped3A_1136 : memref<!tpu.dma_semaphore, #tpu.memory_space<semaphore_mem>>) {add = true}
        %dma_wait3A_1147 = arith.constant 0 : i32
        %dma_wait3A_1148 = arith.constant 0 : i32
        %dma_wait3A_1149 = tpu.memref_slice %arg8[%run_scoped3A_210, %dma_wait3A_1147, %dma_wait3A_1148] : memref<2x128x128xf32, #tpu.memory_space<vmem>> -> memref<1x128x128xf32, #tpu.memory_space<vmem>>
        %dma_wait3A_1150 = tpu.memref_squeeze %dma_wait3A_1149 : memref<1x128x128xf32, #tpu.memory_space<vmem>> -> memref<128x128xf32, #tpu.memory_space<vmem>>
        %dma_wait3A_1151 = arith.constant 0 : i32
        %dma_wait3A_1152 = tpu.memref_slice %arg7[%run_scoped3A_211, %dma_wait3A_1151] : memref<40x128xi32, #tpu.memory_space<vmem>> -> memref<1x128xi32, #tpu.memory_space<vmem>>
        %dma_wait3A_1153 = tpu.memref_squeeze %dma_wait3A_1152 : memref<1x128xi32, #tpu.memory_space<vmem>> -> memref<128xi32, #tpu.memory_space<vmem>>
        %dma_wait3A_1154 = arith.constant 0 : i32
        %dma_wait3A_1155 = arith.constant 0 : i32
        %dma_wait3A_1156 = tpu.memref_slice %arg9[%dma_wait3A_1154, %dma_wait3A_1155] : memref<10240x128xf32, #tpu.memory_space<vmem_shared>> -> memref<10240x128xf32, #tpu.memory_space<vmem_shared>>
        tpu.wait_indirect_dma semaphore(%run_scoped3A_1136 : memref<!tpu.dma_semaphore, #tpu.memory_space<semaphore_mem>>) src(%dma_wait3A_1150 : memref<128x128xf32, #tpu.memory_space<vmem>>) dst(%dma_wait3A_1156 : memref<10240x128xf32, #tpu.memory_space<vmem_shared>>)
        tpu.yield
      }) : () -> ()
      %dma_start3A_212 = arith.constant 5 : i32
      %dma_start3A_213 = arith.constant 1 : i32
      %dma_start3A_214 = arith.constant 0 : i32
      %dma_start3A_215 = arith.constant 0 : i32
      %dma_start3A_216 = tpu.memref_slice %arg8[%dma_start3A_213, %dma_start3A_214, %dma_start3A_215] : memref<2x128x128xf32, #tpu.memory_space<vmem>> -> memref<1x128x128xf32, #tpu.memory_space<vmem>>
      %dma_start3A_217 = tpu.memref_squeeze %dma_start3A_216 : memref<1x128x128xf32, #tpu.memory_space<vmem>> -> memref<128x128xf32, #tpu.memory_space<vmem>>
      %dma_start3A_218 = arith.constant 0 : i32
      %dma_start3A_219 = tpu.memref_slice %arg6[%dma_start3A_212, %dma_start3A_218] : memref<40x128xi32, #tpu.memory_space<vmem>> -> memref<1x128xi32, #tpu.memory_space<vmem>>
      %dma_start3A_220 = tpu.memref_squeeze %dma_start3A_219 : memref<1x128xi32, #tpu.memory_space<vmem>> -> memref<128xi32, #tpu.memory_space<vmem>>
      %dma_start3A_221 = arith.constant 0 : i32
      %dma_start3A_222 = arith.constant 0 : i32
      %dma_start3A_223 = tpu.memref_slice %arg2[%dma_start3A_221, %dma_start3A_222] : memref<10240x128xf32, #tpu.memory_space<hbm>> -> memref<10240x128xf32, #tpu.memory_space<hbm>>
      tpu.enqueue_indirect_dma source(%dma_start3A_223 : memref<10240x128xf32, #tpu.memory_space<hbm>>) target(%dma_start3A_217 : memref<128x128xf32, #tpu.memory_space<vmem>>) offsets(%dma_start3A_220 : memref<128xi32, #tpu.memory_space<vmem>>) semaphore(%arg11 : memref<!tpu.dma_semaphore, #tpu.memory_space<semaphore_mem>>)
      %dma_wait3A_224 = arith.constant 4 : i32
      %dma_wait3A_225 = arith.constant 0 : i32
      %dma_wait3A_226 = arith.constant 0 : i32
      %dma_wait3A_227 = arith.constant 0 : i32
      %dma_wait3A_228 = tpu.memref_slice %arg8[%dma_wait3A_225, %dma_wait3A_226, %dma_wait3A_227] : memref<2x128x128xf32, #tpu.memory_space<vmem>> -> memref<1x128x128xf32, #tpu.memory_space<vmem>>
      %dma_wait3A_229 = tpu.memref_squeeze %dma_wait3A_228 : memref<1x128x128xf32, #tpu.memory_space<vmem>> -> memref<128x128xf32, #tpu.memory_space<vmem>>
      %dma_wait3A_230 = arith.constant 0 : i32
      %dma_wait3A_231 = tpu.memref_slice %arg6[%dma_wait3A_224, %dma_wait3A_230] : memref<40x128xi32, #tpu.memory_space<vmem>> -> memref<1x128xi32, #tpu.memory_space<vmem>>
      %dma_wait3A_232 = tpu.memref_squeeze %dma_wait3A_231 : memref<1x128xi32, #tpu.memory_space<vmem>> -> memref<128xi32, #tpu.memory_space<vmem>>
      %dma_wait3A_233 = arith.constant 0 : i32
      %dma_wait3A_234 = arith.constant 0 : i32
      %dma_wait3A_235 = tpu.memref_slice %arg2[%dma_wait3A_233, %dma_wait3A_234] : memref<10240x128xf32, #tpu.memory_space<hbm>> -> memref<10240x128xf32, #tpu.memory_space<hbm>>
      tpu.wait_indirect_dma semaphore(%arg10 : memref<!tpu.dma_semaphore, #tpu.memory_space<semaphore_mem>>) src(%dma_wait3A_235 : memref<10240x128xf32, #tpu.memory_space<hbm>>) dst(%dma_wait3A_229 : memref<128x128xf32, #tpu.memory_space<vmem>>)
      %run_scoped3A_236 = arith.constant 0 : i32
      %run_scoped3A_237 = arith.constant 4 : i32
      "tpu.region"() ({
        %run_scoped3A_1136 = tpu.sem_alloc : memref<!tpu.dma_semaphore, #tpu.memory_space<semaphore_mem>>
        %dma_start3A_1137 = arith.constant 0 : i32
        %dma_start3A_1138 = arith.constant 0 : i32
        %dma_start3A_1139 = tpu.memref_slice %arg8[%run_scoped3A_236, %dma_start3A_1137, %dma_start3A_1138] : memref<2x128x128xf32, #tpu.memory_space<vmem>> -> memref<1x128x128xf32, #tpu.memory_space<vmem>>
        %dma_start3A_1140 = tpu.memref_squeeze %dma_start3A_1139 : memref<1x128x128xf32, #tpu.memory_space<vmem>> -> memref<128x128xf32, #tpu.memory_space<vmem>>
        %dma_start3A_1141 = arith.constant 0 : i32
        %dma_start3A_1142 = tpu.memref_slice %arg7[%run_scoped3A_237, %dma_start3A_1141] : memref<40x128xi32, #tpu.memory_space<vmem>> -> memref<1x128xi32, #tpu.memory_space<vmem>>
        %dma_start3A_1143 = tpu.memref_squeeze %dma_start3A_1142 : memref<1x128xi32, #tpu.memory_space<vmem>> -> memref<128xi32, #tpu.memory_space<vmem>>
        %dma_start3A_1144 = arith.constant 0 : i32
        %dma_start3A_1145 = arith.constant 0 : i32
        %dma_start3A_1146 = tpu.memref_slice %arg9[%dma_start3A_1144, %dma_start3A_1145] : memref<10240x128xf32, #tpu.memory_space<vmem_shared>> -> memref<10240x128xf32, #tpu.memory_space<vmem_shared>>
        tpu.enqueue_indirect_dma source(%dma_start3A_1140 : memref<128x128xf32, #tpu.memory_space<vmem>>) target(%dma_start3A_1146 : memref<10240x128xf32, #tpu.memory_space<vmem_shared>>) offsets(%dma_start3A_1143 : memref<128xi32, #tpu.memory_space<vmem>>) semaphore(%run_scoped3A_1136 : memref<!tpu.dma_semaphore, #tpu.memory_space<semaphore_mem>>) {add = true}
        %dma_wait3A_1147 = arith.constant 0 : i32
        %dma_wait3A_1148 = arith.constant 0 : i32
        %dma_wait3A_1149 = tpu.memref_slice %arg8[%run_scoped3A_236, %dma_wait3A_1147, %dma_wait3A_1148] : memref<2x128x128xf32, #tpu.memory_space<vmem>> -> memref<1x128x128xf32, #tpu.memory_space<vmem>>
        %dma_wait3A_1150 = tpu.memref_squeeze %dma_wait3A_1149 : memref<1x128x128xf32, #tpu.memory_space<vmem>> -> memref<128x128xf32, #tpu.memory_space<vmem>>
        %dma_wait3A_1151 = arith.constant 0 : i32
        %dma_wait3A_1152 = tpu.memref_slice %arg7[%run_scoped3A_237, %dma_wait3A_1151] : memref<40x128xi32, #tpu.memory_space<vmem>> -> memref<1x128xi32, #tpu.memory_space<vmem>>
        %dma_wait3A_1153 = tpu.memref_squeeze %dma_wait3A_1152 : memref<1x128xi32, #tpu.memory_space<vmem>> -> memref<128xi32, #tpu.memory_space<vmem>>
        %dma_wait3A_1154 = arith.constant 0 : i32
        %dma_wait3A_1155 = arith.constant 0 : i32
        %dma_wait3A_1156 = tpu.memref_slice %arg9[%dma_wait3A_1154, %dma_wait3A_1155] : memref<10240x128xf32, #tpu.memory_space<vmem_shared>> -> memref<10240x128xf32, #tpu.memory_space<vmem_shared>>
        tpu.wait_indirect_dma semaphore(%run_scoped3A_1136 : memref<!tpu.dma_semaphore, #tpu.memory_space<semaphore_mem>>) src(%dma_wait3A_1150 : memref<128x128xf32, #tpu.memory_space<vmem>>) dst(%dma_wait3A_1156 : memref<10240x128xf32, #tpu.memory_space<vmem_shared>>)
        tpu.yield
      }) : () -> ()
      %dma_start3A_238 = arith.constant 6 : i32
      %dma_start3A_239 = arith.constant 0 : i32
      %dma_start3A_240 = arith.constant 0 : i32
      %dma_start3A_241 = arith.constant 0 : i32
      %dma_start3A_242 = tpu.memref_slice %arg8[%dma_start3A_239, %dma_start3A_240, %dma_start3A_241] : memref<2x128x128xf32, #tpu.memory_space<vmem>> -> memref<1x128x128xf32, #tpu.memory_space<vmem>>
      %dma_start3A_243 = tpu.memref_squeeze %dma_start3A_242 : memref<1x128x128xf32, #tpu.memory_space<vmem>> -> memref<128x128xf32, #tpu.memory_space<vmem>>
      %dma_start3A_244 = arith.constant 0 : i32
      %dma_start3A_245 = tpu.memref_slice %arg6[%dma_start3A_238, %dma_start3A_244] : memref<40x128xi32, #tpu.memory_space<vmem>> -> memref<1x128xi32, #tpu.memory_space<vmem>>
      %dma_start3A_246 = tpu.memref_squeeze %dma_start3A_245 : memref<1x128xi32, #tpu.memory_space<vmem>> -> memref<128xi32, #tpu.memory_space<vmem>>
      %dma_start3A_247 = arith.constant 0 : i32
      %dma_start3A_248 = arith.constant 0 : i32
      %dma_start3A_249 = tpu.memref_slice %arg2[%dma_start3A_247, %dma_start3A_248] : memref<10240x128xf32, #tpu.memory_space<hbm>> -> memref<10240x128xf32, #tpu.memory_space<hbm>>
      tpu.enqueue_indirect_dma source(%dma_start3A_249 : memref<10240x128xf32, #tpu.memory_space<hbm>>) target(%dma_start3A_243 : memref<128x128xf32, #tpu.memory_space<vmem>>) offsets(%dma_start3A_246 : memref<128xi32, #tpu.memory_space<vmem>>) semaphore(%arg10 : memref<!tpu.dma_semaphore, #tpu.memory_space<semaphore_mem>>)
      %dma_wait3A_250 = arith.constant 5 : i32
      %dma_wait3A_251 = arith.constant 1 : i32
      %dma_wait3A_252 = arith.constant 0 : i32
      %dma_wait3A_253 = arith.constant 0 : i32
      %dma_wait3A_254 = tpu.memref_slice %arg8[%dma_wait3A_251, %dma_wait3A_252, %dma_wait3A_253] : memref<2x128x128xf32, #tpu.memory_space<vmem>> -> memref<1x128x128xf32, #tpu.memory_space<vmem>>
      %dma_wait3A_255 = tpu.memref_squeeze %dma_wait3A_254 : memref<1x128x128xf32, #tpu.memory_space<vmem>> -> memref<128x128xf32, #tpu.memory_space<vmem>>
      %dma_wait3A_256 = arith.constant 0 : i32
      %dma_wait3A_257 = tpu.memref_slice %arg6[%dma_wait3A_250, %dma_wait3A_256] : memref<40x128xi32, #tpu.memory_space<vmem>> -> memref<1x128xi32, #tpu.memory_space<vmem>>
      %dma_wait3A_258 = tpu.memref_squeeze %dma_wait3A_257 : memref<1x128xi32, #tpu.memory_space<vmem>> -> memref<128xi32, #tpu.memory_space<vmem>>
      %dma_wait3A_259 = arith.constant 0 : i32
      %dma_wait3A_260 = arith.constant 0 : i32
      %dma_wait3A_261 = tpu.memref_slice %arg2[%dma_wait3A_259, %dma_wait3A_260] : memref<10240x128xf32, #tpu.memory_space<hbm>> -> memref<10240x128xf32, #tpu.memory_space<hbm>>
      tpu.wait_indirect_dma semaphore(%arg11 : memref<!tpu.dma_semaphore, #tpu.memory_space<semaphore_mem>>) src(%dma_wait3A_261 : memref<10240x128xf32, #tpu.memory_space<hbm>>) dst(%dma_wait3A_255 : memref<128x128xf32, #tpu.memory_space<vmem>>)
      %run_scoped3A_262 = arith.constant 1 : i32
      %run_scoped3A_263 = arith.constant 5 : i32
      "tpu.region"() ({
        %run_scoped3A_1136 = tpu.sem_alloc : memref<!tpu.dma_semaphore, #tpu.memory_space<semaphore_mem>>
        %dma_start3A_1137 = arith.constant 0 : i32
        %dma_start3A_1138 = arith.constant 0 : i32
        %dma_start3A_1139 = tpu.memref_slice %arg8[%run_scoped3A_262, %dma_start3A_1137, %dma_start3A_1138] : memref<2x128x128xf32, #tpu.memory_space<vmem>> -> memref<1x128x128xf32, #tpu.memory_space<vmem>>
        %dma_start3A_1140 = tpu.memref_squeeze %dma_start3A_1139 : memref<1x128x128xf32, #tpu.memory_space<vmem>> -> memref<128x128xf32, #tpu.memory_space<vmem>>
        %dma_start3A_1141 = arith.constant 0 : i32
        %dma_start3A_1142 = tpu.memref_slice %arg7[%run_scoped3A_263, %dma_start3A_1141] : memref<40x128xi32, #tpu.memory_space<vmem>> -> memref<1x128xi32, #tpu.memory_space<vmem>>
        %dma_start3A_1143 = tpu.memref_squeeze %dma_start3A_1142 : memref<1x128xi32, #tpu.memory_space<vmem>> -> memref<128xi32, #tpu.memory_space<vmem>>
        %dma_start3A_1144 = arith.constant 0 : i32
        %dma_start3A_1145 = arith.constant 0 : i32
        %dma_start3A_1146 = tpu.memref_slice %arg9[%dma_start3A_1144, %dma_start3A_1145] : memref<10240x128xf32, #tpu.memory_space<vmem_shared>> -> memref<10240x128xf32, #tpu.memory_space<vmem_shared>>
        tpu.enqueue_indirect_dma source(%dma_start3A_1140 : memref<128x128xf32, #tpu.memory_space<vmem>>) target(%dma_start3A_1146 : memref<10240x128xf32, #tpu.memory_space<vmem_shared>>) offsets(%dma_start3A_1143 : memref<128xi32, #tpu.memory_space<vmem>>) semaphore(%run_scoped3A_1136 : memref<!tpu.dma_semaphore, #tpu.memory_space<semaphore_mem>>) {add = true}
        %dma_wait3A_1147 = arith.constant 0 : i32
        %dma_wait3A_1148 = arith.constant 0 : i32
        %dma_wait3A_1149 = tpu.memref_slice %arg8[%run_scoped3A_262, %dma_wait3A_1147, %dma_wait3A_1148] : memref<2x128x128xf32, #tpu.memory_space<vmem>> -> memref<1x128x128xf32, #tpu.memory_space<vmem>>
        %dma_wait3A_1150 = tpu.memref_squeeze %dma_wait3A_1149 : memref<1x128x128xf32, #tpu.memory_space<vmem>> -> memref<128x128xf32, #tpu.memory_space<vmem>>
        %dma_wait3A_1151 = arith.constant 0 : i32
        %dma_wait3A_1152 = tpu.memref_slice %arg7[%run_scoped3A_263, %dma_wait3A_1151] : memref<40x128xi32, #tpu.memory_space<vmem>> -> memref<1x128xi32, #tpu.memory_space<vmem>>
        %dma_wait3A_1153 = tpu.memref_squeeze %dma_wait3A_1152 : memref<1x128xi32, #tpu.memory_space<vmem>> -> memref<128xi32, #tpu.memory_space<vmem>>
        %dma_wait3A_1154 = arith.constant 0 : i32
        %dma_wait3A_1155 = arith.constant 0 : i32
        %dma_wait3A_1156 = tpu.memref_slice %arg9[%dma_wait3A_1154, %dma_wait3A_1155] : memref<10240x128xf32, #tpu.memory_space<vmem_shared>> -> memref<10240x128xf32, #tpu.memory_space<vmem_shared>>
        tpu.wait_indirect_dma semaphore(%run_scoped3A_1136 : memref<!tpu.dma_semaphore, #tpu.memory_space<semaphore_mem>>) src(%dma_wait3A_1150 : memref<128x128xf32, #tpu.memory_space<vmem>>) dst(%dma_wait3A_1156 : memref<10240x128xf32, #tpu.memory_space<vmem_shared>>)
        tpu.yield
      }) : () -> ()
      %dma_start3A_264 = arith.constant 7 : i32
      %dma_start3A_265 = arith.constant 1 : i32
      %dma_start3A_266 = arith.constant 0 : i32
      %dma_start3A_267 = arith.constant 0 : i32
      %dma_start3A_268 = tpu.memref_slice %arg8[%dma_start3A_265, %dma_start3A_266, %dma_start3A_267] : memref<2x128x128xf32, #tpu.memory_space<vmem>> -> memref<1x128x128xf32, #tpu.memory_space<vmem>>
      %dma_start3A_269 = tpu.memref_squeeze %dma_start3A_268 : memref<1x128x128xf32, #tpu.memory_space<vmem>> -> memref<128x128xf32, #tpu.memory_space<vmem>>
      %dma_start3A_270 = arith.constant 0 : i32
      %dma_start3A_271 = tpu.memref_slice %arg6[%dma_start3A_264, %dma_start3A_270] : memref<40x128xi32, #tpu.memory_space<vmem>> -> memref<1x128xi32, #tpu.memory_space<vmem>>
      %dma_start3A_272 = tpu.memref_squeeze %dma_start3A_271 : memref<1x128xi32, #tpu.memory_space<vmem>> -> memref<128xi32, #tpu.memory_space<vmem>>
      %dma_start3A_273 = arith.constant 0 : i32
      %dma_start3A_274 = arith.constant 0 : i32
      %dma_start3A_275 = tpu.memref_slice %arg2[%dma_start3A_273, %dma_start3A_274] : memref<10240x128xf32, #tpu.memory_space<hbm>> -> memref<10240x128xf32, #tpu.memory_space<hbm>>
      tpu.enqueue_indirect_dma source(%dma_start3A_275 : memref<10240x128xf32, #tpu.memory_space<hbm>>) target(%dma_start3A_269 : memref<128x128xf32, #tpu.memory_space<vmem>>) offsets(%dma_start3A_272 : memref<128xi32, #tpu.memory_space<vmem>>) semaphore(%arg11 : memref<!tpu.dma_semaphore, #tpu.memory_space<semaphore_mem>>)
      %dma_wait3A_276 = arith.constant 6 : i32
      %dma_wait3A_277 = arith.constant 0 : i32
      %dma_wait3A_278 = arith.constant 0 : i32
      %dma_wait3A_279 = arith.constant 0 : i32
      %dma_wait3A_280 = tpu.memref_slice %arg8[%dma_wait3A_277, %dma_wait3A_278, %dma_wait3A_279] : memref<2x128x128xf32, #tpu.memory_space<vmem>> -> memref<1x128x128xf32, #tpu.memory_space<vmem>>
      %dma_wait3A_281 = tpu.memref_squeeze %dma_wait3A_280 : memref<1x128x128xf32, #tpu.memory_space<vmem>> -> memref<128x128xf32, #tpu.memory_space<vmem>>
      %dma_wait3A_282 = arith.constant 0 : i32
      %dma_wait3A_283 = tpu.memref_slice %arg6[%dma_wait3A_276, %dma_wait3A_282] : memref<40x128xi32, #tpu.memory_space<vmem>> -> memref<1x128xi32, #tpu.memory_space<vmem>>
      %dma_wait3A_284 = tpu.memref_squeeze %dma_wait3A_283 : memref<1x128xi32, #tpu.memory_space<vmem>> -> memref<128xi32, #tpu.memory_space<vmem>>
      %dma_wait3A_285 = arith.constant 0 : i32
      %dma_wait3A_286 = arith.constant 0 : i32
      %dma_wait3A_287 = tpu.memref_slice %arg2[%dma_wait3A_285, %dma_wait3A_286] : memref<10240x128xf32, #tpu.memory_space<hbm>> -> memref<10240x128xf32, #tpu.memory_space<hbm>>
      tpu.wait_indirect_dma semaphore(%arg10 : memref<!tpu.dma_semaphore, #tpu.memory_space<semaphore_mem>>) src(%dma_wait3A_287 : memref<10240x128xf32, #tpu.memory_space<hbm>>) dst(%dma_wait3A_281 : memref<128x128xf32, #tpu.memory_space<vmem>>)
      %run_scoped3A_288 = arith.constant 0 : i32
      %run_scoped3A_289 = arith.constant 6 : i32
      "tpu.region"() ({
        %run_scoped3A_1136 = tpu.sem_alloc : memref<!tpu.dma_semaphore, #tpu.memory_space<semaphore_mem>>
        %dma_start3A_1137 = arith.constant 0 : i32
        %dma_start3A_1138 = arith.constant 0 : i32
        %dma_start3A_1139 = tpu.memref_slice %arg8[%run_scoped3A_288, %dma_start3A_1137, %dma_start3A_1138] : memref<2x128x128xf32, #tpu.memory_space<vmem>> -> memref<1x128x128xf32, #tpu.memory_space<vmem>>
        %dma_start3A_1140 = tpu.memref_squeeze %dma_start3A_1139 : memref<1x128x128xf32, #tpu.memory_space<vmem>> -> memref<128x128xf32, #tpu.memory_space<vmem>>
        %dma_start3A_1141 = arith.constant 0 : i32
        %dma_start3A_1142 = tpu.memref_slice %arg7[%run_scoped3A_289, %dma_start3A_1141] : memref<40x128xi32, #tpu.memory_space<vmem>> -> memref<1x128xi32, #tpu.memory_space<vmem>>
        %dma_start3A_1143 = tpu.memref_squeeze %dma_start3A_1142 : memref<1x128xi32, #tpu.memory_space<vmem>> -> memref<128xi32, #tpu.memory_space<vmem>>
        %dma_start3A_1144 = arith.constant 0 : i32
        %dma_start3A_1145 = arith.constant 0 : i32
        %dma_start3A_1146 = tpu.memref_slice %arg9[%dma_start3A_1144, %dma_start3A_1145] : memref<10240x128xf32, #tpu.memory_space<vmem_shared>> -> memref<10240x128xf32, #tpu.memory_space<vmem_shared>>
        tpu.enqueue_indirect_dma source(%dma_start3A_1140 : memref<128x128xf32, #tpu.memory_space<vmem>>) target(%dma_start3A_1146 : memref<10240x128xf32, #tpu.memory_space<vmem_shared>>) offsets(%dma_start3A_1143 : memref<128xi32, #tpu.memory_space<vmem>>) semaphore(%run_scoped3A_1136 : memref<!tpu.dma_semaphore, #tpu.memory_space<semaphore_mem>>) {add = true}
        %dma_wait3A_1147 = arith.constant 0 : i32
        %dma_wait3A_1148 = arith.constant 0 : i32
        %dma_wait3A_1149 = tpu.memref_slice %arg8[%run_scoped3A_288, %dma_wait3A_1147, %dma_wait3A_1148] : memref<2x128x128xf32, #tpu.memory_space<vmem>> -> memref<1x128x128xf32, #tpu.memory_space<vmem>>
        %dma_wait3A_1150 = tpu.memref_squeeze %dma_wait3A_1149 : memref<1x128x128xf32, #tpu.memory_space<vmem>> -> memref<128x128xf32, #tpu.memory_space<vmem>>
        %dma_wait3A_1151 = arith.constant 0 : i32
        %dma_wait3A_1152 = tpu.memref_slice %arg7[%run_scoped3A_289, %dma_wait3A_1151] : memref<40x128xi32, #tpu.memory_space<vmem>> -> memref<1x128xi32, #tpu.memory_space<vmem>>
        %dma_wait3A_1153 = tpu.memref_squeeze %dma_wait3A_1152 : memref<1x128xi32, #tpu.memory_space<vmem>> -> memref<128xi32, #tpu.memory_space<vmem>>
        %dma_wait3A_1154 = arith.constant 0 : i32
        %dma_wait3A_1155 = arith.constant 0 : i32
        %dma_wait3A_1156 = tpu.memref_slice %arg9[%dma_wait3A_1154, %dma_wait3A_1155] : memref<10240x128xf32, #tpu.memory_space<vmem_shared>> -> memref<10240x128xf32, #tpu.memory_space<vmem_shared>>
        tpu.wait_indirect_dma semaphore(%run_scoped3A_1136 : memref<!tpu.dma_semaphore, #tpu.memory_space<semaphore_mem>>) src(%dma_wait3A_1150 : memref<128x128xf32, #tpu.memory_space<vmem>>) dst(%dma_wait3A_1156 : memref<10240x128xf32, #tpu.memory_space<vmem_shared>>)
        tpu.yield
      }) : () -> ()
      %dma_start3A_290 = arith.constant 8 : i32
      %dma_start3A_291 = arith.constant 0 : i32
      %dma_start3A_292 = arith.constant 0 : i32
      %dma_start3A_293 = arith.constant 0 : i32
      %dma_start3A_294 = tpu.memref_slice %arg8[%dma_start3A_291, %dma_start3A_292, %dma_start3A_293] : memref<2x128x128xf32, #tpu.memory_space<vmem>> -> memref<1x128x128xf32, #tpu.memory_space<vmem>>
      %dma_start3A_295 = tpu.memref_squeeze %dma_start3A_294 : memref<1x128x128xf32, #tpu.memory_space<vmem>> -> memref<128x128xf32, #tpu.memory_space<vmem>>
      %dma_start3A_296 = arith.constant 0 : i32
      %dma_start3A_297 = tpu.memref_slice %arg6[%dma_start3A_290, %dma_start3A_296] : memref<40x128xi32, #tpu.memory_space<vmem>> -> memref<1x128xi32, #tpu.memory_space<vmem>>
      %dma_start3A_298 = tpu.memref_squeeze %dma_start3A_297 : memref<1x128xi32, #tpu.memory_space<vmem>> -> memref<128xi32, #tpu.memory_space<vmem>>
      %dma_start3A_299 = arith.constant 0 : i32
      %dma_start3A_300 = arith.constant 0 : i32
      %dma_start3A_301 = tpu.memref_slice %arg2[%dma_start3A_299, %dma_start3A_300] : memref<10240x128xf32, #tpu.memory_space<hbm>> -> memref<10240x128xf32, #tpu.memory_space<hbm>>
      tpu.enqueue_indirect_dma source(%dma_start3A_301 : memref<10240x128xf32, #tpu.memory_space<hbm>>) target(%dma_start3A_295 : memref<128x128xf32, #tpu.memory_space<vmem>>) offsets(%dma_start3A_298 : memref<128xi32, #tpu.memory_space<vmem>>) semaphore(%arg10 : memref<!tpu.dma_semaphore, #tpu.memory_space<semaphore_mem>>)
      %dma_wait3A_302 = arith.constant 7 : i32
      %dma_wait3A_303 = arith.constant 1 : i32
      %dma_wait3A_304 = arith.constant 0 : i32
      %dma_wait3A_305 = arith.constant 0 : i32
      %dma_wait3A_306 = tpu.memref_slice %arg8[%dma_wait3A_303, %dma_wait3A_304, %dma_wait3A_305] : memref<2x128x128xf32, #tpu.memory_space<vmem>> -> memref<1x128x128xf32, #tpu.memory_space<vmem>>
      %dma_wait3A_307 = tpu.memref_squeeze %dma_wait3A_306 : memref<1x128x128xf32, #tpu.memory_space<vmem>> -> memref<128x128xf32, #tpu.memory_space<vmem>>
      %dma_wait3A_308 = arith.constant 0 : i32
      %dma_wait3A_309 = tpu.memref_slice %arg6[%dma_wait3A_302, %dma_wait3A_308] : memref<40x128xi32, #tpu.memory_space<vmem>> -> memref<1x128xi32, #tpu.memory_space<vmem>>
      %dma_wait3A_310 = tpu.memref_squeeze %dma_wait3A_309 : memref<1x128xi32, #tpu.memory_space<vmem>> -> memref<128xi32, #tpu.memory_space<vmem>>
      %dma_wait3A_311 = arith.constant 0 : i32
      %dma_wait3A_312 = arith.constant 0 : i32
      %dma_wait3A_313 = tpu.memref_slice %arg2[%dma_wait3A_311, %dma_wait3A_312] : memref<10240x128xf32, #tpu.memory_space<hbm>> -> memref<10240x128xf32, #tpu.memory_space<hbm>>
      tpu.wait_indirect_dma semaphore(%arg11 : memref<!tpu.dma_semaphore, #tpu.memory_space<semaphore_mem>>) src(%dma_wait3A_313 : memref<10240x128xf32, #tpu.memory_space<hbm>>) dst(%dma_wait3A_307 : memref<128x128xf32, #tpu.memory_space<vmem>>)
      %run_scoped3A_314 = arith.constant 1 : i32
      %run_scoped3A_315 = arith.constant 7 : i32
      "tpu.region"() ({
        %run_scoped3A_1136 = tpu.sem_alloc : memref<!tpu.dma_semaphore, #tpu.memory_space<semaphore_mem>>
        %dma_start3A_1137 = arith.constant 0 : i32
        %dma_start3A_1138 = arith.constant 0 : i32
        %dma_start3A_1139 = tpu.memref_slice %arg8[%run_scoped3A_314, %dma_start3A_1137, %dma_start3A_1138] : memref<2x128x128xf32, #tpu.memory_space<vmem>> -> memref<1x128x128xf32, #tpu.memory_space<vmem>>
        %dma_start3A_1140 = tpu.memref_squeeze %dma_start3A_1139 : memref<1x128x128xf32, #tpu.memory_space<vmem>> -> memref<128x128xf32, #tpu.memory_space<vmem>>
        %dma_start3A_1141 = arith.constant 0 : i32
        %dma_start3A_1142 = tpu.memref_slice %arg7[%run_scoped3A_315, %dma_start3A_1141] : memref<40x128xi32, #tpu.memory_space<vmem>> -> memref<1x128xi32, #tpu.memory_space<vmem>>
        %dma_start3A_1143 = tpu.memref_squeeze %dma_start3A_1142 : memref<1x128xi32, #tpu.memory_space<vmem>> -> memref<128xi32, #tpu.memory_space<vmem>>
        %dma_start3A_1144 = arith.constant 0 : i32
        %dma_start3A_1145 = arith.constant 0 : i32
        %dma_start3A_1146 = tpu.memref_slice %arg9[%dma_start3A_1144, %dma_start3A_1145] : memref<10240x128xf32, #tpu.memory_space<vmem_shared>> -> memref<10240x128xf32, #tpu.memory_space<vmem_shared>>
        tpu.enqueue_indirect_dma source(%dma_start3A_1140 : memref<128x128xf32, #tpu.memory_space<vmem>>) target(%dma_start3A_1146 : memref<10240x128xf32, #tpu.memory_space<vmem_shared>>) offsets(%dma_start3A_1143 : memref<128xi32, #tpu.memory_space<vmem>>) semaphore(%run_scoped3A_1136 : memref<!tpu.dma_semaphore, #tpu.memory_space<semaphore_mem>>) {add = true}
        %dma_wait3A_1147 = arith.constant 0 : i32
        %dma_wait3A_1148 = arith.constant 0 : i32
        %dma_wait3A_1149 = tpu.memref_slice %arg8[%run_scoped3A_314, %dma_wait3A_1147, %dma_wait3A_1148] : memref<2x128x128xf32, #tpu.memory_space<vmem>> -> memref<1x128x128xf32, #tpu.memory_space<vmem>>
        %dma_wait3A_1150 = tpu.memref_squeeze %dma_wait3A_1149 : memref<1x128x128xf32, #tpu.memory_space<vmem>> -> memref<128x128xf32, #tpu.memory_space<vmem>>
        %dma_wait3A_1151 = arith.constant 0 : i32
        %dma_wait3A_1152 = tpu.memref_slice %arg7[%run_scoped3A_315, %dma_wait3A_1151] : memref<40x128xi32, #tpu.memory_space<vmem>> -> memref<1x128xi32, #tpu.memory_space<vmem>>
        %dma_wait3A_1153 = tpu.memref_squeeze %dma_wait3A_1152 : memref<1x128xi32, #tpu.memory_space<vmem>> -> memref<128xi32, #tpu.memory_space<vmem>>
        %dma_wait3A_1154 = arith.constant 0 : i32
        %dma_wait3A_1155 = arith.constant 0 : i32
        %dma_wait3A_1156 = tpu.memref_slice %arg9[%dma_wait3A_1154, %dma_wait3A_1155] : memref<10240x128xf32, #tpu.memory_space<vmem_shared>> -> memref<10240x128xf32, #tpu.memory_space<vmem_shared>>
        tpu.wait_indirect_dma semaphore(%run_scoped3A_1136 : memref<!tpu.dma_semaphore, #tpu.memory_space<semaphore_mem>>) src(%dma_wait3A_1150 : memref<128x128xf32, #tpu.memory_space<vmem>>) dst(%dma_wait3A_1156 : memref<10240x128xf32, #tpu.memory_space<vmem_shared>>)
        tpu.yield
      }) : () -> ()
      %dma_start3A_316 = arith.constant 9 : i32
      %dma_start3A_317 = arith.constant 1 : i32
      %dma_start3A_318 = arith.constant 0 : i32
      %dma_start3A_319 = arith.constant 0 : i32
      %dma_start3A_320 = tpu.memref_slice %arg8[%dma_start3A_317, %dma_start3A_318, %dma_start3A_319] : memref<2x128x128xf32, #tpu.memory_space<vmem>> -> memref<1x128x128xf32, #tpu.memory_space<vmem>>
      %dma_start3A_321 = tpu.memref_squeeze %dma_start3A_320 : memref<1x128x128xf32, #tpu.memory_space<vmem>> -> memref<128x128xf32, #tpu.memory_space<vmem>>
      %dma_start3A_322 = arith.constant 0 : i32
      %dma_start3A_323 = tpu.memref_slice %arg6[%dma_start3A_316, %dma_start3A_322] : memref<40x128xi32, #tpu.memory_space<vmem>> -> memref<1x128xi32, #tpu.memory_space<vmem>>
      %dma_start3A_324 = tpu.memref_squeeze %dma_start3A_323 : memref<1x128xi32, #tpu.memory_space<vmem>> -> memref<128xi32, #tpu.memory_space<vmem>>
      %dma_start3A_325 = arith.constant 0 : i32
      %dma_start3A_326 = arith.constant 0 : i32
      %dma_start3A_327 = tpu.memref_slice %arg2[%dma_start3A_325, %dma_start3A_326] : memref<10240x128xf32, #tpu.memory_space<hbm>> -> memref<10240x128xf32, #tpu.memory_space<hbm>>
      tpu.enqueue_indirect_dma source(%dma_start3A_327 : memref<10240x128xf32, #tpu.memory_space<hbm>>) target(%dma_start3A_321 : memref<128x128xf32, #tpu.memory_space<vmem>>) offsets(%dma_start3A_324 : memref<128xi32, #tpu.memory_space<vmem>>) semaphore(%arg11 : memref<!tpu.dma_semaphore, #tpu.memory_space<semaphore_mem>>)
      %dma_wait3A_328 = arith.constant 8 : i32
      %dma_wait3A_329 = arith.constant 0 : i32
      %dma_wait3A_330 = arith.constant 0 : i32
      %dma_wait3A_331 = arith.constant 0 : i32
      %dma_wait3A_332 = tpu.memref_slice %arg8[%dma_wait3A_329, %dma_wait3A_330, %dma_wait3A_331] : memref<2x128x128xf32, #tpu.memory_space<vmem>> -> memref<1x128x128xf32, #tpu.memory_space<vmem>>
      %dma_wait3A_333 = tpu.memref_squeeze %dma_wait3A_332 : memref<1x128x128xf32, #tpu.memory_space<vmem>> -> memref<128x128xf32, #tpu.memory_space<vmem>>
      %dma_wait3A_334 = arith.constant 0 : i32
      %dma_wait3A_335 = tpu.memref_slice %arg6[%dma_wait3A_328, %dma_wait3A_334] : memref<40x128xi32, #tpu.memory_space<vmem>> -> memref<1x128xi32, #tpu.memory_space<vmem>>
      %dma_wait3A_336 = tpu.memref_squeeze %dma_wait3A_335 : memref<1x128xi32, #tpu.memory_space<vmem>> -> memref<128xi32, #tpu.memory_space<vmem>>
      %dma_wait3A_337 = arith.constant 0 : i32
      %dma_wait3A_338 = arith.constant 0 : i32
      %dma_wait3A_339 = tpu.memref_slice %arg2[%dma_wait3A_337, %dma_wait3A_338] : memref<10240x128xf32, #tpu.memory_space<hbm>> -> memref<10240x128xf32, #tpu.memory_space<hbm>>
      tpu.wait_indirect_dma semaphore(%arg10 : memref<!tpu.dma_semaphore, #tpu.memory_space<semaphore_mem>>) src(%dma_wait3A_339 : memref<10240x128xf32, #tpu.memory_space<hbm>>) dst(%dma_wait3A_333 : memref<128x128xf32, #tpu.memory_space<vmem>>)
      %run_scoped3A_340 = arith.constant 0 : i32
      %run_scoped3A_341 = arith.constant 8 : i32
      "tpu.region"() ({
        %run_scoped3A_1136 = tpu.sem_alloc : memref<!tpu.dma_semaphore, #tpu.memory_space<semaphore_mem>>
        %dma_start3A_1137 = arith.constant 0 : i32
        %dma_start3A_1138 = arith.constant 0 : i32
        %dma_start3A_1139 = tpu.memref_slice %arg8[%run_scoped3A_340, %dma_start3A_1137, %dma_start3A_1138] : memref<2x128x128xf32, #tpu.memory_space<vmem>> -> memref<1x128x128xf32, #tpu.memory_space<vmem>>
        %dma_start3A_1140 = tpu.memref_squeeze %dma_start3A_1139 : memref<1x128x128xf32, #tpu.memory_space<vmem>> -> memref<128x128xf32, #tpu.memory_space<vmem>>
        %dma_start3A_1141 = arith.constant 0 : i32
        %dma_start3A_1142 = tpu.memref_slice %arg7[%run_scoped3A_341, %dma_start3A_1141] : memref<40x128xi32, #tpu.memory_space<vmem>> -> memref<1x128xi32, #tpu.memory_space<vmem>>
        %dma_start3A_1143 = tpu.memref_squeeze %dma_start3A_1142 : memref<1x128xi32, #tpu.memory_space<vmem>> -> memref<128xi32, #tpu.memory_space<vmem>>
        %dma_start3A_1144 = arith.constant 0 : i32
        %dma_start3A_1145 = arith.constant 0 : i32
        %dma_start3A_1146 = tpu.memref_slice %arg9[%dma_start3A_1144, %dma_start3A_1145] : memref<10240x128xf32, #tpu.memory_space<vmem_shared>> -> memref<10240x128xf32, #tpu.memory_space<vmem_shared>>
        tpu.enqueue_indirect_dma source(%dma_start3A_1140 : memref<128x128xf32, #tpu.memory_space<vmem>>) target(%dma_start3A_1146 : memref<10240x128xf32, #tpu.memory_space<vmem_shared>>) offsets(%dma_start3A_1143 : memref<128xi32, #tpu.memory_space<vmem>>) semaphore(%run_scoped3A_1136 : memref<!tpu.dma_semaphore, #tpu.memory_space<semaphore_mem>>) {add = true}
        %dma_wait3A_1147 = arith.constant 0 : i32
        %dma_wait3A_1148 = arith.constant 0 : i32
        %dma_wait3A_1149 = tpu.memref_slice %arg8[%run_scoped3A_340, %dma_wait3A_1147, %dma_wait3A_1148] : memref<2x128x128xf32, #tpu.memory_space<vmem>> -> memref<1x128x128xf32, #tpu.memory_space<vmem>>
        %dma_wait3A_1150 = tpu.memref_squeeze %dma_wait3A_1149 : memref<1x128x128xf32, #tpu.memory_space<vmem>> -> memref<128x128xf32, #tpu.memory_space<vmem>>
        %dma_wait3A_1151 = arith.constant 0 : i32
        %dma_wait3A_1152 = tpu.memref_slice %arg7[%run_scoped3A_341, %dma_wait3A_1151] : memref<40x128xi32, #tpu.memory_space<vmem>> -> memref<1x128xi32, #tpu.memory_space<vmem>>
        %dma_wait3A_1153 = tpu.memref_squeeze %dma_wait3A_1152 : memref<1x128xi32, #tpu.memory_space<vmem>> -> memref<128xi32, #tpu.memory_space<vmem>>
        %dma_wait3A_1154 = arith.constant 0 : i32
        %dma_wait3A_1155 = arith.constant 0 : i32
        %dma_wait3A_1156 = tpu.memref_slice %arg9[%dma_wait3A_1154, %dma_wait3A_1155] : memref<10240x128xf32, #tpu.memory_space<vmem_shared>> -> memref<10240x128xf32, #tpu.memory_space<vmem_shared>>
        tpu.wait_indirect_dma semaphore(%run_scoped3A_1136 : memref<!tpu.dma_semaphore, #tpu.memory_space<semaphore_mem>>) src(%dma_wait3A_1150 : memref<128x128xf32, #tpu.memory_space<vmem>>) dst(%dma_wait3A_1156 : memref<10240x128xf32, #tpu.memory_space<vmem_shared>>)
        tpu.yield
      }) : () -> ()
      %dma_start3A_342 = arith.constant 10 : i32
      %dma_start3A_343 = arith.constant 0 : i32
      %dma_start3A_344 = arith.constant 0 : i32
      %dma_start3A_345 = arith.constant 0 : i32
      %dma_start3A_346 = tpu.memref_slice %arg8[%dma_start3A_343, %dma_start3A_344, %dma_start3A_345] : memref<2x128x128xf32, #tpu.memory_space<vmem>> -> memref<1x128x128xf32, #tpu.memory_space<vmem>>
      %dma_start3A_347 = tpu.memref_squeeze %dma_start3A_346 : memref<1x128x128xf32, #tpu.memory_space<vmem>> -> memref<128x128xf32, #tpu.memory_space<vmem>>
      %dma_start3A_348 = arith.constant 0 : i32
      %dma_start3A_349 = tpu.memref_slice %arg6[%dma_start3A_342, %dma_start3A_348] : memref<40x128xi32, #tpu.memory_space<vmem>> -> memref<1x128xi32, #tpu.memory_space<vmem>>
      %dma_start3A_350 = tpu.memref_squeeze %dma_start3A_349 : memref<1x128xi32, #tpu.memory_space<vmem>> -> memref<128xi32, #tpu.memory_space<vmem>>
      %dma_start3A_351 = arith.constant 0 : i32
      %dma_start3A_352 = arith.constant 0 : i32
      %dma_start3A_353 = tpu.memref_slice %arg2[%dma_start3A_351, %dma_start3A_352] : memref<10240x128xf32, #tpu.memory_space<hbm>> -> memref<10240x128xf32, #tpu.memory_space<hbm>>
      tpu.enqueue_indirect_dma source(%dma_start3A_353 : memref<10240x128xf32, #tpu.memory_space<hbm>>) target(%dma_start3A_347 : memref<128x128xf32, #tpu.memory_space<vmem>>) offsets(%dma_start3A_350 : memref<128xi32, #tpu.memory_space<vmem>>) semaphore(%arg10 : memref<!tpu.dma_semaphore, #tpu.memory_space<semaphore_mem>>)
      %dma_wait3A_354 = arith.constant 9 : i32
      %dma_wait3A_355 = arith.constant 1 : i32
      %dma_wait3A_356 = arith.constant 0 : i32
      %dma_wait3A_357 = arith.constant 0 : i32
      %dma_wait3A_358 = tpu.memref_slice %arg8[%dma_wait3A_355, %dma_wait3A_356, %dma_wait3A_357] : memref<2x128x128xf32, #tpu.memory_space<vmem>> -> memref<1x128x128xf32, #tpu.memory_space<vmem>>
      %dma_wait3A_359 = tpu.memref_squeeze %dma_wait3A_358 : memref<1x128x128xf32, #tpu.memory_space<vmem>> -> memref<128x128xf32, #tpu.memory_space<vmem>>
      %dma_wait3A_360 = arith.constant 0 : i32
      %dma_wait3A_361 = tpu.memref_slice %arg6[%dma_wait3A_354, %dma_wait3A_360] : memref<40x128xi32, #tpu.memory_space<vmem>> -> memref<1x128xi32, #tpu.memory_space<vmem>>
      %dma_wait3A_362 = tpu.memref_squeeze %dma_wait3A_361 : memref<1x128xi32, #tpu.memory_space<vmem>> -> memref<128xi32, #tpu.memory_space<vmem>>
      %dma_wait3A_363 = arith.constant 0 : i32
      %dma_wait3A_364 = arith.constant 0 : i32
      %dma_wait3A_365 = tpu.memref_slice %arg2[%dma_wait3A_363, %dma_wait3A_364] : memref<10240x128xf32, #tpu.memory_space<hbm>> -> memref<10240x128xf32, #tpu.memory_space<hbm>>
      tpu.wait_indirect_dma semaphore(%arg11 : memref<!tpu.dma_semaphore, #tpu.memory_space<semaphore_mem>>) src(%dma_wait3A_365 : memref<10240x128xf32, #tpu.memory_space<hbm>>) dst(%dma_wait3A_359 : memref<128x128xf32, #tpu.memory_space<vmem>>)
      %run_scoped3A_366 = arith.constant 1 : i32
      %run_scoped3A_367 = arith.constant 9 : i32
      "tpu.region"() ({
        %run_scoped3A_1136 = tpu.sem_alloc : memref<!tpu.dma_semaphore, #tpu.memory_space<semaphore_mem>>
        %dma_start3A_1137 = arith.constant 0 : i32
        %dma_start3A_1138 = arith.constant 0 : i32
        %dma_start3A_1139 = tpu.memref_slice %arg8[%run_scoped3A_366, %dma_start3A_1137, %dma_start3A_1138] : memref<2x128x128xf32, #tpu.memory_space<vmem>> -> memref<1x128x128xf32, #tpu.memory_space<vmem>>
        %dma_start3A_1140 = tpu.memref_squeeze %dma_start3A_1139 : memref<1x128x128xf32, #tpu.memory_space<vmem>> -> memref<128x128xf32, #tpu.memory_space<vmem>>
        %dma_start3A_1141 = arith.constant 0 : i32
        %dma_start3A_1142 = tpu.memref_slice %arg7[%run_scoped3A_367, %dma_start3A_1141] : memref<40x128xi32, #tpu.memory_space<vmem>> -> memref<1x128xi32, #tpu.memory_space<vmem>>
        %dma_start3A_1143 = tpu.memref_squeeze %dma_start3A_1142 : memref<1x128xi32, #tpu.memory_space<vmem>> -> memref<128xi32, #tpu.memory_space<vmem>>
        %dma_start3A_1144 = arith.constant 0 : i32
        %dma_start3A_1145 = arith.constant 0 : i32
        %dma_start3A_1146 = tpu.memref_slice %arg9[%dma_start3A_1144, %dma_start3A_1145] : memref<10240x128xf32, #tpu.memory_space<vmem_shared>> -> memref<10240x128xf32, #tpu.memory_space<vmem_shared>>
        tpu.enqueue_indirect_dma source(%dma_start3A_1140 : memref<128x128xf32, #tpu.memory_space<vmem>>) target(%dma_start3A_1146 : memref<10240x128xf32, #tpu.memory_space<vmem_shared>>) offsets(%dma_start3A_1143 : memref<128xi32, #tpu.memory_space<vmem>>) semaphore(%run_scoped3A_1136 : memref<!tpu.dma_semaphore, #tpu.memory_space<semaphore_mem>>) {add = true}
        %dma_wait3A_1147 = arith.constant 0 : i32
        %dma_wait3A_1148 = arith.constant 0 : i32
        %dma_wait3A_1149 = tpu.memref_slice %arg8[%run_scoped3A_366, %dma_wait3A_1147, %dma_wait3A_1148] : memref<2x128x128xf32, #tpu.memory_space<vmem>> -> memref<1x128x128xf32, #tpu.memory_space<vmem>>
        %dma_wait3A_1150 = tpu.memref_squeeze %dma_wait3A_1149 : memref<1x128x128xf32, #tpu.memory_space<vmem>> -> memref<128x128xf32, #tpu.memory_space<vmem>>
        %dma_wait3A_1151 = arith.constant 0 : i32
        %dma_wait3A_1152 = tpu.memref_slice %arg7[%run_scoped3A_367, %dma_wait3A_1151] : memref<40x128xi32, #tpu.memory_space<vmem>> -> memref<1x128xi32, #tpu.memory_space<vmem>>
        %dma_wait3A_1153 = tpu.memref_squeeze %dma_wait3A_1152 : memref<1x128xi32, #tpu.memory_space<vmem>> -> memref<128xi32, #tpu.memory_space<vmem>>
        %dma_wait3A_1154 = arith.constant 0 : i32
        %dma_wait3A_1155 = arith.constant 0 : i32
        %dma_wait3A_1156 = tpu.memref_slice %arg9[%dma_wait3A_1154, %dma_wait3A_1155] : memref<10240x128xf32, #tpu.memory_space<vmem_shared>> -> memref<10240x128xf32, #tpu.memory_space<vmem_shared>>
        tpu.wait_indirect_dma semaphore(%run_scoped3A_1136 : memref<!tpu.dma_semaphore, #tpu.memory_space<semaphore_mem>>) src(%dma_wait3A_1150 : memref<128x128xf32, #tpu.memory_space<vmem>>) dst(%dma_wait3A_1156 : memref<10240x128xf32, #tpu.memory_space<vmem_shared>>)
        tpu.yield
      }) : () -> ()
      %dma_start3A_368 = arith.constant 11 : i32
      %dma_start3A_369 = arith.constant 1 : i32
      %dma_start3A_370 = arith.constant 0 : i32
      %dma_start3A_371 = arith.constant 0 : i32
      %dma_start3A_372 = tpu.memref_slice %arg8[%dma_start3A_369, %dma_start3A_370, %dma_start3A_371] : memref<2x128x128xf32, #tpu.memory_space<vmem>> -> memref<1x128x128xf32, #tpu.memory_space<vmem>>
      %dma_start3A_373 = tpu.memref_squeeze %dma_start3A_372 : memref<1x128x128xf32, #tpu.memory_space<vmem>> -> memref<128x128xf32, #tpu.memory_space<vmem>>
      %dma_start3A_374 = arith.constant 0 : i32
      %dma_start3A_375 = tpu.memref_slice %arg6[%dma_start3A_368, %dma_start3A_374] : memref<40x128xi32, #tpu.memory_space<vmem>> -> memref<1x128xi32, #tpu.memory_space<vmem>>
      %dma_start3A_376 = tpu.memref_squeeze %dma_start3A_375 : memref<1x128xi32, #tpu.memory_space<vmem>> -> memref<128xi32, #tpu.memory_space<vmem>>
      %dma_start3A_377 = arith.constant 0 : i32
      %dma_start3A_378 = arith.constant 0 : i32
      %dma_start3A_379 = tpu.memref_slice %arg2[%dma_start3A_377, %dma_start3A_378] : memref<10240x128xf32, #tpu.memory_space<hbm>> -> memref<10240x128xf32, #tpu.memory_space<hbm>>
      tpu.enqueue_indirect_dma source(%dma_start3A_379 : memref<10240x128xf32, #tpu.memory_space<hbm>>) target(%dma_start3A_373 : memref<128x128xf32, #tpu.memory_space<vmem>>) offsets(%dma_start3A_376 : memref<128xi32, #tpu.memory_space<vmem>>) semaphore(%arg11 : memref<!tpu.dma_semaphore, #tpu.memory_space<semaphore_mem>>)
      %dma_wait3A_380 = arith.constant 10 : i32
      %dma_wait3A_381 = arith.constant 0 : i32
      %dma_wait3A_382 = arith.constant 0 : i32
      %dma_wait3A_383 = arith.constant 0 : i32
      %dma_wait3A_384 = tpu.memref_slice %arg8[%dma_wait3A_381, %dma_wait3A_382, %dma_wait3A_383] : memref<2x128x128xf32, #tpu.memory_space<vmem>> -> memref<1x128x128xf32, #tpu.memory_space<vmem>>
      %dma_wait3A_385 = tpu.memref_squeeze %dma_wait3A_384 : memref<1x128x128xf32, #tpu.memory_space<vmem>> -> memref<128x128xf32, #tpu.memory_space<vmem>>
      %dma_wait3A_386 = arith.constant 0 : i32
      %dma_wait3A_387 = tpu.memref_slice %arg6[%dma_wait3A_380, %dma_wait3A_386] : memref<40x128xi32, #tpu.memory_space<vmem>> -> memref<1x128xi32, #tpu.memory_space<vmem>>
      %dma_wait3A_388 = tpu.memref_squeeze %dma_wait3A_387 : memref<1x128xi32, #tpu.memory_space<vmem>> -> memref<128xi32, #tpu.memory_space<vmem>>
      %dma_wait3A_389 = arith.constant 0 : i32
      %dma_wait3A_390 = arith.constant 0 : i32
      %dma_wait3A_391 = tpu.memref_slice %arg2[%dma_wait3A_389, %dma_wait3A_390] : memref<10240x128xf32, #tpu.memory_space<hbm>> -> memref<10240x128xf32, #tpu.memory_space<hbm>>
      tpu.wait_indirect_dma semaphore(%arg10 : memref<!tpu.dma_semaphore, #tpu.memory_space<semaphore_mem>>) src(%dma_wait3A_391 : memref<10240x128xf32, #tpu.memory_space<hbm>>) dst(%dma_wait3A_385 : memref<128x128xf32, #tpu.memory_space<vmem>>)
      %run_scoped3A_392 = arith.constant 0 : i32
      %run_scoped3A_393 = arith.constant 10 : i32
      "tpu.region"() ({
        %run_scoped3A_1136 = tpu.sem_alloc : memref<!tpu.dma_semaphore, #tpu.memory_space<semaphore_mem>>
        %dma_start3A_1137 = arith.constant 0 : i32
        %dma_start3A_1138 = arith.constant 0 : i32
        %dma_start3A_1139 = tpu.memref_slice %arg8[%run_scoped3A_392, %dma_start3A_1137, %dma_start3A_1138] : memref<2x128x128xf32, #tpu.memory_space<vmem>> -> memref<1x128x128xf32, #tpu.memory_space<vmem>>
        %dma_start3A_1140 = tpu.memref_squeeze %dma_start3A_1139 : memref<1x128x128xf32, #tpu.memory_space<vmem>> -> memref<128x128xf32, #tpu.memory_space<vmem>>
        %dma_start3A_1141 = arith.constant 0 : i32
        %dma_start3A_1142 = tpu.memref_slice %arg7[%run_scoped3A_393, %dma_start3A_1141] : memref<40x128xi32, #tpu.memory_space<vmem>> -> memref<1x128xi32, #tpu.memory_space<vmem>>
        %dma_start3A_1143 = tpu.memref_squeeze %dma_start3A_1142 : memref<1x128xi32, #tpu.memory_space<vmem>> -> memref<128xi32, #tpu.memory_space<vmem>>
        %dma_start3A_1144 = arith.constant 0 : i32
        %dma_start3A_1145 = arith.constant 0 : i32
        %dma_start3A_1146 = tpu.memref_slice %arg9[%dma_start3A_1144, %dma_start3A_1145] : memref<10240x128xf32, #tpu.memory_space<vmem_shared>> -> memref<10240x128xf32, #tpu.memory_space<vmem_shared>>
        tpu.enqueue_indirect_dma source(%dma_start3A_1140 : memref<128x128xf32, #tpu.memory_space<vmem>>) target(%dma_start3A_1146 : memref<10240x128xf32, #tpu.memory_space<vmem_shared>>) offsets(%dma_start3A_1143 : memref<128xi32, #tpu.memory_space<vmem>>) semaphore(%run_scoped3A_1136 : memref<!tpu.dma_semaphore, #tpu.memory_space<semaphore_mem>>) {add = true}
        %dma_wait3A_1147 = arith.constant 0 : i32
        %dma_wait3A_1148 = arith.constant 0 : i32
        %dma_wait3A_1149 = tpu.memref_slice %arg8[%run_scoped3A_392, %dma_wait3A_1147, %dma_wait3A_1148] : memref<2x128x128xf32, #tpu.memory_space<vmem>> -> memref<1x128x128xf32, #tpu.memory_space<vmem>>
        %dma_wait3A_1150 = tpu.memref_squeeze %dma_wait3A_1149 : memref<1x128x128xf32, #tpu.memory_space<vmem>> -> memref<128x128xf32, #tpu.memory_space<vmem>>
        %dma_wait3A_1151 = arith.constant 0 : i32
        %dma_wait3A_1152 = tpu.memref_slice %arg7[%run_scoped3A_393, %dma_wait3A_1151] : memref<40x128xi32, #tpu.memory_space<vmem>> -> memref<1x128xi32, #tpu.memory_space<vmem>>
        %dma_wait3A_1153 = tpu.memref_squeeze %dma_wait3A_1152 : memref<1x128xi32, #tpu.memory_space<vmem>> -> memref<128xi32, #tpu.memory_space<vmem>>
        %dma_wait3A_1154 = arith.constant 0 : i32
        %dma_wait3A_1155 = arith.constant 0 : i32
        %dma_wait3A_1156 = tpu.memref_slice %arg9[%dma_wait3A_1154, %dma_wait3A_1155] : memref<10240x128xf32, #tpu.memory_space<vmem_shared>> -> memref<10240x128xf32, #tpu.memory_space<vmem_shared>>
        tpu.wait_indirect_dma semaphore(%run_scoped3A_1136 : memref<!tpu.dma_semaphore, #tpu.memory_space<semaphore_mem>>) src(%dma_wait3A_1150 : memref<128x128xf32, #tpu.memory_space<vmem>>) dst(%dma_wait3A_1156 : memref<10240x128xf32, #tpu.memory_space<vmem_shared>>)
        tpu.yield
      }) : () -> ()
      %dma_start3A_394 = arith.constant 12 : i32
      %dma_start3A_395 = arith.constant 0 : i32
      %dma_start3A_396 = arith.constant 0 : i32
      %dma_start3A_397 = arith.constant 0 : i32
      %dma_start3A_398 = tpu.memref_slice %arg8[%dma_start3A_395, %dma_start3A_396, %dma_start3A_397] : memref<2x128x128xf32, #tpu.memory_space<vmem>> -> memref<1x128x128xf32, #tpu.memory_space<vmem>>
      %dma_start3A_399 = tpu.memref_squeeze %dma_start3A_398 : memref<1x128x128xf32, #tpu.memory_space<vmem>> -> memref<128x128xf32, #tpu.memory_space<vmem>>
      %dma_start3A_400 = arith.constant 0 : i32
      %dma_start3A_401 = tpu.memref_slice %arg6[%dma_start3A_394, %dma_start3A_400] : memref<40x128xi32, #tpu.memory_space<vmem>> -> memref<1x128xi32, #tpu.memory_space<vmem>>
      %dma_start3A_402 = tpu.memref_squeeze %dma_start3A_401 : memref<1x128xi32, #tpu.memory_space<vmem>> -> memref<128xi32, #tpu.memory_space<vmem>>
      %dma_start3A_403 = arith.constant 0 : i32
      %dma_start3A_404 = arith.constant 0 : i32
      %dma_start3A_405 = tpu.memref_slice %arg2[%dma_start3A_403, %dma_start3A_404] : memref<10240x128xf32, #tpu.memory_space<hbm>> -> memref<10240x128xf32, #tpu.memory_space<hbm>>
      tpu.enqueue_indirect_dma source(%dma_start3A_405 : memref<10240x128xf32, #tpu.memory_space<hbm>>) target(%dma_start3A_399 : memref<128x128xf32, #tpu.memory_space<vmem>>) offsets(%dma_start3A_402 : memref<128xi32, #tpu.memory_space<vmem>>) semaphore(%arg10 : memref<!tpu.dma_semaphore, #tpu.memory_space<semaphore_mem>>)
      %dma_wait3A_406 = arith.constant 11 : i32
      %dma_wait3A_407 = arith.constant 1 : i32
      %dma_wait3A_408 = arith.constant 0 : i32
      %dma_wait3A_409 = arith.constant 0 : i32
      %dma_wait3A_410 = tpu.memref_slice %arg8[%dma_wait3A_407, %dma_wait3A_408, %dma_wait3A_409] : memref<2x128x128xf32, #tpu.memory_space<vmem>> -> memref<1x128x128xf32, #tpu.memory_space<vmem>>
      %dma_wait3A_411 = tpu.memref_squeeze %dma_wait3A_410 : memref<1x128x128xf32, #tpu.memory_space<vmem>> -> memref<128x128xf32, #tpu.memory_space<vmem>>
      %dma_wait3A_412 = arith.constant 0 : i32
      %dma_wait3A_413 = tpu.memref_slice %arg6[%dma_wait3A_406, %dma_wait3A_412] : memref<40x128xi32, #tpu.memory_space<vmem>> -> memref<1x128xi32, #tpu.memory_space<vmem>>
      %dma_wait3A_414 = tpu.memref_squeeze %dma_wait3A_413 : memref<1x128xi32, #tpu.memory_space<vmem>> -> memref<128xi32, #tpu.memory_space<vmem>>
      %dma_wait3A_415 = arith.constant 0 : i32
      %dma_wait3A_416 = arith.constant 0 : i32
      %dma_wait3A_417 = tpu.memref_slice %arg2[%dma_wait3A_415, %dma_wait3A_416] : memref<10240x128xf32, #tpu.memory_space<hbm>> -> memref<10240x128xf32, #tpu.memory_space<hbm>>
      tpu.wait_indirect_dma semaphore(%arg11 : memref<!tpu.dma_semaphore, #tpu.memory_space<semaphore_mem>>) src(%dma_wait3A_417 : memref<10240x128xf32, #tpu.memory_space<hbm>>) dst(%dma_wait3A_411 : memref<128x128xf32, #tpu.memory_space<vmem>>)
      %run_scoped3A_418 = arith.constant 1 : i32
      %run_scoped3A_419 = arith.constant 11 : i32
      "tpu.region"() ({
        %run_scoped3A_1136 = tpu.sem_alloc : memref<!tpu.dma_semaphore, #tpu.memory_space<semaphore_mem>>
        %dma_start3A_1137 = arith.constant 0 : i32
        %dma_start3A_1138 = arith.constant 0 : i32
        %dma_start3A_1139 = tpu.memref_slice %arg8[%run_scoped3A_418, %dma_start3A_1137, %dma_start3A_1138] : memref<2x128x128xf32, #tpu.memory_space<vmem>> -> memref<1x128x128xf32, #tpu.memory_space<vmem>>
        %dma_start3A_1140 = tpu.memref_squeeze %dma_start3A_1139 : memref<1x128x128xf32, #tpu.memory_space<vmem>> -> memref<128x128xf32, #tpu.memory_space<vmem>>
        %dma_start3A_1141 = arith.constant 0 : i32
        %dma_start3A_1142 = tpu.memref_slice %arg7[%run_scoped3A_419, %dma_start3A_1141] : memref<40x128xi32, #tpu.memory_space<vmem>> -> memref<1x128xi32, #tpu.memory_space<vmem>>
        %dma_start3A_1143 = tpu.memref_squeeze %dma_start3A_1142 : memref<1x128xi32, #tpu.memory_space<vmem>> -> memref<128xi32, #tpu.memory_space<vmem>>
        %dma_start3A_1144 = arith.constant 0 : i32
        %dma_start3A_1145 = arith.constant 0 : i32
        %dma_start3A_1146 = tpu.memref_slice %arg9[%dma_start3A_1144, %dma_start3A_1145] : memref<10240x128xf32, #tpu.memory_space<vmem_shared>> -> memref<10240x128xf32, #tpu.memory_space<vmem_shared>>
        tpu.enqueue_indirect_dma source(%dma_start3A_1140 : memref<128x128xf32, #tpu.memory_space<vmem>>) target(%dma_start3A_1146 : memref<10240x128xf32, #tpu.memory_space<vmem_shared>>) offsets(%dma_start3A_1143 : memref<128xi32, #tpu.memory_space<vmem>>) semaphore(%run_scoped3A_1136 : memref<!tpu.dma_semaphore, #tpu.memory_space<semaphore_mem>>) {add = true}
        %dma_wait3A_1147 = arith.constant 0 : i32
        %dma_wait3A_1148 = arith.constant 0 : i32
        %dma_wait3A_1149 = tpu.memref_slice %arg8[%run_scoped3A_418, %dma_wait3A_1147, %dma_wait3A_1148] : memref<2x128x128xf32, #tpu.memory_space<vmem>> -> memref<1x128x128xf32, #tpu.memory_space<vmem>>
        %dma_wait3A_1150 = tpu.memref_squeeze %dma_wait3A_1149 : memref<1x128x128xf32, #tpu.memory_space<vmem>> -> memref<128x128xf32, #tpu.memory_space<vmem>>
        %dma_wait3A_1151 = arith.constant 0 : i32
        %dma_wait3A_1152 = tpu.memref_slice %arg7[%run_scoped3A_419, %dma_wait3A_1151] : memref<40x128xi32, #tpu.memory_space<vmem>> -> memref<1x128xi32, #tpu.memory_space<vmem>>
        %dma_wait3A_1153 = tpu.memref_squeeze %dma_wait3A_1152 : memref<1x128xi32, #tpu.memory_space<vmem>> -> memref<128xi32, #tpu.memory_space<vmem>>
        %dma_wait3A_1154 = arith.constant 0 : i32
        %dma_wait3A_1155 = arith.constant 0 : i32
        %dma_wait3A_1156 = tpu.memref_slice %arg9[%dma_wait3A_1154, %dma_wait3A_1155] : memref<10240x128xf32, #tpu.memory_space<vmem_shared>> -> memref<10240x128xf32, #tpu.memory_space<vmem_shared>>
        tpu.wait_indirect_dma semaphore(%run_scoped3A_1136 : memref<!tpu.dma_semaphore, #tpu.memory_space<semaphore_mem>>) src(%dma_wait3A_1150 : memref<128x128xf32, #tpu.memory_space<vmem>>) dst(%dma_wait3A_1156 : memref<10240x128xf32, #tpu.memory_space<vmem_shared>>)
        tpu.yield
      }) : () -> ()
      %dma_start3A_420 = arith.constant 13 : i32
      %dma_start3A_421 = arith.constant 1 : i32
      %dma_start3A_422 = arith.constant 0 : i32
      %dma_start3A_423 = arith.constant 0 : i32
      %dma_start3A_424 = tpu.memref_slice %arg8[%dma_start3A_421, %dma_start3A_422, %dma_start3A_423] : memref<2x128x128xf32, #tpu.memory_space<vmem>> -> memref<1x128x128xf32, #tpu.memory_space<vmem>>
      %dma_start3A_425 = tpu.memref_squeeze %dma_start3A_424 : memref<1x128x128xf32, #tpu.memory_space<vmem>> -> memref<128x128xf32, #tpu.memory_space<vmem>>
      %dma_start3A_426 = arith.constant 0 : i32
      %dma_start3A_427 = tpu.memref_slice %arg6[%dma_start3A_420, %dma_start3A_426] : memref<40x128xi32, #tpu.memory_space<vmem>> -> memref<1x128xi32, #tpu.memory_space<vmem>>
      %dma_start3A_428 = tpu.memref_squeeze %dma_start3A_427 : memref<1x128xi32, #tpu.memory_space<vmem>> -> memref<128xi32, #tpu.memory_space<vmem>>
      %dma_start3A_429 = arith.constant 0 : i32
      %dma_start3A_430 = arith.constant 0 : i32
      %dma_start3A_431 = tpu.memref_slice %arg2[%dma_start3A_429, %dma_start3A_430] : memref<10240x128xf32, #tpu.memory_space<hbm>> -> memref<10240x128xf32, #tpu.memory_space<hbm>>
      tpu.enqueue_indirect_dma source(%dma_start3A_431 : memref<10240x128xf32, #tpu.memory_space<hbm>>) target(%dma_start3A_425 : memref<128x128xf32, #tpu.memory_space<vmem>>) offsets(%dma_start3A_428 : memref<128xi32, #tpu.memory_space<vmem>>) semaphore(%arg11 : memref<!tpu.dma_semaphore, #tpu.memory_space<semaphore_mem>>)
      %dma_wait3A_432 = arith.constant 12 : i32
      %dma_wait3A_433 = arith.constant 0 : i32
      %dma_wait3A_434 = arith.constant 0 : i32
      %dma_wait3A_435 = arith.constant 0 : i32
      %dma_wait3A_436 = tpu.memref_slice %arg8[%dma_wait3A_433, %dma_wait3A_434, %dma_wait3A_435] : memref<2x128x128xf32, #tpu.memory_space<vmem>> -> memref<1x128x128xf32, #tpu.memory_space<vmem>>
      %dma_wait3A_437 = tpu.memref_squeeze %dma_wait3A_436 : memref<1x128x128xf32, #tpu.memory_space<vmem>> -> memref<128x128xf32, #tpu.memory_space<vmem>>
      %dma_wait3A_438 = arith.constant 0 : i32
      %dma_wait3A_439 = tpu.memref_slice %arg6[%dma_wait3A_432, %dma_wait3A_438] : memref<40x128xi32, #tpu.memory_space<vmem>> -> memref<1x128xi32, #tpu.memory_space<vmem>>
      %dma_wait3A_440 = tpu.memref_squeeze %dma_wait3A_439 : memref<1x128xi32, #tpu.memory_space<vmem>> -> memref<128xi32, #tpu.memory_space<vmem>>
      %dma_wait3A_441 = arith.constant 0 : i32
      %dma_wait3A_442 = arith.constant 0 : i32
      %dma_wait3A_443 = tpu.memref_slice %arg2[%dma_wait3A_441, %dma_wait3A_442] : memref<10240x128xf32, #tpu.memory_space<hbm>> -> memref<10240x128xf32, #tpu.memory_space<hbm>>
      tpu.wait_indirect_dma semaphore(%arg10 : memref<!tpu.dma_semaphore, #tpu.memory_space<semaphore_mem>>) src(%dma_wait3A_443 : memref<10240x128xf32, #tpu.memory_space<hbm>>) dst(%dma_wait3A_437 : memref<128x128xf32, #tpu.memory_space<vmem>>)
      %run_scoped3A_444 = arith.constant 0 : i32
      %run_scoped3A_445 = arith.constant 12 : i32
      "tpu.region"() ({
        %run_scoped3A_1136 = tpu.sem_alloc : memref<!tpu.dma_semaphore, #tpu.memory_space<semaphore_mem>>
        %dma_start3A_1137 = arith.constant 0 : i32
        %dma_start3A_1138 = arith.constant 0 : i32
        %dma_start3A_1139 = tpu.memref_slice %arg8[%run_scoped3A_444, %dma_start3A_1137, %dma_start3A_1138] : memref<2x128x128xf32, #tpu.memory_space<vmem>> -> memref<1x128x128xf32, #tpu.memory_space<vmem>>
        %dma_start3A_1140 = tpu.memref_squeeze %dma_start3A_1139 : memref<1x128x128xf32, #tpu.memory_space<vmem>> -> memref<128x128xf32, #tpu.memory_space<vmem>>
        %dma_start3A_1141 = arith.constant 0 : i32
        %dma_start3A_1142 = tpu.memref_slice %arg7[%run_scoped3A_445, %dma_start3A_1141] : memref<40x128xi32, #tpu.memory_space<vmem>> -> memref<1x128xi32, #tpu.memory_space<vmem>>
        %dma_start3A_1143 = tpu.memref_squeeze %dma_start3A_1142 : memref<1x128xi32, #tpu.memory_space<vmem>> -> memref<128xi32, #tpu.memory_space<vmem>>
        %dma_start3A_1144 = arith.constant 0 : i32
        %dma_start3A_1145 = arith.constant 0 : i32
        %dma_start3A_1146 = tpu.memref_slice %arg9[%dma_start3A_1144, %dma_start3A_1145] : memref<10240x128xf32, #tpu.memory_space<vmem_shared>> -> memref<10240x128xf32, #tpu.memory_space<vmem_shared>>
        tpu.enqueue_indirect_dma source(%dma_start3A_1140 : memref<128x128xf32, #tpu.memory_space<vmem>>) target(%dma_start3A_1146 : memref<10240x128xf32, #tpu.memory_space<vmem_shared>>) offsets(%dma_start3A_1143 : memref<128xi32, #tpu.memory_space<vmem>>) semaphore(%run_scoped3A_1136 : memref<!tpu.dma_semaphore, #tpu.memory_space<semaphore_mem>>) {add = true}
        %dma_wait3A_1147 = arith.constant 0 : i32
        %dma_wait3A_1148 = arith.constant 0 : i32
        %dma_wait3A_1149 = tpu.memref_slice %arg8[%run_scoped3A_444, %dma_wait3A_1147, %dma_wait3A_1148] : memref<2x128x128xf32, #tpu.memory_space<vmem>> -> memref<1x128x128xf32, #tpu.memory_space<vmem>>
        %dma_wait3A_1150 = tpu.memref_squeeze %dma_wait3A_1149 : memref<1x128x128xf32, #tpu.memory_space<vmem>> -> memref<128x128xf32, #tpu.memory_space<vmem>>
        %dma_wait3A_1151 = arith.constant 0 : i32
        %dma_wait3A_1152 = tpu.memref_slice %arg7[%run_scoped3A_445, %dma_wait3A_1151] : memref<40x128xi32, #tpu.memory_space<vmem>> -> memref<1x128xi32, #tpu.memory_space<vmem>>
        %dma_wait3A_1153 = tpu.memref_squeeze %dma_wait3A_1152 : memref<1x128xi32, #tpu.memory_space<vmem>> -> memref<128xi32, #tpu.memory_space<vmem>>
        %dma_wait3A_1154 = arith.constant 0 : i32
        %dma_wait3A_1155 = arith.constant 0 : i32
        %dma_wait3A_1156 = tpu.memref_slice %arg9[%dma_wait3A_1154, %dma_wait3A_1155] : memref<10240x128xf32, #tpu.memory_space<vmem_shared>> -> memref<10240x128xf32, #tpu.memory_space<vmem_shared>>
        tpu.wait_indirect_dma semaphore(%run_scoped3A_1136 : memref<!tpu.dma_semaphore, #tpu.memory_space<semaphore_mem>>) src(%dma_wait3A_1150 : memref<128x128xf32, #tpu.memory_space<vmem>>) dst(%dma_wait3A_1156 : memref<10240x128xf32, #tpu.memory_space<vmem_shared>>)
        tpu.yield
      }) : () -> ()
      %dma_start3A_446 = arith.constant 14 : i32
      %dma_start3A_447 = arith.constant 0 : i32
      %dma_start3A_448 = arith.constant 0 : i32
      %dma_start3A_449 = arith.constant 0 : i32
      %dma_start3A_450 = tpu.memref_slice %arg8[%dma_start3A_447, %dma_start3A_448, %dma_start3A_449] : memref<2x128x128xf32, #tpu.memory_space<vmem>> -> memref<1x128x128xf32, #tpu.memory_space<vmem>>
      %dma_start3A_451 = tpu.memref_squeeze %dma_start3A_450 : memref<1x128x128xf32, #tpu.memory_space<vmem>> -> memref<128x128xf32, #tpu.memory_space<vmem>>
      %dma_start3A_452 = arith.constant 0 : i32
      %dma_start3A_453 = tpu.memref_slice %arg6[%dma_start3A_446, %dma_start3A_452] : memref<40x128xi32, #tpu.memory_space<vmem>> -> memref<1x128xi32, #tpu.memory_space<vmem>>
      %dma_start3A_454 = tpu.memref_squeeze %dma_start3A_453 : memref<1x128xi32, #tpu.memory_space<vmem>> -> memref<128xi32, #tpu.memory_space<vmem>>
      %dma_start3A_455 = arith.constant 0 : i32
      %dma_start3A_456 = arith.constant 0 : i32
      %dma_start3A_457 = tpu.memref_slice %arg2[%dma_start3A_455, %dma_start3A_456] : memref<10240x128xf32, #tpu.memory_space<hbm>> -> memref<10240x128xf32, #tpu.memory_space<hbm>>
      tpu.enqueue_indirect_dma source(%dma_start3A_457 : memref<10240x128xf32, #tpu.memory_space<hbm>>) target(%dma_start3A_451 : memref<128x128xf32, #tpu.memory_space<vmem>>) offsets(%dma_start3A_454 : memref<128xi32, #tpu.memory_space<vmem>>) semaphore(%arg10 : memref<!tpu.dma_semaphore, #tpu.memory_space<semaphore_mem>>)
      %dma_wait3A_458 = arith.constant 13 : i32
      %dma_wait3A_459 = arith.constant 1 : i32
      %dma_wait3A_460 = arith.constant 0 : i32
      %dma_wait3A_461 = arith.constant 0 : i32
      %dma_wait3A_462 = tpu.memref_slice %arg8[%dma_wait3A_459, %dma_wait3A_460, %dma_wait3A_461] : memref<2x128x128xf32, #tpu.memory_space<vmem>> -> memref<1x128x128xf32, #tpu.memory_space<vmem>>
      %dma_wait3A_463 = tpu.memref_squeeze %dma_wait3A_462 : memref<1x128x128xf32, #tpu.memory_space<vmem>> -> memref<128x128xf32, #tpu.memory_space<vmem>>
      %dma_wait3A_464 = arith.constant 0 : i32
      %dma_wait3A_465 = tpu.memref_slice %arg6[%dma_wait3A_458, %dma_wait3A_464] : memref<40x128xi32, #tpu.memory_space<vmem>> -> memref<1x128xi32, #tpu.memory_space<vmem>>
      %dma_wait3A_466 = tpu.memref_squeeze %dma_wait3A_465 : memref<1x128xi32, #tpu.memory_space<vmem>> -> memref<128xi32, #tpu.memory_space<vmem>>
      %dma_wait3A_467 = arith.constant 0 : i32
      %dma_wait3A_468 = arith.constant 0 : i32
      %dma_wait3A_469 = tpu.memref_slice %arg2[%dma_wait3A_467, %dma_wait3A_468] : memref<10240x128xf32, #tpu.memory_space<hbm>> -> memref<10240x128xf32, #tpu.memory_space<hbm>>
      tpu.wait_indirect_dma semaphore(%arg11 : memref<!tpu.dma_semaphore, #tpu.memory_space<semaphore_mem>>) src(%dma_wait3A_469 : memref<10240x128xf32, #tpu.memory_space<hbm>>) dst(%dma_wait3A_463 : memref<128x128xf32, #tpu.memory_space<vmem>>)
      %run_scoped3A_470 = arith.constant 1 : i32
      %run_scoped3A_471 = arith.constant 13 : i32
      "tpu.region"() ({
        %run_scoped3A_1136 = tpu.sem_alloc : memref<!tpu.dma_semaphore, #tpu.memory_space<semaphore_mem>>
        %dma_start3A_1137 = arith.constant 0 : i32
        %dma_start3A_1138 = arith.constant 0 : i32
        %dma_start3A_1139 = tpu.memref_slice %arg8[%run_scoped3A_470, %dma_start3A_1137, %dma_start3A_1138] : memref<2x128x128xf32, #tpu.memory_space<vmem>> -> memref<1x128x128xf32, #tpu.memory_space<vmem>>
        %dma_start3A_1140 = tpu.memref_squeeze %dma_start3A_1139 : memref<1x128x128xf32, #tpu.memory_space<vmem>> -> memref<128x128xf32, #tpu.memory_space<vmem>>
        %dma_start3A_1141 = arith.constant 0 : i32
        %dma_start3A_1142 = tpu.memref_slice %arg7[%run_scoped3A_471, %dma_start3A_1141] : memref<40x128xi32, #tpu.memory_space<vmem>> -> memref<1x128xi32, #tpu.memory_space<vmem>>
        %dma_start3A_1143 = tpu.memref_squeeze %dma_start3A_1142 : memref<1x128xi32, #tpu.memory_space<vmem>> -> memref<128xi32, #tpu.memory_space<vmem>>
        %dma_start3A_1144 = arith.constant 0 : i32
        %dma_start3A_1145 = arith.constant 0 : i32
        %dma_start3A_1146 = tpu.memref_slice %arg9[%dma_start3A_1144, %dma_start3A_1145] : memref<10240x128xf32, #tpu.memory_space<vmem_shared>> -> memref<10240x128xf32, #tpu.memory_space<vmem_shared>>
        tpu.enqueue_indirect_dma source(%dma_start3A_1140 : memref<128x128xf32, #tpu.memory_space<vmem>>) target(%dma_start3A_1146 : memref<10240x128xf32, #tpu.memory_space<vmem_shared>>) offsets(%dma_start3A_1143 : memref<128xi32, #tpu.memory_space<vmem>>) semaphore(%run_scoped3A_1136 : memref<!tpu.dma_semaphore, #tpu.memory_space<semaphore_mem>>) {add = true}
        %dma_wait3A_1147 = arith.constant 0 : i32
        %dma_wait3A_1148 = arith.constant 0 : i32
        %dma_wait3A_1149 = tpu.memref_slice %arg8[%run_scoped3A_470, %dma_wait3A_1147, %dma_wait3A_1148] : memref<2x128x128xf32, #tpu.memory_space<vmem>> -> memref<1x128x128xf32, #tpu.memory_space<vmem>>
        %dma_wait3A_1150 = tpu.memref_squeeze %dma_wait3A_1149 : memref<1x128x128xf32, #tpu.memory_space<vmem>> -> memref<128x128xf32, #tpu.memory_space<vmem>>
        %dma_wait3A_1151 = arith.constant 0 : i32
        %dma_wait3A_1152 = tpu.memref_slice %arg7[%run_scoped3A_471, %dma_wait3A_1151] : memref<40x128xi32, #tpu.memory_space<vmem>> -> memref<1x128xi32, #tpu.memory_space<vmem>>
        %dma_wait3A_1153 = tpu.memref_squeeze %dma_wait3A_1152 : memref<1x128xi32, #tpu.memory_space<vmem>> -> memref<128xi32, #tpu.memory_space<vmem>>
        %dma_wait3A_1154 = arith.constant 0 : i32
        %dma_wait3A_1155 = arith.constant 0 : i32
        %dma_wait3A_1156 = tpu.memref_slice %arg9[%dma_wait3A_1154, %dma_wait3A_1155] : memref<10240x128xf32, #tpu.memory_space<vmem_shared>> -> memref<10240x128xf32, #tpu.memory_space<vmem_shared>>
        tpu.wait_indirect_dma semaphore(%run_scoped3A_1136 : memref<!tpu.dma_semaphore, #tpu.memory_space<semaphore_mem>>) src(%dma_wait3A_1150 : memref<128x128xf32, #tpu.memory_space<vmem>>) dst(%dma_wait3A_1156 : memref<10240x128xf32, #tpu.memory_space<vmem_shared>>)
        tpu.yield
      }) : () -> ()
      %dma_start3A_472 = arith.constant 15 : i32
      %dma_start3A_473 = arith.constant 1 : i32
      %dma_start3A_474 = arith.constant 0 : i32
      %dma_start3A_475 = arith.constant 0 : i32
      %dma_start3A_476 = tpu.memref_slice %arg8[%dma_start3A_473, %dma_start3A_474, %dma_start3A_475] : memref<2x128x128xf32, #tpu.memory_space<vmem>> -> memref<1x128x128xf32, #tpu.memory_space<vmem>>
      %dma_start3A_477 = tpu.memref_squeeze %dma_start3A_476 : memref<1x128x128xf32, #tpu.memory_space<vmem>> -> memref<128x128xf32, #tpu.memory_space<vmem>>
      %dma_start3A_478 = arith.constant 0 : i32
      %dma_start3A_479 = tpu.memref_slice %arg6[%dma_start3A_472, %dma_start3A_478] : memref<40x128xi32, #tpu.memory_space<vmem>> -> memref<1x128xi32, #tpu.memory_space<vmem>>
      %dma_start3A_480 = tpu.memref_squeeze %dma_start3A_479 : memref<1x128xi32, #tpu.memory_space<vmem>> -> memref<128xi32, #tpu.memory_space<vmem>>
      %dma_start3A_481 = arith.constant 0 : i32
      %dma_start3A_482 = arith.constant 0 : i32
      %dma_start3A_483 = tpu.memref_slice %arg2[%dma_start3A_481, %dma_start3A_482] : memref<10240x128xf32, #tpu.memory_space<hbm>> -> memref<10240x128xf32, #tpu.memory_space<hbm>>
      tpu.enqueue_indirect_dma source(%dma_start3A_483 : memref<10240x128xf32, #tpu.memory_space<hbm>>) target(%dma_start3A_477 : memref<128x128xf32, #tpu.memory_space<vmem>>) offsets(%dma_start3A_480 : memref<128xi32, #tpu.memory_space<vmem>>) semaphore(%arg11 : memref<!tpu.dma_semaphore, #tpu.memory_space<semaphore_mem>>)
      %dma_wait3A_484 = arith.constant 14 : i32
      %dma_wait3A_485 = arith.constant 0 : i32
      %dma_wait3A_486 = arith.constant 0 : i32
      %dma_wait3A_487 = arith.constant 0 : i32
      %dma_wait3A_488 = tpu.memref_slice %arg8[%dma_wait3A_485, %dma_wait3A_486, %dma_wait3A_487] : memref<2x128x128xf32, #tpu.memory_space<vmem>> -> memref<1x128x128xf32, #tpu.memory_space<vmem>>
      %dma_wait3A_489 = tpu.memref_squeeze %dma_wait3A_488 : memref<1x128x128xf32, #tpu.memory_space<vmem>> -> memref<128x128xf32, #tpu.memory_space<vmem>>
      %dma_wait3A_490 = arith.constant 0 : i32
      %dma_wait3A_491 = tpu.memref_slice %arg6[%dma_wait3A_484, %dma_wait3A_490] : memref<40x128xi32, #tpu.memory_space<vmem>> -> memref<1x128xi32, #tpu.memory_space<vmem>>
      %dma_wait3A_492 = tpu.memref_squeeze %dma_wait3A_491 : memref<1x128xi32, #tpu.memory_space<vmem>> -> memref<128xi32, #tpu.memory_space<vmem>>
      %dma_wait3A_493 = arith.constant 0 : i32
      %dma_wait3A_494 = arith.constant 0 : i32
      %dma_wait3A_495 = tpu.memref_slice %arg2[%dma_wait3A_493, %dma_wait3A_494] : memref<10240x128xf32, #tpu.memory_space<hbm>> -> memref<10240x128xf32, #tpu.memory_space<hbm>>
      tpu.wait_indirect_dma semaphore(%arg10 : memref<!tpu.dma_semaphore, #tpu.memory_space<semaphore_mem>>) src(%dma_wait3A_495 : memref<10240x128xf32, #tpu.memory_space<hbm>>) dst(%dma_wait3A_489 : memref<128x128xf32, #tpu.memory_space<vmem>>)
      %run_scoped3A_496 = arith.constant 0 : i32
      %run_scoped3A_497 = arith.constant 14 : i32
      "tpu.region"() ({
        %run_scoped3A_1136 = tpu.sem_alloc : memref<!tpu.dma_semaphore, #tpu.memory_space<semaphore_mem>>
        %dma_start3A_1137 = arith.constant 0 : i32
        %dma_start3A_1138 = arith.constant 0 : i32
        %dma_start3A_1139 = tpu.memref_slice %arg8[%run_scoped3A_496, %dma_start3A_1137, %dma_start3A_1138] : memref<2x128x128xf32, #tpu.memory_space<vmem>> -> memref<1x128x128xf32, #tpu.memory_space<vmem>>
        %dma_start3A_1140 = tpu.memref_squeeze %dma_start3A_1139 : memref<1x128x128xf32, #tpu.memory_space<vmem>> -> memref<128x128xf32, #tpu.memory_space<vmem>>
        %dma_start3A_1141 = arith.constant 0 : i32
        %dma_start3A_1142 = tpu.memref_slice %arg7[%run_scoped3A_497, %dma_start3A_1141] : memref<40x128xi32, #tpu.memory_space<vmem>> -> memref<1x128xi32, #tpu.memory_space<vmem>>
        %dma_start3A_1143 = tpu.memref_squeeze %dma_start3A_1142 : memref<1x128xi32, #tpu.memory_space<vmem>> -> memref<128xi32, #tpu.memory_space<vmem>>
        %dma_start3A_1144 = arith.constant 0 : i32
        %dma_start3A_1145 = arith.constant 0 : i32
        %dma_start3A_1146 = tpu.memref_slice %arg9[%dma_start3A_1144, %dma_start3A_1145] : memref<10240x128xf32, #tpu.memory_space<vmem_shared>> -> memref<10240x128xf32, #tpu.memory_space<vmem_shared>>
        tpu.enqueue_indirect_dma source(%dma_start3A_1140 : memref<128x128xf32, #tpu.memory_space<vmem>>) target(%dma_start3A_1146 : memref<10240x128xf32, #tpu.memory_space<vmem_shared>>) offsets(%dma_start3A_1143 : memref<128xi32, #tpu.memory_space<vmem>>) semaphore(%run_scoped3A_1136 : memref<!tpu.dma_semaphore, #tpu.memory_space<semaphore_mem>>) {add = true}
        %dma_wait3A_1147 = arith.constant 0 : i32
        %dma_wait3A_1148 = arith.constant 0 : i32
        %dma_wait3A_1149 = tpu.memref_slice %arg8[%run_scoped3A_496, %dma_wait3A_1147, %dma_wait3A_1148] : memref<2x128x128xf32, #tpu.memory_space<vmem>> -> memref<1x128x128xf32, #tpu.memory_space<vmem>>
        %dma_wait3A_1150 = tpu.memref_squeeze %dma_wait3A_1149 : memref<1x128x128xf32, #tpu.memory_space<vmem>> -> memref<128x128xf32, #tpu.memory_space<vmem>>
        %dma_wait3A_1151 = arith.constant 0 : i32
        %dma_wait3A_1152 = tpu.memref_slice %arg7[%run_scoped3A_497, %dma_wait3A_1151] : memref<40x128xi32, #tpu.memory_space<vmem>> -> memref<1x128xi32, #tpu.memory_space<vmem>>
        %dma_wait3A_1153 = tpu.memref_squeeze %dma_wait3A_1152 : memref<1x128xi32, #tpu.memory_space<vmem>> -> memref<128xi32, #tpu.memory_space<vmem>>
        %dma_wait3A_1154 = arith.constant 0 : i32
        %dma_wait3A_1155 = arith.constant 0 : i32
        %dma_wait3A_1156 = tpu.memref_slice %arg9[%dma_wait3A_1154, %dma_wait3A_1155] : memref<10240x128xf32, #tpu.memory_space<vmem_shared>> -> memref<10240x128xf32, #tpu.memory_space<vmem_shared>>
        tpu.wait_indirect_dma semaphore(%run_scoped3A_1136 : memref<!tpu.dma_semaphore, #tpu.memory_space<semaphore_mem>>) src(%dma_wait3A_1150 : memref<128x128xf32, #tpu.memory_space<vmem>>) dst(%dma_wait3A_1156 : memref<10240x128xf32, #tpu.memory_space<vmem_shared>>)
        tpu.yield
      }) : () -> ()
      %dma_start3A_498 = arith.constant 16 : i32
      %dma_start3A_499 = arith.constant 0 : i32
      %dma_start3A_500 = arith.constant 0 : i32
      %dma_start3A_501 = arith.constant 0 : i32
      %dma_start3A_502 = tpu.memref_slice %arg8[%dma_start3A_499, %dma_start3A_500, %dma_start3A_501] : memref<2x128x128xf32, #tpu.memory_space<vmem>> -> memref<1x128x128xf32, #tpu.memory_space<vmem>>
      %dma_start3A_503 = tpu.memref_squeeze %dma_start3A_502 : memref<1x128x128xf32, #tpu.memory_space<vmem>> -> memref<128x128xf32, #tpu.memory_space<vmem>>
      %dma_start3A_504 = arith.constant 0 : i32
      %dma_start3A_505 = tpu.memref_slice %arg6[%dma_start3A_498, %dma_start3A_504] : memref<40x128xi32, #tpu.memory_space<vmem>> -> memref<1x128xi32, #tpu.memory_space<vmem>>
      %dma_start3A_506 = tpu.memref_squeeze %dma_start3A_505 : memref<1x128xi32, #tpu.memory_space<vmem>> -> memref<128xi32, #tpu.memory_space<vmem>>
      %dma_start3A_507 = arith.constant 0 : i32
      %dma_start3A_508 = arith.constant 0 : i32
      %dma_start3A_509 = tpu.memref_slice %arg2[%dma_start3A_507, %dma_start3A_508] : memref<10240x128xf32, #tpu.memory_space<hbm>> -> memref<10240x128xf32, #tpu.memory_space<hbm>>
      tpu.enqueue_indirect_dma source(%dma_start3A_509 : memref<10240x128xf32, #tpu.memory_space<hbm>>) target(%dma_start3A_503 : memref<128x128xf32, #tpu.memory_space<vmem>>) offsets(%dma_start3A_506 : memref<128xi32, #tpu.memory_space<vmem>>) semaphore(%arg10 : memref<!tpu.dma_semaphore, #tpu.memory_space<semaphore_mem>>)
      %dma_wait3A_510 = arith.constant 15 : i32
      %dma_wait3A_511 = arith.constant 1 : i32
      %dma_wait3A_512 = arith.constant 0 : i32
      %dma_wait3A_513 = arith.constant 0 : i32
      %dma_wait3A_514 = tpu.memref_slice %arg8[%dma_wait3A_511, %dma_wait3A_512, %dma_wait3A_513] : memref<2x128x128xf32, #tpu.memory_space<vmem>> -> memref<1x128x128xf32, #tpu.memory_space<vmem>>
      %dma_wait3A_515 = tpu.memref_squeeze %dma_wait3A_514 : memref<1x128x128xf32, #tpu.memory_space<vmem>> -> memref<128x128xf32, #tpu.memory_space<vmem>>
      %dma_wait3A_516 = arith.constant 0 : i32
      %dma_wait3A_517 = tpu.memref_slice %arg6[%dma_wait3A_510, %dma_wait3A_516] : memref<40x128xi32, #tpu.memory_space<vmem>> -> memref<1x128xi32, #tpu.memory_space<vmem>>
      %dma_wait3A_518 = tpu.memref_squeeze %dma_wait3A_517 : memref<1x128xi32, #tpu.memory_space<vmem>> -> memref<128xi32, #tpu.memory_space<vmem>>
      %dma_wait3A_519 = arith.constant 0 : i32
      %dma_wait3A_520 = arith.constant 0 : i32
      %dma_wait3A_521 = tpu.memref_slice %arg2[%dma_wait3A_519, %dma_wait3A_520] : memref<10240x128xf32, #tpu.memory_space<hbm>> -> memref<10240x128xf32, #tpu.memory_space<hbm>>
      tpu.wait_indirect_dma semaphore(%arg11 : memref<!tpu.dma_semaphore, #tpu.memory_space<semaphore_mem>>) src(%dma_wait3A_521 : memref<10240x128xf32, #tpu.memory_space<hbm>>) dst(%dma_wait3A_515 : memref<128x128xf32, #tpu.memory_space<vmem>>)
      %run_scoped3A_522 = arith.constant 1 : i32
      %run_scoped3A_523 = arith.constant 15 : i32
      "tpu.region"() ({
        %run_scoped3A_1136 = tpu.sem_alloc : memref<!tpu.dma_semaphore, #tpu.memory_space<semaphore_mem>>
        %dma_start3A_1137 = arith.constant 0 : i32
        %dma_start3A_1138 = arith.constant 0 : i32
        %dma_start3A_1139 = tpu.memref_slice %arg8[%run_scoped3A_522, %dma_start3A_1137, %dma_start3A_1138] : memref<2x128x128xf32, #tpu.memory_space<vmem>> -> memref<1x128x128xf32, #tpu.memory_space<vmem>>
        %dma_start3A_1140 = tpu.memref_squeeze %dma_start3A_1139 : memref<1x128x128xf32, #tpu.memory_space<vmem>> -> memref<128x128xf32, #tpu.memory_space<vmem>>
        %dma_start3A_1141 = arith.constant 0 : i32
        %dma_start3A_1142 = tpu.memref_slice %arg7[%run_scoped3A_523, %dma_start3A_1141] : memref<40x128xi32, #tpu.memory_space<vmem>> -> memref<1x128xi32, #tpu.memory_space<vmem>>
        %dma_start3A_1143 = tpu.memref_squeeze %dma_start3A_1142 : memref<1x128xi32, #tpu.memory_space<vmem>> -> memref<128xi32, #tpu.memory_space<vmem>>
        %dma_start3A_1144 = arith.constant 0 : i32
        %dma_start3A_1145 = arith.constant 0 : i32
        %dma_start3A_1146 = tpu.memref_slice %arg9[%dma_start3A_1144, %dma_start3A_1145] : memref<10240x128xf32, #tpu.memory_space<vmem_shared>> -> memref<10240x128xf32, #tpu.memory_space<vmem_shared>>
        tpu.enqueue_indirect_dma source(%dma_start3A_1140 : memref<128x128xf32, #tpu.memory_space<vmem>>) target(%dma_start3A_1146 : memref<10240x128xf32, #tpu.memory_space<vmem_shared>>) offsets(%dma_start3A_1143 : memref<128xi32, #tpu.memory_space<vmem>>) semaphore(%run_scoped3A_1136 : memref<!tpu.dma_semaphore, #tpu.memory_space<semaphore_mem>>) {add = true}
        %dma_wait3A_1147 = arith.constant 0 : i32
        %dma_wait3A_1148 = arith.constant 0 : i32
        %dma_wait3A_1149 = tpu.memref_slice %arg8[%run_scoped3A_522, %dma_wait3A_1147, %dma_wait3A_1148] : memref<2x128x128xf32, #tpu.memory_space<vmem>> -> memref<1x128x128xf32, #tpu.memory_space<vmem>>
        %dma_wait3A_1150 = tpu.memref_squeeze %dma_wait3A_1149 : memref<1x128x128xf32, #tpu.memory_space<vmem>> -> memref<128x128xf32, #tpu.memory_space<vmem>>
        %dma_wait3A_1151 = arith.constant 0 : i32
        %dma_wait3A_1152 = tpu.memref_slice %arg7[%run_scoped3A_523, %dma_wait3A_1151] : memref<40x128xi32, #tpu.memory_space<vmem>> -> memref<1x128xi32, #tpu.memory_space<vmem>>
        %dma_wait3A_1153 = tpu.memref_squeeze %dma_wait3A_1152 : memref<1x128xi32, #tpu.memory_space<vmem>> -> memref<128xi32, #tpu.memory_space<vmem>>
        %dma_wait3A_1154 = arith.constant 0 : i32
        %dma_wait3A_1155 = arith.constant 0 : i32
        %dma_wait3A_1156 = tpu.memref_slice %arg9[%dma_wait3A_1154, %dma_wait3A_1155] : memref<10240x128xf32, #tpu.memory_space<vmem_shared>> -> memref<10240x128xf32, #tpu.memory_space<vmem_shared>>
        tpu.wait_indirect_dma semaphore(%run_scoped3A_1136 : memref<!tpu.dma_semaphore, #tpu.memory_space<semaphore_mem>>) src(%dma_wait3A_1150 : memref<128x128xf32, #tpu.memory_space<vmem>>) dst(%dma_wait3A_1156 : memref<10240x128xf32, #tpu.memory_space<vmem_shared>>)
        tpu.yield
      }) : () -> ()
      %dma_start3A_524 = arith.constant 17 : i32
      %dma_start3A_525 = arith.constant 1 : i32
      %dma_start3A_526 = arith.constant 0 : i32
      %dma_start3A_527 = arith.constant 0 : i32
      %dma_start3A_528 = tpu.memref_slice %arg8[%dma_start3A_525, %dma_start3A_526, %dma_start3A_527] : memref<2x128x128xf32, #tpu.memory_space<vmem>> -> memref<1x128x128xf32, #tpu.memory_space<vmem>>
      %dma_start3A_529 = tpu.memref_squeeze %dma_start3A_528 : memref<1x128x128xf32, #tpu.memory_space<vmem>> -> memref<128x128xf32, #tpu.memory_space<vmem>>
      %dma_start3A_530 = arith.constant 0 : i32
      %dma_start3A_531 = tpu.memref_slice %arg6[%dma_start3A_524, %dma_start3A_530] : memref<40x128xi32, #tpu.memory_space<vmem>> -> memref<1x128xi32, #tpu.memory_space<vmem>>
      %dma_start3A_532 = tpu.memref_squeeze %dma_start3A_531 : memref<1x128xi32, #tpu.memory_space<vmem>> -> memref<128xi32, #tpu.memory_space<vmem>>
      %dma_start3A_533 = arith.constant 0 : i32
      %dma_start3A_534 = arith.constant 0 : i32
      %dma_start3A_535 = tpu.memref_slice %arg2[%dma_start3A_533, %dma_start3A_534] : memref<10240x128xf32, #tpu.memory_space<hbm>> -> memref<10240x128xf32, #tpu.memory_space<hbm>>
      tpu.enqueue_indirect_dma source(%dma_start3A_535 : memref<10240x128xf32, #tpu.memory_space<hbm>>) target(%dma_start3A_529 : memref<128x128xf32, #tpu.memory_space<vmem>>) offsets(%dma_start3A_532 : memref<128xi32, #tpu.memory_space<vmem>>) semaphore(%arg11 : memref<!tpu.dma_semaphore, #tpu.memory_space<semaphore_mem>>)
      %dma_wait3A_536 = arith.constant 16 : i32
      %dma_wait3A_537 = arith.constant 0 : i32
      %dma_wait3A_538 = arith.constant 0 : i32
      %dma_wait3A_539 = arith.constant 0 : i32
      %dma_wait3A_540 = tpu.memref_slice %arg8[%dma_wait3A_537, %dma_wait3A_538, %dma_wait3A_539] : memref<2x128x128xf32, #tpu.memory_space<vmem>> -> memref<1x128x128xf32, #tpu.memory_space<vmem>>
      %dma_wait3A_541 = tpu.memref_squeeze %dma_wait3A_540 : memref<1x128x128xf32, #tpu.memory_space<vmem>> -> memref<128x128xf32, #tpu.memory_space<vmem>>
      %dma_wait3A_542 = arith.constant 0 : i32
      %dma_wait3A_543 = tpu.memref_slice %arg6[%dma_wait3A_536, %dma_wait3A_542] : memref<40x128xi32, #tpu.memory_space<vmem>> -> memref<1x128xi32, #tpu.memory_space<vmem>>
      %dma_wait3A_544 = tpu.memref_squeeze %dma_wait3A_543 : memref<1x128xi32, #tpu.memory_space<vmem>> -> memref<128xi32, #tpu.memory_space<vmem>>
      %dma_wait3A_545 = arith.constant 0 : i32
      %dma_wait3A_546 = arith.constant 0 : i32
      %dma_wait3A_547 = tpu.memref_slice %arg2[%dma_wait3A_545, %dma_wait3A_546] : memref<10240x128xf32, #tpu.memory_space<hbm>> -> memref<10240x128xf32, #tpu.memory_space<hbm>>
      tpu.wait_indirect_dma semaphore(%arg10 : memref<!tpu.dma_semaphore, #tpu.memory_space<semaphore_mem>>) src(%dma_wait3A_547 : memref<10240x128xf32, #tpu.memory_space<hbm>>) dst(%dma_wait3A_541 : memref<128x128xf32, #tpu.memory_space<vmem>>)
      %run_scoped3A_548 = arith.constant 0 : i32
      %run_scoped3A_549 = arith.constant 16 : i32
      "tpu.region"() ({
        %run_scoped3A_1136 = tpu.sem_alloc : memref<!tpu.dma_semaphore, #tpu.memory_space<semaphore_mem>>
        %dma_start3A_1137 = arith.constant 0 : i32
        %dma_start3A_1138 = arith.constant 0 : i32
        %dma_start3A_1139 = tpu.memref_slice %arg8[%run_scoped3A_548, %dma_start3A_1137, %dma_start3A_1138] : memref<2x128x128xf32, #tpu.memory_space<vmem>> -> memref<1x128x128xf32, #tpu.memory_space<vmem>>
        %dma_start3A_1140 = tpu.memref_squeeze %dma_start3A_1139 : memref<1x128x128xf32, #tpu.memory_space<vmem>> -> memref<128x128xf32, #tpu.memory_space<vmem>>
        %dma_start3A_1141 = arith.constant 0 : i32
        %dma_start3A_1142 = tpu.memref_slice %arg7[%run_scoped3A_549, %dma_start3A_1141] : memref<40x128xi32, #tpu.memory_space<vmem>> -> memref<1x128xi32, #tpu.memory_space<vmem>>
        %dma_start3A_1143 = tpu.memref_squeeze %dma_start3A_1142 : memref<1x128xi32, #tpu.memory_space<vmem>> -> memref<128xi32, #tpu.memory_space<vmem>>
        %dma_start3A_1144 = arith.constant 0 : i32
        %dma_start3A_1145 = arith.constant 0 : i32
        %dma_start3A_1146 = tpu.memref_slice %arg9[%dma_start3A_1144, %dma_start3A_1145] : memref<10240x128xf32, #tpu.memory_space<vmem_shared>> -> memref<10240x128xf32, #tpu.memory_space<vmem_shared>>
        tpu.enqueue_indirect_dma source(%dma_start3A_1140 : memref<128x128xf32, #tpu.memory_space<vmem>>) target(%dma_start3A_1146 : memref<10240x128xf32, #tpu.memory_space<vmem_shared>>) offsets(%dma_start3A_1143 : memref<128xi32, #tpu.memory_space<vmem>>) semaphore(%run_scoped3A_1136 : memref<!tpu.dma_semaphore, #tpu.memory_space<semaphore_mem>>) {add = true}
        %dma_wait3A_1147 = arith.constant 0 : i32
        %dma_wait3A_1148 = arith.constant 0 : i32
        %dma_wait3A_1149 = tpu.memref_slice %arg8[%run_scoped3A_548, %dma_wait3A_1147, %dma_wait3A_1148] : memref<2x128x128xf32, #tpu.memory_space<vmem>> -> memref<1x128x128xf32, #tpu.memory_space<vmem>>
        %dma_wait3A_1150 = tpu.memref_squeeze %dma_wait3A_1149 : memref<1x128x128xf32, #tpu.memory_space<vmem>> -> memref<128x128xf32, #tpu.memory_space<vmem>>
        %dma_wait3A_1151 = arith.constant 0 : i32
        %dma_wait3A_1152 = tpu.memref_slice %arg7[%run_scoped3A_549, %dma_wait3A_1151] : memref<40x128xi32, #tpu.memory_space<vmem>> -> memref<1x128xi32, #tpu.memory_space<vmem>>
        %dma_wait3A_1153 = tpu.memref_squeeze %dma_wait3A_1152 : memref<1x128xi32, #tpu.memory_space<vmem>> -> memref<128xi32, #tpu.memory_space<vmem>>
        %dma_wait3A_1154 = arith.constant 0 : i32
        %dma_wait3A_1155 = arith.constant 0 : i32
        %dma_wait3A_1156 = tpu.memref_slice %arg9[%dma_wait3A_1154, %dma_wait3A_1155] : memref<10240x128xf32, #tpu.memory_space<vmem_shared>> -> memref<10240x128xf32, #tpu.memory_space<vmem_shared>>
        tpu.wait_indirect_dma semaphore(%run_scoped3A_1136 : memref<!tpu.dma_semaphore, #tpu.memory_space<semaphore_mem>>) src(%dma_wait3A_1150 : memref<128x128xf32, #tpu.memory_space<vmem>>) dst(%dma_wait3A_1156 : memref<10240x128xf32, #tpu.memory_space<vmem_shared>>)
        tpu.yield
      }) : () -> ()
      %dma_start3A_550 = arith.constant 18 : i32
      %dma_start3A_551 = arith.constant 0 : i32
      %dma_start3A_552 = arith.constant 0 : i32
      %dma_start3A_553 = arith.constant 0 : i32
      %dma_start3A_554 = tpu.memref_slice %arg8[%dma_start3A_551, %dma_start3A_552, %dma_start3A_553] : memref<2x128x128xf32, #tpu.memory_space<vmem>> -> memref<1x128x128xf32, #tpu.memory_space<vmem>>
      %dma_start3A_555 = tpu.memref_squeeze %dma_start3A_554 : memref<1x128x128xf32, #tpu.memory_space<vmem>> -> memref<128x128xf32, #tpu.memory_space<vmem>>
      %dma_start3A_556 = arith.constant 0 : i32
      %dma_start3A_557 = tpu.memref_slice %arg6[%dma_start3A_550, %dma_start3A_556] : memref<40x128xi32, #tpu.memory_space<vmem>> -> memref<1x128xi32, #tpu.memory_space<vmem>>
      %dma_start3A_558 = tpu.memref_squeeze %dma_start3A_557 : memref<1x128xi32, #tpu.memory_space<vmem>> -> memref<128xi32, #tpu.memory_space<vmem>>
      %dma_start3A_559 = arith.constant 0 : i32
      %dma_start3A_560 = arith.constant 0 : i32
      %dma_start3A_561 = tpu.memref_slice %arg2[%dma_start3A_559, %dma_start3A_560] : memref<10240x128xf32, #tpu.memory_space<hbm>> -> memref<10240x128xf32, #tpu.memory_space<hbm>>
      tpu.enqueue_indirect_dma source(%dma_start3A_561 : memref<10240x128xf32, #tpu.memory_space<hbm>>) target(%dma_start3A_555 : memref<128x128xf32, #tpu.memory_space<vmem>>) offsets(%dma_start3A_558 : memref<128xi32, #tpu.memory_space<vmem>>) semaphore(%arg10 : memref<!tpu.dma_semaphore, #tpu.memory_space<semaphore_mem>>)
      %dma_wait3A_562 = arith.constant 17 : i32
      %dma_wait3A_563 = arith.constant 1 : i32
      %dma_wait3A_564 = arith.constant 0 : i32
      %dma_wait3A_565 = arith.constant 0 : i32
      %dma_wait3A_566 = tpu.memref_slice %arg8[%dma_wait3A_563, %dma_wait3A_564, %dma_wait3A_565] : memref<2x128x128xf32, #tpu.memory_space<vmem>> -> memref<1x128x128xf32, #tpu.memory_space<vmem>>
      %dma_wait3A_567 = tpu.memref_squeeze %dma_wait3A_566 : memref<1x128x128xf32, #tpu.memory_space<vmem>> -> memref<128x128xf32, #tpu.memory_space<vmem>>
      %dma_wait3A_568 = arith.constant 0 : i32
      %dma_wait3A_569 = tpu.memref_slice %arg6[%dma_wait3A_562, %dma_wait3A_568] : memref<40x128xi32, #tpu.memory_space<vmem>> -> memref<1x128xi32, #tpu.memory_space<vmem>>
      %dma_wait3A_570 = tpu.memref_squeeze %dma_wait3A_569 : memref<1x128xi32, #tpu.memory_space<vmem>> -> memref<128xi32, #tpu.memory_space<vmem>>
      %dma_wait3A_571 = arith.constant 0 : i32
      %dma_wait3A_572 = arith.constant 0 : i32
      %dma_wait3A_573 = tpu.memref_slice %arg2[%dma_wait3A_571, %dma_wait3A_572] : memref<10240x128xf32, #tpu.memory_space<hbm>> -> memref<10240x128xf32, #tpu.memory_space<hbm>>
      tpu.wait_indirect_dma semaphore(%arg11 : memref<!tpu.dma_semaphore, #tpu.memory_space<semaphore_mem>>) src(%dma_wait3A_573 : memref<10240x128xf32, #tpu.memory_space<hbm>>) dst(%dma_wait3A_567 : memref<128x128xf32, #tpu.memory_space<vmem>>)
      %run_scoped3A_574 = arith.constant 1 : i32
      %run_scoped3A_575 = arith.constant 17 : i32
      "tpu.region"() ({
        %run_scoped3A_1136 = tpu.sem_alloc : memref<!tpu.dma_semaphore, #tpu.memory_space<semaphore_mem>>
        %dma_start3A_1137 = arith.constant 0 : i32
        %dma_start3A_1138 = arith.constant 0 : i32
        %dma_start3A_1139 = tpu.memref_slice %arg8[%run_scoped3A_574, %dma_start3A_1137, %dma_start3A_1138] : memref<2x128x128xf32, #tpu.memory_space<vmem>> -> memref<1x128x128xf32, #tpu.memory_space<vmem>>
        %dma_start3A_1140 = tpu.memref_squeeze %dma_start3A_1139 : memref<1x128x128xf32, #tpu.memory_space<vmem>> -> memref<128x128xf32, #tpu.memory_space<vmem>>
        %dma_start3A_1141 = arith.constant 0 : i32
        %dma_start3A_1142 = tpu.memref_slice %arg7[%run_scoped3A_575, %dma_start3A_1141] : memref<40x128xi32, #tpu.memory_space<vmem>> -> memref<1x128xi32, #tpu.memory_space<vmem>>
        %dma_start3A_1143 = tpu.memref_squeeze %dma_start3A_1142 : memref<1x128xi32, #tpu.memory_space<vmem>> -> memref<128xi32, #tpu.memory_space<vmem>>
        %dma_start3A_1144 = arith.constant 0 : i32
        %dma_start3A_1145 = arith.constant 0 : i32
        %dma_start3A_1146 = tpu.memref_slice %arg9[%dma_start3A_1144, %dma_start3A_1145] : memref<10240x128xf32, #tpu.memory_space<vmem_shared>> -> memref<10240x128xf32, #tpu.memory_space<vmem_shared>>
        tpu.enqueue_indirect_dma source(%dma_start3A_1140 : memref<128x128xf32, #tpu.memory_space<vmem>>) target(%dma_start3A_1146 : memref<10240x128xf32, #tpu.memory_space<vmem_shared>>) offsets(%dma_start3A_1143 : memref<128xi32, #tpu.memory_space<vmem>>) semaphore(%run_scoped3A_1136 : memref<!tpu.dma_semaphore, #tpu.memory_space<semaphore_mem>>) {add = true}
        %dma_wait3A_1147 = arith.constant 0 : i32
        %dma_wait3A_1148 = arith.constant 0 : i32
        %dma_wait3A_1149 = tpu.memref_slice %arg8[%run_scoped3A_574, %dma_wait3A_1147, %dma_wait3A_1148] : memref<2x128x128xf32, #tpu.memory_space<vmem>> -> memref<1x128x128xf32, #tpu.memory_space<vmem>>
        %dma_wait3A_1150 = tpu.memref_squeeze %dma_wait3A_1149 : memref<1x128x128xf32, #tpu.memory_space<vmem>> -> memref<128x128xf32, #tpu.memory_space<vmem>>
        %dma_wait3A_1151 = arith.constant 0 : i32
        %dma_wait3A_1152 = tpu.memref_slice %arg7[%run_scoped3A_575, %dma_wait3A_1151] : memref<40x128xi32, #tpu.memory_space<vmem>> -> memref<1x128xi32, #tpu.memory_space<vmem>>
        %dma_wait3A_1153 = tpu.memref_squeeze %dma_wait3A_1152 : memref<1x128xi32, #tpu.memory_space<vmem>> -> memref<128xi32, #tpu.memory_space<vmem>>
        %dma_wait3A_1154 = arith.constant 0 : i32
        %dma_wait3A_1155 = arith.constant 0 : i32
        %dma_wait3A_1156 = tpu.memref_slice %arg9[%dma_wait3A_1154, %dma_wait3A_1155] : memref<10240x128xf32, #tpu.memory_space<vmem_shared>> -> memref<10240x128xf32, #tpu.memory_space<vmem_shared>>
        tpu.wait_indirect_dma semaphore(%run_scoped3A_1136 : memref<!tpu.dma_semaphore, #tpu.memory_space<semaphore_mem>>) src(%dma_wait3A_1150 : memref<128x128xf32, #tpu.memory_space<vmem>>) dst(%dma_wait3A_1156 : memref<10240x128xf32, #tpu.memory_space<vmem_shared>>)
        tpu.yield
      }) : () -> ()
      %dma_start3A_576 = arith.constant 19 : i32
      %dma_start3A_577 = arith.constant 1 : i32
      %dma_start3A_578 = arith.constant 0 : i32
      %dma_start3A_579 = arith.constant 0 : i32
      %dma_start3A_580 = tpu.memref_slice %arg8[%dma_start3A_577, %dma_start3A_578, %dma_start3A_579] : memref<2x128x128xf32, #tpu.memory_space<vmem>> -> memref<1x128x128xf32, #tpu.memory_space<vmem>>
      %dma_start3A_581 = tpu.memref_squeeze %dma_start3A_580 : memref<1x128x128xf32, #tpu.memory_space<vmem>> -> memref<128x128xf32, #tpu.memory_space<vmem>>
      %dma_start3A_582 = arith.constant 0 : i32
      %dma_start3A_583 = tpu.memref_slice %arg6[%dma_start3A_576, %dma_start3A_582] : memref<40x128xi32, #tpu.memory_space<vmem>> -> memref<1x128xi32, #tpu.memory_space<vmem>>
      %dma_start3A_584 = tpu.memref_squeeze %dma_start3A_583 : memref<1x128xi32, #tpu.memory_space<vmem>> -> memref<128xi32, #tpu.memory_space<vmem>>
      %dma_start3A_585 = arith.constant 0 : i32
      %dma_start3A_586 = arith.constant 0 : i32
      %dma_start3A_587 = tpu.memref_slice %arg2[%dma_start3A_585, %dma_start3A_586] : memref<10240x128xf32, #tpu.memory_space<hbm>> -> memref<10240x128xf32, #tpu.memory_space<hbm>>
      tpu.enqueue_indirect_dma source(%dma_start3A_587 : memref<10240x128xf32, #tpu.memory_space<hbm>>) target(%dma_start3A_581 : memref<128x128xf32, #tpu.memory_space<vmem>>) offsets(%dma_start3A_584 : memref<128xi32, #tpu.memory_space<vmem>>) semaphore(%arg11 : memref<!tpu.dma_semaphore, #tpu.memory_space<semaphore_mem>>)
      %dma_wait3A_588 = arith.constant 18 : i32
      %dma_wait3A_589 = arith.constant 0 : i32
      %dma_wait3A_590 = arith.constant 0 : i32
      %dma_wait3A_591 = arith.constant 0 : i32
      %dma_wait3A_592 = tpu.memref_slice %arg8[%dma_wait3A_589, %dma_wait3A_590, %dma_wait3A_591] : memref<2x128x128xf32, #tpu.memory_space<vmem>> -> memref<1x128x128xf32, #tpu.memory_space<vmem>>
      %dma_wait3A_593 = tpu.memref_squeeze %dma_wait3A_592 : memref<1x128x128xf32, #tpu.memory_space<vmem>> -> memref<128x128xf32, #tpu.memory_space<vmem>>
      %dma_wait3A_594 = arith.constant 0 : i32
      %dma_wait3A_595 = tpu.memref_slice %arg6[%dma_wait3A_588, %dma_wait3A_594] : memref<40x128xi32, #tpu.memory_space<vmem>> -> memref<1x128xi32, #tpu.memory_space<vmem>>
      %dma_wait3A_596 = tpu.memref_squeeze %dma_wait3A_595 : memref<1x128xi32, #tpu.memory_space<vmem>> -> memref<128xi32, #tpu.memory_space<vmem>>
      %dma_wait3A_597 = arith.constant 0 : i32
      %dma_wait3A_598 = arith.constant 0 : i32
      %dma_wait3A_599 = tpu.memref_slice %arg2[%dma_wait3A_597, %dma_wait3A_598] : memref<10240x128xf32, #tpu.memory_space<hbm>> -> memref<10240x128xf32, #tpu.memory_space<hbm>>
      tpu.wait_indirect_dma semaphore(%arg10 : memref<!tpu.dma_semaphore, #tpu.memory_space<semaphore_mem>>) src(%dma_wait3A_599 : memref<10240x128xf32, #tpu.memory_space<hbm>>) dst(%dma_wait3A_593 : memref<128x128xf32, #tpu.memory_space<vmem>>)
      %run_scoped3A_600 = arith.constant 0 : i32
      %run_scoped3A_601 = arith.constant 18 : i32
      "tpu.region"() ({
        %run_scoped3A_1136 = tpu.sem_alloc : memref<!tpu.dma_semaphore, #tpu.memory_space<semaphore_mem>>
        %dma_start3A_1137 = arith.constant 0 : i32
        %dma_start3A_1138 = arith.constant 0 : i32
        %dma_start3A_1139 = tpu.memref_slice %arg8[%run_scoped3A_600, %dma_start3A_1137, %dma_start3A_1138] : memref<2x128x128xf32, #tpu.memory_space<vmem>> -> memref<1x128x128xf32, #tpu.memory_space<vmem>>
        %dma_start3A_1140 = tpu.memref_squeeze %dma_start3A_1139 : memref<1x128x128xf32, #tpu.memory_space<vmem>> -> memref<128x128xf32, #tpu.memory_space<vmem>>
        %dma_start3A_1141 = arith.constant 0 : i32
        %dma_start3A_1142 = tpu.memref_slice %arg7[%run_scoped3A_601, %dma_start3A_1141] : memref<40x128xi32, #tpu.memory_space<vmem>> -> memref<1x128xi32, #tpu.memory_space<vmem>>
        %dma_start3A_1143 = tpu.memref_squeeze %dma_start3A_1142 : memref<1x128xi32, #tpu.memory_space<vmem>> -> memref<128xi32, #tpu.memory_space<vmem>>
        %dma_start3A_1144 = arith.constant 0 : i32
        %dma_start3A_1145 = arith.constant 0 : i32
        %dma_start3A_1146 = tpu.memref_slice %arg9[%dma_start3A_1144, %dma_start3A_1145] : memref<10240x128xf32, #tpu.memory_space<vmem_shared>> -> memref<10240x128xf32, #tpu.memory_space<vmem_shared>>
        tpu.enqueue_indirect_dma source(%dma_start3A_1140 : memref<128x128xf32, #tpu.memory_space<vmem>>) target(%dma_start3A_1146 : memref<10240x128xf32, #tpu.memory_space<vmem_shared>>) offsets(%dma_start3A_1143 : memref<128xi32, #tpu.memory_space<vmem>>) semaphore(%run_scoped3A_1136 : memref<!tpu.dma_semaphore, #tpu.memory_space<semaphore_mem>>) {add = true}
        %dma_wait3A_1147 = arith.constant 0 : i32
        %dma_wait3A_1148 = arith.constant 0 : i32
        %dma_wait3A_1149 = tpu.memref_slice %arg8[%run_scoped3A_600, %dma_wait3A_1147, %dma_wait3A_1148] : memref<2x128x128xf32, #tpu.memory_space<vmem>> -> memref<1x128x128xf32, #tpu.memory_space<vmem>>
        %dma_wait3A_1150 = tpu.memref_squeeze %dma_wait3A_1149 : memref<1x128x128xf32, #tpu.memory_space<vmem>> -> memref<128x128xf32, #tpu.memory_space<vmem>>
        %dma_wait3A_1151 = arith.constant 0 : i32
        %dma_wait3A_1152 = tpu.memref_slice %arg7[%run_scoped3A_601, %dma_wait3A_1151] : memref<40x128xi32, #tpu.memory_space<vmem>> -> memref<1x128xi32, #tpu.memory_space<vmem>>
        %dma_wait3A_1153 = tpu.memref_squeeze %dma_wait3A_1152 : memref<1x128xi32, #tpu.memory_space<vmem>> -> memref<128xi32, #tpu.memory_space<vmem>>
        %dma_wait3A_1154 = arith.constant 0 : i32
        %dma_wait3A_1155 = arith.constant 0 : i32
        %dma_wait3A_1156 = tpu.memref_slice %arg9[%dma_wait3A_1154, %dma_wait3A_1155] : memref<10240x128xf32, #tpu.memory_space<vmem_shared>> -> memref<10240x128xf32, #tpu.memory_space<vmem_shared>>
        tpu.wait_indirect_dma semaphore(%run_scoped3A_1136 : memref<!tpu.dma_semaphore, #tpu.memory_space<semaphore_mem>>) src(%dma_wait3A_1150 : memref<128x128xf32, #tpu.memory_space<vmem>>) dst(%dma_wait3A_1156 : memref<10240x128xf32, #tpu.memory_space<vmem_shared>>)
        tpu.yield
      }) : () -> ()
      %dma_start3A_602 = arith.constant 20 : i32
      %dma_start3A_603 = arith.constant 0 : i32
      %dma_start3A_604 = arith.constant 0 : i32
      %dma_start3A_605 = arith.constant 0 : i32
      %dma_start3A_606 = tpu.memref_slice %arg8[%dma_start3A_603, %dma_start3A_604, %dma_start3A_605] : memref<2x128x128xf32, #tpu.memory_space<vmem>> -> memref<1x128x128xf32, #tpu.memory_space<vmem>>
      %dma_start3A_607 = tpu.memref_squeeze %dma_start3A_606 : memref<1x128x128xf32, #tpu.memory_space<vmem>> -> memref<128x128xf32, #tpu.memory_space<vmem>>
      %dma_start3A_608 = arith.constant 0 : i32
      %dma_start3A_609 = tpu.memref_slice %arg6[%dma_start3A_602, %dma_start3A_608] : memref<40x128xi32, #tpu.memory_space<vmem>> -> memref<1x128xi32, #tpu.memory_space<vmem>>
      %dma_start3A_610 = tpu.memref_squeeze %dma_start3A_609 : memref<1x128xi32, #tpu.memory_space<vmem>> -> memref<128xi32, #tpu.memory_space<vmem>>
      %dma_start3A_611 = arith.constant 0 : i32
      %dma_start3A_612 = arith.constant 0 : i32
      %dma_start3A_613 = tpu.memref_slice %arg2[%dma_start3A_611, %dma_start3A_612] : memref<10240x128xf32, #tpu.memory_space<hbm>> -> memref<10240x128xf32, #tpu.memory_space<hbm>>
      tpu.enqueue_indirect_dma source(%dma_start3A_613 : memref<10240x128xf32, #tpu.memory_space<hbm>>) target(%dma_start3A_607 : memref<128x128xf32, #tpu.memory_space<vmem>>) offsets(%dma_start3A_610 : memref<128xi32, #tpu.memory_space<vmem>>) semaphore(%arg10 : memref<!tpu.dma_semaphore, #tpu.memory_space<semaphore_mem>>)
      %dma_wait3A_614 = arith.constant 19 : i32
      %dma_wait3A_615 = arith.constant 1 : i32
      %dma_wait3A_616 = arith.constant 0 : i32
      %dma_wait3A_617 = arith.constant 0 : i32
      %dma_wait3A_618 = tpu.memref_slice %arg8[%dma_wait3A_615, %dma_wait3A_616, %dma_wait3A_617] : memref<2x128x128xf32, #tpu.memory_space<vmem>> -> memref<1x128x128xf32, #tpu.memory_space<vmem>>
      %dma_wait3A_619 = tpu.memref_squeeze %dma_wait3A_618 : memref<1x128x128xf32, #tpu.memory_space<vmem>> -> memref<128x128xf32, #tpu.memory_space<vmem>>
      %dma_wait3A_620 = arith.constant 0 : i32
      %dma_wait3A_621 = tpu.memref_slice %arg6[%dma_wait3A_614, %dma_wait3A_620] : memref<40x128xi32, #tpu.memory_space<vmem>> -> memref<1x128xi32, #tpu.memory_space<vmem>>
      %dma_wait3A_622 = tpu.memref_squeeze %dma_wait3A_621 : memref<1x128xi32, #tpu.memory_space<vmem>> -> memref<128xi32, #tpu.memory_space<vmem>>
      %dma_wait3A_623 = arith.constant 0 : i32
      %dma_wait3A_624 = arith.constant 0 : i32
      %dma_wait3A_625 = tpu.memref_slice %arg2[%dma_wait3A_623, %dma_wait3A_624] : memref<10240x128xf32, #tpu.memory_space<hbm>> -> memref<10240x128xf32, #tpu.memory_space<hbm>>
      tpu.wait_indirect_dma semaphore(%arg11 : memref<!tpu.dma_semaphore, #tpu.memory_space<semaphore_mem>>) src(%dma_wait3A_625 : memref<10240x128xf32, #tpu.memory_space<hbm>>) dst(%dma_wait3A_619 : memref<128x128xf32, #tpu.memory_space<vmem>>)
      %run_scoped3A_626 = arith.constant 1 : i32
      %run_scoped3A_627 = arith.constant 19 : i32
      "tpu.region"() ({
        %run_scoped3A_1136 = tpu.sem_alloc : memref<!tpu.dma_semaphore, #tpu.memory_space<semaphore_mem>>
        %dma_start3A_1137 = arith.constant 0 : i32
        %dma_start3A_1138 = arith.constant 0 : i32
        %dma_start3A_1139 = tpu.memref_slice %arg8[%run_scoped3A_626, %dma_start3A_1137, %dma_start3A_1138] : memref<2x128x128xf32, #tpu.memory_space<vmem>> -> memref<1x128x128xf32, #tpu.memory_space<vmem>>
        %dma_start3A_1140 = tpu.memref_squeeze %dma_start3A_1139 : memref<1x128x128xf32, #tpu.memory_space<vmem>> -> memref<128x128xf32, #tpu.memory_space<vmem>>
        %dma_start3A_1141 = arith.constant 0 : i32
        %dma_start3A_1142 = tpu.memref_slice %arg7[%run_scoped3A_627, %dma_start3A_1141] : memref<40x128xi32, #tpu.memory_space<vmem>> -> memref<1x128xi32, #tpu.memory_space<vmem>>
        %dma_start3A_1143 = tpu.memref_squeeze %dma_start3A_1142 : memref<1x128xi32, #tpu.memory_space<vmem>> -> memref<128xi32, #tpu.memory_space<vmem>>
        %dma_start3A_1144 = arith.constant 0 : i32
        %dma_start3A_1145 = arith.constant 0 : i32
        %dma_start3A_1146 = tpu.memref_slice %arg9[%dma_start3A_1144, %dma_start3A_1145] : memref<10240x128xf32, #tpu.memory_space<vmem_shared>> -> memref<10240x128xf32, #tpu.memory_space<vmem_shared>>
        tpu.enqueue_indirect_dma source(%dma_start3A_1140 : memref<128x128xf32, #tpu.memory_space<vmem>>) target(%dma_start3A_1146 : memref<10240x128xf32, #tpu.memory_space<vmem_shared>>) offsets(%dma_start3A_1143 : memref<128xi32, #tpu.memory_space<vmem>>) semaphore(%run_scoped3A_1136 : memref<!tpu.dma_semaphore, #tpu.memory_space<semaphore_mem>>) {add = true}
        %dma_wait3A_1147 = arith.constant 0 : i32
        %dma_wait3A_1148 = arith.constant 0 : i32
        %dma_wait3A_1149 = tpu.memref_slice %arg8[%run_scoped3A_626, %dma_wait3A_1147, %dma_wait3A_1148] : memref<2x128x128xf32, #tpu.memory_space<vmem>> -> memref<1x128x128xf32, #tpu.memory_space<vmem>>
        %dma_wait3A_1150 = tpu.memref_squeeze %dma_wait3A_1149 : memref<1x128x128xf32, #tpu.memory_space<vmem>> -> memref<128x128xf32, #tpu.memory_space<vmem>>
        %dma_wait3A_1151 = arith.constant 0 : i32
        %dma_wait3A_1152 = tpu.memref_slice %arg7[%run_scoped3A_627, %dma_wait3A_1151] : memref<40x128xi32, #tpu.memory_space<vmem>> -> memref<1x128xi32, #tpu.memory_space<vmem>>
        %dma_wait3A_1153 = tpu.memref_squeeze %dma_wait3A_1152 : memref<1x128xi32, #tpu.memory_space<vmem>> -> memref<128xi32, #tpu.memory_space<vmem>>
        %dma_wait3A_1154 = arith.constant 0 : i32
        %dma_wait3A_1155 = arith.constant 0 : i32
        %dma_wait3A_1156 = tpu.memref_slice %arg9[%dma_wait3A_1154, %dma_wait3A_1155] : memref<10240x128xf32, #tpu.memory_space<vmem_shared>> -> memref<10240x128xf32, #tpu.memory_space<vmem_shared>>
        tpu.wait_indirect_dma semaphore(%run_scoped3A_1136 : memref<!tpu.dma_semaphore, #tpu.memory_space<semaphore_mem>>) src(%dma_wait3A_1150 : memref<128x128xf32, #tpu.memory_space<vmem>>) dst(%dma_wait3A_1156 : memref<10240x128xf32, #tpu.memory_space<vmem_shared>>)
        tpu.yield
      }) : () -> ()
      %dma_start3A_628 = arith.constant 21 : i32
      %dma_start3A_629 = arith.constant 1 : i32
      %dma_start3A_630 = arith.constant 0 : i32
      %dma_start3A_631 = arith.constant 0 : i32
      %dma_start3A_632 = tpu.memref_slice %arg8[%dma_start3A_629, %dma_start3A_630, %dma_start3A_631] : memref<2x128x128xf32, #tpu.memory_space<vmem>> -> memref<1x128x128xf32, #tpu.memory_space<vmem>>
      %dma_start3A_633 = tpu.memref_squeeze %dma_start3A_632 : memref<1x128x128xf32, #tpu.memory_space<vmem>> -> memref<128x128xf32, #tpu.memory_space<vmem>>
      %dma_start3A_634 = arith.constant 0 : i32
      %dma_start3A_635 = tpu.memref_slice %arg6[%dma_start3A_628, %dma_start3A_634] : memref<40x128xi32, #tpu.memory_space<vmem>> -> memref<1x128xi32, #tpu.memory_space<vmem>>
      %dma_start3A_636 = tpu.memref_squeeze %dma_start3A_635 : memref<1x128xi32, #tpu.memory_space<vmem>> -> memref<128xi32, #tpu.memory_space<vmem>>
      %dma_start3A_637 = arith.constant 0 : i32
      %dma_start3A_638 = arith.constant 0 : i32
      %dma_start3A_639 = tpu.memref_slice %arg2[%dma_start3A_637, %dma_start3A_638] : memref<10240x128xf32, #tpu.memory_space<hbm>> -> memref<10240x128xf32, #tpu.memory_space<hbm>>
      tpu.enqueue_indirect_dma source(%dma_start3A_639 : memref<10240x128xf32, #tpu.memory_space<hbm>>) target(%dma_start3A_633 : memref<128x128xf32, #tpu.memory_space<vmem>>) offsets(%dma_start3A_636 : memref<128xi32, #tpu.memory_space<vmem>>) semaphore(%arg11 : memref<!tpu.dma_semaphore, #tpu.memory_space<semaphore_mem>>)
      %dma_wait3A_640 = arith.constant 20 : i32
      %dma_wait3A_641 = arith.constant 0 : i32
      %dma_wait3A_642 = arith.constant 0 : i32
      %dma_wait3A_643 = arith.constant 0 : i32
      %dma_wait3A_644 = tpu.memref_slice %arg8[%dma_wait3A_641, %dma_wait3A_642, %dma_wait3A_643] : memref<2x128x128xf32, #tpu.memory_space<vmem>> -> memref<1x128x128xf32, #tpu.memory_space<vmem>>
      %dma_wait3A_645 = tpu.memref_squeeze %dma_wait3A_644 : memref<1x128x128xf32, #tpu.memory_space<vmem>> -> memref<128x128xf32, #tpu.memory_space<vmem>>
      %dma_wait3A_646 = arith.constant 0 : i32
      %dma_wait3A_647 = tpu.memref_slice %arg6[%dma_wait3A_640, %dma_wait3A_646] : memref<40x128xi32, #tpu.memory_space<vmem>> -> memref<1x128xi32, #tpu.memory_space<vmem>>
      %dma_wait3A_648 = tpu.memref_squeeze %dma_wait3A_647 : memref<1x128xi32, #tpu.memory_space<vmem>> -> memref<128xi32, #tpu.memory_space<vmem>>
      %dma_wait3A_649 = arith.constant 0 : i32
      %dma_wait3A_650 = arith.constant 0 : i32
      %dma_wait3A_651 = tpu.memref_slice %arg2[%dma_wait3A_649, %dma_wait3A_650] : memref<10240x128xf32, #tpu.memory_space<hbm>> -> memref<10240x128xf32, #tpu.memory_space<hbm>>
      tpu.wait_indirect_dma semaphore(%arg10 : memref<!tpu.dma_semaphore, #tpu.memory_space<semaphore_mem>>) src(%dma_wait3A_651 : memref<10240x128xf32, #tpu.memory_space<hbm>>) dst(%dma_wait3A_645 : memref<128x128xf32, #tpu.memory_space<vmem>>)
      %run_scoped3A_652 = arith.constant 0 : i32
      %run_scoped3A_653 = arith.constant 20 : i32
      "tpu.region"() ({
        %run_scoped3A_1136 = tpu.sem_alloc : memref<!tpu.dma_semaphore, #tpu.memory_space<semaphore_mem>>
        %dma_start3A_1137 = arith.constant 0 : i32
        %dma_start3A_1138 = arith.constant 0 : i32
        %dma_start3A_1139 = tpu.memref_slice %arg8[%run_scoped3A_652, %dma_start3A_1137, %dma_start3A_1138] : memref<2x128x128xf32, #tpu.memory_space<vmem>> -> memref<1x128x128xf32, #tpu.memory_space<vmem>>
        %dma_start3A_1140 = tpu.memref_squeeze %dma_start3A_1139 : memref<1x128x128xf32, #tpu.memory_space<vmem>> -> memref<128x128xf32, #tpu.memory_space<vmem>>
        %dma_start3A_1141 = arith.constant 0 : i32
        %dma_start3A_1142 = tpu.memref_slice %arg7[%run_scoped3A_653, %dma_start3A_1141] : memref<40x128xi32, #tpu.memory_space<vmem>> -> memref<1x128xi32, #tpu.memory_space<vmem>>
        %dma_start3A_1143 = tpu.memref_squeeze %dma_start3A_1142 : memref<1x128xi32, #tpu.memory_space<vmem>> -> memref<128xi32, #tpu.memory_space<vmem>>
        %dma_start3A_1144 = arith.constant 0 : i32
        %dma_start3A_1145 = arith.constant 0 : i32
        %dma_start3A_1146 = tpu.memref_slice %arg9[%dma_start3A_1144, %dma_start3A_1145] : memref<10240x128xf32, #tpu.memory_space<vmem_shared>> -> memref<10240x128xf32, #tpu.memory_space<vmem_shared>>
        tpu.enqueue_indirect_dma source(%dma_start3A_1140 : memref<128x128xf32, #tpu.memory_space<vmem>>) target(%dma_start3A_1146 : memref<10240x128xf32, #tpu.memory_space<vmem_shared>>) offsets(%dma_start3A_1143 : memref<128xi32, #tpu.memory_space<vmem>>) semaphore(%run_scoped3A_1136 : memref<!tpu.dma_semaphore, #tpu.memory_space<semaphore_mem>>) {add = true}
        %dma_wait3A_1147 = arith.constant 0 : i32
        %dma_wait3A_1148 = arith.constant 0 : i32
        %dma_wait3A_1149 = tpu.memref_slice %arg8[%run_scoped3A_652, %dma_wait3A_1147, %dma_wait3A_1148] : memref<2x128x128xf32, #tpu.memory_space<vmem>> -> memref<1x128x128xf32, #tpu.memory_space<vmem>>
        %dma_wait3A_1150 = tpu.memref_squeeze %dma_wait3A_1149 : memref<1x128x128xf32, #tpu.memory_space<vmem>> -> memref<128x128xf32, #tpu.memory_space<vmem>>
        %dma_wait3A_1151 = arith.constant 0 : i32
        %dma_wait3A_1152 = tpu.memref_slice %arg7[%run_scoped3A_653, %dma_wait3A_1151] : memref<40x128xi32, #tpu.memory_space<vmem>> -> memref<1x128xi32, #tpu.memory_space<vmem>>
        %dma_wait3A_1153 = tpu.memref_squeeze %dma_wait3A_1152 : memref<1x128xi32, #tpu.memory_space<vmem>> -> memref<128xi32, #tpu.memory_space<vmem>>
        %dma_wait3A_1154 = arith.constant 0 : i32
        %dma_wait3A_1155 = arith.constant 0 : i32
        %dma_wait3A_1156 = tpu.memref_slice %arg9[%dma_wait3A_1154, %dma_wait3A_1155] : memref<10240x128xf32, #tpu.memory_space<vmem_shared>> -> memref<10240x128xf32, #tpu.memory_space<vmem_shared>>
        tpu.wait_indirect_dma semaphore(%run_scoped3A_1136 : memref<!tpu.dma_semaphore, #tpu.memory_space<semaphore_mem>>) src(%dma_wait3A_1150 : memref<128x128xf32, #tpu.memory_space<vmem>>) dst(%dma_wait3A_1156 : memref<10240x128xf32, #tpu.memory_space<vmem_shared>>)
        tpu.yield
      }) : () -> ()
      %dma_start3A_654 = arith.constant 22 : i32
      %dma_start3A_655 = arith.constant 0 : i32
      %dma_start3A_656 = arith.constant 0 : i32
      %dma_start3A_657 = arith.constant 0 : i32
      %dma_start3A_658 = tpu.memref_slice %arg8[%dma_start3A_655, %dma_start3A_656, %dma_start3A_657] : memref<2x128x128xf32, #tpu.memory_space<vmem>> -> memref<1x128x128xf32, #tpu.memory_space<vmem>>
      %dma_start3A_659 = tpu.memref_squeeze %dma_start3A_658 : memref<1x128x128xf32, #tpu.memory_space<vmem>> -> memref<128x128xf32, #tpu.memory_space<vmem>>
      %dma_start3A_660 = arith.constant 0 : i32
      %dma_start3A_661 = tpu.memref_slice %arg6[%dma_start3A_654, %dma_start3A_660] : memref<40x128xi32, #tpu.memory_space<vmem>> -> memref<1x128xi32, #tpu.memory_space<vmem>>
      %dma_start3A_662 = tpu.memref_squeeze %dma_start3A_661 : memref<1x128xi32, #tpu.memory_space<vmem>> -> memref<128xi32, #tpu.memory_space<vmem>>
      %dma_start3A_663 = arith.constant 0 : i32
      %dma_start3A_664 = arith.constant 0 : i32
      %dma_start3A_665 = tpu.memref_slice %arg2[%dma_start3A_663, %dma_start3A_664] : memref<10240x128xf32, #tpu.memory_space<hbm>> -> memref<10240x128xf32, #tpu.memory_space<hbm>>
      tpu.enqueue_indirect_dma source(%dma_start3A_665 : memref<10240x128xf32, #tpu.memory_space<hbm>>) target(%dma_start3A_659 : memref<128x128xf32, #tpu.memory_space<vmem>>) offsets(%dma_start3A_662 : memref<128xi32, #tpu.memory_space<vmem>>) semaphore(%arg10 : memref<!tpu.dma_semaphore, #tpu.memory_space<semaphore_mem>>)
      %dma_wait3A_666 = arith.constant 21 : i32
      %dma_wait3A_667 = arith.constant 1 : i32
      %dma_wait3A_668 = arith.constant 0 : i32
      %dma_wait3A_669 = arith.constant 0 : i32
      %dma_wait3A_670 = tpu.memref_slice %arg8[%dma_wait3A_667, %dma_wait3A_668, %dma_wait3A_669] : memref<2x128x128xf32, #tpu.memory_space<vmem>> -> memref<1x128x128xf32, #tpu.memory_space<vmem>>
      %dma_wait3A_671 = tpu.memref_squeeze %dma_wait3A_670 : memref<1x128x128xf32, #tpu.memory_space<vmem>> -> memref<128x128xf32, #tpu.memory_space<vmem>>
      %dma_wait3A_672 = arith.constant 0 : i32
      %dma_wait3A_673 = tpu.memref_slice %arg6[%dma_wait3A_666, %dma_wait3A_672] : memref<40x128xi32, #tpu.memory_space<vmem>> -> memref<1x128xi32, #tpu.memory_space<vmem>>
      %dma_wait3A_674 = tpu.memref_squeeze %dma_wait3A_673 : memref<1x128xi32, #tpu.memory_space<vmem>> -> memref<128xi32, #tpu.memory_space<vmem>>
      %dma_wait3A_675 = arith.constant 0 : i32
      %dma_wait3A_676 = arith.constant 0 : i32
      %dma_wait3A_677 = tpu.memref_slice %arg2[%dma_wait3A_675, %dma_wait3A_676] : memref<10240x128xf32, #tpu.memory_space<hbm>> -> memref<10240x128xf32, #tpu.memory_space<hbm>>
      tpu.wait_indirect_dma semaphore(%arg11 : memref<!tpu.dma_semaphore, #tpu.memory_space<semaphore_mem>>) src(%dma_wait3A_677 : memref<10240x128xf32, #tpu.memory_space<hbm>>) dst(%dma_wait3A_671 : memref<128x128xf32, #tpu.memory_space<vmem>>)
      %run_scoped3A_678 = arith.constant 1 : i32
      %run_scoped3A_679 = arith.constant 21 : i32
      "tpu.region"() ({
        %run_scoped3A_1136 = tpu.sem_alloc : memref<!tpu.dma_semaphore, #tpu.memory_space<semaphore_mem>>
        %dma_start3A_1137 = arith.constant 0 : i32
        %dma_start3A_1138 = arith.constant 0 : i32
        %dma_start3A_1139 = tpu.memref_slice %arg8[%run_scoped3A_678, %dma_start3A_1137, %dma_start3A_1138] : memref<2x128x128xf32, #tpu.memory_space<vmem>> -> memref<1x128x128xf32, #tpu.memory_space<vmem>>
        %dma_start3A_1140 = tpu.memref_squeeze %dma_start3A_1139 : memref<1x128x128xf32, #tpu.memory_space<vmem>> -> memref<128x128xf32, #tpu.memory_space<vmem>>
        %dma_start3A_1141 = arith.constant 0 : i32
        %dma_start3A_1142 = tpu.memref_slice %arg7[%run_scoped3A_679, %dma_start3A_1141] : memref<40x128xi32, #tpu.memory_space<vmem>> -> memref<1x128xi32, #tpu.memory_space<vmem>>
        %dma_start3A_1143 = tpu.memref_squeeze %dma_start3A_1142 : memref<1x128xi32, #tpu.memory_space<vmem>> -> memref<128xi32, #tpu.memory_space<vmem>>
        %dma_start3A_1144 = arith.constant 0 : i32
        %dma_start3A_1145 = arith.constant 0 : i32
        %dma_start3A_1146 = tpu.memref_slice %arg9[%dma_start3A_1144, %dma_start3A_1145] : memref<10240x128xf32, #tpu.memory_space<vmem_shared>> -> memref<10240x128xf32, #tpu.memory_space<vmem_shared>>
        tpu.enqueue_indirect_dma source(%dma_start3A_1140 : memref<128x128xf32, #tpu.memory_space<vmem>>) target(%dma_start3A_1146 : memref<10240x128xf32, #tpu.memory_space<vmem_shared>>) offsets(%dma_start3A_1143 : memref<128xi32, #tpu.memory_space<vmem>>) semaphore(%run_scoped3A_1136 : memref<!tpu.dma_semaphore, #tpu.memory_space<semaphore_mem>>) {add = true}
        %dma_wait3A_1147 = arith.constant 0 : i32
        %dma_wait3A_1148 = arith.constant 0 : i32
        %dma_wait3A_1149 = tpu.memref_slice %arg8[%run_scoped3A_678, %dma_wait3A_1147, %dma_wait3A_1148] : memref<2x128x128xf32, #tpu.memory_space<vmem>> -> memref<1x128x128xf32, #tpu.memory_space<vmem>>
        %dma_wait3A_1150 = tpu.memref_squeeze %dma_wait3A_1149 : memref<1x128x128xf32, #tpu.memory_space<vmem>> -> memref<128x128xf32, #tpu.memory_space<vmem>>
        %dma_wait3A_1151 = arith.constant 0 : i32
        %dma_wait3A_1152 = tpu.memref_slice %arg7[%run_scoped3A_679, %dma_wait3A_1151] : memref<40x128xi32, #tpu.memory_space<vmem>> -> memref<1x128xi32, #tpu.memory_space<vmem>>
        %dma_wait3A_1153 = tpu.memref_squeeze %dma_wait3A_1152 : memref<1x128xi32, #tpu.memory_space<vmem>> -> memref<128xi32, #tpu.memory_space<vmem>>
        %dma_wait3A_1154 = arith.constant 0 : i32
        %dma_wait3A_1155 = arith.constant 0 : i32
        %dma_wait3A_1156 = tpu.memref_slice %arg9[%dma_wait3A_1154, %dma_wait3A_1155] : memref<10240x128xf32, #tpu.memory_space<vmem_shared>> -> memref<10240x128xf32, #tpu.memory_space<vmem_shared>>
        tpu.wait_indirect_dma semaphore(%run_scoped3A_1136 : memref<!tpu.dma_semaphore, #tpu.memory_space<semaphore_mem>>) src(%dma_wait3A_1150 : memref<128x128xf32, #tpu.memory_space<vmem>>) dst(%dma_wait3A_1156 : memref<10240x128xf32, #tpu.memory_space<vmem_shared>>)
        tpu.yield
      }) : () -> ()
      %dma_start3A_680 = arith.constant 23 : i32
      %dma_start3A_681 = arith.constant 1 : i32
      %dma_start3A_682 = arith.constant 0 : i32
      %dma_start3A_683 = arith.constant 0 : i32
      %dma_start3A_684 = tpu.memref_slice %arg8[%dma_start3A_681, %dma_start3A_682, %dma_start3A_683] : memref<2x128x128xf32, #tpu.memory_space<vmem>> -> memref<1x128x128xf32, #tpu.memory_space<vmem>>
      %dma_start3A_685 = tpu.memref_squeeze %dma_start3A_684 : memref<1x128x128xf32, #tpu.memory_space<vmem>> -> memref<128x128xf32, #tpu.memory_space<vmem>>
      %dma_start3A_686 = arith.constant 0 : i32
      %dma_start3A_687 = tpu.memref_slice %arg6[%dma_start3A_680, %dma_start3A_686] : memref<40x128xi32, #tpu.memory_space<vmem>> -> memref<1x128xi32, #tpu.memory_space<vmem>>
      %dma_start3A_688 = tpu.memref_squeeze %dma_start3A_687 : memref<1x128xi32, #tpu.memory_space<vmem>> -> memref<128xi32, #tpu.memory_space<vmem>>
      %dma_start3A_689 = arith.constant 0 : i32
      %dma_start3A_690 = arith.constant 0 : i32
      %dma_start3A_691 = tpu.memref_slice %arg2[%dma_start3A_689, %dma_start3A_690] : memref<10240x128xf32, #tpu.memory_space<hbm>> -> memref<10240x128xf32, #tpu.memory_space<hbm>>
      tpu.enqueue_indirect_dma source(%dma_start3A_691 : memref<10240x128xf32, #tpu.memory_space<hbm>>) target(%dma_start3A_685 : memref<128x128xf32, #tpu.memory_space<vmem>>) offsets(%dma_start3A_688 : memref<128xi32, #tpu.memory_space<vmem>>) semaphore(%arg11 : memref<!tpu.dma_semaphore, #tpu.memory_space<semaphore_mem>>)
      %dma_wait3A_692 = arith.constant 22 : i32
      %dma_wait3A_693 = arith.constant 0 : i32
      %dma_wait3A_694 = arith.constant 0 : i32
      %dma_wait3A_695 = arith.constant 0 : i32
      %dma_wait3A_696 = tpu.memref_slice %arg8[%dma_wait3A_693, %dma_wait3A_694, %dma_wait3A_695] : memref<2x128x128xf32, #tpu.memory_space<vmem>> -> memref<1x128x128xf32, #tpu.memory_space<vmem>>
      %dma_wait3A_697 = tpu.memref_squeeze %dma_wait3A_696 : memref<1x128x128xf32, #tpu.memory_space<vmem>> -> memref<128x128xf32, #tpu.memory_space<vmem>>
      %dma_wait3A_698 = arith.constant 0 : i32
      %dma_wait3A_699 = tpu.memref_slice %arg6[%dma_wait3A_692, %dma_wait3A_698] : memref<40x128xi32, #tpu.memory_space<vmem>> -> memref<1x128xi32, #tpu.memory_space<vmem>>
      %dma_wait3A_700 = tpu.memref_squeeze %dma_wait3A_699 : memref<1x128xi32, #tpu.memory_space<vmem>> -> memref<128xi32, #tpu.memory_space<vmem>>
      %dma_wait3A_701 = arith.constant 0 : i32
      %dma_wait3A_702 = arith.constant 0 : i32
      %dma_wait3A_703 = tpu.memref_slice %arg2[%dma_wait3A_701, %dma_wait3A_702] : memref<10240x128xf32, #tpu.memory_space<hbm>> -> memref<10240x128xf32, #tpu.memory_space<hbm>>
      tpu.wait_indirect_dma semaphore(%arg10 : memref<!tpu.dma_semaphore, #tpu.memory_space<semaphore_mem>>) src(%dma_wait3A_703 : memref<10240x128xf32, #tpu.memory_space<hbm>>) dst(%dma_wait3A_697 : memref<128x128xf32, #tpu.memory_space<vmem>>)
      %run_scoped3A_704 = arith.constant 0 : i32
      %run_scoped3A_705 = arith.constant 22 : i32
      "tpu.region"() ({
        %run_scoped3A_1136 = tpu.sem_alloc : memref<!tpu.dma_semaphore, #tpu.memory_space<semaphore_mem>>
        %dma_start3A_1137 = arith.constant 0 : i32
        %dma_start3A_1138 = arith.constant 0 : i32
        %dma_start3A_1139 = tpu.memref_slice %arg8[%run_scoped3A_704, %dma_start3A_1137, %dma_start3A_1138] : memref<2x128x128xf32, #tpu.memory_space<vmem>> -> memref<1x128x128xf32, #tpu.memory_space<vmem>>
        %dma_start3A_1140 = tpu.memref_squeeze %dma_start3A_1139 : memref<1x128x128xf32, #tpu.memory_space<vmem>> -> memref<128x128xf32, #tpu.memory_space<vmem>>
        %dma_start3A_1141 = arith.constant 0 : i32
        %dma_start3A_1142 = tpu.memref_slice %arg7[%run_scoped3A_705, %dma_start3A_1141] : memref<40x128xi32, #tpu.memory_space<vmem>> -> memref<1x128xi32, #tpu.memory_space<vmem>>
        %dma_start3A_1143 = tpu.memref_squeeze %dma_start3A_1142 : memref<1x128xi32, #tpu.memory_space<vmem>> -> memref<128xi32, #tpu.memory_space<vmem>>
        %dma_start3A_1144 = arith.constant 0 : i32
        %dma_start3A_1145 = arith.constant 0 : i32
        %dma_start3A_1146 = tpu.memref_slice %arg9[%dma_start3A_1144, %dma_start3A_1145] : memref<10240x128xf32, #tpu.memory_space<vmem_shared>> -> memref<10240x128xf32, #tpu.memory_space<vmem_shared>>
        tpu.enqueue_indirect_dma source(%dma_start3A_1140 : memref<128x128xf32, #tpu.memory_space<vmem>>) target(%dma_start3A_1146 : memref<10240x128xf32, #tpu.memory_space<vmem_shared>>) offsets(%dma_start3A_1143 : memref<128xi32, #tpu.memory_space<vmem>>) semaphore(%run_scoped3A_1136 : memref<!tpu.dma_semaphore, #tpu.memory_space<semaphore_mem>>) {add = true}
        %dma_wait3A_1147 = arith.constant 0 : i32
        %dma_wait3A_1148 = arith.constant 0 : i32
        %dma_wait3A_1149 = tpu.memref_slice %arg8[%run_scoped3A_704, %dma_wait3A_1147, %dma_wait3A_1148] : memref<2x128x128xf32, #tpu.memory_space<vmem>> -> memref<1x128x128xf32, #tpu.memory_space<vmem>>
        %dma_wait3A_1150 = tpu.memref_squeeze %dma_wait3A_1149 : memref<1x128x128xf32, #tpu.memory_space<vmem>> -> memref<128x128xf32, #tpu.memory_space<vmem>>
        %dma_wait3A_1151 = arith.constant 0 : i32
        %dma_wait3A_1152 = tpu.memref_slice %arg7[%run_scoped3A_705, %dma_wait3A_1151] : memref<40x128xi32, #tpu.memory_space<vmem>> -> memref<1x128xi32, #tpu.memory_space<vmem>>
        %dma_wait3A_1153 = tpu.memref_squeeze %dma_wait3A_1152 : memref<1x128xi32, #tpu.memory_space<vmem>> -> memref<128xi32, #tpu.memory_space<vmem>>
        %dma_wait3A_1154 = arith.constant 0 : i32
        %dma_wait3A_1155 = arith.constant 0 : i32
        %dma_wait3A_1156 = tpu.memref_slice %arg9[%dma_wait3A_1154, %dma_wait3A_1155] : memref<10240x128xf32, #tpu.memory_space<vmem_shared>> -> memref<10240x128xf32, #tpu.memory_space<vmem_shared>>
        tpu.wait_indirect_dma semaphore(%run_scoped3A_1136 : memref<!tpu.dma_semaphore, #tpu.memory_space<semaphore_mem>>) src(%dma_wait3A_1150 : memref<128x128xf32, #tpu.memory_space<vmem>>) dst(%dma_wait3A_1156 : memref<10240x128xf32, #tpu.memory_space<vmem_shared>>)
        tpu.yield
      }) : () -> ()
      %dma_start3A_706 = arith.constant 24 : i32
      %dma_start3A_707 = arith.constant 0 : i32
      %dma_start3A_708 = arith.constant 0 : i32
      %dma_start3A_709 = arith.constant 0 : i32
      %dma_start3A_710 = tpu.memref_slice %arg8[%dma_start3A_707, %dma_start3A_708, %dma_start3A_709] : memref<2x128x128xf32, #tpu.memory_space<vmem>> -> memref<1x128x128xf32, #tpu.memory_space<vmem>>
      %dma_start3A_711 = tpu.memref_squeeze %dma_start3A_710 : memref<1x128x128xf32, #tpu.memory_space<vmem>> -> memref<128x128xf32, #tpu.memory_space<vmem>>
      %dma_start3A_712 = arith.constant 0 : i32
      %dma_start3A_713 = tpu.memref_slice %arg6[%dma_start3A_706, %dma_start3A_712] : memref<40x128xi32, #tpu.memory_space<vmem>> -> memref<1x128xi32, #tpu.memory_space<vmem>>
      %dma_start3A_714 = tpu.memref_squeeze %dma_start3A_713 : memref<1x128xi32, #tpu.memory_space<vmem>> -> memref<128xi32, #tpu.memory_space<vmem>>
      %dma_start3A_715 = arith.constant 0 : i32
      %dma_start3A_716 = arith.constant 0 : i32
      %dma_start3A_717 = tpu.memref_slice %arg2[%dma_start3A_715, %dma_start3A_716] : memref<10240x128xf32, #tpu.memory_space<hbm>> -> memref<10240x128xf32, #tpu.memory_space<hbm>>
      tpu.enqueue_indirect_dma source(%dma_start3A_717 : memref<10240x128xf32, #tpu.memory_space<hbm>>) target(%dma_start3A_711 : memref<128x128xf32, #tpu.memory_space<vmem>>) offsets(%dma_start3A_714 : memref<128xi32, #tpu.memory_space<vmem>>) semaphore(%arg10 : memref<!tpu.dma_semaphore, #tpu.memory_space<semaphore_mem>>)
      %dma_wait3A_718 = arith.constant 23 : i32
      %dma_wait3A_719 = arith.constant 1 : i32
      %dma_wait3A_720 = arith.constant 0 : i32
      %dma_wait3A_721 = arith.constant 0 : i32
      %dma_wait3A_722 = tpu.memref_slice %arg8[%dma_wait3A_719, %dma_wait3A_720, %dma_wait3A_721] : memref<2x128x128xf32, #tpu.memory_space<vmem>> -> memref<1x128x128xf32, #tpu.memory_space<vmem>>
      %dma_wait3A_723 = tpu.memref_squeeze %dma_wait3A_722 : memref<1x128x128xf32, #tpu.memory_space<vmem>> -> memref<128x128xf32, #tpu.memory_space<vmem>>
      %dma_wait3A_724 = arith.constant 0 : i32
      %dma_wait3A_725 = tpu.memref_slice %arg6[%dma_wait3A_718, %dma_wait3A_724] : memref<40x128xi32, #tpu.memory_space<vmem>> -> memref<1x128xi32, #tpu.memory_space<vmem>>
      %dma_wait3A_726 = tpu.memref_squeeze %dma_wait3A_725 : memref<1x128xi32, #tpu.memory_space<vmem>> -> memref<128xi32, #tpu.memory_space<vmem>>
      %dma_wait3A_727 = arith.constant 0 : i32
      %dma_wait3A_728 = arith.constant 0 : i32
      %dma_wait3A_729 = tpu.memref_slice %arg2[%dma_wait3A_727, %dma_wait3A_728] : memref<10240x128xf32, #tpu.memory_space<hbm>> -> memref<10240x128xf32, #tpu.memory_space<hbm>>
      tpu.wait_indirect_dma semaphore(%arg11 : memref<!tpu.dma_semaphore, #tpu.memory_space<semaphore_mem>>) src(%dma_wait3A_729 : memref<10240x128xf32, #tpu.memory_space<hbm>>) dst(%dma_wait3A_723 : memref<128x128xf32, #tpu.memory_space<vmem>>)
      %run_scoped3A_730 = arith.constant 1 : i32
      %run_scoped3A_731 = arith.constant 23 : i32
      "tpu.region"() ({
        %run_scoped3A_1136 = tpu.sem_alloc : memref<!tpu.dma_semaphore, #tpu.memory_space<semaphore_mem>>
        %dma_start3A_1137 = arith.constant 0 : i32
        %dma_start3A_1138 = arith.constant 0 : i32
        %dma_start3A_1139 = tpu.memref_slice %arg8[%run_scoped3A_730, %dma_start3A_1137, %dma_start3A_1138] : memref<2x128x128xf32, #tpu.memory_space<vmem>> -> memref<1x128x128xf32, #tpu.memory_space<vmem>>
        %dma_start3A_1140 = tpu.memref_squeeze %dma_start3A_1139 : memref<1x128x128xf32, #tpu.memory_space<vmem>> -> memref<128x128xf32, #tpu.memory_space<vmem>>
        %dma_start3A_1141 = arith.constant 0 : i32
        %dma_start3A_1142 = tpu.memref_slice %arg7[%run_scoped3A_731, %dma_start3A_1141] : memref<40x128xi32, #tpu.memory_space<vmem>> -> memref<1x128xi32, #tpu.memory_space<vmem>>
        %dma_start3A_1143 = tpu.memref_squeeze %dma_start3A_1142 : memref<1x128xi32, #tpu.memory_space<vmem>> -> memref<128xi32, #tpu.memory_space<vmem>>
        %dma_start3A_1144 = arith.constant 0 : i32
        %dma_start3A_1145 = arith.constant 0 : i32
        %dma_start3A_1146 = tpu.memref_slice %arg9[%dma_start3A_1144, %dma_start3A_1145] : memref<10240x128xf32, #tpu.memory_space<vmem_shared>> -> memref<10240x128xf32, #tpu.memory_space<vmem_shared>>
        tpu.enqueue_indirect_dma source(%dma_start3A_1140 : memref<128x128xf32, #tpu.memory_space<vmem>>) target(%dma_start3A_1146 : memref<10240x128xf32, #tpu.memory_space<vmem_shared>>) offsets(%dma_start3A_1143 : memref<128xi32, #tpu.memory_space<vmem>>) semaphore(%run_scoped3A_1136 : memref<!tpu.dma_semaphore, #tpu.memory_space<semaphore_mem>>) {add = true}
        %dma_wait3A_1147 = arith.constant 0 : i32
        %dma_wait3A_1148 = arith.constant 0 : i32
        %dma_wait3A_1149 = tpu.memref_slice %arg8[%run_scoped3A_730, %dma_wait3A_1147, %dma_wait3A_1148] : memref<2x128x128xf32, #tpu.memory_space<vmem>> -> memref<1x128x128xf32, #tpu.memory_space<vmem>>
        %dma_wait3A_1150 = tpu.memref_squeeze %dma_wait3A_1149 : memref<1x128x128xf32, #tpu.memory_space<vmem>> -> memref<128x128xf32, #tpu.memory_space<vmem>>
        %dma_wait3A_1151 = arith.constant 0 : i32
        %dma_wait3A_1152 = tpu.memref_slice %arg7[%run_scoped3A_731, %dma_wait3A_1151] : memref<40x128xi32, #tpu.memory_space<vmem>> -> memref<1x128xi32, #tpu.memory_space<vmem>>
        %dma_wait3A_1153 = tpu.memref_squeeze %dma_wait3A_1152 : memref<1x128xi32, #tpu.memory_space<vmem>> -> memref<128xi32, #tpu.memory_space<vmem>>
        %dma_wait3A_1154 = arith.constant 0 : i32
        %dma_wait3A_1155 = arith.constant 0 : i32
        %dma_wait3A_1156 = tpu.memref_slice %arg9[%dma_wait3A_1154, %dma_wait3A_1155] : memref<10240x128xf32, #tpu.memory_space<vmem_shared>> -> memref<10240x128xf32, #tpu.memory_space<vmem_shared>>
        tpu.wait_indirect_dma semaphore(%run_scoped3A_1136 : memref<!tpu.dma_semaphore, #tpu.memory_space<semaphore_mem>>) src(%dma_wait3A_1150 : memref<128x128xf32, #tpu.memory_space<vmem>>) dst(%dma_wait3A_1156 : memref<10240x128xf32, #tpu.memory_space<vmem_shared>>)
        tpu.yield
      }) : () -> ()
      %dma_start3A_732 = arith.constant 25 : i32
      %dma_start3A_733 = arith.constant 1 : i32
      %dma_start3A_734 = arith.constant 0 : i32
      %dma_start3A_735 = arith.constant 0 : i32
      %dma_start3A_736 = tpu.memref_slice %arg8[%dma_start3A_733, %dma_start3A_734, %dma_start3A_735] : memref<2x128x128xf32, #tpu.memory_space<vmem>> -> memref<1x128x128xf32, #tpu.memory_space<vmem>>
      %dma_start3A_737 = tpu.memref_squeeze %dma_start3A_736 : memref<1x128x128xf32, #tpu.memory_space<vmem>> -> memref<128x128xf32, #tpu.memory_space<vmem>>
      %dma_start3A_738 = arith.constant 0 : i32
      %dma_start3A_739 = tpu.memref_slice %arg6[%dma_start3A_732, %dma_start3A_738] : memref<40x128xi32, #tpu.memory_space<vmem>> -> memref<1x128xi32, #tpu.memory_space<vmem>>
      %dma_start3A_740 = tpu.memref_squeeze %dma_start3A_739 : memref<1x128xi32, #tpu.memory_space<vmem>> -> memref<128xi32, #tpu.memory_space<vmem>>
      %dma_start3A_741 = arith.constant 0 : i32
      %dma_start3A_742 = arith.constant 0 : i32
      %dma_start3A_743 = tpu.memref_slice %arg2[%dma_start3A_741, %dma_start3A_742] : memref<10240x128xf32, #tpu.memory_space<hbm>> -> memref<10240x128xf32, #tpu.memory_space<hbm>>
      tpu.enqueue_indirect_dma source(%dma_start3A_743 : memref<10240x128xf32, #tpu.memory_space<hbm>>) target(%dma_start3A_737 : memref<128x128xf32, #tpu.memory_space<vmem>>) offsets(%dma_start3A_740 : memref<128xi32, #tpu.memory_space<vmem>>) semaphore(%arg11 : memref<!tpu.dma_semaphore, #tpu.memory_space<semaphore_mem>>)
      %dma_wait3A_744 = arith.constant 24 : i32
      %dma_wait3A_745 = arith.constant 0 : i32
      %dma_wait3A_746 = arith.constant 0 : i32
      %dma_wait3A_747 = arith.constant 0 : i32
      %dma_wait3A_748 = tpu.memref_slice %arg8[%dma_wait3A_745, %dma_wait3A_746, %dma_wait3A_747] : memref<2x128x128xf32, #tpu.memory_space<vmem>> -> memref<1x128x128xf32, #tpu.memory_space<vmem>>
      %dma_wait3A_749 = tpu.memref_squeeze %dma_wait3A_748 : memref<1x128x128xf32, #tpu.memory_space<vmem>> -> memref<128x128xf32, #tpu.memory_space<vmem>>
      %dma_wait3A_750 = arith.constant 0 : i32
      %dma_wait3A_751 = tpu.memref_slice %arg6[%dma_wait3A_744, %dma_wait3A_750] : memref<40x128xi32, #tpu.memory_space<vmem>> -> memref<1x128xi32, #tpu.memory_space<vmem>>
      %dma_wait3A_752 = tpu.memref_squeeze %dma_wait3A_751 : memref<1x128xi32, #tpu.memory_space<vmem>> -> memref<128xi32, #tpu.memory_space<vmem>>
      %dma_wait3A_753 = arith.constant 0 : i32
      %dma_wait3A_754 = arith.constant 0 : i32
      %dma_wait3A_755 = tpu.memref_slice %arg2[%dma_wait3A_753, %dma_wait3A_754] : memref<10240x128xf32, #tpu.memory_space<hbm>> -> memref<10240x128xf32, #tpu.memory_space<hbm>>
      tpu.wait_indirect_dma semaphore(%arg10 : memref<!tpu.dma_semaphore, #tpu.memory_space<semaphore_mem>>) src(%dma_wait3A_755 : memref<10240x128xf32, #tpu.memory_space<hbm>>) dst(%dma_wait3A_749 : memref<128x128xf32, #tpu.memory_space<vmem>>)
      %run_scoped3A_756 = arith.constant 0 : i32
      %run_scoped3A_757 = arith.constant 24 : i32
      "tpu.region"() ({
        %run_scoped3A_1136 = tpu.sem_alloc : memref<!tpu.dma_semaphore, #tpu.memory_space<semaphore_mem>>
        %dma_start3A_1137 = arith.constant 0 : i32
        %dma_start3A_1138 = arith.constant 0 : i32
        %dma_start3A_1139 = tpu.memref_slice %arg8[%run_scoped3A_756, %dma_start3A_1137, %dma_start3A_1138] : memref<2x128x128xf32, #tpu.memory_space<vmem>> -> memref<1x128x128xf32, #tpu.memory_space<vmem>>
        %dma_start3A_1140 = tpu.memref_squeeze %dma_start3A_1139 : memref<1x128x128xf32, #tpu.memory_space<vmem>> -> memref<128x128xf32, #tpu.memory_space<vmem>>
        %dma_start3A_1141 = arith.constant 0 : i32
        %dma_start3A_1142 = tpu.memref_slice %arg7[%run_scoped3A_757, %dma_start3A_1141] : memref<40x128xi32, #tpu.memory_space<vmem>> -> memref<1x128xi32, #tpu.memory_space<vmem>>
        %dma_start3A_1143 = tpu.memref_squeeze %dma_start3A_1142 : memref<1x128xi32, #tpu.memory_space<vmem>> -> memref<128xi32, #tpu.memory_space<vmem>>
        %dma_start3A_1144 = arith.constant 0 : i32
        %dma_start3A_1145 = arith.constant 0 : i32
        %dma_start3A_1146 = tpu.memref_slice %arg9[%dma_start3A_1144, %dma_start3A_1145] : memref<10240x128xf32, #tpu.memory_space<vmem_shared>> -> memref<10240x128xf32, #tpu.memory_space<vmem_shared>>
        tpu.enqueue_indirect_dma source(%dma_start3A_1140 : memref<128x128xf32, #tpu.memory_space<vmem>>) target(%dma_start3A_1146 : memref<10240x128xf32, #tpu.memory_space<vmem_shared>>) offsets(%dma_start3A_1143 : memref<128xi32, #tpu.memory_space<vmem>>) semaphore(%run_scoped3A_1136 : memref<!tpu.dma_semaphore, #tpu.memory_space<semaphore_mem>>) {add = true}
        %dma_wait3A_1147 = arith.constant 0 : i32
        %dma_wait3A_1148 = arith.constant 0 : i32
        %dma_wait3A_1149 = tpu.memref_slice %arg8[%run_scoped3A_756, %dma_wait3A_1147, %dma_wait3A_1148] : memref<2x128x128xf32, #tpu.memory_space<vmem>> -> memref<1x128x128xf32, #tpu.memory_space<vmem>>
        %dma_wait3A_1150 = tpu.memref_squeeze %dma_wait3A_1149 : memref<1x128x128xf32, #tpu.memory_space<vmem>> -> memref<128x128xf32, #tpu.memory_space<vmem>>
        %dma_wait3A_1151 = arith.constant 0 : i32
        %dma_wait3A_1152 = tpu.memref_slice %arg7[%run_scoped3A_757, %dma_wait3A_1151] : memref<40x128xi32, #tpu.memory_space<vmem>> -> memref<1x128xi32, #tpu.memory_space<vmem>>
        %dma_wait3A_1153 = tpu.memref_squeeze %dma_wait3A_1152 : memref<1x128xi32, #tpu.memory_space<vmem>> -> memref<128xi32, #tpu.memory_space<vmem>>
        %dma_wait3A_1154 = arith.constant 0 : i32
        %dma_wait3A_1155 = arith.constant 0 : i32
        %dma_wait3A_1156 = tpu.memref_slice %arg9[%dma_wait3A_1154, %dma_wait3A_1155] : memref<10240x128xf32, #tpu.memory_space<vmem_shared>> -> memref<10240x128xf32, #tpu.memory_space<vmem_shared>>
        tpu.wait_indirect_dma semaphore(%run_scoped3A_1136 : memref<!tpu.dma_semaphore, #tpu.memory_space<semaphore_mem>>) src(%dma_wait3A_1150 : memref<128x128xf32, #tpu.memory_space<vmem>>) dst(%dma_wait3A_1156 : memref<10240x128xf32, #tpu.memory_space<vmem_shared>>)
        tpu.yield
      }) : () -> ()
      %dma_start3A_758 = arith.constant 26 : i32
      %dma_start3A_759 = arith.constant 0 : i32
      %dma_start3A_760 = arith.constant 0 : i32
      %dma_start3A_761 = arith.constant 0 : i32
      %dma_start3A_762 = tpu.memref_slice %arg8[%dma_start3A_759, %dma_start3A_760, %dma_start3A_761] : memref<2x128x128xf32, #tpu.memory_space<vmem>> -> memref<1x128x128xf32, #tpu.memory_space<vmem>>
      %dma_start3A_763 = tpu.memref_squeeze %dma_start3A_762 : memref<1x128x128xf32, #tpu.memory_space<vmem>> -> memref<128x128xf32, #tpu.memory_space<vmem>>
      %dma_start3A_764 = arith.constant 0 : i32
      %dma_start3A_765 = tpu.memref_slice %arg6[%dma_start3A_758, %dma_start3A_764] : memref<40x128xi32, #tpu.memory_space<vmem>> -> memref<1x128xi32, #tpu.memory_space<vmem>>
      %dma_start3A_766 = tpu.memref_squeeze %dma_start3A_765 : memref<1x128xi32, #tpu.memory_space<vmem>> -> memref<128xi32, #tpu.memory_space<vmem>>
      %dma_start3A_767 = arith.constant 0 : i32
      %dma_start3A_768 = arith.constant 0 : i32
      %dma_start3A_769 = tpu.memref_slice %arg2[%dma_start3A_767, %dma_start3A_768] : memref<10240x128xf32, #tpu.memory_space<hbm>> -> memref<10240x128xf32, #tpu.memory_space<hbm>>
      tpu.enqueue_indirect_dma source(%dma_start3A_769 : memref<10240x128xf32, #tpu.memory_space<hbm>>) target(%dma_start3A_763 : memref<128x128xf32, #tpu.memory_space<vmem>>) offsets(%dma_start3A_766 : memref<128xi32, #tpu.memory_space<vmem>>) semaphore(%arg10 : memref<!tpu.dma_semaphore, #tpu.memory_space<semaphore_mem>>)
      %dma_wait3A_770 = arith.constant 25 : i32
      %dma_wait3A_771 = arith.constant 1 : i32
      %dma_wait3A_772 = arith.constant 0 : i32
      %dma_wait3A_773 = arith.constant 0 : i32
      %dma_wait3A_774 = tpu.memref_slice %arg8[%dma_wait3A_771, %dma_wait3A_772, %dma_wait3A_773] : memref<2x128x128xf32, #tpu.memory_space<vmem>> -> memref<1x128x128xf32, #tpu.memory_space<vmem>>
      %dma_wait3A_775 = tpu.memref_squeeze %dma_wait3A_774 : memref<1x128x128xf32, #tpu.memory_space<vmem>> -> memref<128x128xf32, #tpu.memory_space<vmem>>
      %dma_wait3A_776 = arith.constant 0 : i32
      %dma_wait3A_777 = tpu.memref_slice %arg6[%dma_wait3A_770, %dma_wait3A_776] : memref<40x128xi32, #tpu.memory_space<vmem>> -> memref<1x128xi32, #tpu.memory_space<vmem>>
      %dma_wait3A_778 = tpu.memref_squeeze %dma_wait3A_777 : memref<1x128xi32, #tpu.memory_space<vmem>> -> memref<128xi32, #tpu.memory_space<vmem>>
      %dma_wait3A_779 = arith.constant 0 : i32
      %dma_wait3A_780 = arith.constant 0 : i32
      %dma_wait3A_781 = tpu.memref_slice %arg2[%dma_wait3A_779, %dma_wait3A_780] : memref<10240x128xf32, #tpu.memory_space<hbm>> -> memref<10240x128xf32, #tpu.memory_space<hbm>>
      tpu.wait_indirect_dma semaphore(%arg11 : memref<!tpu.dma_semaphore, #tpu.memory_space<semaphore_mem>>) src(%dma_wait3A_781 : memref<10240x128xf32, #tpu.memory_space<hbm>>) dst(%dma_wait3A_775 : memref<128x128xf32, #tpu.memory_space<vmem>>)
      %run_scoped3A_782 = arith.constant 1 : i32
      %run_scoped3A_783 = arith.constant 25 : i32
      "tpu.region"() ({
        %run_scoped3A_1136 = tpu.sem_alloc : memref<!tpu.dma_semaphore, #tpu.memory_space<semaphore_mem>>
        %dma_start3A_1137 = arith.constant 0 : i32
        %dma_start3A_1138 = arith.constant 0 : i32
        %dma_start3A_1139 = tpu.memref_slice %arg8[%run_scoped3A_782, %dma_start3A_1137, %dma_start3A_1138] : memref<2x128x128xf32, #tpu.memory_space<vmem>> -> memref<1x128x128xf32, #tpu.memory_space<vmem>>
        %dma_start3A_1140 = tpu.memref_squeeze %dma_start3A_1139 : memref<1x128x128xf32, #tpu.memory_space<vmem>> -> memref<128x128xf32, #tpu.memory_space<vmem>>
        %dma_start3A_1141 = arith.constant 0 : i32
        %dma_start3A_1142 = tpu.memref_slice %arg7[%run_scoped3A_783, %dma_start3A_1141] : memref<40x128xi32, #tpu.memory_space<vmem>> -> memref<1x128xi32, #tpu.memory_space<vmem>>
        %dma_start3A_1143 = tpu.memref_squeeze %dma_start3A_1142 : memref<1x128xi32, #tpu.memory_space<vmem>> -> memref<128xi32, #tpu.memory_space<vmem>>
        %dma_start3A_1144 = arith.constant 0 : i32
        %dma_start3A_1145 = arith.constant 0 : i32
        %dma_start3A_1146 = tpu.memref_slice %arg9[%dma_start3A_1144, %dma_start3A_1145] : memref<10240x128xf32, #tpu.memory_space<vmem_shared>> -> memref<10240x128xf32, #tpu.memory_space<vmem_shared>>
        tpu.enqueue_indirect_dma source(%dma_start3A_1140 : memref<128x128xf32, #tpu.memory_space<vmem>>) target(%dma_start3A_1146 : memref<10240x128xf32, #tpu.memory_space<vmem_shared>>) offsets(%dma_start3A_1143 : memref<128xi32, #tpu.memory_space<vmem>>) semaphore(%run_scoped3A_1136 : memref<!tpu.dma_semaphore, #tpu.memory_space<semaphore_mem>>) {add = true}
        %dma_wait3A_1147 = arith.constant 0 : i32
        %dma_wait3A_1148 = arith.constant 0 : i32
        %dma_wait3A_1149 = tpu.memref_slice %arg8[%run_scoped3A_782, %dma_wait3A_1147, %dma_wait3A_1148] : memref<2x128x128xf32, #tpu.memory_space<vmem>> -> memref<1x128x128xf32, #tpu.memory_space<vmem>>
        %dma_wait3A_1150 = tpu.memref_squeeze %dma_wait3A_1149 : memref<1x128x128xf32, #tpu.memory_space<vmem>> -> memref<128x128xf32, #tpu.memory_space<vmem>>
        %dma_wait3A_1151 = arith.constant 0 : i32
        %dma_wait3A_1152 = tpu.memref_slice %arg7[%run_scoped3A_783, %dma_wait3A_1151] : memref<40x128xi32, #tpu.memory_space<vmem>> -> memref<1x128xi32, #tpu.memory_space<vmem>>
        %dma_wait3A_1153 = tpu.memref_squeeze %dma_wait3A_1152 : memref<1x128xi32, #tpu.memory_space<vmem>> -> memref<128xi32, #tpu.memory_space<vmem>>
        %dma_wait3A_1154 = arith.constant 0 : i32
        %dma_wait3A_1155 = arith.constant 0 : i32
        %dma_wait3A_1156 = tpu.memref_slice %arg9[%dma_wait3A_1154, %dma_wait3A_1155] : memref<10240x128xf32, #tpu.memory_space<vmem_shared>> -> memref<10240x128xf32, #tpu.memory_space<vmem_shared>>
        tpu.wait_indirect_dma semaphore(%run_scoped3A_1136 : memref<!tpu.dma_semaphore, #tpu.memory_space<semaphore_mem>>) src(%dma_wait3A_1150 : memref<128x128xf32, #tpu.memory_space<vmem>>) dst(%dma_wait3A_1156 : memref<10240x128xf32, #tpu.memory_space<vmem_shared>>)
        tpu.yield
      }) : () -> ()
      %dma_start3A_784 = arith.constant 27 : i32
      %dma_start3A_785 = arith.constant 1 : i32
      %dma_start3A_786 = arith.constant 0 : i32
      %dma_start3A_787 = arith.constant 0 : i32
      %dma_start3A_788 = tpu.memref_slice %arg8[%dma_start3A_785, %dma_start3A_786, %dma_start3A_787] : memref<2x128x128xf32, #tpu.memory_space<vmem>> -> memref<1x128x128xf32, #tpu.memory_space<vmem>>
      %dma_start3A_789 = tpu.memref_squeeze %dma_start3A_788 : memref<1x128x128xf32, #tpu.memory_space<vmem>> -> memref<128x128xf32, #tpu.memory_space<vmem>>
      %dma_start3A_790 = arith.constant 0 : i32
      %dma_start3A_791 = tpu.memref_slice %arg6[%dma_start3A_784, %dma_start3A_790] : memref<40x128xi32, #tpu.memory_space<vmem>> -> memref<1x128xi32, #tpu.memory_space<vmem>>
      %dma_start3A_792 = tpu.memref_squeeze %dma_start3A_791 : memref<1x128xi32, #tpu.memory_space<vmem>> -> memref<128xi32, #tpu.memory_space<vmem>>
      %dma_start3A_793 = arith.constant 0 : i32
      %dma_start3A_794 = arith.constant 0 : i32
      %dma_start3A_795 = tpu.memref_slice %arg2[%dma_start3A_793, %dma_start3A_794] : memref<10240x128xf32, #tpu.memory_space<hbm>> -> memref<10240x128xf32, #tpu.memory_space<hbm>>
      tpu.enqueue_indirect_dma source(%dma_start3A_795 : memref<10240x128xf32, #tpu.memory_space<hbm>>) target(%dma_start3A_789 : memref<128x128xf32, #tpu.memory_space<vmem>>) offsets(%dma_start3A_792 : memref<128xi32, #tpu.memory_space<vmem>>) semaphore(%arg11 : memref<!tpu.dma_semaphore, #tpu.memory_space<semaphore_mem>>)
      %dma_wait3A_796 = arith.constant 26 : i32
      %dma_wait3A_797 = arith.constant 0 : i32
      %dma_wait3A_798 = arith.constant 0 : i32
      %dma_wait3A_799 = arith.constant 0 : i32
      %dma_wait3A_800 = tpu.memref_slice %arg8[%dma_wait3A_797, %dma_wait3A_798, %dma_wait3A_799] : memref<2x128x128xf32, #tpu.memory_space<vmem>> -> memref<1x128x128xf32, #tpu.memory_space<vmem>>
      %dma_wait3A_801 = tpu.memref_squeeze %dma_wait3A_800 : memref<1x128x128xf32, #tpu.memory_space<vmem>> -> memref<128x128xf32, #tpu.memory_space<vmem>>
      %dma_wait3A_802 = arith.constant 0 : i32
      %dma_wait3A_803 = tpu.memref_slice %arg6[%dma_wait3A_796, %dma_wait3A_802] : memref<40x128xi32, #tpu.memory_space<vmem>> -> memref<1x128xi32, #tpu.memory_space<vmem>>
      %dma_wait3A_804 = tpu.memref_squeeze %dma_wait3A_803 : memref<1x128xi32, #tpu.memory_space<vmem>> -> memref<128xi32, #tpu.memory_space<vmem>>
      %dma_wait3A_805 = arith.constant 0 : i32
      %dma_wait3A_806 = arith.constant 0 : i32
      %dma_wait3A_807 = tpu.memref_slice %arg2[%dma_wait3A_805, %dma_wait3A_806] : memref<10240x128xf32, #tpu.memory_space<hbm>> -> memref<10240x128xf32, #tpu.memory_space<hbm>>
      tpu.wait_indirect_dma semaphore(%arg10 : memref<!tpu.dma_semaphore, #tpu.memory_space<semaphore_mem>>) src(%dma_wait3A_807 : memref<10240x128xf32, #tpu.memory_space<hbm>>) dst(%dma_wait3A_801 : memref<128x128xf32, #tpu.memory_space<vmem>>)
      %run_scoped3A_808 = arith.constant 0 : i32
      %run_scoped3A_809 = arith.constant 26 : i32
      "tpu.region"() ({
        %run_scoped3A_1136 = tpu.sem_alloc : memref<!tpu.dma_semaphore, #tpu.memory_space<semaphore_mem>>
        %dma_start3A_1137 = arith.constant 0 : i32
        %dma_start3A_1138 = arith.constant 0 : i32
        %dma_start3A_1139 = tpu.memref_slice %arg8[%run_scoped3A_808, %dma_start3A_1137, %dma_start3A_1138] : memref<2x128x128xf32, #tpu.memory_space<vmem>> -> memref<1x128x128xf32, #tpu.memory_space<vmem>>
        %dma_start3A_1140 = tpu.memref_squeeze %dma_start3A_1139 : memref<1x128x128xf32, #tpu.memory_space<vmem>> -> memref<128x128xf32, #tpu.memory_space<vmem>>
        %dma_start3A_1141 = arith.constant 0 : i32
        %dma_start3A_1142 = tpu.memref_slice %arg7[%run_scoped3A_809, %dma_start3A_1141] : memref<40x128xi32, #tpu.memory_space<vmem>> -> memref<1x128xi32, #tpu.memory_space<vmem>>
        %dma_start3A_1143 = tpu.memref_squeeze %dma_start3A_1142 : memref<1x128xi32, #tpu.memory_space<vmem>> -> memref<128xi32, #tpu.memory_space<vmem>>
        %dma_start3A_1144 = arith.constant 0 : i32
        %dma_start3A_1145 = arith.constant 0 : i32
        %dma_start3A_1146 = tpu.memref_slice %arg9[%dma_start3A_1144, %dma_start3A_1145] : memref<10240x128xf32, #tpu.memory_space<vmem_shared>> -> memref<10240x128xf32, #tpu.memory_space<vmem_shared>>
        tpu.enqueue_indirect_dma source(%dma_start3A_1140 : memref<128x128xf32, #tpu.memory_space<vmem>>) target(%dma_start3A_1146 : memref<10240x128xf32, #tpu.memory_space<vmem_shared>>) offsets(%dma_start3A_1143 : memref<128xi32, #tpu.memory_space<vmem>>) semaphore(%run_scoped3A_1136 : memref<!tpu.dma_semaphore, #tpu.memory_space<semaphore_mem>>) {add = true}
        %dma_wait3A_1147 = arith.constant 0 : i32
        %dma_wait3A_1148 = arith.constant 0 : i32
        %dma_wait3A_1149 = tpu.memref_slice %arg8[%run_scoped3A_808, %dma_wait3A_1147, %dma_wait3A_1148] : memref<2x128x128xf32, #tpu.memory_space<vmem>> -> memref<1x128x128xf32, #tpu.memory_space<vmem>>
        %dma_wait3A_1150 = tpu.memref_squeeze %dma_wait3A_1149 : memref<1x128x128xf32, #tpu.memory_space<vmem>> -> memref<128x128xf32, #tpu.memory_space<vmem>>
        %dma_wait3A_1151 = arith.constant 0 : i32
        %dma_wait3A_1152 = tpu.memref_slice %arg7[%run_scoped3A_809, %dma_wait3A_1151] : memref<40x128xi32, #tpu.memory_space<vmem>> -> memref<1x128xi32, #tpu.memory_space<vmem>>
        %dma_wait3A_1153 = tpu.memref_squeeze %dma_wait3A_1152 : memref<1x128xi32, #tpu.memory_space<vmem>> -> memref<128xi32, #tpu.memory_space<vmem>>
        %dma_wait3A_1154 = arith.constant 0 : i32
        %dma_wait3A_1155 = arith.constant 0 : i32
        %dma_wait3A_1156 = tpu.memref_slice %arg9[%dma_wait3A_1154, %dma_wait3A_1155] : memref<10240x128xf32, #tpu.memory_space<vmem_shared>> -> memref<10240x128xf32, #tpu.memory_space<vmem_shared>>
        tpu.wait_indirect_dma semaphore(%run_scoped3A_1136 : memref<!tpu.dma_semaphore, #tpu.memory_space<semaphore_mem>>) src(%dma_wait3A_1150 : memref<128x128xf32, #tpu.memory_space<vmem>>) dst(%dma_wait3A_1156 : memref<10240x128xf32, #tpu.memory_space<vmem_shared>>)
        tpu.yield
      }) : () -> ()
      %dma_start3A_810 = arith.constant 28 : i32
      %dma_start3A_811 = arith.constant 0 : i32
      %dma_start3A_812 = arith.constant 0 : i32
      %dma_start3A_813 = arith.constant 0 : i32
      %dma_start3A_814 = tpu.memref_slice %arg8[%dma_start3A_811, %dma_start3A_812, %dma_start3A_813] : memref<2x128x128xf32, #tpu.memory_space<vmem>> -> memref<1x128x128xf32, #tpu.memory_space<vmem>>
      %dma_start3A_815 = tpu.memref_squeeze %dma_start3A_814 : memref<1x128x128xf32, #tpu.memory_space<vmem>> -> memref<128x128xf32, #tpu.memory_space<vmem>>
      %dma_start3A_816 = arith.constant 0 : i32
      %dma_start3A_817 = tpu.memref_slice %arg6[%dma_start3A_810, %dma_start3A_816] : memref<40x128xi32, #tpu.memory_space<vmem>> -> memref<1x128xi32, #tpu.memory_space<vmem>>
      %dma_start3A_818 = tpu.memref_squeeze %dma_start3A_817 : memref<1x128xi32, #tpu.memory_space<vmem>> -> memref<128xi32, #tpu.memory_space<vmem>>
      %dma_start3A_819 = arith.constant 0 : i32
      %dma_start3A_820 = arith.constant 0 : i32
      %dma_start3A_821 = tpu.memref_slice %arg2[%dma_start3A_819, %dma_start3A_820] : memref<10240x128xf32, #tpu.memory_space<hbm>> -> memref<10240x128xf32, #tpu.memory_space<hbm>>
      tpu.enqueue_indirect_dma source(%dma_start3A_821 : memref<10240x128xf32, #tpu.memory_space<hbm>>) target(%dma_start3A_815 : memref<128x128xf32, #tpu.memory_space<vmem>>) offsets(%dma_start3A_818 : memref<128xi32, #tpu.memory_space<vmem>>) semaphore(%arg10 : memref<!tpu.dma_semaphore, #tpu.memory_space<semaphore_mem>>)
      %dma_wait3A_822 = arith.constant 27 : i32
      %dma_wait3A_823 = arith.constant 1 : i32
      %dma_wait3A_824 = arith.constant 0 : i32
      %dma_wait3A_825 = arith.constant 0 : i32
      %dma_wait3A_826 = tpu.memref_slice %arg8[%dma_wait3A_823, %dma_wait3A_824, %dma_wait3A_825] : memref<2x128x128xf32, #tpu.memory_space<vmem>> -> memref<1x128x128xf32, #tpu.memory_space<vmem>>
      %dma_wait3A_827 = tpu.memref_squeeze %dma_wait3A_826 : memref<1x128x128xf32, #tpu.memory_space<vmem>> -> memref<128x128xf32, #tpu.memory_space<vmem>>
      %dma_wait3A_828 = arith.constant 0 : i32
      %dma_wait3A_829 = tpu.memref_slice %arg6[%dma_wait3A_822, %dma_wait3A_828] : memref<40x128xi32, #tpu.memory_space<vmem>> -> memref<1x128xi32, #tpu.memory_space<vmem>>
      %dma_wait3A_830 = tpu.memref_squeeze %dma_wait3A_829 : memref<1x128xi32, #tpu.memory_space<vmem>> -> memref<128xi32, #tpu.memory_space<vmem>>
      %dma_wait3A_831 = arith.constant 0 : i32
      %dma_wait3A_832 = arith.constant 0 : i32
      %dma_wait3A_833 = tpu.memref_slice %arg2[%dma_wait3A_831, %dma_wait3A_832] : memref<10240x128xf32, #tpu.memory_space<hbm>> -> memref<10240x128xf32, #tpu.memory_space<hbm>>
      tpu.wait_indirect_dma semaphore(%arg11 : memref<!tpu.dma_semaphore, #tpu.memory_space<semaphore_mem>>) src(%dma_wait3A_833 : memref<10240x128xf32, #tpu.memory_space<hbm>>) dst(%dma_wait3A_827 : memref<128x128xf32, #tpu.memory_space<vmem>>)
      %run_scoped3A_834 = arith.constant 1 : i32
      %run_scoped3A_835 = arith.constant 27 : i32
      "tpu.region"() ({
        %run_scoped3A_1136 = tpu.sem_alloc : memref<!tpu.dma_semaphore, #tpu.memory_space<semaphore_mem>>
        %dma_start3A_1137 = arith.constant 0 : i32
        %dma_start3A_1138 = arith.constant 0 : i32
        %dma_start3A_1139 = tpu.memref_slice %arg8[%run_scoped3A_834, %dma_start3A_1137, %dma_start3A_1138] : memref<2x128x128xf32, #tpu.memory_space<vmem>> -> memref<1x128x128xf32, #tpu.memory_space<vmem>>
        %dma_start3A_1140 = tpu.memref_squeeze %dma_start3A_1139 : memref<1x128x128xf32, #tpu.memory_space<vmem>> -> memref<128x128xf32, #tpu.memory_space<vmem>>
        %dma_start3A_1141 = arith.constant 0 : i32
        %dma_start3A_1142 = tpu.memref_slice %arg7[%run_scoped3A_835, %dma_start3A_1141] : memref<40x128xi32, #tpu.memory_space<vmem>> -> memref<1x128xi32, #tpu.memory_space<vmem>>
        %dma_start3A_1143 = tpu.memref_squeeze %dma_start3A_1142 : memref<1x128xi32, #tpu.memory_space<vmem>> -> memref<128xi32, #tpu.memory_space<vmem>>
        %dma_start3A_1144 = arith.constant 0 : i32
        %dma_start3A_1145 = arith.constant 0 : i32
        %dma_start3A_1146 = tpu.memref_slice %arg9[%dma_start3A_1144, %dma_start3A_1145] : memref<10240x128xf32, #tpu.memory_space<vmem_shared>> -> memref<10240x128xf32, #tpu.memory_space<vmem_shared>>
        tpu.enqueue_indirect_dma source(%dma_start3A_1140 : memref<128x128xf32, #tpu.memory_space<vmem>>) target(%dma_start3A_1146 : memref<10240x128xf32, #tpu.memory_space<vmem_shared>>) offsets(%dma_start3A_1143 : memref<128xi32, #tpu.memory_space<vmem>>) semaphore(%run_scoped3A_1136 : memref<!tpu.dma_semaphore, #tpu.memory_space<semaphore_mem>>) {add = true}
        %dma_wait3A_1147 = arith.constant 0 : i32
        %dma_wait3A_1148 = arith.constant 0 : i32
        %dma_wait3A_1149 = tpu.memref_slice %arg8[%run_scoped3A_834, %dma_wait3A_1147, %dma_wait3A_1148] : memref<2x128x128xf32, #tpu.memory_space<vmem>> -> memref<1x128x128xf32, #tpu.memory_space<vmem>>
        %dma_wait3A_1150 = tpu.memref_squeeze %dma_wait3A_1149 : memref<1x128x128xf32, #tpu.memory_space<vmem>> -> memref<128x128xf32, #tpu.memory_space<vmem>>
        %dma_wait3A_1151 = arith.constant 0 : i32
        %dma_wait3A_1152 = tpu.memref_slice %arg7[%run_scoped3A_835, %dma_wait3A_1151] : memref<40x128xi32, #tpu.memory_space<vmem>> -> memref<1x128xi32, #tpu.memory_space<vmem>>
        %dma_wait3A_1153 = tpu.memref_squeeze %dma_wait3A_1152 : memref<1x128xi32, #tpu.memory_space<vmem>> -> memref<128xi32, #tpu.memory_space<vmem>>
        %dma_wait3A_1154 = arith.constant 0 : i32
        %dma_wait3A_1155 = arith.constant 0 : i32
        %dma_wait3A_1156 = tpu.memref_slice %arg9[%dma_wait3A_1154, %dma_wait3A_1155] : memref<10240x128xf32, #tpu.memory_space<vmem_shared>> -> memref<10240x128xf32, #tpu.memory_space<vmem_shared>>
        tpu.wait_indirect_dma semaphore(%run_scoped3A_1136 : memref<!tpu.dma_semaphore, #tpu.memory_space<semaphore_mem>>) src(%dma_wait3A_1150 : memref<128x128xf32, #tpu.memory_space<vmem>>) dst(%dma_wait3A_1156 : memref<10240x128xf32, #tpu.memory_space<vmem_shared>>)
        tpu.yield
      }) : () -> ()
      %dma_start3A_836 = arith.constant 29 : i32
      %dma_start3A_837 = arith.constant 1 : i32
      %dma_start3A_838 = arith.constant 0 : i32
      %dma_start3A_839 = arith.constant 0 : i32
      %dma_start3A_840 = tpu.memref_slice %arg8[%dma_start3A_837, %dma_start3A_838, %dma_start3A_839] : memref<2x128x128xf32, #tpu.memory_space<vmem>> -> memref<1x128x128xf32, #tpu.memory_space<vmem>>
      %dma_start3A_841 = tpu.memref_squeeze %dma_start3A_840 : memref<1x128x128xf32, #tpu.memory_space<vmem>> -> memref<128x128xf32, #tpu.memory_space<vmem>>
      %dma_start3A_842 = arith.constant 0 : i32
      %dma_start3A_843 = tpu.memref_slice %arg6[%dma_start3A_836, %dma_start3A_842] : memref<40x128xi32, #tpu.memory_space<vmem>> -> memref<1x128xi32, #tpu.memory_space<vmem>>
      %dma_start3A_844 = tpu.memref_squeeze %dma_start3A_843 : memref<1x128xi32, #tpu.memory_space<vmem>> -> memref<128xi32, #tpu.memory_space<vmem>>
      %dma_start3A_845 = arith.constant 0 : i32
      %dma_start3A_846 = arith.constant 0 : i32
      %dma_start3A_847 = tpu.memref_slice %arg2[%dma_start3A_845, %dma_start3A_846] : memref<10240x128xf32, #tpu.memory_space<hbm>> -> memref<10240x128xf32, #tpu.memory_space<hbm>>
      tpu.enqueue_indirect_dma source(%dma_start3A_847 : memref<10240x128xf32, #tpu.memory_space<hbm>>) target(%dma_start3A_841 : memref<128x128xf32, #tpu.memory_space<vmem>>) offsets(%dma_start3A_844 : memref<128xi32, #tpu.memory_space<vmem>>) semaphore(%arg11 : memref<!tpu.dma_semaphore, #tpu.memory_space<semaphore_mem>>)
      %dma_wait3A_848 = arith.constant 28 : i32
      %dma_wait3A_849 = arith.constant 0 : i32
      %dma_wait3A_850 = arith.constant 0 : i32
      %dma_wait3A_851 = arith.constant 0 : i32
      %dma_wait3A_852 = tpu.memref_slice %arg8[%dma_wait3A_849, %dma_wait3A_850, %dma_wait3A_851] : memref<2x128x128xf32, #tpu.memory_space<vmem>> -> memref<1x128x128xf32, #tpu.memory_space<vmem>>
      %dma_wait3A_853 = tpu.memref_squeeze %dma_wait3A_852 : memref<1x128x128xf32, #tpu.memory_space<vmem>> -> memref<128x128xf32, #tpu.memory_space<vmem>>
      %dma_wait3A_854 = arith.constant 0 : i32
      %dma_wait3A_855 = tpu.memref_slice %arg6[%dma_wait3A_848, %dma_wait3A_854] : memref<40x128xi32, #tpu.memory_space<vmem>> -> memref<1x128xi32, #tpu.memory_space<vmem>>
      %dma_wait3A_856 = tpu.memref_squeeze %dma_wait3A_855 : memref<1x128xi32, #tpu.memory_space<vmem>> -> memref<128xi32, #tpu.memory_space<vmem>>
      %dma_wait3A_857 = arith.constant 0 : i32
      %dma_wait3A_858 = arith.constant 0 : i32
      %dma_wait3A_859 = tpu.memref_slice %arg2[%dma_wait3A_857, %dma_wait3A_858] : memref<10240x128xf32, #tpu.memory_space<hbm>> -> memref<10240x128xf32, #tpu.memory_space<hbm>>
      tpu.wait_indirect_dma semaphore(%arg10 : memref<!tpu.dma_semaphore, #tpu.memory_space<semaphore_mem>>) src(%dma_wait3A_859 : memref<10240x128xf32, #tpu.memory_space<hbm>>) dst(%dma_wait3A_853 : memref<128x128xf32, #tpu.memory_space<vmem>>)
      %run_scoped3A_860 = arith.constant 0 : i32
      %run_scoped3A_861 = arith.constant 28 : i32
      "tpu.region"() ({
        %run_scoped3A_1136 = tpu.sem_alloc : memref<!tpu.dma_semaphore, #tpu.memory_space<semaphore_mem>>
        %dma_start3A_1137 = arith.constant 0 : i32
        %dma_start3A_1138 = arith.constant 0 : i32
        %dma_start3A_1139 = tpu.memref_slice %arg8[%run_scoped3A_860, %dma_start3A_1137, %dma_start3A_1138] : memref<2x128x128xf32, #tpu.memory_space<vmem>> -> memref<1x128x128xf32, #tpu.memory_space<vmem>>
        %dma_start3A_1140 = tpu.memref_squeeze %dma_start3A_1139 : memref<1x128x128xf32, #tpu.memory_space<vmem>> -> memref<128x128xf32, #tpu.memory_space<vmem>>
        %dma_start3A_1141 = arith.constant 0 : i32
        %dma_start3A_1142 = tpu.memref_slice %arg7[%run_scoped3A_861, %dma_start3A_1141] : memref<40x128xi32, #tpu.memory_space<vmem>> -> memref<1x128xi32, #tpu.memory_space<vmem>>
        %dma_start3A_1143 = tpu.memref_squeeze %dma_start3A_1142 : memref<1x128xi32, #tpu.memory_space<vmem>> -> memref<128xi32, #tpu.memory_space<vmem>>
        %dma_start3A_1144 = arith.constant 0 : i32
        %dma_start3A_1145 = arith.constant 0 : i32
        %dma_start3A_1146 = tpu.memref_slice %arg9[%dma_start3A_1144, %dma_start3A_1145] : memref<10240x128xf32, #tpu.memory_space<vmem_shared>> -> memref<10240x128xf32, #tpu.memory_space<vmem_shared>>
        tpu.enqueue_indirect_dma source(%dma_start3A_1140 : memref<128x128xf32, #tpu.memory_space<vmem>>) target(%dma_start3A_1146 : memref<10240x128xf32, #tpu.memory_space<vmem_shared>>) offsets(%dma_start3A_1143 : memref<128xi32, #tpu.memory_space<vmem>>) semaphore(%run_scoped3A_1136 : memref<!tpu.dma_semaphore, #tpu.memory_space<semaphore_mem>>) {add = true}
        %dma_wait3A_1147 = arith.constant 0 : i32
        %dma_wait3A_1148 = arith.constant 0 : i32
        %dma_wait3A_1149 = tpu.memref_slice %arg8[%run_scoped3A_860, %dma_wait3A_1147, %dma_wait3A_1148] : memref<2x128x128xf32, #tpu.memory_space<vmem>> -> memref<1x128x128xf32, #tpu.memory_space<vmem>>
        %dma_wait3A_1150 = tpu.memref_squeeze %dma_wait3A_1149 : memref<1x128x128xf32, #tpu.memory_space<vmem>> -> memref<128x128xf32, #tpu.memory_space<vmem>>
        %dma_wait3A_1151 = arith.constant 0 : i32
        %dma_wait3A_1152 = tpu.memref_slice %arg7[%run_scoped3A_861, %dma_wait3A_1151] : memref<40x128xi32, #tpu.memory_space<vmem>> -> memref<1x128xi32, #tpu.memory_space<vmem>>
        %dma_wait3A_1153 = tpu.memref_squeeze %dma_wait3A_1152 : memref<1x128xi32, #tpu.memory_space<vmem>> -> memref<128xi32, #tpu.memory_space<vmem>>
        %dma_wait3A_1154 = arith.constant 0 : i32
        %dma_wait3A_1155 = arith.constant 0 : i32
        %dma_wait3A_1156 = tpu.memref_slice %arg9[%dma_wait3A_1154, %dma_wait3A_1155] : memref<10240x128xf32, #tpu.memory_space<vmem_shared>> -> memref<10240x128xf32, #tpu.memory_space<vmem_shared>>
        tpu.wait_indirect_dma semaphore(%run_scoped3A_1136 : memref<!tpu.dma_semaphore, #tpu.memory_space<semaphore_mem>>) src(%dma_wait3A_1150 : memref<128x128xf32, #tpu.memory_space<vmem>>) dst(%dma_wait3A_1156 : memref<10240x128xf32, #tpu.memory_space<vmem_shared>>)
        tpu.yield
      }) : () -> ()
      %dma_start3A_862 = arith.constant 30 : i32
      %dma_start3A_863 = arith.constant 0 : i32
      %dma_start3A_864 = arith.constant 0 : i32
      %dma_start3A_865 = arith.constant 0 : i32
      %dma_start3A_866 = tpu.memref_slice %arg8[%dma_start3A_863, %dma_start3A_864, %dma_start3A_865] : memref<2x128x128xf32, #tpu.memory_space<vmem>> -> memref<1x128x128xf32, #tpu.memory_space<vmem>>
      %dma_start3A_867 = tpu.memref_squeeze %dma_start3A_866 : memref<1x128x128xf32, #tpu.memory_space<vmem>> -> memref<128x128xf32, #tpu.memory_space<vmem>>
      %dma_start3A_868 = arith.constant 0 : i32
      %dma_start3A_869 = tpu.memref_slice %arg6[%dma_start3A_862, %dma_start3A_868] : memref<40x128xi32, #tpu.memory_space<vmem>> -> memref<1x128xi32, #tpu.memory_space<vmem>>
      %dma_start3A_870 = tpu.memref_squeeze %dma_start3A_869 : memref<1x128xi32, #tpu.memory_space<vmem>> -> memref<128xi32, #tpu.memory_space<vmem>>
      %dma_start3A_871 = arith.constant 0 : i32
      %dma_start3A_872 = arith.constant 0 : i32
      %dma_start3A_873 = tpu.memref_slice %arg2[%dma_start3A_871, %dma_start3A_872] : memref<10240x128xf32, #tpu.memory_space<hbm>> -> memref<10240x128xf32, #tpu.memory_space<hbm>>
      tpu.enqueue_indirect_dma source(%dma_start3A_873 : memref<10240x128xf32, #tpu.memory_space<hbm>>) target(%dma_start3A_867 : memref<128x128xf32, #tpu.memory_space<vmem>>) offsets(%dma_start3A_870 : memref<128xi32, #tpu.memory_space<vmem>>) semaphore(%arg10 : memref<!tpu.dma_semaphore, #tpu.memory_space<semaphore_mem>>)
      %dma_wait3A_874 = arith.constant 29 : i32
      %dma_wait3A_875 = arith.constant 1 : i32
      %dma_wait3A_876 = arith.constant 0 : i32
      %dma_wait3A_877 = arith.constant 0 : i32
      %dma_wait3A_878 = tpu.memref_slice %arg8[%dma_wait3A_875, %dma_wait3A_876, %dma_wait3A_877] : memref<2x128x128xf32, #tpu.memory_space<vmem>> -> memref<1x128x128xf32, #tpu.memory_space<vmem>>
      %dma_wait3A_879 = tpu.memref_squeeze %dma_wait3A_878 : memref<1x128x128xf32, #tpu.memory_space<vmem>> -> memref<128x128xf32, #tpu.memory_space<vmem>>
      %dma_wait3A_880 = arith.constant 0 : i32
      %dma_wait3A_881 = tpu.memref_slice %arg6[%dma_wait3A_874, %dma_wait3A_880] : memref<40x128xi32, #tpu.memory_space<vmem>> -> memref<1x128xi32, #tpu.memory_space<vmem>>
      %dma_wait3A_882 = tpu.memref_squeeze %dma_wait3A_881 : memref<1x128xi32, #tpu.memory_space<vmem>> -> memref<128xi32, #tpu.memory_space<vmem>>
      %dma_wait3A_883 = arith.constant 0 : i32
      %dma_wait3A_884 = arith.constant 0 : i32
      %dma_wait3A_885 = tpu.memref_slice %arg2[%dma_wait3A_883, %dma_wait3A_884] : memref<10240x128xf32, #tpu.memory_space<hbm>> -> memref<10240x128xf32, #tpu.memory_space<hbm>>
      tpu.wait_indirect_dma semaphore(%arg11 : memref<!tpu.dma_semaphore, #tpu.memory_space<semaphore_mem>>) src(%dma_wait3A_885 : memref<10240x128xf32, #tpu.memory_space<hbm>>) dst(%dma_wait3A_879 : memref<128x128xf32, #tpu.memory_space<vmem>>)
      %run_scoped3A_886 = arith.constant 1 : i32
      %run_scoped3A_887 = arith.constant 29 : i32
      "tpu.region"() ({
        %run_scoped3A_1136 = tpu.sem_alloc : memref<!tpu.dma_semaphore, #tpu.memory_space<semaphore_mem>>
        %dma_start3A_1137 = arith.constant 0 : i32
        %dma_start3A_1138 = arith.constant 0 : i32
        %dma_start3A_1139 = tpu.memref_slice %arg8[%run_scoped3A_886, %dma_start3A_1137, %dma_start3A_1138] : memref<2x128x128xf32, #tpu.memory_space<vmem>> -> memref<1x128x128xf32, #tpu.memory_space<vmem>>
        %dma_start3A_1140 = tpu.memref_squeeze %dma_start3A_1139 : memref<1x128x128xf32, #tpu.memory_space<vmem>> -> memref<128x128xf32, #tpu.memory_space<vmem>>
        %dma_start3A_1141 = arith.constant 0 : i32
        %dma_start3A_1142 = tpu.memref_slice %arg7[%run_scoped3A_887, %dma_start3A_1141] : memref<40x128xi32, #tpu.memory_space<vmem>> -> memref<1x128xi32, #tpu.memory_space<vmem>>
        %dma_start3A_1143 = tpu.memref_squeeze %dma_start3A_1142 : memref<1x128xi32, #tpu.memory_space<vmem>> -> memref<128xi32, #tpu.memory_space<vmem>>
        %dma_start3A_1144 = arith.constant 0 : i32
        %dma_start3A_1145 = arith.constant 0 : i32
        %dma_start3A_1146 = tpu.memref_slice %arg9[%dma_start3A_1144, %dma_start3A_1145] : memref<10240x128xf32, #tpu.memory_space<vmem_shared>> -> memref<10240x128xf32, #tpu.memory_space<vmem_shared>>
        tpu.enqueue_indirect_dma source(%dma_start3A_1140 : memref<128x128xf32, #tpu.memory_space<vmem>>) target(%dma_start3A_1146 : memref<10240x128xf32, #tpu.memory_space<vmem_shared>>) offsets(%dma_start3A_1143 : memref<128xi32, #tpu.memory_space<vmem>>) semaphore(%run_scoped3A_1136 : memref<!tpu.dma_semaphore, #tpu.memory_space<semaphore_mem>>) {add = true}
        %dma_wait3A_1147 = arith.constant 0 : i32
        %dma_wait3A_1148 = arith.constant 0 : i32
        %dma_wait3A_1149 = tpu.memref_slice %arg8[%run_scoped3A_886, %dma_wait3A_1147, %dma_wait3A_1148] : memref<2x128x128xf32, #tpu.memory_space<vmem>> -> memref<1x128x128xf32, #tpu.memory_space<vmem>>
        %dma_wait3A_1150 = tpu.memref_squeeze %dma_wait3A_1149 : memref<1x128x128xf32, #tpu.memory_space<vmem>> -> memref<128x128xf32, #tpu.memory_space<vmem>>
        %dma_wait3A_1151 = arith.constant 0 : i32
        %dma_wait3A_1152 = tpu.memref_slice %arg7[%run_scoped3A_887, %dma_wait3A_1151] : memref<40x128xi32, #tpu.memory_space<vmem>> -> memref<1x128xi32, #tpu.memory_space<vmem>>
        %dma_wait3A_1153 = tpu.memref_squeeze %dma_wait3A_1152 : memref<1x128xi32, #tpu.memory_space<vmem>> -> memref<128xi32, #tpu.memory_space<vmem>>
        %dma_wait3A_1154 = arith.constant 0 : i32
        %dma_wait3A_1155 = arith.constant 0 : i32
        %dma_wait3A_1156 = tpu.memref_slice %arg9[%dma_wait3A_1154, %dma_wait3A_1155] : memref<10240x128xf32, #tpu.memory_space<vmem_shared>> -> memref<10240x128xf32, #tpu.memory_space<vmem_shared>>
        tpu.wait_indirect_dma semaphore(%run_scoped3A_1136 : memref<!tpu.dma_semaphore, #tpu.memory_space<semaphore_mem>>) src(%dma_wait3A_1150 : memref<128x128xf32, #tpu.memory_space<vmem>>) dst(%dma_wait3A_1156 : memref<10240x128xf32, #tpu.memory_space<vmem_shared>>)
        tpu.yield
      }) : () -> ()
      %dma_start3A_888 = arith.constant 31 : i32
      %dma_start3A_889 = arith.constant 1 : i32
      %dma_start3A_890 = arith.constant 0 : i32
      %dma_start3A_891 = arith.constant 0 : i32
      %dma_start3A_892 = tpu.memref_slice %arg8[%dma_start3A_889, %dma_start3A_890, %dma_start3A_891] : memref<2x128x128xf32, #tpu.memory_space<vmem>> -> memref<1x128x128xf32, #tpu.memory_space<vmem>>
      %dma_start3A_893 = tpu.memref_squeeze %dma_start3A_892 : memref<1x128x128xf32, #tpu.memory_space<vmem>> -> memref<128x128xf32, #tpu.memory_space<vmem>>
      %dma_start3A_894 = arith.constant 0 : i32
      %dma_start3A_895 = tpu.memref_slice %arg6[%dma_start3A_888, %dma_start3A_894] : memref<40x128xi32, #tpu.memory_space<vmem>> -> memref<1x128xi32, #tpu.memory_space<vmem>>
      %dma_start3A_896 = tpu.memref_squeeze %dma_start3A_895 : memref<1x128xi32, #tpu.memory_space<vmem>> -> memref<128xi32, #tpu.memory_space<vmem>>
      %dma_start3A_897 = arith.constant 0 : i32
      %dma_start3A_898 = arith.constant 0 : i32
      %dma_start3A_899 = tpu.memref_slice %arg2[%dma_start3A_897, %dma_start3A_898] : memref<10240x128xf32, #tpu.memory_space<hbm>> -> memref<10240x128xf32, #tpu.memory_space<hbm>>
      tpu.enqueue_indirect_dma source(%dma_start3A_899 : memref<10240x128xf32, #tpu.memory_space<hbm>>) target(%dma_start3A_893 : memref<128x128xf32, #tpu.memory_space<vmem>>) offsets(%dma_start3A_896 : memref<128xi32, #tpu.memory_space<vmem>>) semaphore(%arg11 : memref<!tpu.dma_semaphore, #tpu.memory_space<semaphore_mem>>)
      %dma_wait3A_900 = arith.constant 30 : i32
      %dma_wait3A_901 = arith.constant 0 : i32
      %dma_wait3A_902 = arith.constant 0 : i32
      %dma_wait3A_903 = arith.constant 0 : i32
      %dma_wait3A_904 = tpu.memref_slice %arg8[%dma_wait3A_901, %dma_wait3A_902, %dma_wait3A_903] : memref<2x128x128xf32, #tpu.memory_space<vmem>> -> memref<1x128x128xf32, #tpu.memory_space<vmem>>
      %dma_wait3A_905 = tpu.memref_squeeze %dma_wait3A_904 : memref<1x128x128xf32, #tpu.memory_space<vmem>> -> memref<128x128xf32, #tpu.memory_space<vmem>>
      %dma_wait3A_906 = arith.constant 0 : i32
      %dma_wait3A_907 = tpu.memref_slice %arg6[%dma_wait3A_900, %dma_wait3A_906] : memref<40x128xi32, #tpu.memory_space<vmem>> -> memref<1x128xi32, #tpu.memory_space<vmem>>
      %dma_wait3A_908 = tpu.memref_squeeze %dma_wait3A_907 : memref<1x128xi32, #tpu.memory_space<vmem>> -> memref<128xi32, #tpu.memory_space<vmem>>
      %dma_wait3A_909 = arith.constant 0 : i32
      %dma_wait3A_910 = arith.constant 0 : i32
      %dma_wait3A_911 = tpu.memref_slice %arg2[%dma_wait3A_909, %dma_wait3A_910] : memref<10240x128xf32, #tpu.memory_space<hbm>> -> memref<10240x128xf32, #tpu.memory_space<hbm>>
      tpu.wait_indirect_dma semaphore(%arg10 : memref<!tpu.dma_semaphore, #tpu.memory_space<semaphore_mem>>) src(%dma_wait3A_911 : memref<10240x128xf32, #tpu.memory_space<hbm>>) dst(%dma_wait3A_905 : memref<128x128xf32, #tpu.memory_space<vmem>>)
      %run_scoped3A_912 = arith.constant 0 : i32
      %run_scoped3A_913 = arith.constant 30 : i32
      "tpu.region"() ({
        %run_scoped3A_1136 = tpu.sem_alloc : memref<!tpu.dma_semaphore, #tpu.memory_space<semaphore_mem>>
        %dma_start3A_1137 = arith.constant 0 : i32
        %dma_start3A_1138 = arith.constant 0 : i32
        %dma_start3A_1139 = tpu.memref_slice %arg8[%run_scoped3A_912, %dma_start3A_1137, %dma_start3A_1138] : memref<2x128x128xf32, #tpu.memory_space<vmem>> -> memref<1x128x128xf32, #tpu.memory_space<vmem>>
        %dma_start3A_1140 = tpu.memref_squeeze %dma_start3A_1139 : memref<1x128x128xf32, #tpu.memory_space<vmem>> -> memref<128x128xf32, #tpu.memory_space<vmem>>
        %dma_start3A_1141 = arith.constant 0 : i32
        %dma_start3A_1142 = tpu.memref_slice %arg7[%run_scoped3A_913, %dma_start3A_1141] : memref<40x128xi32, #tpu.memory_space<vmem>> -> memref<1x128xi32, #tpu.memory_space<vmem>>
        %dma_start3A_1143 = tpu.memref_squeeze %dma_start3A_1142 : memref<1x128xi32, #tpu.memory_space<vmem>> -> memref<128xi32, #tpu.memory_space<vmem>>
        %dma_start3A_1144 = arith.constant 0 : i32
        %dma_start3A_1145 = arith.constant 0 : i32
        %dma_start3A_1146 = tpu.memref_slice %arg9[%dma_start3A_1144, %dma_start3A_1145] : memref<10240x128xf32, #tpu.memory_space<vmem_shared>> -> memref<10240x128xf32, #tpu.memory_space<vmem_shared>>
        tpu.enqueue_indirect_dma source(%dma_start3A_1140 : memref<128x128xf32, #tpu.memory_space<vmem>>) target(%dma_start3A_1146 : memref<10240x128xf32, #tpu.memory_space<vmem_shared>>) offsets(%dma_start3A_1143 : memref<128xi32, #tpu.memory_space<vmem>>) semaphore(%run_scoped3A_1136 : memref<!tpu.dma_semaphore, #tpu.memory_space<semaphore_mem>>) {add = true}
        %dma_wait3A_1147 = arith.constant 0 : i32
        %dma_wait3A_1148 = arith.constant 0 : i32
        %dma_wait3A_1149 = tpu.memref_slice %arg8[%run_scoped3A_912, %dma_wait3A_1147, %dma_wait3A_1148] : memref<2x128x128xf32, #tpu.memory_space<vmem>> -> memref<1x128x128xf32, #tpu.memory_space<vmem>>
        %dma_wait3A_1150 = tpu.memref_squeeze %dma_wait3A_1149 : memref<1x128x128xf32, #tpu.memory_space<vmem>> -> memref<128x128xf32, #tpu.memory_space<vmem>>
        %dma_wait3A_1151 = arith.constant 0 : i32
        %dma_wait3A_1152 = tpu.memref_slice %arg7[%run_scoped3A_913, %dma_wait3A_1151] : memref<40x128xi32, #tpu.memory_space<vmem>> -> memref<1x128xi32, #tpu.memory_space<vmem>>
        %dma_wait3A_1153 = tpu.memref_squeeze %dma_wait3A_1152 : memref<1x128xi32, #tpu.memory_space<vmem>> -> memref<128xi32, #tpu.memory_space<vmem>>
        %dma_wait3A_1154 = arith.constant 0 : i32
        %dma_wait3A_1155 = arith.constant 0 : i32
        %dma_wait3A_1156 = tpu.memref_slice %arg9[%dma_wait3A_1154, %dma_wait3A_1155] : memref<10240x128xf32, #tpu.memory_space<vmem_shared>> -> memref<10240x128xf32, #tpu.memory_space<vmem_shared>>
        tpu.wait_indirect_dma semaphore(%run_scoped3A_1136 : memref<!tpu.dma_semaphore, #tpu.memory_space<semaphore_mem>>) src(%dma_wait3A_1150 : memref<128x128xf32, #tpu.memory_space<vmem>>) dst(%dma_wait3A_1156 : memref<10240x128xf32, #tpu.memory_space<vmem_shared>>)
        tpu.yield
      }) : () -> ()
      %dma_start3A_914 = arith.constant 32 : i32
      %dma_start3A_915 = arith.constant 0 : i32
      %dma_start3A_916 = arith.constant 0 : i32
      %dma_start3A_917 = arith.constant 0 : i32
      %dma_start3A_918 = tpu.memref_slice %arg8[%dma_start3A_915, %dma_start3A_916, %dma_start3A_917] : memref<2x128x128xf32, #tpu.memory_space<vmem>> -> memref<1x128x128xf32, #tpu.memory_space<vmem>>
      %dma_start3A_919 = tpu.memref_squeeze %dma_start3A_918 : memref<1x128x128xf32, #tpu.memory_space<vmem>> -> memref<128x128xf32, #tpu.memory_space<vmem>>
      %dma_start3A_920 = arith.constant 0 : i32
      %dma_start3A_921 = tpu.memref_slice %arg6[%dma_start3A_914, %dma_start3A_920] : memref<40x128xi32, #tpu.memory_space<vmem>> -> memref<1x128xi32, #tpu.memory_space<vmem>>
      %dma_start3A_922 = tpu.memref_squeeze %dma_start3A_921 : memref<1x128xi32, #tpu.memory_space<vmem>> -> memref<128xi32, #tpu.memory_space<vmem>>
      %dma_start3A_923 = arith.constant 0 : i32
      %dma_start3A_924 = arith.constant 0 : i32
      %dma_start3A_925 = tpu.memref_slice %arg2[%dma_start3A_923, %dma_start3A_924] : memref<10240x128xf32, #tpu.memory_space<hbm>> -> memref<10240x128xf32, #tpu.memory_space<hbm>>
      tpu.enqueue_indirect_dma source(%dma_start3A_925 : memref<10240x128xf32, #tpu.memory_space<hbm>>) target(%dma_start3A_919 : memref<128x128xf32, #tpu.memory_space<vmem>>) offsets(%dma_start3A_922 : memref<128xi32, #tpu.memory_space<vmem>>) semaphore(%arg10 : memref<!tpu.dma_semaphore, #tpu.memory_space<semaphore_mem>>)
      %dma_wait3A_926 = arith.constant 31 : i32
      %dma_wait3A_927 = arith.constant 1 : i32
      %dma_wait3A_928 = arith.constant 0 : i32
      %dma_wait3A_929 = arith.constant 0 : i32
      %dma_wait3A_930 = tpu.memref_slice %arg8[%dma_wait3A_927, %dma_wait3A_928, %dma_wait3A_929] : memref<2x128x128xf32, #tpu.memory_space<vmem>> -> memref<1x128x128xf32, #tpu.memory_space<vmem>>
      %dma_wait3A_931 = tpu.memref_squeeze %dma_wait3A_930 : memref<1x128x128xf32, #tpu.memory_space<vmem>> -> memref<128x128xf32, #tpu.memory_space<vmem>>
      %dma_wait3A_932 = arith.constant 0 : i32
      %dma_wait3A_933 = tpu.memref_slice %arg6[%dma_wait3A_926, %dma_wait3A_932] : memref<40x128xi32, #tpu.memory_space<vmem>> -> memref<1x128xi32, #tpu.memory_space<vmem>>
      %dma_wait3A_934 = tpu.memref_squeeze %dma_wait3A_933 : memref<1x128xi32, #tpu.memory_space<vmem>> -> memref<128xi32, #tpu.memory_space<vmem>>
      %dma_wait3A_935 = arith.constant 0 : i32
      %dma_wait3A_936 = arith.constant 0 : i32
      %dma_wait3A_937 = tpu.memref_slice %arg2[%dma_wait3A_935, %dma_wait3A_936] : memref<10240x128xf32, #tpu.memory_space<hbm>> -> memref<10240x128xf32, #tpu.memory_space<hbm>>
      tpu.wait_indirect_dma semaphore(%arg11 : memref<!tpu.dma_semaphore, #tpu.memory_space<semaphore_mem>>) src(%dma_wait3A_937 : memref<10240x128xf32, #tpu.memory_space<hbm>>) dst(%dma_wait3A_931 : memref<128x128xf32, #tpu.memory_space<vmem>>)
      %run_scoped3A_938 = arith.constant 1 : i32
      %run_scoped3A_939 = arith.constant 31 : i32
      "tpu.region"() ({
        %run_scoped3A_1136 = tpu.sem_alloc : memref<!tpu.dma_semaphore, #tpu.memory_space<semaphore_mem>>
        %dma_start3A_1137 = arith.constant 0 : i32
        %dma_start3A_1138 = arith.constant 0 : i32
        %dma_start3A_1139 = tpu.memref_slice %arg8[%run_scoped3A_938, %dma_start3A_1137, %dma_start3A_1138] : memref<2x128x128xf32, #tpu.memory_space<vmem>> -> memref<1x128x128xf32, #tpu.memory_space<vmem>>
        %dma_start3A_1140 = tpu.memref_squeeze %dma_start3A_1139 : memref<1x128x128xf32, #tpu.memory_space<vmem>> -> memref<128x128xf32, #tpu.memory_space<vmem>>
        %dma_start3A_1141 = arith.constant 0 : i32
        %dma_start3A_1142 = tpu.memref_slice %arg7[%run_scoped3A_939, %dma_start3A_1141] : memref<40x128xi32, #tpu.memory_space<vmem>> -> memref<1x128xi32, #tpu.memory_space<vmem>>
        %dma_start3A_1143 = tpu.memref_squeeze %dma_start3A_1142 : memref<1x128xi32, #tpu.memory_space<vmem>> -> memref<128xi32, #tpu.memory_space<vmem>>
        %dma_start3A_1144 = arith.constant 0 : i32
        %dma_start3A_1145 = arith.constant 0 : i32
        %dma_start3A_1146 = tpu.memref_slice %arg9[%dma_start3A_1144, %dma_start3A_1145] : memref<10240x128xf32, #tpu.memory_space<vmem_shared>> -> memref<10240x128xf32, #tpu.memory_space<vmem_shared>>
        tpu.enqueue_indirect_dma source(%dma_start3A_1140 : memref<128x128xf32, #tpu.memory_space<vmem>>) target(%dma_start3A_1146 : memref<10240x128xf32, #tpu.memory_space<vmem_shared>>) offsets(%dma_start3A_1143 : memref<128xi32, #tpu.memory_space<vmem>>) semaphore(%run_scoped3A_1136 : memref<!tpu.dma_semaphore, #tpu.memory_space<semaphore_mem>>) {add = true}
        %dma_wait3A_1147 = arith.constant 0 : i32
        %dma_wait3A_1148 = arith.constant 0 : i32
        %dma_wait3A_1149 = tpu.memref_slice %arg8[%run_scoped3A_938, %dma_wait3A_1147, %dma_wait3A_1148] : memref<2x128x128xf32, #tpu.memory_space<vmem>> -> memref<1x128x128xf32, #tpu.memory_space<vmem>>
        %dma_wait3A_1150 = tpu.memref_squeeze %dma_wait3A_1149 : memref<1x128x128xf32, #tpu.memory_space<vmem>> -> memref<128x128xf32, #tpu.memory_space<vmem>>
        %dma_wait3A_1151 = arith.constant 0 : i32
        %dma_wait3A_1152 = tpu.memref_slice %arg7[%run_scoped3A_939, %dma_wait3A_1151] : memref<40x128xi32, #tpu.memory_space<vmem>> -> memref<1x128xi32, #tpu.memory_space<vmem>>
        %dma_wait3A_1153 = tpu.memref_squeeze %dma_wait3A_1152 : memref<1x128xi32, #tpu.memory_space<vmem>> -> memref<128xi32, #tpu.memory_space<vmem>>
        %dma_wait3A_1154 = arith.constant 0 : i32
        %dma_wait3A_1155 = arith.constant 0 : i32
        %dma_wait3A_1156 = tpu.memref_slice %arg9[%dma_wait3A_1154, %dma_wait3A_1155] : memref<10240x128xf32, #tpu.memory_space<vmem_shared>> -> memref<10240x128xf32, #tpu.memory_space<vmem_shared>>
        tpu.wait_indirect_dma semaphore(%run_scoped3A_1136 : memref<!tpu.dma_semaphore, #tpu.memory_space<semaphore_mem>>) src(%dma_wait3A_1150 : memref<128x128xf32, #tpu.memory_space<vmem>>) dst(%dma_wait3A_1156 : memref<10240x128xf32, #tpu.memory_space<vmem_shared>>)
        tpu.yield
      }) : () -> ()
      %dma_start3A_940 = arith.constant 33 : i32
      %dma_start3A_941 = arith.constant 1 : i32
      %dma_start3A_942 = arith.constant 0 : i32
      %dma_start3A_943 = arith.constant 0 : i32
      %dma_start3A_944 = tpu.memref_slice %arg8[%dma_start3A_941, %dma_start3A_942, %dma_start3A_943] : memref<2x128x128xf32, #tpu.memory_space<vmem>> -> memref<1x128x128xf32, #tpu.memory_space<vmem>>
      %dma_start3A_945 = tpu.memref_squeeze %dma_start3A_944 : memref<1x128x128xf32, #tpu.memory_space<vmem>> -> memref<128x128xf32, #tpu.memory_space<vmem>>
      %dma_start3A_946 = arith.constant 0 : i32
      %dma_start3A_947 = tpu.memref_slice %arg6[%dma_start3A_940, %dma_start3A_946] : memref<40x128xi32, #tpu.memory_space<vmem>> -> memref<1x128xi32, #tpu.memory_space<vmem>>
      %dma_start3A_948 = tpu.memref_squeeze %dma_start3A_947 : memref<1x128xi32, #tpu.memory_space<vmem>> -> memref<128xi32, #tpu.memory_space<vmem>>
      %dma_start3A_949 = arith.constant 0 : i32
      %dma_start3A_950 = arith.constant 0 : i32
      %dma_start3A_951 = tpu.memref_slice %arg2[%dma_start3A_949, %dma_start3A_950] : memref<10240x128xf32, #tpu.memory_space<hbm>> -> memref<10240x128xf32, #tpu.memory_space<hbm>>
      tpu.enqueue_indirect_dma source(%dma_start3A_951 : memref<10240x128xf32, #tpu.memory_space<hbm>>) target(%dma_start3A_945 : memref<128x128xf32, #tpu.memory_space<vmem>>) offsets(%dma_start3A_948 : memref<128xi32, #tpu.memory_space<vmem>>) semaphore(%arg11 : memref<!tpu.dma_semaphore, #tpu.memory_space<semaphore_mem>>)
      %dma_wait3A_952 = arith.constant 32 : i32
      %dma_wait3A_953 = arith.constant 0 : i32
      %dma_wait3A_954 = arith.constant 0 : i32
      %dma_wait3A_955 = arith.constant 0 : i32
      %dma_wait3A_956 = tpu.memref_slice %arg8[%dma_wait3A_953, %dma_wait3A_954, %dma_wait3A_955] : memref<2x128x128xf32, #tpu.memory_space<vmem>> -> memref<1x128x128xf32, #tpu.memory_space<vmem>>
      %dma_wait3A_957 = tpu.memref_squeeze %dma_wait3A_956 : memref<1x128x128xf32, #tpu.memory_space<vmem>> -> memref<128x128xf32, #tpu.memory_space<vmem>>
      %dma_wait3A_958 = arith.constant 0 : i32
      %dma_wait3A_959 = tpu.memref_slice %arg6[%dma_wait3A_952, %dma_wait3A_958] : memref<40x128xi32, #tpu.memory_space<vmem>> -> memref<1x128xi32, #tpu.memory_space<vmem>>
      %dma_wait3A_960 = tpu.memref_squeeze %dma_wait3A_959 : memref<1x128xi32, #tpu.memory_space<vmem>> -> memref<128xi32, #tpu.memory_space<vmem>>
      %dma_wait3A_961 = arith.constant 0 : i32
      %dma_wait3A_962 = arith.constant 0 : i32
      %dma_wait3A_963 = tpu.memref_slice %arg2[%dma_wait3A_961, %dma_wait3A_962] : memref<10240x128xf32, #tpu.memory_space<hbm>> -> memref<10240x128xf32, #tpu.memory_space<hbm>>
      tpu.wait_indirect_dma semaphore(%arg10 : memref<!tpu.dma_semaphore, #tpu.memory_space<semaphore_mem>>) src(%dma_wait3A_963 : memref<10240x128xf32, #tpu.memory_space<hbm>>) dst(%dma_wait3A_957 : memref<128x128xf32, #tpu.memory_space<vmem>>)
      %run_scoped3A_964 = arith.constant 0 : i32
      %run_scoped3A_965 = arith.constant 32 : i32
      "tpu.region"() ({
        %run_scoped3A_1136 = tpu.sem_alloc : memref<!tpu.dma_semaphore, #tpu.memory_space<semaphore_mem>>
        %dma_start3A_1137 = arith.constant 0 : i32
        %dma_start3A_1138 = arith.constant 0 : i32
        %dma_start3A_1139 = tpu.memref_slice %arg8[%run_scoped3A_964, %dma_start3A_1137, %dma_start3A_1138] : memref<2x128x128xf32, #tpu.memory_space<vmem>> -> memref<1x128x128xf32, #tpu.memory_space<vmem>>
        %dma_start3A_1140 = tpu.memref_squeeze %dma_start3A_1139 : memref<1x128x128xf32, #tpu.memory_space<vmem>> -> memref<128x128xf32, #tpu.memory_space<vmem>>
        %dma_start3A_1141 = arith.constant 0 : i32
        %dma_start3A_1142 = tpu.memref_slice %arg7[%run_scoped3A_965, %dma_start3A_1141] : memref<40x128xi32, #tpu.memory_space<vmem>> -> memref<1x128xi32, #tpu.memory_space<vmem>>
        %dma_start3A_1143 = tpu.memref_squeeze %dma_start3A_1142 : memref<1x128xi32, #tpu.memory_space<vmem>> -> memref<128xi32, #tpu.memory_space<vmem>>
        %dma_start3A_1144 = arith.constant 0 : i32
        %dma_start3A_1145 = arith.constant 0 : i32
        %dma_start3A_1146 = tpu.memref_slice %arg9[%dma_start3A_1144, %dma_start3A_1145] : memref<10240x128xf32, #tpu.memory_space<vmem_shared>> -> memref<10240x128xf32, #tpu.memory_space<vmem_shared>>
        tpu.enqueue_indirect_dma source(%dma_start3A_1140 : memref<128x128xf32, #tpu.memory_space<vmem>>) target(%dma_start3A_1146 : memref<10240x128xf32, #tpu.memory_space<vmem_shared>>) offsets(%dma_start3A_1143 : memref<128xi32, #tpu.memory_space<vmem>>) semaphore(%run_scoped3A_1136 : memref<!tpu.dma_semaphore, #tpu.memory_space<semaphore_mem>>) {add = true}
        %dma_wait3A_1147 = arith.constant 0 : i32
        %dma_wait3A_1148 = arith.constant 0 : i32
        %dma_wait3A_1149 = tpu.memref_slice %arg8[%run_scoped3A_964, %dma_wait3A_1147, %dma_wait3A_1148] : memref<2x128x128xf32, #tpu.memory_space<vmem>> -> memref<1x128x128xf32, #tpu.memory_space<vmem>>
        %dma_wait3A_1150 = tpu.memref_squeeze %dma_wait3A_1149 : memref<1x128x128xf32, #tpu.memory_space<vmem>> -> memref<128x128xf32, #tpu.memory_space<vmem>>
        %dma_wait3A_1151 = arith.constant 0 : i32
        %dma_wait3A_1152 = tpu.memref_slice %arg7[%run_scoped3A_965, %dma_wait3A_1151] : memref<40x128xi32, #tpu.memory_space<vmem>> -> memref<1x128xi32, #tpu.memory_space<vmem>>
        %dma_wait3A_1153 = tpu.memref_squeeze %dma_wait3A_1152 : memref<1x128xi32, #tpu.memory_space<vmem>> -> memref<128xi32, #tpu.memory_space<vmem>>
        %dma_wait3A_1154 = arith.constant 0 : i32
        %dma_wait3A_1155 = arith.constant 0 : i32
        %dma_wait3A_1156 = tpu.memref_slice %arg9[%dma_wait3A_1154, %dma_wait3A_1155] : memref<10240x128xf32, #tpu.memory_space<vmem_shared>> -> memref<10240x128xf32, #tpu.memory_space<vmem_shared>>
        tpu.wait_indirect_dma semaphore(%run_scoped3A_1136 : memref<!tpu.dma_semaphore, #tpu.memory_space<semaphore_mem>>) src(%dma_wait3A_1150 : memref<128x128xf32, #tpu.memory_space<vmem>>) dst(%dma_wait3A_1156 : memref<10240x128xf32, #tpu.memory_space<vmem_shared>>)
        tpu.yield
      }) : () -> ()
      %dma_start3A_966 = arith.constant 34 : i32
      %dma_start3A_967 = arith.constant 0 : i32
      %dma_start3A_968 = arith.constant 0 : i32
      %dma_start3A_969 = arith.constant 0 : i32
      %dma_start3A_970 = tpu.memref_slice %arg8[%dma_start3A_967, %dma_start3A_968, %dma_start3A_969] : memref<2x128x128xf32, #tpu.memory_space<vmem>> -> memref<1x128x128xf32, #tpu.memory_space<vmem>>
      %dma_start3A_971 = tpu.memref_squeeze %dma_start3A_970 : memref<1x128x128xf32, #tpu.memory_space<vmem>> -> memref<128x128xf32, #tpu.memory_space<vmem>>
      %dma_start3A_972 = arith.constant 0 : i32
      %dma_start3A_973 = tpu.memref_slice %arg6[%dma_start3A_966, %dma_start3A_972] : memref<40x128xi32, #tpu.memory_space<vmem>> -> memref<1x128xi32, #tpu.memory_space<vmem>>
      %dma_start3A_974 = tpu.memref_squeeze %dma_start3A_973 : memref<1x128xi32, #tpu.memory_space<vmem>> -> memref<128xi32, #tpu.memory_space<vmem>>
      %dma_start3A_975 = arith.constant 0 : i32
      %dma_start3A_976 = arith.constant 0 : i32
      %dma_start3A_977 = tpu.memref_slice %arg2[%dma_start3A_975, %dma_start3A_976] : memref<10240x128xf32, #tpu.memory_space<hbm>> -> memref<10240x128xf32, #tpu.memory_space<hbm>>
      tpu.enqueue_indirect_dma source(%dma_start3A_977 : memref<10240x128xf32, #tpu.memory_space<hbm>>) target(%dma_start3A_971 : memref<128x128xf32, #tpu.memory_space<vmem>>) offsets(%dma_start3A_974 : memref<128xi32, #tpu.memory_space<vmem>>) semaphore(%arg10 : memref<!tpu.dma_semaphore, #tpu.memory_space<semaphore_mem>>)
      %dma_wait3A_978 = arith.constant 33 : i32
      %dma_wait3A_979 = arith.constant 1 : i32
      %dma_wait3A_980 = arith.constant 0 : i32
      %dma_wait3A_981 = arith.constant 0 : i32
      %dma_wait3A_982 = tpu.memref_slice %arg8[%dma_wait3A_979, %dma_wait3A_980, %dma_wait3A_981] : memref<2x128x128xf32, #tpu.memory_space<vmem>> -> memref<1x128x128xf32, #tpu.memory_space<vmem>>
      %dma_wait3A_983 = tpu.memref_squeeze %dma_wait3A_982 : memref<1x128x128xf32, #tpu.memory_space<vmem>> -> memref<128x128xf32, #tpu.memory_space<vmem>>
      %dma_wait3A_984 = arith.constant 0 : i32
      %dma_wait3A_985 = tpu.memref_slice %arg6[%dma_wait3A_978, %dma_wait3A_984] : memref<40x128xi32, #tpu.memory_space<vmem>> -> memref<1x128xi32, #tpu.memory_space<vmem>>
      %dma_wait3A_986 = tpu.memref_squeeze %dma_wait3A_985 : memref<1x128xi32, #tpu.memory_space<vmem>> -> memref<128xi32, #tpu.memory_space<vmem>>
      %dma_wait3A_987 = arith.constant 0 : i32
      %dma_wait3A_988 = arith.constant 0 : i32
      %dma_wait3A_989 = tpu.memref_slice %arg2[%dma_wait3A_987, %dma_wait3A_988] : memref<10240x128xf32, #tpu.memory_space<hbm>> -> memref<10240x128xf32, #tpu.memory_space<hbm>>
      tpu.wait_indirect_dma semaphore(%arg11 : memref<!tpu.dma_semaphore, #tpu.memory_space<semaphore_mem>>) src(%dma_wait3A_989 : memref<10240x128xf32, #tpu.memory_space<hbm>>) dst(%dma_wait3A_983 : memref<128x128xf32, #tpu.memory_space<vmem>>)
      %run_scoped3A_990 = arith.constant 1 : i32
      %run_scoped3A_991 = arith.constant 33 : i32
      "tpu.region"() ({
        %run_scoped3A_1136 = tpu.sem_alloc : memref<!tpu.dma_semaphore, #tpu.memory_space<semaphore_mem>>
        %dma_start3A_1137 = arith.constant 0 : i32
        %dma_start3A_1138 = arith.constant 0 : i32
        %dma_start3A_1139 = tpu.memref_slice %arg8[%run_scoped3A_990, %dma_start3A_1137, %dma_start3A_1138] : memref<2x128x128xf32, #tpu.memory_space<vmem>> -> memref<1x128x128xf32, #tpu.memory_space<vmem>>
        %dma_start3A_1140 = tpu.memref_squeeze %dma_start3A_1139 : memref<1x128x128xf32, #tpu.memory_space<vmem>> -> memref<128x128xf32, #tpu.memory_space<vmem>>
        %dma_start3A_1141 = arith.constant 0 : i32
        %dma_start3A_1142 = tpu.memref_slice %arg7[%run_scoped3A_991, %dma_start3A_1141] : memref<40x128xi32, #tpu.memory_space<vmem>> -> memref<1x128xi32, #tpu.memory_space<vmem>>
        %dma_start3A_1143 = tpu.memref_squeeze %dma_start3A_1142 : memref<1x128xi32, #tpu.memory_space<vmem>> -> memref<128xi32, #tpu.memory_space<vmem>>
        %dma_start3A_1144 = arith.constant 0 : i32
        %dma_start3A_1145 = arith.constant 0 : i32
        %dma_start3A_1146 = tpu.memref_slice %arg9[%dma_start3A_1144, %dma_start3A_1145] : memref<10240x128xf32, #tpu.memory_space<vmem_shared>> -> memref<10240x128xf32, #tpu.memory_space<vmem_shared>>
        tpu.enqueue_indirect_dma source(%dma_start3A_1140 : memref<128x128xf32, #tpu.memory_space<vmem>>) target(%dma_start3A_1146 : memref<10240x128xf32, #tpu.memory_space<vmem_shared>>) offsets(%dma_start3A_1143 : memref<128xi32, #tpu.memory_space<vmem>>) semaphore(%run_scoped3A_1136 : memref<!tpu.dma_semaphore, #tpu.memory_space<semaphore_mem>>) {add = true}
        %dma_wait3A_1147 = arith.constant 0 : i32
        %dma_wait3A_1148 = arith.constant 0 : i32
        %dma_wait3A_1149 = tpu.memref_slice %arg8[%run_scoped3A_990, %dma_wait3A_1147, %dma_wait3A_1148] : memref<2x128x128xf32, #tpu.memory_space<vmem>> -> memref<1x128x128xf32, #tpu.memory_space<vmem>>
        %dma_wait3A_1150 = tpu.memref_squeeze %dma_wait3A_1149 : memref<1x128x128xf32, #tpu.memory_space<vmem>> -> memref<128x128xf32, #tpu.memory_space<vmem>>
        %dma_wait3A_1151 = arith.constant 0 : i32
        %dma_wait3A_1152 = tpu.memref_slice %arg7[%run_scoped3A_991, %dma_wait3A_1151] : memref<40x128xi32, #tpu.memory_space<vmem>> -> memref<1x128xi32, #tpu.memory_space<vmem>>
        %dma_wait3A_1153 = tpu.memref_squeeze %dma_wait3A_1152 : memref<1x128xi32, #tpu.memory_space<vmem>> -> memref<128xi32, #tpu.memory_space<vmem>>
        %dma_wait3A_1154 = arith.constant 0 : i32
        %dma_wait3A_1155 = arith.constant 0 : i32
        %dma_wait3A_1156 = tpu.memref_slice %arg9[%dma_wait3A_1154, %dma_wait3A_1155] : memref<10240x128xf32, #tpu.memory_space<vmem_shared>> -> memref<10240x128xf32, #tpu.memory_space<vmem_shared>>
        tpu.wait_indirect_dma semaphore(%run_scoped3A_1136 : memref<!tpu.dma_semaphore, #tpu.memory_space<semaphore_mem>>) src(%dma_wait3A_1150 : memref<128x128xf32, #tpu.memory_space<vmem>>) dst(%dma_wait3A_1156 : memref<10240x128xf32, #tpu.memory_space<vmem_shared>>)
        tpu.yield
      }) : () -> ()
      %dma_start3A_992 = arith.constant 35 : i32
      %dma_start3A_993 = arith.constant 1 : i32
      %dma_start3A_994 = arith.constant 0 : i32
      %dma_start3A_995 = arith.constant 0 : i32
      %dma_start3A_996 = tpu.memref_slice %arg8[%dma_start3A_993, %dma_start3A_994, %dma_start3A_995] : memref<2x128x128xf32, #tpu.memory_space<vmem>> -> memref<1x128x128xf32, #tpu.memory_space<vmem>>
      %dma_start3A_997 = tpu.memref_squeeze %dma_start3A_996 : memref<1x128x128xf32, #tpu.memory_space<vmem>> -> memref<128x128xf32, #tpu.memory_space<vmem>>
      %dma_start3A_998 = arith.constant 0 : i32
      %dma_start3A_999 = tpu.memref_slice %arg6[%dma_start3A_992, %dma_start3A_998] : memref<40x128xi32, #tpu.memory_space<vmem>> -> memref<1x128xi32, #tpu.memory_space<vmem>>
      %dma_start3A_1000 = tpu.memref_squeeze %dma_start3A_999 : memref<1x128xi32, #tpu.memory_space<vmem>> -> memref<128xi32, #tpu.memory_space<vmem>>
      %dma_start3A_1001 = arith.constant 0 : i32
      %dma_start3A_1002 = arith.constant 0 : i32
      %dma_start3A_1003 = tpu.memref_slice %arg2[%dma_start3A_1001, %dma_start3A_1002] : memref<10240x128xf32, #tpu.memory_space<hbm>> -> memref<10240x128xf32, #tpu.memory_space<hbm>>
      tpu.enqueue_indirect_dma source(%dma_start3A_1003 : memref<10240x128xf32, #tpu.memory_space<hbm>>) target(%dma_start3A_997 : memref<128x128xf32, #tpu.memory_space<vmem>>) offsets(%dma_start3A_1000 : memref<128xi32, #tpu.memory_space<vmem>>) semaphore(%arg11 : memref<!tpu.dma_semaphore, #tpu.memory_space<semaphore_mem>>)
      %dma_wait3A_1004 = arith.constant 34 : i32
      %dma_wait3A_1005 = arith.constant 0 : i32
      %dma_wait3A_1006 = arith.constant 0 : i32
      %dma_wait3A_1007 = arith.constant 0 : i32
      %dma_wait3A_1008 = tpu.memref_slice %arg8[%dma_wait3A_1005, %dma_wait3A_1006, %dma_wait3A_1007] : memref<2x128x128xf32, #tpu.memory_space<vmem>> -> memref<1x128x128xf32, #tpu.memory_space<vmem>>
      %dma_wait3A_1009 = tpu.memref_squeeze %dma_wait3A_1008 : memref<1x128x128xf32, #tpu.memory_space<vmem>> -> memref<128x128xf32, #tpu.memory_space<vmem>>
      %dma_wait3A_1010 = arith.constant 0 : i32
      %dma_wait3A_1011 = tpu.memref_slice %arg6[%dma_wait3A_1004, %dma_wait3A_1010] : memref<40x128xi32, #tpu.memory_space<vmem>> -> memref<1x128xi32, #tpu.memory_space<vmem>>
      %dma_wait3A_1012 = tpu.memref_squeeze %dma_wait3A_1011 : memref<1x128xi32, #tpu.memory_space<vmem>> -> memref<128xi32, #tpu.memory_space<vmem>>
      %dma_wait3A_1013 = arith.constant 0 : i32
      %dma_wait3A_1014 = arith.constant 0 : i32
      %dma_wait3A_1015 = tpu.memref_slice %arg2[%dma_wait3A_1013, %dma_wait3A_1014] : memref<10240x128xf32, #tpu.memory_space<hbm>> -> memref<10240x128xf32, #tpu.memory_space<hbm>>
      tpu.wait_indirect_dma semaphore(%arg10 : memref<!tpu.dma_semaphore, #tpu.memory_space<semaphore_mem>>) src(%dma_wait3A_1015 : memref<10240x128xf32, #tpu.memory_space<hbm>>) dst(%dma_wait3A_1009 : memref<128x128xf32, #tpu.memory_space<vmem>>)
      %run_scoped3A_1016 = arith.constant 0 : i32
      %run_scoped3A_1017 = arith.constant 34 : i32
      "tpu.region"() ({
        %run_scoped3A_1136 = tpu.sem_alloc : memref<!tpu.dma_semaphore, #tpu.memory_space<semaphore_mem>>
        %dma_start3A_1137 = arith.constant 0 : i32
        %dma_start3A_1138 = arith.constant 0 : i32
        %dma_start3A_1139 = tpu.memref_slice %arg8[%run_scoped3A_1016, %dma_start3A_1137, %dma_start3A_1138] : memref<2x128x128xf32, #tpu.memory_space<vmem>> -> memref<1x128x128xf32, #tpu.memory_space<vmem>>
        %dma_start3A_1140 = tpu.memref_squeeze %dma_start3A_1139 : memref<1x128x128xf32, #tpu.memory_space<vmem>> -> memref<128x128xf32, #tpu.memory_space<vmem>>
        %dma_start3A_1141 = arith.constant 0 : i32
        %dma_start3A_1142 = tpu.memref_slice %arg7[%run_scoped3A_1017, %dma_start3A_1141] : memref<40x128xi32, #tpu.memory_space<vmem>> -> memref<1x128xi32, #tpu.memory_space<vmem>>
        %dma_start3A_1143 = tpu.memref_squeeze %dma_start3A_1142 : memref<1x128xi32, #tpu.memory_space<vmem>> -> memref<128xi32, #tpu.memory_space<vmem>>
        %dma_start3A_1144 = arith.constant 0 : i32
        %dma_start3A_1145 = arith.constant 0 : i32
        %dma_start3A_1146 = tpu.memref_slice %arg9[%dma_start3A_1144, %dma_start3A_1145] : memref<10240x128xf32, #tpu.memory_space<vmem_shared>> -> memref<10240x128xf32, #tpu.memory_space<vmem_shared>>
        tpu.enqueue_indirect_dma source(%dma_start3A_1140 : memref<128x128xf32, #tpu.memory_space<vmem>>) target(%dma_start3A_1146 : memref<10240x128xf32, #tpu.memory_space<vmem_shared>>) offsets(%dma_start3A_1143 : memref<128xi32, #tpu.memory_space<vmem>>) semaphore(%run_scoped3A_1136 : memref<!tpu.dma_semaphore, #tpu.memory_space<semaphore_mem>>) {add = true}
        %dma_wait3A_1147 = arith.constant 0 : i32
        %dma_wait3A_1148 = arith.constant 0 : i32
        %dma_wait3A_1149 = tpu.memref_slice %arg8[%run_scoped3A_1016, %dma_wait3A_1147, %dma_wait3A_1148] : memref<2x128x128xf32, #tpu.memory_space<vmem>> -> memref<1x128x128xf32, #tpu.memory_space<vmem>>
        %dma_wait3A_1150 = tpu.memref_squeeze %dma_wait3A_1149 : memref<1x128x128xf32, #tpu.memory_space<vmem>> -> memref<128x128xf32, #tpu.memory_space<vmem>>
        %dma_wait3A_1151 = arith.constant 0 : i32
        %dma_wait3A_1152 = tpu.memref_slice %arg7[%run_scoped3A_1017, %dma_wait3A_1151] : memref<40x128xi32, #tpu.memory_space<vmem>> -> memref<1x128xi32, #tpu.memory_space<vmem>>
        %dma_wait3A_1153 = tpu.memref_squeeze %dma_wait3A_1152 : memref<1x128xi32, #tpu.memory_space<vmem>> -> memref<128xi32, #tpu.memory_space<vmem>>
        %dma_wait3A_1154 = arith.constant 0 : i32
        %dma_wait3A_1155 = arith.constant 0 : i32
        %dma_wait3A_1156 = tpu.memref_slice %arg9[%dma_wait3A_1154, %dma_wait3A_1155] : memref<10240x128xf32, #tpu.memory_space<vmem_shared>> -> memref<10240x128xf32, #tpu.memory_space<vmem_shared>>
        tpu.wait_indirect_dma semaphore(%run_scoped3A_1136 : memref<!tpu.dma_semaphore, #tpu.memory_space<semaphore_mem>>) src(%dma_wait3A_1150 : memref<128x128xf32, #tpu.memory_space<vmem>>) dst(%dma_wait3A_1156 : memref<10240x128xf32, #tpu.memory_space<vmem_shared>>)
        tpu.yield
      }) : () -> ()
      %dma_start3A_1018 = arith.constant 36 : i32
      %dma_start3A_1019 = arith.constant 0 : i32
      %dma_start3A_1020 = arith.constant 0 : i32
      %dma_start3A_1021 = arith.constant 0 : i32
      %dma_start3A_1022 = tpu.memref_slice %arg8[%dma_start3A_1019, %dma_start3A_1020, %dma_start3A_1021] : memref<2x128x128xf32, #tpu.memory_space<vmem>> -> memref<1x128x128xf32, #tpu.memory_space<vmem>>
      %dma_start3A_1023 = tpu.memref_squeeze %dma_start3A_1022 : memref<1x128x128xf32, #tpu.memory_space<vmem>> -> memref<128x128xf32, #tpu.memory_space<vmem>>
      %dma_start3A_1024 = arith.constant 0 : i32
      %dma_start3A_1025 = tpu.memref_slice %arg6[%dma_start3A_1018, %dma_start3A_1024] : memref<40x128xi32, #tpu.memory_space<vmem>> -> memref<1x128xi32, #tpu.memory_space<vmem>>
      %dma_start3A_1026 = tpu.memref_squeeze %dma_start3A_1025 : memref<1x128xi32, #tpu.memory_space<vmem>> -> memref<128xi32, #tpu.memory_space<vmem>>
      %dma_start3A_1027 = arith.constant 0 : i32
      %dma_start3A_1028 = arith.constant 0 : i32
      %dma_start3A_1029 = tpu.memref_slice %arg2[%dma_start3A_1027, %dma_start3A_1028] : memref<10240x128xf32, #tpu.memory_space<hbm>> -> memref<10240x128xf32, #tpu.memory_space<hbm>>
      tpu.enqueue_indirect_dma source(%dma_start3A_1029 : memref<10240x128xf32, #tpu.memory_space<hbm>>) target(%dma_start3A_1023 : memref<128x128xf32, #tpu.memory_space<vmem>>) offsets(%dma_start3A_1026 : memref<128xi32, #tpu.memory_space<vmem>>) semaphore(%arg10 : memref<!tpu.dma_semaphore, #tpu.memory_space<semaphore_mem>>)
      %dma_wait3A_1030 = arith.constant 35 : i32
      %dma_wait3A_1031 = arith.constant 1 : i32
      %dma_wait3A_1032 = arith.constant 0 : i32
      %dma_wait3A_1033 = arith.constant 0 : i32
      %dma_wait3A_1034 = tpu.memref_slice %arg8[%dma_wait3A_1031, %dma_wait3A_1032, %dma_wait3A_1033] : memref<2x128x128xf32, #tpu.memory_space<vmem>> -> memref<1x128x128xf32, #tpu.memory_space<vmem>>
      %dma_wait3A_1035 = tpu.memref_squeeze %dma_wait3A_1034 : memref<1x128x128xf32, #tpu.memory_space<vmem>> -> memref<128x128xf32, #tpu.memory_space<vmem>>
      %dma_wait3A_1036 = arith.constant 0 : i32
      %dma_wait3A_1037 = tpu.memref_slice %arg6[%dma_wait3A_1030, %dma_wait3A_1036] : memref<40x128xi32, #tpu.memory_space<vmem>> -> memref<1x128xi32, #tpu.memory_space<vmem>>
      %dma_wait3A_1038 = tpu.memref_squeeze %dma_wait3A_1037 : memref<1x128xi32, #tpu.memory_space<vmem>> -> memref<128xi32, #tpu.memory_space<vmem>>
      %dma_wait3A_1039 = arith.constant 0 : i32
      %dma_wait3A_1040 = arith.constant 0 : i32
      %dma_wait3A_1041 = tpu.memref_slice %arg2[%dma_wait3A_1039, %dma_wait3A_1040] : memref<10240x128xf32, #tpu.memory_space<hbm>> -> memref<10240x128xf32, #tpu.memory_space<hbm>>
      tpu.wait_indirect_dma semaphore(%arg11 : memref<!tpu.dma_semaphore, #tpu.memory_space<semaphore_mem>>) src(%dma_wait3A_1041 : memref<10240x128xf32, #tpu.memory_space<hbm>>) dst(%dma_wait3A_1035 : memref<128x128xf32, #tpu.memory_space<vmem>>)
      %run_scoped3A_1042 = arith.constant 1 : i32
      %run_scoped3A_1043 = arith.constant 35 : i32
      "tpu.region"() ({
        %run_scoped3A_1136 = tpu.sem_alloc : memref<!tpu.dma_semaphore, #tpu.memory_space<semaphore_mem>>
        %dma_start3A_1137 = arith.constant 0 : i32
        %dma_start3A_1138 = arith.constant 0 : i32
        %dma_start3A_1139 = tpu.memref_slice %arg8[%run_scoped3A_1042, %dma_start3A_1137, %dma_start3A_1138] : memref<2x128x128xf32, #tpu.memory_space<vmem>> -> memref<1x128x128xf32, #tpu.memory_space<vmem>>
        %dma_start3A_1140 = tpu.memref_squeeze %dma_start3A_1139 : memref<1x128x128xf32, #tpu.memory_space<vmem>> -> memref<128x128xf32, #tpu.memory_space<vmem>>
        %dma_start3A_1141 = arith.constant 0 : i32
        %dma_start3A_1142 = tpu.memref_slice %arg7[%run_scoped3A_1043, %dma_start3A_1141] : memref<40x128xi32, #tpu.memory_space<vmem>> -> memref<1x128xi32, #tpu.memory_space<vmem>>
        %dma_start3A_1143 = tpu.memref_squeeze %dma_start3A_1142 : memref<1x128xi32, #tpu.memory_space<vmem>> -> memref<128xi32, #tpu.memory_space<vmem>>
        %dma_start3A_1144 = arith.constant 0 : i32
        %dma_start3A_1145 = arith.constant 0 : i32
        %dma_start3A_1146 = tpu.memref_slice %arg9[%dma_start3A_1144, %dma_start3A_1145] : memref<10240x128xf32, #tpu.memory_space<vmem_shared>> -> memref<10240x128xf32, #tpu.memory_space<vmem_shared>>
        tpu.enqueue_indirect_dma source(%dma_start3A_1140 : memref<128x128xf32, #tpu.memory_space<vmem>>) target(%dma_start3A_1146 : memref<10240x128xf32, #tpu.memory_space<vmem_shared>>) offsets(%dma_start3A_1143 : memref<128xi32, #tpu.memory_space<vmem>>) semaphore(%run_scoped3A_1136 : memref<!tpu.dma_semaphore, #tpu.memory_space<semaphore_mem>>) {add = true}
        %dma_wait3A_1147 = arith.constant 0 : i32
        %dma_wait3A_1148 = arith.constant 0 : i32
        %dma_wait3A_1149 = tpu.memref_slice %arg8[%run_scoped3A_1042, %dma_wait3A_1147, %dma_wait3A_1148] : memref<2x128x128xf32, #tpu.memory_space<vmem>> -> memref<1x128x128xf32, #tpu.memory_space<vmem>>
        %dma_wait3A_1150 = tpu.memref_squeeze %dma_wait3A_1149 : memref<1x128x128xf32, #tpu.memory_space<vmem>> -> memref<128x128xf32, #tpu.memory_space<vmem>>
        %dma_wait3A_1151 = arith.constant 0 : i32
        %dma_wait3A_1152 = tpu.memref_slice %arg7[%run_scoped3A_1043, %dma_wait3A_1151] : memref<40x128xi32, #tpu.memory_space<vmem>> -> memref<1x128xi32, #tpu.memory_space<vmem>>
        %dma_wait3A_1153 = tpu.memref_squeeze %dma_wait3A_1152 : memref<1x128xi32, #tpu.memory_space<vmem>> -> memref<128xi32, #tpu.memory_space<vmem>>
        %dma_wait3A_1154 = arith.constant 0 : i32
        %dma_wait3A_1155 = arith.constant 0 : i32
        %dma_wait3A_1156 = tpu.memref_slice %arg9[%dma_wait3A_1154, %dma_wait3A_1155] : memref<10240x128xf32, #tpu.memory_space<vmem_shared>> -> memref<10240x128xf32, #tpu.memory_space<vmem_shared>>
        tpu.wait_indirect_dma semaphore(%run_scoped3A_1136 : memref<!tpu.dma_semaphore, #tpu.memory_space<semaphore_mem>>) src(%dma_wait3A_1150 : memref<128x128xf32, #tpu.memory_space<vmem>>) dst(%dma_wait3A_1156 : memref<10240x128xf32, #tpu.memory_space<vmem_shared>>)
        tpu.yield
      }) : () -> ()
      %dma_start3A_1044 = arith.constant 37 : i32
      %dma_start3A_1045 = arith.constant 1 : i32
      %dma_start3A_1046 = arith.constant 0 : i32
      %dma_start3A_1047 = arith.constant 0 : i32
      %dma_start3A_1048 = tpu.memref_slice %arg8[%dma_start3A_1045, %dma_start3A_1046, %dma_start3A_1047] : memref<2x128x128xf32, #tpu.memory_space<vmem>> -> memref<1x128x128xf32, #tpu.memory_space<vmem>>
      %dma_start3A_1049 = tpu.memref_squeeze %dma_start3A_1048 : memref<1x128x128xf32, #tpu.memory_space<vmem>> -> memref<128x128xf32, #tpu.memory_space<vmem>>
      %dma_start3A_1050 = arith.constant 0 : i32
      %dma_start3A_1051 = tpu.memref_slice %arg6[%dma_start3A_1044, %dma_start3A_1050] : memref<40x128xi32, #tpu.memory_space<vmem>> -> memref<1x128xi32, #tpu.memory_space<vmem>>
      %dma_start3A_1052 = tpu.memref_squeeze %dma_start3A_1051 : memref<1x128xi32, #tpu.memory_space<vmem>> -> memref<128xi32, #tpu.memory_space<vmem>>
      %dma_start3A_1053 = arith.constant 0 : i32
      %dma_start3A_1054 = arith.constant 0 : i32
      %dma_start3A_1055 = tpu.memref_slice %arg2[%dma_start3A_1053, %dma_start3A_1054] : memref<10240x128xf32, #tpu.memory_space<hbm>> -> memref<10240x128xf32, #tpu.memory_space<hbm>>
      tpu.enqueue_indirect_dma source(%dma_start3A_1055 : memref<10240x128xf32, #tpu.memory_space<hbm>>) target(%dma_start3A_1049 : memref<128x128xf32, #tpu.memory_space<vmem>>) offsets(%dma_start3A_1052 : memref<128xi32, #tpu.memory_space<vmem>>) semaphore(%arg11 : memref<!tpu.dma_semaphore, #tpu.memory_space<semaphore_mem>>)
      %dma_wait3A_1056 = arith.constant 36 : i32
      %dma_wait3A_1057 = arith.constant 0 : i32
      %dma_wait3A_1058 = arith.constant 0 : i32
      %dma_wait3A_1059 = arith.constant 0 : i32
      %dma_wait3A_1060 = tpu.memref_slice %arg8[%dma_wait3A_1057, %dma_wait3A_1058, %dma_wait3A_1059] : memref<2x128x128xf32, #tpu.memory_space<vmem>> -> memref<1x128x128xf32, #tpu.memory_space<vmem>>
      %dma_wait3A_1061 = tpu.memref_squeeze %dma_wait3A_1060 : memref<1x128x128xf32, #tpu.memory_space<vmem>> -> memref<128x128xf32, #tpu.memory_space<vmem>>
      %dma_wait3A_1062 = arith.constant 0 : i32
      %dma_wait3A_1063 = tpu.memref_slice %arg6[%dma_wait3A_1056, %dma_wait3A_1062] : memref<40x128xi32, #tpu.memory_space<vmem>> -> memref<1x128xi32, #tpu.memory_space<vmem>>
      %dma_wait3A_1064 = tpu.memref_squeeze %dma_wait3A_1063 : memref<1x128xi32, #tpu.memory_space<vmem>> -> memref<128xi32, #tpu.memory_space<vmem>>
      %dma_wait3A_1065 = arith.constant 0 : i32
      %dma_wait3A_1066 = arith.constant 0 : i32
      %dma_wait3A_1067 = tpu.memref_slice %arg2[%dma_wait3A_1065, %dma_wait3A_1066] : memref<10240x128xf32, #tpu.memory_space<hbm>> -> memref<10240x128xf32, #tpu.memory_space<hbm>>
      tpu.wait_indirect_dma semaphore(%arg10 : memref<!tpu.dma_semaphore, #tpu.memory_space<semaphore_mem>>) src(%dma_wait3A_1067 : memref<10240x128xf32, #tpu.memory_space<hbm>>) dst(%dma_wait3A_1061 : memref<128x128xf32, #tpu.memory_space<vmem>>)
      %run_scoped3A_1068 = arith.constant 0 : i32
      %run_scoped3A_1069 = arith.constant 36 : i32
      "tpu.region"() ({
        %run_scoped3A_1136 = tpu.sem_alloc : memref<!tpu.dma_semaphore, #tpu.memory_space<semaphore_mem>>
        %dma_start3A_1137 = arith.constant 0 : i32
        %dma_start3A_1138 = arith.constant 0 : i32
        %dma_start3A_1139 = tpu.memref_slice %arg8[%run_scoped3A_1068, %dma_start3A_1137, %dma_start3A_1138] : memref<2x128x128xf32, #tpu.memory_space<vmem>> -> memref<1x128x128xf32, #tpu.memory_space<vmem>>
        %dma_start3A_1140 = tpu.memref_squeeze %dma_start3A_1139 : memref<1x128x128xf32, #tpu.memory_space<vmem>> -> memref<128x128xf32, #tpu.memory_space<vmem>>
        %dma_start3A_1141 = arith.constant 0 : i32
        %dma_start3A_1142 = tpu.memref_slice %arg7[%run_scoped3A_1069, %dma_start3A_1141] : memref<40x128xi32, #tpu.memory_space<vmem>> -> memref<1x128xi32, #tpu.memory_space<vmem>>
        %dma_start3A_1143 = tpu.memref_squeeze %dma_start3A_1142 : memref<1x128xi32, #tpu.memory_space<vmem>> -> memref<128xi32, #tpu.memory_space<vmem>>
        %dma_start3A_1144 = arith.constant 0 : i32
        %dma_start3A_1145 = arith.constant 0 : i32
        %dma_start3A_1146 = tpu.memref_slice %arg9[%dma_start3A_1144, %dma_start3A_1145] : memref<10240x128xf32, #tpu.memory_space<vmem_shared>> -> memref<10240x128xf32, #tpu.memory_space<vmem_shared>>
        tpu.enqueue_indirect_dma source(%dma_start3A_1140 : memref<128x128xf32, #tpu.memory_space<vmem>>) target(%dma_start3A_1146 : memref<10240x128xf32, #tpu.memory_space<vmem_shared>>) offsets(%dma_start3A_1143 : memref<128xi32, #tpu.memory_space<vmem>>) semaphore(%run_scoped3A_1136 : memref<!tpu.dma_semaphore, #tpu.memory_space<semaphore_mem>>) {add = true}
        %dma_wait3A_1147 = arith.constant 0 : i32
        %dma_wait3A_1148 = arith.constant 0 : i32
        %dma_wait3A_1149 = tpu.memref_slice %arg8[%run_scoped3A_1068, %dma_wait3A_1147, %dma_wait3A_1148] : memref<2x128x128xf32, #tpu.memory_space<vmem>> -> memref<1x128x128xf32, #tpu.memory_space<vmem>>
        %dma_wait3A_1150 = tpu.memref_squeeze %dma_wait3A_1149 : memref<1x128x128xf32, #tpu.memory_space<vmem>> -> memref<128x128xf32, #tpu.memory_space<vmem>>
        %dma_wait3A_1151 = arith.constant 0 : i32
        %dma_wait3A_1152 = tpu.memref_slice %arg7[%run_scoped3A_1069, %dma_wait3A_1151] : memref<40x128xi32, #tpu.memory_space<vmem>> -> memref<1x128xi32, #tpu.memory_space<vmem>>
        %dma_wait3A_1153 = tpu.memref_squeeze %dma_wait3A_1152 : memref<1x128xi32, #tpu.memory_space<vmem>> -> memref<128xi32, #tpu.memory_space<vmem>>
        %dma_wait3A_1154 = arith.constant 0 : i32
        %dma_wait3A_1155 = arith.constant 0 : i32
        %dma_wait3A_1156 = tpu.memref_slice %arg9[%dma_wait3A_1154, %dma_wait3A_1155] : memref<10240x128xf32, #tpu.memory_space<vmem_shared>> -> memref<10240x128xf32, #tpu.memory_space<vmem_shared>>
        tpu.wait_indirect_dma semaphore(%run_scoped3A_1136 : memref<!tpu.dma_semaphore, #tpu.memory_space<semaphore_mem>>) src(%dma_wait3A_1150 : memref<128x128xf32, #tpu.memory_space<vmem>>) dst(%dma_wait3A_1156 : memref<10240x128xf32, #tpu.memory_space<vmem_shared>>)
        tpu.yield
      }) : () -> ()
      %dma_start3A_1070 = arith.constant 38 : i32
      %dma_start3A_1071 = arith.constant 0 : i32
      %dma_start3A_1072 = arith.constant 0 : i32
      %dma_start3A_1073 = arith.constant 0 : i32
      %dma_start3A_1074 = tpu.memref_slice %arg8[%dma_start3A_1071, %dma_start3A_1072, %dma_start3A_1073] : memref<2x128x128xf32, #tpu.memory_space<vmem>> -> memref<1x128x128xf32, #tpu.memory_space<vmem>>
      %dma_start3A_1075 = tpu.memref_squeeze %dma_start3A_1074 : memref<1x128x128xf32, #tpu.memory_space<vmem>> -> memref<128x128xf32, #tpu.memory_space<vmem>>
      %dma_start3A_1076 = arith.constant 0 : i32
      %dma_start3A_1077 = tpu.memref_slice %arg6[%dma_start3A_1070, %dma_start3A_1076] : memref<40x128xi32, #tpu.memory_space<vmem>> -> memref<1x128xi32, #tpu.memory_space<vmem>>
      %dma_start3A_1078 = tpu.memref_squeeze %dma_start3A_1077 : memref<1x128xi32, #tpu.memory_space<vmem>> -> memref<128xi32, #tpu.memory_space<vmem>>
      %dma_start3A_1079 = arith.constant 0 : i32
      %dma_start3A_1080 = arith.constant 0 : i32
      %dma_start3A_1081 = tpu.memref_slice %arg2[%dma_start3A_1079, %dma_start3A_1080] : memref<10240x128xf32, #tpu.memory_space<hbm>> -> memref<10240x128xf32, #tpu.memory_space<hbm>>
      tpu.enqueue_indirect_dma source(%dma_start3A_1081 : memref<10240x128xf32, #tpu.memory_space<hbm>>) target(%dma_start3A_1075 : memref<128x128xf32, #tpu.memory_space<vmem>>) offsets(%dma_start3A_1078 : memref<128xi32, #tpu.memory_space<vmem>>) semaphore(%arg10 : memref<!tpu.dma_semaphore, #tpu.memory_space<semaphore_mem>>)
      %dma_wait3A_1082 = arith.constant 37 : i32
      %dma_wait3A_1083 = arith.constant 1 : i32
      %dma_wait3A_1084 = arith.constant 0 : i32
      %dma_wait3A_1085 = arith.constant 0 : i32
      %dma_wait3A_1086 = tpu.memref_slice %arg8[%dma_wait3A_1083, %dma_wait3A_1084, %dma_wait3A_1085] : memref<2x128x128xf32, #tpu.memory_space<vmem>> -> memref<1x128x128xf32, #tpu.memory_space<vmem>>
      %dma_wait3A_1087 = tpu.memref_squeeze %dma_wait3A_1086 : memref<1x128x128xf32, #tpu.memory_space<vmem>> -> memref<128x128xf32, #tpu.memory_space<vmem>>
      %dma_wait3A_1088 = arith.constant 0 : i32
      %dma_wait3A_1089 = tpu.memref_slice %arg6[%dma_wait3A_1082, %dma_wait3A_1088] : memref<40x128xi32, #tpu.memory_space<vmem>> -> memref<1x128xi32, #tpu.memory_space<vmem>>
      %dma_wait3A_1090 = tpu.memref_squeeze %dma_wait3A_1089 : memref<1x128xi32, #tpu.memory_space<vmem>> -> memref<128xi32, #tpu.memory_space<vmem>>
      %dma_wait3A_1091 = arith.constant 0 : i32
      %dma_wait3A_1092 = arith.constant 0 : i32
      %dma_wait3A_1093 = tpu.memref_slice %arg2[%dma_wait3A_1091, %dma_wait3A_1092] : memref<10240x128xf32, #tpu.memory_space<hbm>> -> memref<10240x128xf32, #tpu.memory_space<hbm>>
      tpu.wait_indirect_dma semaphore(%arg11 : memref<!tpu.dma_semaphore, #tpu.memory_space<semaphore_mem>>) src(%dma_wait3A_1093 : memref<10240x128xf32, #tpu.memory_space<hbm>>) dst(%dma_wait3A_1087 : memref<128x128xf32, #tpu.memory_space<vmem>>)
      %run_scoped3A_1094 = arith.constant 1 : i32
      %run_scoped3A_1095 = arith.constant 37 : i32
      "tpu.region"() ({
        %run_scoped3A_1136 = tpu.sem_alloc : memref<!tpu.dma_semaphore, #tpu.memory_space<semaphore_mem>>
        %dma_start3A_1137 = arith.constant 0 : i32
        %dma_start3A_1138 = arith.constant 0 : i32
        %dma_start3A_1139 = tpu.memref_slice %arg8[%run_scoped3A_1094, %dma_start3A_1137, %dma_start3A_1138] : memref<2x128x128xf32, #tpu.memory_space<vmem>> -> memref<1x128x128xf32, #tpu.memory_space<vmem>>
        %dma_start3A_1140 = tpu.memref_squeeze %dma_start3A_1139 : memref<1x128x128xf32, #tpu.memory_space<vmem>> -> memref<128x128xf32, #tpu.memory_space<vmem>>
        %dma_start3A_1141 = arith.constant 0 : i32
        %dma_start3A_1142 = tpu.memref_slice %arg7[%run_scoped3A_1095, %dma_start3A_1141] : memref<40x128xi32, #tpu.memory_space<vmem>> -> memref<1x128xi32, #tpu.memory_space<vmem>>
        %dma_start3A_1143 = tpu.memref_squeeze %dma_start3A_1142 : memref<1x128xi32, #tpu.memory_space<vmem>> -> memref<128xi32, #tpu.memory_space<vmem>>
        %dma_start3A_1144 = arith.constant 0 : i32
        %dma_start3A_1145 = arith.constant 0 : i32
        %dma_start3A_1146 = tpu.memref_slice %arg9[%dma_start3A_1144, %dma_start3A_1145] : memref<10240x128xf32, #tpu.memory_space<vmem_shared>> -> memref<10240x128xf32, #tpu.memory_space<vmem_shared>>
        tpu.enqueue_indirect_dma source(%dma_start3A_1140 : memref<128x128xf32, #tpu.memory_space<vmem>>) target(%dma_start3A_1146 : memref<10240x128xf32, #tpu.memory_space<vmem_shared>>) offsets(%dma_start3A_1143 : memref<128xi32, #tpu.memory_space<vmem>>) semaphore(%run_scoped3A_1136 : memref<!tpu.dma_semaphore, #tpu.memory_space<semaphore_mem>>) {add = true}
        %dma_wait3A_1147 = arith.constant 0 : i32
        %dma_wait3A_1148 = arith.constant 0 : i32
        %dma_wait3A_1149 = tpu.memref_slice %arg8[%run_scoped3A_1094, %dma_wait3A_1147, %dma_wait3A_1148] : memref<2x128x128xf32, #tpu.memory_space<vmem>> -> memref<1x128x128xf32, #tpu.memory_space<vmem>>
        %dma_wait3A_1150 = tpu.memref_squeeze %dma_wait3A_1149 : memref<1x128x128xf32, #tpu.memory_space<vmem>> -> memref<128x128xf32, #tpu.memory_space<vmem>>
        %dma_wait3A_1151 = arith.constant 0 : i32
        %dma_wait3A_1152 = tpu.memref_slice %arg7[%run_scoped3A_1095, %dma_wait3A_1151] : memref<40x128xi32, #tpu.memory_space<vmem>> -> memref<1x128xi32, #tpu.memory_space<vmem>>
        %dma_wait3A_1153 = tpu.memref_squeeze %dma_wait3A_1152 : memref<1x128xi32, #tpu.memory_space<vmem>> -> memref<128xi32, #tpu.memory_space<vmem>>
        %dma_wait3A_1154 = arith.constant 0 : i32
        %dma_wait3A_1155 = arith.constant 0 : i32
        %dma_wait3A_1156 = tpu.memref_slice %arg9[%dma_wait3A_1154, %dma_wait3A_1155] : memref<10240x128xf32, #tpu.memory_space<vmem_shared>> -> memref<10240x128xf32, #tpu.memory_space<vmem_shared>>
        tpu.wait_indirect_dma semaphore(%run_scoped3A_1136 : memref<!tpu.dma_semaphore, #tpu.memory_space<semaphore_mem>>) src(%dma_wait3A_1150 : memref<128x128xf32, #tpu.memory_space<vmem>>) dst(%dma_wait3A_1156 : memref<10240x128xf32, #tpu.memory_space<vmem_shared>>)
        tpu.yield
      }) : () -> ()
      %dma_start3A_1096 = arith.constant 39 : i32
      %dma_start3A_1097 = arith.constant 1 : i32
      %dma_start3A_1098 = arith.constant 0 : i32
      %dma_start3A_1099 = arith.constant 0 : i32
      %dma_start3A_1100 = tpu.memref_slice %arg8[%dma_start3A_1097, %dma_start3A_1098, %dma_start3A_1099] : memref<2x128x128xf32, #tpu.memory_space<vmem>> -> memref<1x128x128xf32, #tpu.memory_space<vmem>>
      %dma_start3A_1101 = tpu.memref_squeeze %dma_start3A_1100 : memref<1x128x128xf32, #tpu.memory_space<vmem>> -> memref<128x128xf32, #tpu.memory_space<vmem>>
      %dma_start3A_1102 = arith.constant 0 : i32
      %dma_start3A_1103 = tpu.memref_slice %arg6[%dma_start3A_1096, %dma_start3A_1102] : memref<40x128xi32, #tpu.memory_space<vmem>> -> memref<1x128xi32, #tpu.memory_space<vmem>>
      %dma_start3A_1104 = tpu.memref_squeeze %dma_start3A_1103 : memref<1x128xi32, #tpu.memory_space<vmem>> -> memref<128xi32, #tpu.memory_space<vmem>>
      %dma_start3A_1105 = arith.constant 0 : i32
      %dma_start3A_1106 = arith.constant 0 : i32
      %dma_start3A_1107 = tpu.memref_slice %arg2[%dma_start3A_1105, %dma_start3A_1106] : memref<10240x128xf32, #tpu.memory_space<hbm>> -> memref<10240x128xf32, #tpu.memory_space<hbm>>
      tpu.enqueue_indirect_dma source(%dma_start3A_1107 : memref<10240x128xf32, #tpu.memory_space<hbm>>) target(%dma_start3A_1101 : memref<128x128xf32, #tpu.memory_space<vmem>>) offsets(%dma_start3A_1104 : memref<128xi32, #tpu.memory_space<vmem>>) semaphore(%arg11 : memref<!tpu.dma_semaphore, #tpu.memory_space<semaphore_mem>>)
      %dma_wait3A_1108 = arith.constant 38 : i32
      %dma_wait3A_1109 = arith.constant 0 : i32
      %dma_wait3A_1110 = arith.constant 0 : i32
      %dma_wait3A_1111 = arith.constant 0 : i32
      %dma_wait3A_1112 = tpu.memref_slice %arg8[%dma_wait3A_1109, %dma_wait3A_1110, %dma_wait3A_1111] : memref<2x128x128xf32, #tpu.memory_space<vmem>> -> memref<1x128x128xf32, #tpu.memory_space<vmem>>
      %dma_wait3A_1113 = tpu.memref_squeeze %dma_wait3A_1112 : memref<1x128x128xf32, #tpu.memory_space<vmem>> -> memref<128x128xf32, #tpu.memory_space<vmem>>
      %dma_wait3A_1114 = arith.constant 0 : i32
      %dma_wait3A_1115 = tpu.memref_slice %arg6[%dma_wait3A_1108, %dma_wait3A_1114] : memref<40x128xi32, #tpu.memory_space<vmem>> -> memref<1x128xi32, #tpu.memory_space<vmem>>
      %dma_wait3A_1116 = tpu.memref_squeeze %dma_wait3A_1115 : memref<1x128xi32, #tpu.memory_space<vmem>> -> memref<128xi32, #tpu.memory_space<vmem>>
      %dma_wait3A_1117 = arith.constant 0 : i32
      %dma_wait3A_1118 = arith.constant 0 : i32
      %dma_wait3A_1119 = tpu.memref_slice %arg2[%dma_wait3A_1117, %dma_wait3A_1118] : memref<10240x128xf32, #tpu.memory_space<hbm>> -> memref<10240x128xf32, #tpu.memory_space<hbm>>
      tpu.wait_indirect_dma semaphore(%arg10 : memref<!tpu.dma_semaphore, #tpu.memory_space<semaphore_mem>>) src(%dma_wait3A_1119 : memref<10240x128xf32, #tpu.memory_space<hbm>>) dst(%dma_wait3A_1113 : memref<128x128xf32, #tpu.memory_space<vmem>>)
      %run_scoped3A_1120 = arith.constant 0 : i32
      %run_scoped3A_1121 = arith.constant 38 : i32
      "tpu.region"() ({
        %run_scoped3A_1136 = tpu.sem_alloc : memref<!tpu.dma_semaphore, #tpu.memory_space<semaphore_mem>>
        %dma_start3A_1137 = arith.constant 0 : i32
        %dma_start3A_1138 = arith.constant 0 : i32
        %dma_start3A_1139 = tpu.memref_slice %arg8[%run_scoped3A_1120, %dma_start3A_1137, %dma_start3A_1138] : memref<2x128x128xf32, #tpu.memory_space<vmem>> -> memref<1x128x128xf32, #tpu.memory_space<vmem>>
        %dma_start3A_1140 = tpu.memref_squeeze %dma_start3A_1139 : memref<1x128x128xf32, #tpu.memory_space<vmem>> -> memref<128x128xf32, #tpu.memory_space<vmem>>
        %dma_start3A_1141 = arith.constant 0 : i32
        %dma_start3A_1142 = tpu.memref_slice %arg7[%run_scoped3A_1121, %dma_start3A_1141] : memref<40x128xi32, #tpu.memory_space<vmem>> -> memref<1x128xi32, #tpu.memory_space<vmem>>
        %dma_start3A_1143 = tpu.memref_squeeze %dma_start3A_1142 : memref<1x128xi32, #tpu.memory_space<vmem>> -> memref<128xi32, #tpu.memory_space<vmem>>
        %dma_start3A_1144 = arith.constant 0 : i32
        %dma_start3A_1145 = arith.constant 0 : i32
        %dma_start3A_1146 = tpu.memref_slice %arg9[%dma_start3A_1144, %dma_start3A_1145] : memref<10240x128xf32, #tpu.memory_space<vmem_shared>> -> memref<10240x128xf32, #tpu.memory_space<vmem_shared>>
        tpu.enqueue_indirect_dma source(%dma_start3A_1140 : memref<128x128xf32, #tpu.memory_space<vmem>>) target(%dma_start3A_1146 : memref<10240x128xf32, #tpu.memory_space<vmem_shared>>) offsets(%dma_start3A_1143 : memref<128xi32, #tpu.memory_space<vmem>>) semaphore(%run_scoped3A_1136 : memref<!tpu.dma_semaphore, #tpu.memory_space<semaphore_mem>>) {add = true}
        %dma_wait3A_1147 = arith.constant 0 : i32
        %dma_wait3A_1148 = arith.constant 0 : i32
        %dma_wait3A_1149 = tpu.memref_slice %arg8[%run_scoped3A_1120, %dma_wait3A_1147, %dma_wait3A_1148] : memref<2x128x128xf32, #tpu.memory_space<vmem>> -> memref<1x128x128xf32, #tpu.memory_space<vmem>>
        %dma_wait3A_1150 = tpu.memref_squeeze %dma_wait3A_1149 : memref<1x128x128xf32, #tpu.memory_space<vmem>> -> memref<128x128xf32, #tpu.memory_space<vmem>>
        %dma_wait3A_1151 = arith.constant 0 : i32
        %dma_wait3A_1152 = tpu.memref_slice %arg7[%run_scoped3A_1121, %dma_wait3A_1151] : memref<40x128xi32, #tpu.memory_space<vmem>> -> memref<1x128xi32, #tpu.memory_space<vmem>>
        %dma_wait3A_1153 = tpu.memref_squeeze %dma_wait3A_1152 : memref<1x128xi32, #tpu.memory_space<vmem>> -> memref<128xi32, #tpu.memory_space<vmem>>
        %dma_wait3A_1154 = arith.constant 0 : i32
        %dma_wait3A_1155 = arith.constant 0 : i32
        %dma_wait3A_1156 = tpu.memref_slice %arg9[%dma_wait3A_1154, %dma_wait3A_1155] : memref<10240x128xf32, #tpu.memory_space<vmem_shared>> -> memref<10240x128xf32, #tpu.memory_space<vmem_shared>>
        tpu.wait_indirect_dma semaphore(%run_scoped3A_1136 : memref<!tpu.dma_semaphore, #tpu.memory_space<semaphore_mem>>) src(%dma_wait3A_1150 : memref<128x128xf32, #tpu.memory_space<vmem>>) dst(%dma_wait3A_1156 : memref<10240x128xf32, #tpu.memory_space<vmem_shared>>)
        tpu.yield
      }) : () -> ()
      %dma_wait3A_1122 = arith.constant 39 : i32
      %dma_wait3A_1123 = arith.constant 1 : i32
      %dma_wait3A_1124 = arith.constant 0 : i32
      %dma_wait3A_1125 = arith.constant 0 : i32
      %dma_wait3A_1126 = tpu.memref_slice %arg8[%dma_wait3A_1123, %dma_wait3A_1124, %dma_wait3A_1125] : memref<2x128x128xf32, #tpu.memory_space<vmem>> -> memref<1x128x128xf32, #tpu.memory_space<vmem>>
      %dma_wait3A_1127 = tpu.memref_squeeze %dma_wait3A_1126 : memref<1x128x128xf32, #tpu.memory_space<vmem>> -> memref<128x128xf32, #tpu.memory_space<vmem>>
      %dma_wait3A_1128 = arith.constant 0 : i32
      %dma_wait3A_1129 = tpu.memref_slice %arg6[%dma_wait3A_1122, %dma_wait3A_1128] : memref<40x128xi32, #tpu.memory_space<vmem>> -> memref<1x128xi32, #tpu.memory_space<vmem>>
      %dma_wait3A_1130 = tpu.memref_squeeze %dma_wait3A_1129 : memref<1x128xi32, #tpu.memory_space<vmem>> -> memref<128xi32, #tpu.memory_space<vmem>>
      %dma_wait3A_1131 = arith.constant 0 : i32
      %dma_wait3A_1132 = arith.constant 0 : i32
      %dma_wait3A_1133 = tpu.memref_slice %arg2[%dma_wait3A_1131, %dma_wait3A_1132] : memref<10240x128xf32, #tpu.memory_space<hbm>> -> memref<10240x128xf32, #tpu.memory_space<hbm>>
      tpu.wait_indirect_dma semaphore(%arg11 : memref<!tpu.dma_semaphore, #tpu.memory_space<semaphore_mem>>) src(%dma_wait3A_1133 : memref<10240x128xf32, #tpu.memory_space<hbm>>) dst(%dma_wait3A_1127 : memref<128x128xf32, #tpu.memory_space<vmem>>)
      %run_scoped3A_1134 = arith.constant 1 : i32
      %run_scoped3A_1135 = arith.constant 39 : i32
      "tpu.region"() ({
        %run_scoped3A_1136 = tpu.sem_alloc : memref<!tpu.dma_semaphore, #tpu.memory_space<semaphore_mem>>
        %dma_start3A_1137 = arith.constant 0 : i32
        %dma_start3A_1138 = arith.constant 0 : i32
        %dma_start3A_1139 = tpu.memref_slice %arg8[%run_scoped3A_1134, %dma_start3A_1137, %dma_start3A_1138] : memref<2x128x128xf32, #tpu.memory_space<vmem>> -> memref<1x128x128xf32, #tpu.memory_space<vmem>>
        %dma_start3A_1140 = tpu.memref_squeeze %dma_start3A_1139 : memref<1x128x128xf32, #tpu.memory_space<vmem>> -> memref<128x128xf32, #tpu.memory_space<vmem>>
        %dma_start3A_1141 = arith.constant 0 : i32
        %dma_start3A_1142 = tpu.memref_slice %arg7[%run_scoped3A_1135, %dma_start3A_1141] : memref<40x128xi32, #tpu.memory_space<vmem>> -> memref<1x128xi32, #tpu.memory_space<vmem>>
        %dma_start3A_1143 = tpu.memref_squeeze %dma_start3A_1142 : memref<1x128xi32, #tpu.memory_space<vmem>> -> memref<128xi32, #tpu.memory_space<vmem>>
        %dma_start3A_1144 = arith.constant 0 : i32
        %dma_start3A_1145 = arith.constant 0 : i32
        %dma_start3A_1146 = tpu.memref_slice %arg9[%dma_start3A_1144, %dma_start3A_1145] : memref<10240x128xf32, #tpu.memory_space<vmem_shared>> -> memref<10240x128xf32, #tpu.memory_space<vmem_shared>>
        tpu.enqueue_indirect_dma source(%dma_start3A_1140 : memref<128x128xf32, #tpu.memory_space<vmem>>) target(%dma_start3A_1146 : memref<10240x128xf32, #tpu.memory_space<vmem_shared>>) offsets(%dma_start3A_1143 : memref<128xi32, #tpu.memory_space<vmem>>) semaphore(%run_scoped3A_1136 : memref<!tpu.dma_semaphore, #tpu.memory_space<semaphore_mem>>) {add = true}
        %dma_wait3A_1147 = arith.constant 0 : i32
        %dma_wait3A_1148 = arith.constant 0 : i32
        %dma_wait3A_1149 = tpu.memref_slice %arg8[%run_scoped3A_1134, %dma_wait3A_1147, %dma_wait3A_1148] : memref<2x128x128xf32, #tpu.memory_space<vmem>> -> memref<1x128x128xf32, #tpu.memory_space<vmem>>
        %dma_wait3A_1150 = tpu.memref_squeeze %dma_wait3A_1149 : memref<1x128x128xf32, #tpu.memory_space<vmem>> -> memref<128x128xf32, #tpu.memory_space<vmem>>
        %dma_wait3A_1151 = arith.constant 0 : i32
        %dma_wait3A_1152 = tpu.memref_slice %arg7[%run_scoped3A_1135, %dma_wait3A_1151] : memref<40x128xi32, #tpu.memory_space<vmem>> -> memref<1x128xi32, #tpu.memory_space<vmem>>
        %dma_wait3A_1153 = tpu.memref_squeeze %dma_wait3A_1152 : memref<1x128xi32, #tpu.memory_space<vmem>> -> memref<128xi32, #tpu.memory_space<vmem>>
        %dma_wait3A_1154 = arith.constant 0 : i32
        %dma_wait3A_1155 = arith.constant 0 : i32
        %dma_wait3A_1156 = tpu.memref_slice %arg9[%dma_wait3A_1154, %dma_wait3A_1155] : memref<10240x128xf32, #tpu.memory_space<vmem_shared>> -> memref<10240x128xf32, #tpu.memory_space<vmem_shared>>
        tpu.wait_indirect_dma semaphore(%run_scoped3A_1136 : memref<!tpu.dma_semaphore, #tpu.memory_space<semaphore_mem>>) src(%dma_wait3A_1150 : memref<128x128xf32, #tpu.memory_space<vmem>>) dst(%dma_wait3A_1156 : memref<10240x128xf32, #tpu.memory_space<vmem_shared>>)
        tpu.yield
      }) : () -> ()
    }
    %scan3A_31 = arith.constant 2 : i32
    %barrier3A_32 = arith.constant 0 : index
    tpu.barrier barrier_id(%barrier3A_32)
    %mul3A_33 = arith.constant 640 : i32
    %mul3A_34 = arith.muli %arg1, %mul3A_33 : i32
    %add3A_35 = arith.constant 0 : i32
    %add3A_36 = arith.addi %mul3A_34, %add3A_35 : i32
    %mul3A_37 = arith.constant 10240 : i32
    %mul3A_38 = arith.muli %arg0, %mul3A_37 : i32
    %mul3A_39 = arith.constant 640 : i32
    %mul3A_40 = arith.muli %arg1, %mul3A_39 : i32
    %add3A_41 = arith.addi %mul3A_38, %mul3A_40 : i32
    %add3A_42 = arith.constant 0 : i32
    %add3A_43 = arith.addi %add3A_41, %add3A_42 : i32
    "tpu.region"() ({
      %run_scoped3A_88 = tpu.sem_alloc : memref<!tpu.dma_semaphore, #tpu.memory_space<semaphore_mem>>
      %dma_start3A = arith.constant 0 : i32
      %dma_start3A_89 = tpu.memref_slice %arg5[%add3A_43, %dma_start3A] : memref<20480x128xf32, #tpu.memory_space<hbm>> -> memref<128x128xf32, #tpu.memory_space<hbm>>
      %dma_start3A_90 = arith.constant 0 : i32
      %dma_start3A_91 = tpu.memref_slice %arg9[%add3A_36, %dma_start3A_90] : memref<10240x128xf32, #tpu.memory_space<vmem_shared>> -> memref<128x128xf32, #tpu.memory_space<vmem_shared>>
      tpu.enqueue_dma source(%dma_start3A_91 : memref<128x128xf32, #tpu.memory_space<vmem_shared>>) target(%dma_start3A_89 : memref<128x128xf32, #tpu.memory_space<hbm>>) target_semaphore(%run_scoped3A_88 : memref<!tpu.dma_semaphore, #tpu.memory_space<semaphore_mem>>)
      %dma_wait3A = arith.constant 0 : i32
      %dma_wait3A_92 = tpu.memref_slice %arg5[%add3A_43, %dma_wait3A] : memref<20480x128xf32, #tpu.memory_space<hbm>> -> memref<128x128xf32, #tpu.memory_space<hbm>>
      %dma_wait3A_93 = arith.constant 0 : i32
      %dma_wait3A_94 = tpu.memref_slice %arg9[%add3A_36, %dma_wait3A_93] : memref<10240x128xf32, #tpu.memory_space<vmem_shared>> -> memref<128x128xf32, #tpu.memory_space<vmem_shared>>
      tpu.wait_dma2 semaphore(%run_scoped3A_88 : memref<!tpu.dma_semaphore, #tpu.memory_space<semaphore_mem>>) src(%dma_wait3A_94 : memref<128x128xf32, #tpu.memory_space<vmem_shared>>) dst(%dma_wait3A_92 : memref<128x128xf32, #tpu.memory_space<hbm>>)
      tpu.yield
    }) : () -> ()
    %mul3A_44 = arith.constant 640 : i32
    %mul3A_45 = arith.muli %arg1, %mul3A_44 : i32
    %add3A_46 = arith.constant 128 : i32
    %add3A_47 = arith.addi %mul3A_45, %add3A_46 : i32
    %mul3A_48 = arith.constant 10240 : i32
    %mul3A_49 = arith.muli %arg0, %mul3A_48 : i32
    %mul3A_50 = arith.constant 640 : i32
    %mul3A_51 = arith.muli %arg1, %mul3A_50 : i32
    %add3A_52 = arith.addi %mul3A_49, %mul3A_51 : i32
    %add3A_53 = arith.constant 128 : i32
    %add3A_54 = arith.addi %add3A_52, %add3A_53 : i32
    "tpu.region"() ({
      %run_scoped3A_88 = tpu.sem_alloc : memref<!tpu.dma_semaphore, #tpu.memory_space<semaphore_mem>>
      %dma_start3A = arith.constant 0 : i32
      %dma_start3A_89 = tpu.memref_slice %arg5[%add3A_54, %dma_start3A] : memref<20480x128xf32, #tpu.memory_space<hbm>> -> memref<128x128xf32, #tpu.memory_space<hbm>>
      %dma_start3A_90 = arith.constant 0 : i32
      %dma_start3A_91 = tpu.memref_slice %arg9[%add3A_47, %dma_start3A_90] : memref<10240x128xf32, #tpu.memory_space<vmem_shared>> -> memref<128x128xf32, #tpu.memory_space<vmem_shared>>
      tpu.enqueue_dma source(%dma_start3A_91 : memref<128x128xf32, #tpu.memory_space<vmem_shared>>) target(%dma_start3A_89 : memref<128x128xf32, #tpu.memory_space<hbm>>) target_semaphore(%run_scoped3A_88 : memref<!tpu.dma_semaphore, #tpu.memory_space<semaphore_mem>>)
      %dma_wait3A = arith.constant 0 : i32
      %dma_wait3A_92 = tpu.memref_slice %arg5[%add3A_54, %dma_wait3A] : memref<20480x128xf32, #tpu.memory_space<hbm>> -> memref<128x128xf32, #tpu.memory_space<hbm>>
      %dma_wait3A_93 = arith.constant 0 : i32
      %dma_wait3A_94 = tpu.memref_slice %arg9[%add3A_47, %dma_wait3A_93] : memref<10240x128xf32, #tpu.memory_space<vmem_shared>> -> memref<128x128xf32, #tpu.memory_space<vmem_shared>>
      tpu.wait_dma2 semaphore(%run_scoped3A_88 : memref<!tpu.dma_semaphore, #tpu.memory_space<semaphore_mem>>) src(%dma_wait3A_94 : memref<128x128xf32, #tpu.memory_space<vmem_shared>>) dst(%dma_wait3A_92 : memref<128x128xf32, #tpu.memory_space<hbm>>)
      tpu.yield
    }) : () -> ()
    %mul3A_55 = arith.constant 640 : i32
    %mul3A_56 = arith.muli %arg1, %mul3A_55 : i32
    %add3A_57 = arith.constant 256 : i32
    %add3A_58 = arith.addi %mul3A_56, %add3A_57 : i32
    %mul3A_59 = arith.constant 10240 : i32
    %mul3A_60 = arith.muli %arg0, %mul3A_59 : i32
    %mul3A_61 = arith.constant 640 : i32
    %mul3A_62 = arith.muli %arg1, %mul3A_61 : i32
    %add3A_63 = arith.addi %mul3A_60, %mul3A_62 : i32
    %add3A_64 = arith.constant 256 : i32
    %add3A_65 = arith.addi %add3A_63, %add3A_64 : i32
    "tpu.region"() ({
      %run_scoped3A_88 = tpu.sem_alloc : memref<!tpu.dma_semaphore, #tpu.memory_space<semaphore_mem>>
      %dma_start3A = arith.constant 0 : i32
      %dma_start3A_89 = tpu.memref_slice %arg5[%add3A_65, %dma_start3A] : memref<20480x128xf32, #tpu.memory_space<hbm>> -> memref<128x128xf32, #tpu.memory_space<hbm>>
      %dma_start3A_90 = arith.constant 0 : i32
      %dma_start3A_91 = tpu.memref_slice %arg9[%add3A_58, %dma_start3A_90] : memref<10240x128xf32, #tpu.memory_space<vmem_shared>> -> memref<128x128xf32, #tpu.memory_space<vmem_shared>>
      tpu.enqueue_dma source(%dma_start3A_91 : memref<128x128xf32, #tpu.memory_space<vmem_shared>>) target(%dma_start3A_89 : memref<128x128xf32, #tpu.memory_space<hbm>>) target_semaphore(%run_scoped3A_88 : memref<!tpu.dma_semaphore, #tpu.memory_space<semaphore_mem>>)
      %dma_wait3A = arith.constant 0 : i32
      %dma_wait3A_92 = tpu.memref_slice %arg5[%add3A_65, %dma_wait3A] : memref<20480x128xf32, #tpu.memory_space<hbm>> -> memref<128x128xf32, #tpu.memory_space<hbm>>
      %dma_wait3A_93 = arith.constant 0 : i32
      %dma_wait3A_94 = tpu.memref_slice %arg9[%add3A_58, %dma_wait3A_93] : memref<10240x128xf32, #tpu.memory_space<vmem_shared>> -> memref<128x128xf32, #tpu.memory_space<vmem_shared>>
      tpu.wait_dma2 semaphore(%run_scoped3A_88 : memref<!tpu.dma_semaphore, #tpu.memory_space<semaphore_mem>>) src(%dma_wait3A_94 : memref<128x128xf32, #tpu.memory_space<vmem_shared>>) dst(%dma_wait3A_92 : memref<128x128xf32, #tpu.memory_space<hbm>>)
      tpu.yield
    }) : () -> ()
    %mul3A_66 = arith.constant 640 : i32
    %mul3A_67 = arith.muli %arg1, %mul3A_66 : i32
    %add3A_68 = arith.constant 384 : i32
    %add3A_69 = arith.addi %mul3A_67, %add3A_68 : i32
    %mul3A_70 = arith.constant 10240 : i32
    %mul3A_71 = arith.muli %arg0, %mul3A_70 : i32
    %mul3A_72 = arith.constant 640 : i32
    %mul3A_73 = arith.muli %arg1, %mul3A_72 : i32
    %add3A_74 = arith.addi %mul3A_71, %mul3A_73 : i32
    %add3A_75 = arith.constant 384 : i32
    %add3A_76 = arith.addi %add3A_74, %add3A_75 : i32
    "tpu.region"() ({
      %run_scoped3A_88 = tpu.sem_alloc : memref<!tpu.dma_semaphore, #tpu.memory_space<semaphore_mem>>
      %dma_start3A = arith.constant 0 : i32
      %dma_start3A_89 = tpu.memref_slice %arg5[%add3A_76, %dma_start3A] : memref<20480x128xf32, #tpu.memory_space<hbm>> -> memref<128x128xf32, #tpu.memory_space<hbm>>
      %dma_start3A_90 = arith.constant 0 : i32
      %dma_start3A_91 = tpu.memref_slice %arg9[%add3A_69, %dma_start3A_90] : memref<10240x128xf32, #tpu.memory_space<vmem_shared>> -> memref<128x128xf32, #tpu.memory_space<vmem_shared>>
      tpu.enqueue_dma source(%dma_start3A_91 : memref<128x128xf32, #tpu.memory_space<vmem_shared>>) target(%dma_start3A_89 : memref<128x128xf32, #tpu.memory_space<hbm>>) target_semaphore(%run_scoped3A_88 : memref<!tpu.dma_semaphore, #tpu.memory_space<semaphore_mem>>)
      %dma_wait3A = arith.constant 0 : i32
      %dma_wait3A_92 = tpu.memref_slice %arg5[%add3A_76, %dma_wait3A] : memref<20480x128xf32, #tpu.memory_space<hbm>> -> memref<128x128xf32, #tpu.memory_space<hbm>>
      %dma_wait3A_93 = arith.constant 0 : i32
      %dma_wait3A_94 = tpu.memref_slice %arg9[%add3A_69, %dma_wait3A_93] : memref<10240x128xf32, #tpu.memory_space<vmem_shared>> -> memref<128x128xf32, #tpu.memory_space<vmem_shared>>
      tpu.wait_dma2 semaphore(%run_scoped3A_88 : memref<!tpu.dma_semaphore, #tpu.memory_space<semaphore_mem>>) src(%dma_wait3A_94 : memref<128x128xf32, #tpu.memory_space<vmem_shared>>) dst(%dma_wait3A_92 : memref<128x128xf32, #tpu.memory_space<hbm>>)
      tpu.yield
    }) : () -> ()
    %mul3A_77 = arith.constant 640 : i32
    %mul3A_78 = arith.muli %arg1, %mul3A_77 : i32
    %add3A_79 = arith.constant 512 : i32
    %add3A_80 = arith.addi %mul3A_78, %add3A_79 : i32
    %mul3A_81 = arith.constant 10240 : i32
    %mul3A_82 = arith.muli %arg0, %mul3A_81 : i32
    %mul3A_83 = arith.constant 640 : i32
    %mul3A_84 = arith.muli %arg1, %mul3A_83 : i32
    %add3A_85 = arith.addi %mul3A_82, %mul3A_84 : i32
    %add3A_86 = arith.constant 512 : i32
    %add3A_87 = arith.addi %add3A_85, %add3A_86 : i32
    "tpu.region"() ({
      %run_scoped3A_88 = tpu.sem_alloc : memref<!tpu.dma_semaphore, #tpu.memory_space<semaphore_mem>>
      %dma_start3A = arith.constant 0 : i32
      %dma_start3A_89 = tpu.memref_slice %arg5[%add3A_87, %dma_start3A] : memref<20480x128xf32, #tpu.memory_space<hbm>> -> memref<128x128xf32, #tpu.memory_space<hbm>>
      %dma_start3A_90 = arith.constant 0 : i32
      %dma_start3A_91 = tpu.memref_slice %arg9[%add3A_80, %dma_start3A_90] : memref<10240x128xf32, #tpu.memory_space<vmem_shared>> -> memref<128x128xf32, #tpu.memory_space<vmem_shared>>
      tpu.enqueue_dma source(%dma_start3A_91 : memref<128x128xf32, #tpu.memory_space<vmem_shared>>) target(%dma_start3A_89 : memref<128x128xf32, #tpu.memory_space<hbm>>) target_semaphore(%run_scoped3A_88 : memref<!tpu.dma_semaphore, #tpu.memory_space<semaphore_mem>>)
      %dma_wait3A = arith.constant 0 : i32
      %dma_wait3A_92 = tpu.memref_slice %arg5[%add3A_87, %dma_wait3A] : memref<20480x128xf32, #tpu.memory_space<hbm>> -> memref<128x128xf32, #tpu.memory_space<hbm>>
      %dma_wait3A_93 = arith.constant 0 : i32
      %dma_wait3A_94 = tpu.memref_slice %arg9[%add3A_80, %dma_wait3A_93] : memref<10240x128xf32, #tpu.memory_space<vmem_shared>> -> memref<128x128xf32, #tpu.memory_space<vmem_shared>>
      tpu.wait_dma2 semaphore(%run_scoped3A_88 : memref<!tpu.dma_semaphore, #tpu.memory_space<semaphore_mem>>) src(%dma_wait3A_94 : memref<128x128xf32, #tpu.memory_space<vmem_shared>>) dst(%dma_wait3A_92 : memref<128x128xf32, #tpu.memory_space<hbm>>)
      tpu.yield
    }) : () -> ()
    return
  }
}

module attributes {stable_mosaic.version = 14 : i64} {
  func.func @_prescale_body(%arg0: memref<10000x128xf32, #tpu.memory_space<vmem>>, %arg1: memref<32x20480xf32, #tpu.memory_space<vmem>>, %arg2: memref<10240x128xf32, #tpu.memory_space<vmem>>) attributes {dimension_semantics = [], scalar_prefetch = 0 : i64, scratch_operands = 0 : i64, tpu.core_type = #tpu.core_type<tc>} {
    %get3A = arith.constant 0 : index
    %get3A_0 = arith.constant 0 : index
    %get3A_1 = vector.load %arg1[%get3A, %get3A_0] : memref<32x20480xf32, #tpu.memory_space<vmem>>, vector<32x20480xf32>
    %reduce_sum3A = arith.constant dense<0.000000e+00> : vector<20480xf32>
    %reduce_sum3A_2 = vector.multi_reduction <add>, %get3A_1, %reduce_sum3A [0] : vector<32x20480xf32> to vector<20480xf32>
    %broadcast_in_dim3A = vector.shape_cast %reduce_sum3A_2 : vector<20480xf32> to vector<1x20480xf32>
    %slice3A = vector.extract_strided_slice %broadcast_in_dim3A {offsets = [0, 0], sizes = [1, 10000], strides = [1, 1]} : vector<1x20480xf32> to vector<1x10000xf32>
    %max3A = arith.constant 1.000000e+00 : f32
    %max3A_3 = vector.broadcast %max3A : f32 to vector<1x10000xf32>
    %max3A_4 = arith.maximumf %slice3A, %max3A_3 : vector<1x10000xf32>
    %rsqrt3A = math.rsqrt %max3A_4 : vector<1x10000xf32>
    %transpose3A = tpu.transpose %rsqrt3A, [1, 0] : vector<1x10000xf32> -> vector<10000x1xf32>
    %get3A_5 = arith.constant 0 : index
    %get3A_6 = arith.constant 0 : index
    %get3A_7 = vector.load %arg0[%get3A_5, %get3A_6] : memref<10000x128xf32, #tpu.memory_space<vmem>>, vector<10000x128xf32>
    %mul3A = vector.broadcast %transpose3A : vector<10000x1xf32> to vector<10000x128xf32>
    %mul3A_8 = arith.mulf %get3A_7, %mul3A : vector<10000x128xf32>
    %swap3A = arith.constant 0 : index
    %swap3A_9 = arith.constant 0 : index
    %swap3A_10 = vector.load %arg2[%swap3A, %swap3A_9] : memref<10240x128xf32, #tpu.memory_space<vmem>>, vector<10000x128xf32>
    tpu.vector_store %arg2[%swap3A, %swap3A_9], %mul3A_8 {strides = array<i32>} : memref<10240x128xf32, #tpu.memory_space<vmem>>, vector<10000x128xf32>,
    %broadcast_in_dim3A_11 = arith.constant 0.000000e+00 : f32
    %broadcast_in_dim3A_12 = vector.broadcast %broadcast_in_dim3A_11 : f32 to vector<240x128xf32>
    %swap3A_13 = arith.constant 10000 : index
    %swap3A_14 = arith.constant 0 : index
    %swap3A_15 = vector.load %arg2[%swap3A_13, %swap3A_14] : memref<10240x128xf32, #tpu.memory_space<vmem>>, vector<240x128xf32>
    tpu.vector_store %arg2[%swap3A_13, %swap3A_14], %broadcast_in_dim3A_12 {strides = array<i32>} : memref<10240x128xf32, #tpu.memory_space<vmem>>, vector<240x128xf32>,
    return
  }
}

module attributes {stable_mosaic.version = 14 : i64} {
  func.func @_dense_body(%arg0: memref<20480x128xf32, #tpu.memory_space<vmem>>, %arg1: memref<32x20480xf32, #tpu.memory_space<vmem>>, %arg2: memref<128x128xf32, #tpu.memory_space<vmem>>, %arg3: memref<1x128xf32, #tpu.memory_space<vmem>>, %arg4: memref<128x128xf32, #tpu.memory_space<vmem>>, %arg5: memref<1x128xf32, #tpu.memory_space<vmem>>, %arg6: memref<1x128xf32, #tpu.memory_space<vmem>>, %arg7: memref<1x128xf32, #tpu.memory_space<vmem>>, %arg8: memref<128x128xf32, #tpu.memory_space<vmem>>, %arg9: memref<1x128xf32, #tpu.memory_space<vmem>>, %arg10: memref<128x128xf32, #tpu.memory_space<vmem>>, %arg11: memref<1x128xf32, #tpu.memory_space<vmem>>, %arg12: memref<1x128xf32, #tpu.memory_space<vmem>>, %arg13: memref<1x128xf32, #tpu.memory_space<vmem>>, %arg14: memref<128x128xf32, #tpu.memory_space<vmem>>, %arg15: memref<1x128xf32, #tpu.memory_space<vmem>>, %arg16: memref<1x128xf32, #tpu.memory_space<vmem>>) attributes {dimension_semantics = [], scalar_prefetch = 0 : i64, scratch_operands = 0 : i64, tpu.core_type = #tpu.core_type<tc>} {
    %get3A = arith.constant 0 : index
    %get3A_0 = arith.constant 0 : index
    %get3A_1 = vector.load %arg1[%get3A, %get3A_0] : memref<32x20480xf32, #tpu.memory_space<vmem>>, vector<32x20480xf32>
    %reduce_sum3A = arith.constant dense<0.000000e+00> : vector<20480xf32>
    %reduce_sum3A_2 = vector.multi_reduction <add>, %get3A_1, %reduce_sum3A [0] : vector<32x20480xf32> to vector<20480xf32>
    %broadcast_in_dim3A = vector.shape_cast %reduce_sum3A_2 : vector<20480xf32> to vector<1x20480xf32>
    %slice3A = vector.extract_strided_slice %broadcast_in_dim3A {offsets = [0, 10240], sizes = [1, 10000], strides = [1, 1]} : vector<1x20480xf32> to vector<1x10000xf32>
    %max3A = arith.constant 1.000000e+00 : f32
    %max3A_3 = vector.broadcast %max3A : f32 to vector<1x10000xf32>
    %max3A_4 = arith.maximumf %slice3A, %max3A_3 : vector<1x10000xf32>
    %rsqrt3A = math.rsqrt %max3A_4 : vector<1x10000xf32>
    %transpose3A = tpu.transpose %rsqrt3A, [1, 0] : vector<1x10000xf32> -> vector<10000x1xf32>
    %get3A_5 = arith.constant 0 : index
    %get3A_6 = arith.constant 0 : index
    %get3A_7 = vector.load %arg0[%get3A_5, %get3A_6] : memref<20480x128xf32, #tpu.memory_space<vmem>>, vector<10000x128xf32>
    %get3A_8 = arith.constant 10240 : index
    %get3A_9 = arith.constant 0 : index
    %get3A_10 = vector.load %arg0[%get3A_8, %get3A_9] : memref<20480x128xf32, #tpu.memory_space<vmem>>, vector<10000x128xf32>
    %add3A = arith.addf %get3A_7, %get3A_10 : vector<10000x128xf32>
    %mul3A = vector.broadcast %transpose3A : vector<10000x1xf32> to vector<10000x128xf32>
    %mul3A_11 = arith.mulf %add3A, %mul3A : vector<10000x128xf32>
    %get3A_12 = arith.constant 0 : index
    %get3A_13 = arith.constant 0 : index
    %get3A_14 = vector.load %arg2[%get3A_12, %get3A_13] : memref<128x128xf32, #tpu.memory_space<vmem>>, vector<128x128xf32>
    %dot_general3A = arith.constant dense<0.000000e+00> : vector<10000x128xf32>
    %dot_general3A_15 = tpu.matmul %mul3A_11, %get3A_14, %dot_general3A {dimension_numbers = #tpu.dot_dimension_numbers<[1], [0], [0], [1], [0, 0, 1, 1], [], []>, transpose_lhs_hint = false} : vector<10000x128xf32>, vector<128x128xf32>, vector<10000x128xf32> -> vector<10000x128xf32>
    %get3A_16 = arith.constant 0 : index
    %get3A_17 = arith.constant 0 : index
    %get3A_18 = vector.load %arg3[%get3A_16, %get3A_17] : memref<1x128xf32, #tpu.memory_space<vmem>>, vector<1x128xf32>
    %add3A_19 = vector.broadcast %get3A_18 : vector<1x128xf32> to vector<10000x128xf32>
    %add3A_20 = arith.addf %dot_general3A_15, %add3A_19 : vector<10000x128xf32>
    %max3A_21 = arith.constant 0.000000e+00 : f32
    %max3A_22 = vector.broadcast %max3A_21 : f32 to vector<10000x128xf32>
    %max3A_23 = arith.maximumf %add3A_20, %max3A_22 : vector<10000x128xf32>
    %get3A_24 = arith.constant 0 : index
    %get3A_25 = arith.constant 0 : index
    %get3A_26 = vector.load %arg4[%get3A_24, %get3A_25] : memref<128x128xf32, #tpu.memory_space<vmem>>, vector<128x128xf32>
    %get3A_27 = arith.constant 0 : index
    %get3A_28 = arith.constant 0 : index
    %get3A_29 = vector.load %arg5[%get3A_27, %get3A_28] : memref<1x128xf32, #tpu.memory_space<vmem>>, vector<1x128xf32>
    %get3A_30 = arith.constant 0 : index
    %get3A_31 = arith.constant 0 : index
    %get3A_32 = vector.load %arg6[%get3A_30, %get3A_31] : memref<1x128xf32, #tpu.memory_space<vmem>>, vector<1x128xf32>
    %get3A_33 = arith.constant 0 : index
    %get3A_34 = arith.constant 0 : index
    %get3A_35 = vector.load %arg7[%get3A_33, %get3A_34] : memref<1x128xf32, #tpu.memory_space<vmem>>, vector<1x128xf32>
    %get3A_36 = arith.constant 0 : index
    %get3A_37 = arith.constant 0 : index
    %get3A_38 = vector.load %arg8[%get3A_36, %get3A_37] : memref<128x128xf32, #tpu.memory_space<vmem>>, vector<128x128xf32>
    %get3A_39 = arith.constant 0 : index
    %get3A_40 = arith.constant 0 : index
    %get3A_41 = vector.load %arg9[%get3A_39, %get3A_40] : memref<1x128xf32, #tpu.memory_space<vmem>>, vector<1x128xf32>
    %dot_general3A_42 = arith.constant dense<0.000000e+00> : vector<10000x128xf32>
    %dot_general3A_43 = tpu.matmul %max3A_23, %get3A_26, %dot_general3A_42 {dimension_numbers = #tpu.dot_dimension_numbers<[1], [0], [0], [1], [0, 0, 1, 1], [], []>, transpose_lhs_hint = false} : vector<10000x128xf32>, vector<128x128xf32>, vector<10000x128xf32> -> vector<10000x128xf32>
    %add3A_44 = vector.broadcast %get3A_29 : vector<1x128xf32> to vector<10000x128xf32>
    %add3A_45 = arith.addf %dot_general3A_43, %add3A_44 : vector<10000x128xf32>
    %reduce_sum3A_46 = arith.constant dense<0.000000e+00> : vector<128xf32>
    %reduce_sum3A_47 = vector.multi_reduction <add>, %add3A_45, %reduce_sum3A_46 [0] : vector<10000x128xf32> to vector<128xf32>
    %broadcast_in_dim3A_48 = vector.shape_cast %reduce_sum3A_47 : vector<128xf32> to vector<1x128xf32>
    %div3A = arith.constant 1.000000e+04 : f32
    %div3A_49 = vector.broadcast %div3A : f32 to vector<1x128xf32>
    %div3A_50 = arith.divf %broadcast_in_dim3A_48, %div3A_49 : vector<1x128xf32>
    %sub3A = vector.broadcast %div3A_50 : vector<1x128xf32> to vector<10000x128xf32>
    %sub3A_51 = arith.subf %add3A_45, %sub3A : vector<10000x128xf32>
    %integer_pow3A = arith.mulf %sub3A_51, %sub3A_51 : vector<10000x128xf32>
    %reduce_sum3A_52 = arith.constant dense<0.000000e+00> : vector<128xf32>
    %reduce_sum3A_53 = vector.multi_reduction <add>, %integer_pow3A, %reduce_sum3A_52 [0] : vector<10000x128xf32> to vector<128xf32>
    %broadcast_in_dim3A_54 = vector.shape_cast %reduce_sum3A_53 : vector<128xf32> to vector<1x128xf32>
    %div3A_55 = arith.constant 1.000000e+04 : f32
    %div3A_56 = vector.broadcast %div3A_55 : f32 to vector<1x128xf32>
    %div3A_57 = arith.divf %broadcast_in_dim3A_54, %div3A_56 : vector<1x128xf32>
    %sub3A_58 = vector.broadcast %div3A_50 : vector<1x128xf32> to vector<10000x128xf32>
    %sub3A_59 = arith.subf %add3A_45, %sub3A_58 : vector<10000x128xf32>
    %add3A_60 = arith.constant 9.99999974E-6 : f32
    %add3A_61 = vector.broadcast %add3A_60 : f32 to vector<1x128xf32>
    %add3A_62 = arith.addf %div3A_57, %add3A_61 : vector<1x128xf32>
    %sqrt3A = math.sqrt %add3A_62 : vector<1x128xf32>
    %div3A_63 = vector.broadcast %sqrt3A : vector<1x128xf32> to vector<10000x128xf32>
    %div3A_64 = arith.divf %sub3A_59, %div3A_63 : vector<10000x128xf32>
    %mul3A_65 = vector.broadcast %get3A_32 : vector<1x128xf32> to vector<10000x128xf32>
    %mul3A_66 = arith.mulf %div3A_64, %mul3A_65 : vector<10000x128xf32>
    %add3A_67 = vector.broadcast %get3A_35 : vector<1x128xf32> to vector<10000x128xf32>
    %add3A_68 = arith.addf %mul3A_66, %add3A_67 : vector<10000x128xf32>
    %max3A_69 = arith.constant 0.000000e+00 : f32
    %max3A_70 = vector.broadcast %max3A_69 : f32 to vector<10000x128xf32>
    %max3A_71 = arith.maximumf %add3A_68, %max3A_70 : vector<10000x128xf32>
    %dot_general3A_72 = arith.constant dense<0.000000e+00> : vector<10000x128xf32>
    %dot_general3A_73 = tpu.matmul %max3A_71, %get3A_38, %dot_general3A_72 {dimension_numbers = #tpu.dot_dimension_numbers<[1], [0], [0], [1], [0, 0, 1, 1], [], []>, transpose_lhs_hint = false} : vector<10000x128xf32>, vector<128x128xf32>, vector<10000x128xf32> -> vector<10000x128xf32>
    %add3A_74 = vector.broadcast %get3A_41 : vector<1x128xf32> to vector<10000x128xf32>
    %add3A_75 = arith.addf %dot_general3A_73, %add3A_74 : vector<10000x128xf32>
    %get3A_76 = arith.constant 0 : index
    %get3A_77 = arith.constant 0 : index
    %get3A_78 = vector.load %arg10[%get3A_76, %get3A_77] : memref<128x128xf32, #tpu.memory_space<vmem>>, vector<128x128xf32>
    %get3A_79 = arith.constant 0 : index
    %get3A_80 = arith.constant 0 : index
    %get3A_81 = vector.load %arg11[%get3A_79, %get3A_80] : memref<1x128xf32, #tpu.memory_space<vmem>>, vector<1x128xf32>
    %get3A_82 = arith.constant 0 : index
    %get3A_83 = arith.constant 0 : index
    %get3A_84 = vector.load %arg12[%get3A_82, %get3A_83] : memref<1x128xf32, #tpu.memory_space<vmem>>, vector<1x128xf32>
    %get3A_85 = arith.constant 0 : index
    %get3A_86 = arith.constant 0 : index
    %get3A_87 = vector.load %arg13[%get3A_85, %get3A_86] : memref<1x128xf32, #tpu.memory_space<vmem>>, vector<1x128xf32>
    %get3A_88 = arith.constant 0 : index
    %get3A_89 = arith.constant 0 : index
    %get3A_90 = vector.load %arg14[%get3A_88, %get3A_89] : memref<128x128xf32, #tpu.memory_space<vmem>>, vector<128x128xf32>
    %get3A_91 = arith.constant 0 : index
    %get3A_92 = arith.constant 0 : index
    %get3A_93 = vector.load %arg15[%get3A_91, %get3A_92] : memref<1x128xf32, #tpu.memory_space<vmem>>, vector<1x128xf32>
    %dot_general3A_94 = arith.constant dense<0.000000e+00> : vector<10000x128xf32>
    %dot_general3A_95 = tpu.matmul %add3A_75, %get3A_78, %dot_general3A_94 {dimension_numbers = #tpu.dot_dimension_numbers<[1], [0], [0], [1], [0, 0, 1, 1], [], []>, transpose_lhs_hint = false} : vector<10000x128xf32>, vector<128x128xf32>, vector<10000x128xf32> -> vector<10000x128xf32>
    %add3A_96 = vector.broadcast %get3A_81 : vector<1x128xf32> to vector<10000x128xf32>
    %add3A_97 = arith.addf %dot_general3A_95, %add3A_96 : vector<10000x128xf32>
    %reduce_sum3A_98 = arith.constant dense<0.000000e+00> : vector<128xf32>
    %reduce_sum3A_99 = vector.multi_reduction <add>, %add3A_97, %reduce_sum3A_98 [0] : vector<10000x128xf32> to vector<128xf32>
    %broadcast_in_dim3A_100 = vector.shape_cast %reduce_sum3A_99 : vector<128xf32> to vector<1x128xf32>
    %div3A_101 = arith.constant 1.000000e+04 : f32
    %div3A_102 = vector.broadcast %div3A_101 : f32 to vector<1x128xf32>
    %div3A_103 = arith.divf %broadcast_in_dim3A_100, %div3A_102 : vector<1x128xf32>
    %sub3A_104 = vector.broadcast %div3A_103 : vector<1x128xf32> to vector<10000x128xf32>
    %sub3A_105 = arith.subf %add3A_97, %sub3A_104 : vector<10000x128xf32>
    %integer_pow3A_106 = arith.mulf %sub3A_105, %sub3A_105 : vector<10000x128xf32>
    %reduce_sum3A_107 = arith.constant dense<0.000000e+00> : vector<128xf32>
    %reduce_sum3A_108 = vector.multi_reduction <add>, %integer_pow3A_106, %reduce_sum3A_107 [0] : vector<10000x128xf32> to vector<128xf32>
    %broadcast_in_dim3A_109 = vector.shape_cast %reduce_sum3A_108 : vector<128xf32> to vector<1x128xf32>
    %div3A_110 = arith.constant 1.000000e+04 : f32
    %div3A_111 = vector.broadcast %div3A_110 : f32 to vector<1x128xf32>
    %div3A_112 = arith.divf %broadcast_in_dim3A_109, %div3A_111 : vector<1x128xf32>
    %sub3A_113 = vector.broadcast %div3A_103 : vector<1x128xf32> to vector<10000x128xf32>
    %sub3A_114 = arith.subf %add3A_97, %sub3A_113 : vector<10000x128xf32>
    %add3A_115 = arith.constant 9.99999974E-6 : f32
    %add3A_116 = vector.broadcast %add3A_115 : f32 to vector<1x128xf32>
    %add3A_117 = arith.addf %div3A_112, %add3A_116 : vector<1x128xf32>
    %sqrt3A_118 = math.sqrt %add3A_117 : vector<1x128xf32>
    %div3A_119 = vector.broadcast %sqrt3A_118 : vector<1x128xf32> to vector<10000x128xf32>
    %div3A_120 = arith.divf %sub3A_114, %div3A_119 : vector<10000x128xf32>
    %mul3A_121 = vector.broadcast %get3A_84 : vector<1x128xf32> to vector<10000x128xf32>
    %mul3A_122 = arith.mulf %div3A_120, %mul3A_121 : vector<10000x128xf32>
    %add3A_123 = vector.broadcast %get3A_87 : vector<1x128xf32> to vector<10000x128xf32>
    %add3A_124 = arith.addf %mul3A_122, %add3A_123 : vector<10000x128xf32>
    %max3A_125 = arith.constant 0.000000e+00 : f32
    %max3A_126 = vector.broadcast %max3A_125 : f32 to vector<10000x128xf32>
    %max3A_127 = arith.maximumf %add3A_124, %max3A_126 : vector<10000x128xf32>
    %dot_general3A_128 = arith.constant dense<0.000000e+00> : vector<10000x128xf32>
    %dot_general3A_129 = tpu.matmul %max3A_127, %get3A_90, %dot_general3A_128 {dimension_numbers = #tpu.dot_dimension_numbers<[1], [0], [0], [1], [0, 0, 1, 1], [], []>, transpose_lhs_hint = false} : vector<10000x128xf32>, vector<128x128xf32>, vector<10000x128xf32> -> vector<10000x128xf32>
    %add3A_130 = vector.broadcast %get3A_93 : vector<1x128xf32> to vector<10000x128xf32>
    %add3A_131 = arith.addf %dot_general3A_129, %add3A_130 : vector<10000x128xf32>
    %mul3A_132 = arith.mulf %add3A_131, %add3A_131 : vector<10000x128xf32>
    %reduce_sum3A_133 = arith.constant dense<0.000000e+00> : vector<10000xf32>
    %reduce_sum3A_134 = vector.multi_reduction <add>, %mul3A_132, %reduce_sum3A_133 [1] : vector<10000x128xf32> to vector<10000xf32>
    %broadcast_in_dim3A_135 = vector.shape_cast %reduce_sum3A_134 : vector<10000xf32> to vector<10000x1xf32>
    %sqrt3A_136 = math.sqrt %broadcast_in_dim3A_135 : vector<10000x1xf32>
    %mul3A_137 = arith.mulf %add3A_75, %add3A_75 : vector<10000x128xf32>
    %reduce_sum3A_138 = arith.constant dense<0.000000e+00> : vector<10000xf32>
    %reduce_sum3A_139 = vector.multi_reduction <add>, %mul3A_137, %reduce_sum3A_138 [1] : vector<10000x128xf32> to vector<10000xf32>
    %broadcast_in_dim3A_140 = vector.shape_cast %reduce_sum3A_139 : vector<10000xf32> to vector<10000x1xf32>
    %sqrt3A_141 = math.sqrt %broadcast_in_dim3A_140 : vector<10000x1xf32>
    %max3A_142 = arith.constant 9.99999996E-13 : f32
    %max3A_143 = vector.broadcast %max3A_142 : f32 to vector<10000x1xf32>
    %max3A_144 = arith.maximumf %sqrt3A_136, %max3A_143 : vector<10000x1xf32>
    %div3A_145 = vector.broadcast %max3A_144 : vector<10000x1xf32> to vector<10000x128xf32>
    %div3A_146 = arith.divf %add3A_131, %div3A_145 : vector<10000x128xf32>
    %max3A_147 = arith.constant 9.99999996E-13 : f32
    %max3A_148 = vector.broadcast %max3A_147 : f32 to vector<10000x1xf32>
    %max3A_149 = arith.maximumf %sqrt3A_141, %max3A_148 : vector<10000x1xf32>
    %div3A_150 = vector.broadcast %max3A_149 : vector<10000x1xf32> to vector<10000x128xf32>
    %div3A_151 = arith.divf %add3A_75, %div3A_150 : vector<10000x128xf32>
    %mul3A_152 = arith.mulf %div3A_146, %div3A_151 : vector<10000x128xf32>
    %reduce_sum3A_153 = arith.constant dense<0.000000e+00> : vector<10000xf32>
    %reduce_sum3A_154 = vector.multi_reduction <add>, %mul3A_152, %reduce_sum3A_153 [1] : vector<10000x128xf32> to vector<10000xf32>
    %broadcast_in_dim3A_155 = vector.shape_cast %reduce_sum3A_154 : vector<10000xf32> to vector<10000x1xf32>
    %reduce_sum3A_156 = vector.shape_cast %broadcast_in_dim3A_155 : vector<10000x1xf32> to vector<1x10000x1xf32>
    %reduce_sum3A_157 = arith.constant dense<0.000000e+00> : vector<1xf32>
    %reduce_sum3A_158 = vector.multi_reduction <add>, %reduce_sum3A_156, %reduce_sum3A_157 [1, 2] : vector<1x10000x1xf32> to vector<1xf32>
    %reduce_sum3A_159 = vector.shape_cast %reduce_sum3A_158 : vector<1xf32> to vector<1x1x1xf32>
    %reduce_sum3A_160 = vector.extract %reduce_sum3A_159[0, 0, 0] : f32 from vector<1x1x1xf32>
    %mul3A_161 = arith.constant 2.000000e+00 : f32
    %mul3A_162 = arith.mulf %mul3A_161, %reduce_sum3A_160 : f32
    %div3A_163 = arith.constant 1.000000e+04 : f32
    %div3A_164 = arith.divf %mul3A_162, %div3A_163 : f32
    %sub3A_165 = arith.constant 2.000000e+00 : f32
    %sub3A_166 = arith.subf %sub3A_165, %div3A_164 : f32
    %broadcast_in_dim3A_167 = vector.broadcast %sub3A_166 : f32 to vector<1x128xf32>
    %swap3A = arith.constant 0 : index
    %swap3A_168 = arith.constant 0 : index
    %swap3A_169 = vector.load %arg16[%swap3A, %swap3A_168] : memref<1x128xf32, #tpu.memory_space<vmem>>, vector<1x128xf32>
    tpu.vector_store %arg16[%swap3A, %swap3A_168], %broadcast_in_dim3A_167 {strides = array<i32>} : memref<1x128xf32, #tpu.memory_space<vmem>>, vector<1x128xf32>,
    return
  }
}

</mosaic_0001>

<sc_bundles>
// kernel: kernel.6.cloned.1.call-start
scs
__scs_entry_jumppad:
0x0: {  	(pc) =	sbr.rel $0x88, $3  }
0x1: {  	(tag) =	ssettag $0x0;
	lr =	simm.s32 $0x1  }
0x2: {  	[smem:$0x3F91] =	sst lr;
	_ =	strace $0xD0000000  }
0x3: {  	_ = 	snop  }
0x4: {  	_ = 	snop  }
0x5: {  	_ = 	snop  }
0x6: {  	_ = 	snop  }
0x7: {  	_ = 	snop  }
__scs_overlays_trampoline_lowered:
0x8: {  	[smem:$0x3FA0] =	sst s0  }
0x9: {  	[smem:$0x3FA1] =	sst s1  }
0xa: {  	[smem:$0x3FA2] =	sst s2  }
0xb: {  	[smem:$0x3FA3] =	sst s3  }
0xc: {  	[smem:$0x3FA4] =	sst s4  }
0xd: {  	[smem:$0x3FA5] =	sst s5  }
0xe: {  	[smem:$0x3FA6] =	sst s6  }
0xf: {  	[smem:$0x3FA7] =	sst s7  }
0x10: {  	[smem:$0x3FA8] =	sst s8  }
0x11: {  	[smem:$0x3FA9] =	sst s9;
	s0 =	simm.s32 @!p0 $0x0  }
0x12: {  	s1 =	sld [smem:$0x3F8F];
	s0 =	simm.s32 @p0 $0x1  }
0x13: {  	[smem:$0x3FAA] =	sst s0;
	s0 =	simm.s32 @!p1 $0x0  }
0x14: {  	s2 =	sld [smem:$0x3F8E];
	s0 =	simm.s32 @p1 $0x1  }
0x15: {  	[smem:$0x3FAB] =	sst s0;
	s0 =	simm.s32 @!p2 $0x0  }
0x16: {  	s3 =	sld [smem:$0x3FDB];
	s0 =	simm.s32 @p2 $0x1  }
0x17: {  	s4 =	simm.s32 $0x1BF5;
	[smem:$0x3FAD] =	sst s0  }
0x18: {  	s0 =	sld [smem:$0x3F90];
	_ =	swait.ge [sflag:s4], $0x0  }
0x19: {  	s7 =	sld [smem:$0x3F91]  }
0x1a: {  	s8 =	sadd.s32 $0xFFFFE003, lr  }
0x1b: {  	s9 =	sadd.s32 $0xFFFFFEF7, lr;
	s5 =	simm.s32 $0xFFFFFFFF;
	p2 =	slt.u32 s8, $0xFFFFF086  }
0x1c: {  	p1 =	slt.u32 s9, $0xF7A;
	s5 =	simm.s32 @!p2 $0x0  }
0x1d: {  	s5 =	simm.s32 @p1 $0x1;
	p0 =	seq.s32 s7, s2  }
0x1e: {  	s7 =	smul.u32 @!p0 $0xF7A, s2;
	p2 =	seq.s32 @!p0 s5, $0x0  }
0x1f: {  	s9 =	smul.u32 $0xF7A, s1;
	s8 =	simm.s32 @!p0 $0x1BF5;
	p2 =	por !p2, p0  }
0x20: {  	[sflag:s8] =	ssyncset.s32 @!p0 $0xFFFFF086;
	s6 =	sadd.s32 @!p0 s3, s7;
	s7 =	simm.s32 @!p0 $0x108  }
0x21: {  	s3 =	sadd.s32 s3, s9;
	s6 =	sadd.s32 @!p0 $0x88, s6;
	s7 =	simm.s32 @p2 $0x1082  }
0x22: {  	[simem:s7], [sflag:s8] =	dma.local @!p0 [hbm:s6], $0xF7A  }
0x23: {  	s9 =	sor.u32 $0xD0000000, s2;
	s6 =	simm.s32 $0x108;
	_ =	swait.ge @!p0 [sflag:s8], $0x0  }
0x24: {  	s3 =	sadd.s32 $0x88, s3;
	s6 =	simm.s32 @!p1 $0x1082;
	[sflag:s4] =	ssyncset.s32 $0xFFFFF086  }
0x25: {  	[simem:s6], [sflag:s4] =	dma.local [hbm:s3], $0xF7A  }
0x26: {  	[smem:$0x3F91] =	sst s1;
	(tag) =	ssettag s2;
	_ =	strace s9  }
0x27: {  	s1 =	sld [smem:$0x3FA1]  }
0x28: {  	s2 =	sld [smem:$0x3FA2]  }
0x29: {  	s4 =	sld [smem:$0x3FA4]  }
0x2a: {  	p0 =	seq.s32 s5, $0x0;
	s5 =	sld [smem:$0x3FA5]  }
0x2b: {  	s6 =	sld [smem:$0x3FA6]  }
0x2c: {  	s7 =	sld [smem:$0x3FA7]  }
0x2d: {  	s3 =	simm.s32 $0x108;
	s8 =	sld [smem:$0x3FA8]  }
0x2e: {  	s3 =	simm.s32 @!p0 $0x1082;
	s9 =	sld [smem:$0x3FA9]  }
0x2f: {  	lr =	sadd.s32 s0, s3;
	s0 =	sld [smem:$0x3FA0]  }
0x30: {  	s3 =	sld [smem:$0x3FA3]  }
0x31: {  	[smem:$0x3FAC] =	sst s10  }
0x32: {  	s10 =	sld [smem:$0x3FAA];
	_ =	sdelay $0x3  }
0x33: {  	p0 =	seq.s32 s10, $0x1;
	s10 =	sld [smem:$0x3FAC];
	_ =	sdelay $0x3  }
0x34: {  	[smem:$0x3FAC] =	sst s10  }
0x35: {  	s10 =	sld [smem:$0x3FAB];
	_ =	sdelay $0x3  }
0x36: {  	p1 =	seq.s32 s10, $0x1;
	s10 =	sld [smem:$0x3FAC];
	_ =	sdelay $0x3  }
0x37: {  	[smem:$0x3FAC] =	sst s10  }
0x38: {  	s10 =	sld [smem:$0x3FAD]  }
0x39: {  	_ = 	snop;
	(pc) =	sbr.ind lr, $3  }
0x3a: {  	_ = 	snop  }
0x3b: {  	_ = 	snop  }
0x3c: {  	p2 =	seq.s32 s10, $0x1;
	s10 =	sld [smem:$0x3FAC]  }
0x3d: {  	_ =	shalt  }
0x3e: {  	_ =	shalt  }
0x3f: {  	_ =	shalt  }
0x40: {  	_ =	shalt  }
0x41: {  	_ =	shalt  }
0x42: {  	_ =	shalt  }
0x43: {  	_ =	shalt  }
0x44: {  	_ =	shalt  }
0x45: {  	_ =	shalt  }
0x46: {  	_ =	shalt  }
0x47: {  	_ =	shalt  }
0x48: {  	_ =	shalt  }
0x49: {  	_ =	shalt  }
0x4a: {  	_ =	shalt  }
0x4b: {  	_ =	shalt  }
0x4c: {  	_ =	shalt  }
0x4d: {  	_ =	shalt  }
0x4e: {  	_ =	shalt  }
0x4f: {  	_ =	shalt  }
0x50: {  	_ =	shalt  }
0x51: {  	_ =	shalt  }
0x52: {  	_ =	shalt  }
0x53: {  	_ =	shalt  }
0x54: {  	_ =	shalt  }
0x55: {  	_ =	shalt  }
0x56: {  	_ =	shalt  }
0x57: {  	_ =	shalt  }
0x58: {  	_ =	shalt  }
0x59: {  	_ =	shalt  }
0x5a: {  	_ =	shalt  }
0x5b: {  	_ =	shalt  }
0x5c: {  	_ =	shalt  }
0x5d: {  	_ =	shalt  }
0x5e: {  	_ =	shalt  }
0x5f: {  	_ =	shalt  }
0x60: {  	_ =	shalt  }
0x61: {  	_ =	shalt  }
0x62: {  	_ =	shalt  }
0x63: {  	_ =	shalt  }
0x64: {  	_ =	shalt  }
0x65: {  	_ =	shalt  }
0x66: {  	_ =	shalt  }
0x67: {  	_ =	shalt  }
0x68: {  	_ =	shalt  }
0x69: {  	_ =	shalt  }
0x6a: {  	_ =	shalt  }
0x6b: {  	_ =	shalt  }
0x6c: {  	_ =	shalt  }
0x6d: {  	_ =	shalt  }
0x6e: {  	_ =	shalt  }
0x6f: {  	_ =	shalt  }
0x70: {  	_ =	shalt  }
0x71: {  	_ =	shalt  }
0x72: {  	_ =	shalt  }
0x73: {  	_ =	shalt  }
0x74: {  	_ =	shalt  }
0x75: {  	_ =	shalt  }
0x76: {  	_ =	shalt  }
0x77: {  	_ =	shalt  }
0x78: {  	_ =	shalt  }
0x79: {  	_ =	shalt  }
0x7a: {  	_ =	shalt  }
0x7b: {  	_ =	shalt  }
0x7c: {  	_ =	shalt  }
0x7d: {  	_ =	shalt  }
0x7e: {  	_ =	shalt  }
0x7f: {  	_ =	shalt  }
0x80: {  	_ =	shalt  }
0x81: {  	_ =	shalt  }
0x82: {  	_ =	shalt  }
0x83: {  	_ =	shalt  }
0x84: {  	_ =	shalt  }
0x85: {  	_ =	shalt  }
0x86: {  	_ =	shalt  }
0x87: {  	_ =	shalt  }
.Lfunc_end0:
.L_simem_size_0:
called_computation_lowered:
.L_overlay_start_0:
0x88: {  	s2 =	sld [smem:$0x3FD9]  }
0x89: {  	s3 =	sld [smem:$0x3FFE];
	_ =	sdelay $0x1  }
0x8a: {  	s1 =	srdreg.scid  }
0x8b: {  	s0 =	sand.u32 $0x1, s1  }
0x8c: {  	s16 =	sshll.u32 s0, $0xA;
	s2 =	sadd.s32 s3, s2  }
0x8d: {  	s2 =	sadd.s32 s2, s16  }
0x8e: {  	[smem:$0x3FB8] =	sst s2  }
0x8f: {  	_ = 	snop  }
0x90: {  	(tm) =	ssettm $0x1  }
0x91: {  	s17 =	sld [smem:$0x3FFB];
	_ =	sdelay $0x3  }
0x92: {  	_ =	strace s17  }
0x93: {  	s2 =	sld [smem:$0x3FFC];
	_ =	sdelay $0x3  }
0x94: {  	_ =	strace s2  }
0x95: {  	s2 =	sld [smem:$0x3FFD];
	_ =	sdelay $0x3  }
0x96: {  	_ =	strace s2  }
0x97: {  	_ =	strace $0x8FFFFFFF  }
0x98: {  	s18 =	sld [smem:$0x3FDB];
	_ =	sdelay $0x1  }
0x99: {  	s19 =	simm.s32 $_scs_section_size  }
0x9a: {  	s4 =	simm.s32 $_size__tile_overlayer_lowered;
	s5 =	simm.s32 $_tile_overlayer_lowered  }
0x9b: {  	s22 =	simm.s32 $0x1BFF;
	s21 =	sshll.u32 s5, $0x1;
	s2 =	sadd.s32 s19, s18  }
0x9c: {  	s6 =	simm.s32 $0x0;
	s20 =	sshll.u32 s4, $0x1;
	s4 =	sadd.s32 s21, s2  }
0x9d: {  	[timem:s6], [sflag:s22] =	dma.local [hbm:s4], s20  }
0x9e: {  	_ =	swait.ge [sflag:s22], s20  }
0x9f: {  	s3 =	ssub.s32 $0x0, s20;
	[sflag:s22] =	ssyncset.done $0x0  }
0xa0: {  	[sflag:s22] =	ssyncadd.s32 s3;
	_ =	sdelay $0x1  }
0xa1: {  	s23 =	simm.s32 $0x1B8B  }
0xa2: {  	_ =	swait.ge [sflag:s23], $0x1  }
0xa3: {  	[sflag:s23] =	ssyncset.done $0x0  }
0xa4: {  	s25 =	simm.s32 $0x1B8E;
	s24 =	sld [smem:$0x3FFE];
	[sflag:s23] =	ssyncadd.s32 $0xFFFFFFFF  }
0xa5: {  	s26 =	simm.s32 $execute0_lowered;
	[smem:$0x3FD2] =	sst s25  }
0xa6: {  	s4 =	sshll.u32 s26, $0x1;
	_ =	strace $0x80000046;
	[dreg:$0x1] =	wrdreg $0xFFFFFFFF  }
0xa7: {  	s28 =	simm.s32 $_size_execute0_lowered;
	s2 =	sadd.s32 s2, s4;
	[dreg:$0x0] =	wrdreg $0x0  }
0xa8: {  	s4 =	sshll.u32 s28, $0x1;
	[dreg:$0x2] =	wrdreg s2  }
0xa9: {  	[dreg:$0x3] =	wrdreg s4  }
0xaa: {  	[dreg:$0x4] =	wrdreg $0xC0  }
0xab: {  	_ =	task [dreg:s6], $0x5FFFF  }
0xac: {  	[dreg:$0x1] =	wrdreg $0xFFFFFFFF  }
0xad: {  	[dreg:$0x0] =	wrdreg $0x60  }
0xae: {  	[dreg:$0x2] =	wrdreg s24  }
0xaf: {  	[dreg:$0x3] =	wrdreg $0x9  }
0xb0: {  	_ =	task.clear_ibuf [dreg:s6], $0x4FFFF;
	_ =	strace $0x90000046  }
0xb1: {  	s29 =	simm.s32 $0x9;
	_ =	strace $0x80000048  }
0xb2: {  	_ =	swait.ge [sflag:s29], $0x1  }
0xb3: {  	[sflag:s29] =	ssyncadd.s32 $0xFFFFFFFF  }
0xb4: {  	_ =	strace $0x90000048  }
0xb5: {  	_ =	sfence  }
0xb6: {  	s30 =	sld [smem:$0x0];
	_ =	sdelay $0x2  }
0xb7: {  	s31 =	sshll.u32 s1, $0xD;
	s1 =	sshrl.u32 s1, $0x2  }
0xb8: {  	s3 =	sand.u32 $0x4000, s31;
	s1 =	sadd.s32 s1, s30  }
0xb9: {  	s0 =	sor.u32 s3, s0;
	s1 =	sshll.u32 s1, $0x11  }
0xba: {  	s0 =	sor.u32 s1, s0  }
0xbb: {  	s0 =	sadd.s32 $0x8F2B, s0  }
0xbc: {  	[sflag:s0] =	ssyncadd.remote.s32 $0x1  }
0xbd: {  	_ =	sfence.sel $0xFFFF  }
0xbe: {  	[dreg:$0x0] =	wrdreg $0xFFFFFFFF;
	(pc) =	sbr.abs _section_cstart, $3  }
0xbf: {  	[dreg:$0x1] =	wrdreg $0xFFFFFFFF  }
0xc0: {  	_ =	task.clear_ibuf [dreg:s6], $0x2FFFF;
	_ =	strace $0x9FFFFFFF  }
0xc1: {  	(tm) =	ssettm $0x7FFFFFFF  }
tec
execute0_lowered:
.L_overlay_start_1:
0x0: {  	(tag) =	ssettag $0x1  }
0x1: {  	s1 =	srdreg.scid  }
0x2: {  	s0 =	stileid.u32;
	s5 =	rddreg [dreg:$0x0];
	s2 =	simm.s32 $0x0  }
0x3: {  	s8 =	simm.s32 $0x2800;
	s9 =	simm.s32 $0x5000;
	s10 =	simm.s32 $0x0  }
0x4: {  	s3 =	sand.u32 $0x1, s1;
	s4 =	smul.u32 $0x5000, s0;
	s1 =	rddreg [dreg:$0x1]  }
0x5: {  	[smem:$0x7FF] =	sst s2;
	s6 =	smul.u32 $0x2800, s3;
	s7 =	sshll.u32 s3, $0x4  }
0x6: {  	_ =	strace $0x80000047;
	s3 =	ssub.s32 $0x2, s3;
	s7 =	sor.u32 s0, s7  }
0x7: {  	s31 =	sshrl.u32 s3, $0x1;
	s4 =	sadd.s32 s6, s4;
	s30 =	smul.u32 $0xA00, s7  }
0x8: {  	s6 =	ssub.s32 s3, s31;
	s7 =	simm.s32 $0x1;
	s4 =	sshrl.u32 s4, $0x3  }
0x9: {  	s6 =	smax.u32 s6, $0x1;
	s4 =	sadd.s32 s4, s5;
	s5 =	sadd.s32 s30, s5  }
0xa: {  	v0 =	vimm.f32 $0.0e+00;
	v1 =	vimm.f32 $1.000000000e+00;
	s3 =	sadd.s32 $0x2A00, s4;
	s4 =	sadd.s32 $0xCA00, s4;
	s5 =	sadd.s32 $0x16A00, s5  }
.LBB2_1:
0xb: {  	s11 =	simm.s32 $0x0;
	s12 =	simm.s32 $0x200  }
.LBB2_2:
0xc: {  	p0 =	sne.s32 s12, $0x13E00;
	[tilespmem:s11+$0x5070] =	vst v0  }
0xd: {  	[tilespmem:s11+$0x5000] =	vst v0  }
0xe: {  	[tilespmem:s11+$0x5010] =	vst v0  }
.Ltmp0:
0xf: {  	[tilespmem:s11+$0x5020] =	vst v0;
	(pc) =	sbr.rel @p0 .LBB2_2-.Ltmp0, $4  }
0x10: {  	[tilespmem:s11+$0x5030] =	vst v0  }
0x11: {  	[tilespmem:s11+$0x5040] =	vst v0  }
0x12: {  	[tilespmem:s11+$0x5050] =	vst v0  }
0x13: {  	[tilespmem:s11+$0x5060] =	vst v0;
	s11 =	sshra.s32 s12, $0x2;
	s12 =	sadd.s32 $0x200, s12  }
0x14: {  	[tilespmem:s11+$0x5070] =	vst v0  }
0x15: {  	[tilespmem:s11+$0x5000] =	vst v0  }
0x16: {  	[tilespmem:s11+$0x5010] =	vst v0  }
0x17: {  	[tilespmem:s11+$0x5020] =	vst v0  }
0x18: {  	[tilespmem:s11+$0x5030] =	vst v0  }
0x19: {  	[tilespmem:s11+$0x5040] =	vst v0  }
0x1a: {  	[tilespmem:s11+$0x5050] =	vst v0  }
0x1b: {  	[tilespmem:s11+$0x5060] =	vst v0;
	s11 =	simm.s32 $0x0  }
0x1c: {  	[tilespmem:s11], [sflag:$0x1] =	stream.linear.gather [hbm4b:s3+s11], $0x2800, $0x38;
	[tilespmem:$0xA000] =	vst v63  }
0x1d: {  	_ =	swait.ge [sflag:s7], $0x2800  }
0x1e: {  	[sflag:s7] =	ssyncset.done $0x0  }
0x1f: {  	[sflag:s7] =	ssyncadd.s32 $0xFFFFD800  }
0x20: {  	[tilespmem:s8], [sflag:$0x1] =	stream.linear.gather [hbm4b:s4+s11], $0x2800, $0x38;
	[tilespmem:$0xA000] =	vst v63  }
0x21: {  	_ =	swait.ge [sflag:s7], $0x2800  }
0x22: {  	[sflag:s7] =	ssyncset.done $0x0  }
0x23: {  	[sflag:s7] =	ssyncadd.s32 $0xFFFFD800  }
.LBB2_4:
0x24: {  	s12 =	sshra.s32 s11, $0x2  }
0x25: {  	v2 =	vld [tilespmem:s12+$0x0];
	_ =	sdelay $0x7  }
0x26: {  	[tilespmem:v2+s9+$0x0] =	vst.idx.add.f32.msk $0xffff, v1  }
0x27: {  	v2 =	vld [tilespmem:s12+$0x2800];
	_ =	sdelay $0x4  }
0x28: {  	v2 =	vadd.s32 $0x2800, v2;
	_ =	sdelay $0x4  }
0x29: {  	[tilespmem:v2+s9+$0x0] =	vst.idx.add.f32.msk $0xffff, v1  }
0x2a: {  	v2 =	vld [tilespmem:s12+$0x10];
	_ =	sdelay $0x7  }
0x2b: {  	[tilespmem:v2+s9+$0x0] =	vst.idx.add.f32.msk $0xffff, v1  }
0x2c: {  	v2 =	vld [tilespmem:s12+$0x2810];
	_ =	sdelay $0x4  }
0x2d: {  	v2 =	vadd.s32 $0x2800, v2;
	_ =	sdelay $0x4  }
0x2e: {  	[tilespmem:v2+s9+$0x0] =	vst.idx.add.f32.msk $0xffff, v1  }
0x2f: {  	v2 =	vld [tilespmem:s12+$0x20];
	_ =	sdelay $0x7  }
0x30: {  	[tilespmem:v2+s9+$0x0] =	vst.idx.add.f32.msk $0xffff, v1  }
0x31: {  	v2 =	vld [tilespmem:s12+$0x2820];
	_ =	sdelay $0x4  }
0x32: {  	v2 =	vadd.s32 $0x2800, v2;
	_ =	sdelay $0x4  }
0x33: {  	[tilespmem:v2+s9+$0x0] =	vst.idx.add.f32.msk $0xffff, v1  }
0x34: {  	v2 =	vld [tilespmem:s12+$0x30];
	_ =	sdelay $0x7  }
0x35: {  	[tilespmem:v2+s9+$0x0] =	vst.idx.add.f32.msk $0xffff, v1  }
0x36: {  	v2 =	vld [tilespmem:s12+$0x2830];
	_ =	sdelay $0x4  }
0x37: {  	v2 =	vadd.s32 $0x2800, v2;
	_ =	sdelay $0x4  }
0x38: {  	[tilespmem:v2+s9+$0x0] =	vst.idx.add.f32.msk $0xffff, v1  }
0x39: {  	v2 =	vld [tilespmem:s12+$0x40];
	_ =	sdelay $0x7  }
0x3a: {  	[tilespmem:v2+s9+$0x0] =	vst.idx.add.f32.msk $0xffff, v1  }
0x3b: {  	v2 =	vld [tilespmem:s12+$0x2840];
	_ =	sdelay $0x4  }
0x3c: {  	v2 =	vadd.s32 $0x2800, v2;
	_ =	sdelay $0x4  }
0x3d: {  	[tilespmem:v2+s9+$0x0] =	vst.idx.add.f32.msk $0xffff, v1  }
0x3e: {  	v2 =	vld [tilespmem:s12+$0x50];
	_ =	sdelay $0x7  }
0x3f: {  	[tilespmem:v2+s9+$0x0] =	vst.idx.add.f32.msk $0xffff, v1  }
0x40: {  	v2 =	vld [tilespmem:s12+$0x2850];
	_ =	sdelay $0x4  }
0x41: {  	v2 =	vadd.s32 $0x2800, v2;
	_ =	sdelay $0x4  }
0x42: {  	[tilespmem:v2+s9+$0x0] =	vst.idx.add.f32.msk $0xffff, v1  }
0x43: {  	v2 =	vld [tilespmem:s12+$0x60];
	_ =	sdelay $0x7  }
0x44: {  	[tilespmem:v2+s9+$0x0] =	vst.idx.add.f32.msk $0xffff, v1  }
0x45: {  	v2 =	vld [tilespmem:s12+$0x2860];
	_ =	sdelay $0x4  }
0x46: {  	v2 =	vadd.s32 $0x2800, v2;
	_ =	sdelay $0x4  }
0x47: {  	[tilespmem:v2+s9+$0x0] =	vst.idx.add.f32.msk $0xffff, v1  }
0x48: {  	v2 =	vld [tilespmem:s12+$0x70];
	_ =	sdelay $0x7  }
0x49: {  	[tilespmem:v2+s9+$0x0] =	vst.idx.add.f32.msk $0xffff, v1  }
0x4a: {  	v2 =	vld [tilespmem:s12+$0x2870];
	_ =	sdelay $0x4  }
0x4b: {  	p0 =	sne.s32 s11, $0x9E00;
	v2 =	vadd.s32 $0x2800, v2  }
.Ltmp1:
0x4c: {  	_ = 	snop;
	(pc) =	sbr.rel @p0 .LBB2_4-.Ltmp1, $2  }
0x4d: {  	_ =	sdelay $0x2  }
0x4e: {  	s11 =	sadd.s32 $0x200, s11;
	[tilespmem:v2+s9+$0x0] =	vst.idx.add.f32.msk $0xffff, v1  }
0x4f: {  	s10 =	sadd.s32 $0x1, s10  }
0x50: {  	p0 =	sne.s32 s10, s6  }
.Ltmp2:
0x51: {  	_ = 	snop;
	(pc) =	sbr.rel @p0 .LBB2_1-.Ltmp2, $4  }
0x52: {  	[hbm4b:s5+s2] =	stream.linear.scatter [tilespmem:s9], [sflag:$0x1], $0x5000, $0x38;
	[tilespmem:$0xA000] =	vst v63  }
0x53: {  	_ =	swait.ge [sflag:s7], $0x5000  }
0x54: {  	[sflag:s7] =	ssyncset.done $0x0  }
0x55: {  	[sflag:s7] =	ssyncadd.s32 $0xFFFFB000  }
0x56: {  	_ =	sfence.sel $0x180000  }
0x57: {  	[bflag:$0x0] =	sbarrier.arrive $0xFFFF  }
0x58: {  	p0 =	sne.s32 s0, $0x0;
	_ =	strace $0x90000047  }
0x59: {  	s0 =	sadd.s32 @!p0 $0x100000, s1;
	[bflag:$0x2] =	sbarrier.arrive $0xFFFF  }
0x5a: {  	[sflag:s0] =	ssyncadd.tile.s32 @!p0 $0x1;
	_ =	shalt  }
.Lfunc_end2:
_tile_overlayer_lowered:
.L_overlay_start_2:
0x5b: {  	(tag) =	ssettag $0x2  }
0x5c: {  	s0 =	rddreg [dreg:$0x0];
	s2 =	stileid.u32  }
0x5d: {  	s1 =	rddreg [dreg:$0x1];
	p0 =	sne.s32 s2, $0x0  }
0x5e: {  	s3 =	rddreg [dreg:$0x2];
	[bflag:$0x3] =	sbarrier.arrive $0xFFFF;
	s2 =	simm.s32 @!p0 $0x1C01  }
0x5f: {  	[timem:s3], [sflag:s2] =	dma.local @!p0 [hbm:s0], s1  }
0x60: {  	s0 =	simm.s32 @!p0 $0x1  }
0x61: {  	_ =	swait.ge @!p0 [sflag:s0], s1  }
0x62: {  	s1 =	ssub.s32 @!p0 $0x0, s1;
	[sflag:s0] =	ssyncset.done @!p0 $0x0  }
0x63: {  	[sflag:s0] =	ssyncadd.s32 @!p0 s1  }
0x64: {  	[bflag:$0x3] =	sbarrier.arrive $0xFFFF  }
0x65: {  	_ =	shalt  }

// kernel: kernel.9.cloned.1.call-start
scs
__scs_entry_jumppad:
0x0: {  	(pc) =	sbr.rel $0x88, $3  }
0x1: {  	(tag) =	ssettag $0x0;
	lr =	simm.s32 $0x1  }
0x2: {  	[smem:$0x3F91] =	sst lr;
	_ =	strace $0xD0000000  }
0x3: {  	_ = 	snop  }
0x4: {  	_ = 	snop  }
0x5: {  	_ = 	snop  }
0x6: {  	_ = 	snop  }
0x7: {  	_ = 	snop  }
__scs_overlays_trampoline_lowered:
0x8: {  	[smem:$0x3FA0] =	sst s0  }
0x9: {  	[smem:$0x3FA1] =	sst s1  }
0xa: {  	[smem:$0x3FA2] =	sst s2  }
0xb: {  	[smem:$0x3FA3] =	sst s3  }
0xc: {  	[smem:$0x3FA4] =	sst s4  }
0xd: {  	[smem:$0x3FA5] =	sst s5  }
0xe: {  	[smem:$0x3FA6] =	sst s6  }
0xf: {  	[smem:$0x3FA7] =	sst s7  }
0x10: {  	[smem:$0x3FA8] =	sst s8  }
0x11: {  	[smem:$0x3FA9] =	sst s9;
	s0 =	simm.s32 @!p0 $0x0  }
0x12: {  	s1 =	sld [smem:$0x3F8F];
	s0 =	simm.s32 @p0 $0x1  }
0x13: {  	[smem:$0x3FAA] =	sst s0;
	s0 =	simm.s32 @!p1 $0x0  }
0x14: {  	s2 =	sld [smem:$0x3F8E];
	s0 =	simm.s32 @p1 $0x1  }
0x15: {  	[smem:$0x3FAB] =	sst s0;
	s0 =	simm.s32 @!p2 $0x0  }
0x16: {  	s3 =	sld [smem:$0x3FDB];
	s0 =	simm.s32 @p2 $0x1  }
0x17: {  	s4 =	simm.s32 $0x1BF5;
	[smem:$0x3FAD] =	sst s0  }
0x18: {  	s0 =	sld [smem:$0x3F90];
	_ =	swait.ge [sflag:s4], $0x0  }
0x19: {  	s7 =	sld [smem:$0x3F91]  }
0x1a: {  	s8 =	sadd.s32 $0xFFFFE003, lr  }
0x1b: {  	s9 =	sadd.s32 $0xFFFFFEF7, lr;
	s5 =	simm.s32 $0xFFFFFFFF;
	p2 =	slt.u32 s8, $0xFFFFF086  }
0x1c: {  	p1 =	slt.u32 s9, $0xF7A;
	s5 =	simm.s32 @!p2 $0x0  }
0x1d: {  	s5 =	simm.s32 @p1 $0x1;
	p0 =	seq.s32 s7, s2  }
0x1e: {  	s7 =	smul.u32 @!p0 $0xF7A, s2;
	p2 =	seq.s32 @!p0 s5, $0x0  }
0x1f: {  	s9 =	smul.u32 $0xF7A, s1;
	s8 =	simm.s32 @!p0 $0x1BF5;
	p2 =	por !p2, p0  }
0x20: {  	[sflag:s8] =	ssyncset.s32 @!p0 $0xFFFFF086;
	s6 =	sadd.s32 @!p0 s3, s7;
	s7 =	simm.s32 @!p0 $0x108  }
0x21: {  	s3 =	sadd.s32 s3, s9;
	s6 =	sadd.s32 @!p0 $0x88, s6;
	s7 =	simm.s32 @p2 $0x1082  }
0x22: {  	[simem:s7], [sflag:s8] =	dma.local @!p0 [hbm:s6], $0xF7A  }
0x23: {  	s9 =	sor.u32 $0xD0000000, s2;
	s6 =	simm.s32 $0x108;
	_ =	swait.ge @!p0 [sflag:s8], $0x0  }
0x24: {  	s3 =	sadd.s32 $0x88, s3;
	s6 =	simm.s32 @!p1 $0x1082;
	[sflag:s4] =	ssyncset.s32 $0xFFFFF086  }
0x25: {  	[simem:s6], [sflag:s4] =	dma.local [hbm:s3], $0xF7A  }
0x26: {  	[smem:$0x3F91] =	sst s1;
	(tag) =	ssettag s2;
	_ =	strace s9  }
0x27: {  	s1 =	sld [smem:$0x3FA1]  }
0x28: {  	s2 =	sld [smem:$0x3FA2]  }
0x29: {  	s4 =	sld [smem:$0x3FA4]  }
0x2a: {  	p0 =	seq.s32 s5, $0x0;
	s5 =	sld [smem:$0x3FA5]  }
0x2b: {  	s6 =	sld [smem:$0x3FA6]  }
0x2c: {  	s7 =	sld [smem:$0x3FA7]  }
0x2d: {  	s3 =	simm.s32 $0x108;
	s8 =	sld [smem:$0x3FA8]  }
0x2e: {  	s3 =	simm.s32 @!p0 $0x1082;
	s9 =	sld [smem:$0x3FA9]  }
0x2f: {  	lr =	sadd.s32 s0, s3;
	s0 =	sld [smem:$0x3FA0]  }
0x30: {  	s3 =	sld [smem:$0x3FA3]  }
0x31: {  	[smem:$0x3FAC] =	sst s10  }
0x32: {  	s10 =	sld [smem:$0x3FAA];
	_ =	sdelay $0x3  }
0x33: {  	p0 =	seq.s32 s10, $0x1;
	s10 =	sld [smem:$0x3FAC];
	_ =	sdelay $0x3  }
0x34: {  	[smem:$0x3FAC] =	sst s10  }
0x35: {  	s10 =	sld [smem:$0x3FAB];
	_ =	sdelay $0x3  }
0x36: {  	p1 =	seq.s32 s10, $0x1;
	s10 =	sld [smem:$0x3FAC];
	_ =	sdelay $0x3  }
0x37: {  	[smem:$0x3FAC] =	sst s10  }
0x38: {  	s10 =	sld [smem:$0x3FAD]  }
0x39: {  	_ = 	snop;
	(pc) =	sbr.ind lr, $3  }
0x3a: {  	_ = 	snop  }
0x3b: {  	_ = 	snop  }
0x3c: {  	p2 =	seq.s32 s10, $0x1;
	s10 =	sld [smem:$0x3FAC]  }
0x3d: {  	_ =	shalt  }
0x3e: {  	_ =	shalt  }
0x3f: {  	_ =	shalt  }
0x40: {  	_ =	shalt  }
0x41: {  	_ =	shalt  }
0x42: {  	_ =	shalt  }
0x43: {  	_ =	shalt  }
0x44: {  	_ =	shalt  }
0x45: {  	_ =	shalt  }
0x46: {  	_ =	shalt  }
0x47: {  	_ =	shalt  }
0x48: {  	_ =	shalt  }
0x49: {  	_ =	shalt  }
0x4a: {  	_ =	shalt  }
0x4b: {  	_ =	shalt  }
0x4c: {  	_ =	shalt  }
0x4d: {  	_ =	shalt  }
0x4e: {  	_ =	shalt  }
0x4f: {  	_ =	shalt  }
0x50: {  	_ =	shalt  }
0x51: {  	_ =	shalt  }
0x52: {  	_ =	shalt  }
0x53: {  	_ =	shalt  }
0x54: {  	_ =	shalt  }
0x55: {  	_ =	shalt  }
0x56: {  	_ =	shalt  }
0x57: {  	_ =	shalt  }
0x58: {  	_ =	shalt  }
0x59: {  	_ =	shalt  }
0x5a: {  	_ =	shalt  }
0x5b: {  	_ =	shalt  }
0x5c: {  	_ =	shalt  }
0x5d: {  	_ =	shalt  }
0x5e: {  	_ =	shalt  }
0x5f: {  	_ =	shalt  }
0x60: {  	_ =	shalt  }
0x61: {  	_ =	shalt  }
0x62: {  	_ =	shalt  }
0x63: {  	_ =	shalt  }
0x64: {  	_ =	shalt  }
0x65: {  	_ =	shalt  }
0x66: {  	_ =	shalt  }
0x67: {  	_ =	shalt  }
0x68: {  	_ =	shalt  }
0x69: {  	_ =	shalt  }
0x6a: {  	_ =	shalt  }
0x6b: {  	_ =	shalt  }
0x6c: {  	_ =	shalt  }
0x6d: {  	_ =	shalt  }
0x6e: {  	_ =	shalt  }
0x6f: {  	_ =	shalt  }
0x70: {  	_ =	shalt  }
0x71: {  	_ =	shalt  }
0x72: {  	_ =	shalt  }
0x73: {  	_ =	shalt  }
0x74: {  	_ =	shalt  }
0x75: {  	_ =	shalt  }
0x76: {  	_ =	shalt  }
0x77: {  	_ =	shalt  }
0x78: {  	_ =	shalt  }
0x79: {  	_ =	shalt  }
0x7a: {  	_ =	shalt  }
0x7b: {  	_ =	shalt  }
0x7c: {  	_ =	shalt  }
0x7d: {  	_ =	shalt  }
0x7e: {  	_ =	shalt  }
0x7f: {  	_ =	shalt  }
0x80: {  	_ =	shalt  }
0x81: {  	_ =	shalt  }
0x82: {  	_ =	shalt  }
0x83: {  	_ =	shalt  }
0x84: {  	_ =	shalt  }
0x85: {  	_ =	shalt  }
0x86: {  	_ =	shalt  }
0x87: {  	_ =	shalt  }
.Lfunc_end0:
.L_simem_size_0:
called_computation.1_lowered:
.L_overlay_start_0:
0x88: {  	s2 =	sld [smem:$0x3FD9]  }
0x89: {  	s3 =	sld [smem:$0x3FFE];
	_ =	sdelay $0x1  }
0x8a: {  	s1 =	srdreg.scid  }
0x8b: {  	s0 =	sand.u32 $0x1, s1  }
0x8c: {  	s16 =	sshll.u32 s0, $0xA;
	s2 =	sadd.s32 s3, s2  }
0x8d: {  	s2 =	sadd.s32 s2, s16  }
0x8e: {  	[smem:$0x3FB8] =	sst s2  }
0x8f: {  	_ = 	snop  }
0x90: {  	(tm) =	ssettm $0x1  }
0x91: {  	s17 =	sld [smem:$0x3FFB];
	_ =	sdelay $0x3  }
0x92: {  	_ =	strace s17  }
0x93: {  	s2 =	sld [smem:$0x3FFC];
	_ =	sdelay $0x3  }
0x94: {  	_ =	strace s2  }
0x95: {  	s2 =	sld [smem:$0x3FFD];
	_ =	sdelay $0x3  }
0x96: {  	_ =	strace s2  }
0x97: {  	_ =	strace $0x8FFFFFFF  }
0x98: {  	s18 =	sld [smem:$0x3FDB];
	_ =	sdelay $0x1  }
0x99: {  	s19 =	simm.s32 $_scs_section_size  }
0x9a: {  	s4 =	simm.s32 $_size__tile_overlayer_lowered;
	s5 =	simm.s32 $_tile_overlayer_lowered  }
0x9b: {  	s22 =	simm.s32 $0x1BFF;
	s21 =	sshll.u32 s5, $0x1;
	s2 =	sadd.s32 s19, s18  }
0x9c: {  	s6 =	simm.s32 $0x0;
	s20 =	sshll.u32 s4, $0x1;
	s4 =	sadd.s32 s21, s2  }
0x9d: {  	[timem:s6], [sflag:s22] =	dma.local [hbm:s4], s20  }
0x9e: {  	_ =	swait.ge [sflag:s22], s20  }
0x9f: {  	s3 =	ssub.s32 $0x0, s20;
	[sflag:s22] =	ssyncset.done $0x0  }
0xa0: {  	[sflag:s22] =	ssyncadd.s32 s3;
	_ =	sdelay $0x1  }
0xa1: {  	s23 =	simm.s32 $0x1B8B  }
0xa2: {  	_ =	swait.ge [sflag:s23], $0x1  }
0xa3: {  	[sflag:s23] =	ssyncset.done $0x0  }
0xa4: {  	s25 =	simm.s32 $0x1B8E;
	s24 =	sld [smem:$0x3FFE];
	[sflag:s23] =	ssyncadd.s32 $0xFFFFFFFF  }
0xa5: {  	s26 =	simm.s32 $execute0_lowered;
	[smem:$0x3FD2] =	sst s25  }
0xa6: {  	s4 =	sshll.u32 s26, $0x1;
	_ =	strace $0x80000049;
	[dreg:$0x1] =	wrdreg $0xFFFFFFFF  }
0xa7: {  	s28 =	simm.s32 $_size_execute0_lowered;
	s2 =	sadd.s32 s2, s4;
	[dreg:$0x0] =	wrdreg $0x0  }
0xa8: {  	s4 =	sshll.u32 s28, $0x1;
	[dreg:$0x2] =	wrdreg s2  }
0xa9: {  	[dreg:$0x3] =	wrdreg s4  }
0xaa: {  	[dreg:$0x4] =	wrdreg $0xC0  }
0xab: {  	_ =	task [dreg:s6], $0x5FFFF  }
0xac: {  	[dreg:$0x1] =	wrdreg $0xFFFFFFFF  }
0xad: {  	[dreg:$0x0] =	wrdreg $0x60  }
0xae: {  	[dreg:$0x2] =	wrdreg s24  }
0xaf: {  	[dreg:$0x3] =	wrdreg $0xA8000  }
0xb0: {  	[dreg:$0x4] =	wrdreg $0x9  }
0xb1: {  	_ =	task.clear_ibuf [dreg:s6], $0x5FFFF;
	_ =	strace $0x90000049  }
0xb2: {  	s29 =	simm.s32 $0x9;
	_ =	strace $0x8000004B  }
0xb3: {  	_ =	swait.ge [sflag:s29], $0x1  }
0xb4: {  	[sflag:s29] =	ssyncadd.s32 $0xFFFFFFFF  }
0xb5: {  	_ =	strace $0x9000004B  }
0xb6: {  	_ =	sfence  }
0xb7: {  	s30 =	sld [smem:$0x0];
	_ =	sdelay $0x2  }
0xb8: {  	s31 =	sshll.u32 s1, $0xD;
	s1 =	sshrl.u32 s1, $0x2  }
0xb9: {  	s3 =	sand.u32 $0x4000, s31;
	s1 =	sadd.s32 s1, s30  }
0xba: {  	s0 =	sor.u32 s3, s0;
	s1 =	sshll.u32 s1, $0x11  }
0xbb: {  	s0 =	sor.u32 s1, s0  }
0xbc: {  	s0 =	sadd.s32 $0x8F2B, s0  }
0xbd: {  	[sflag:s0] =	ssyncadd.remote.s32 $0x1  }
0xbe: {  	_ =	sfence.sel $0xFFFF  }
0xbf: {  	[dreg:$0x0] =	wrdreg $0xFFFFFFFF;
	(pc) =	sbr.abs _section_cstart, $3  }
0xc0: {  	[dreg:$0x1] =	wrdreg $0xFFFFFFFF  }
0xc1: {  	_ =	task.clear_ibuf [dreg:s6], $0x2FFFF;
	_ =	strace $0x9FFFFFFF  }
0xc2: {  	(tm) =	ssettm $0x7FFFFFFF  }
0xc3: {  	_ =	shalt  }
tec
execute0_lowered:
.L_overlay_start_1:
0x0: {  	(tag) =	ssettag $0x1  }
0x1: {  	s0 =	rddreg [dreg:$0x0]  }
0x2: {  	s2 =	rddreg [dreg:$0x1]  }
0x3: {  	s1 =	srdreg.scid;
	s11 =	stileid.u32  }
0x4: {  	s3 =	simm.s32 $0x0;
	s28 =	simm.s32 $0x2;
	s29 =	simm.s32 $0x2400  }
0x5: {  	s30 =	simm.s32 $0x1100;
	s31 =	simm.s32 $0x2480;
	s14 =	simm.s32 $0x1200  }
0x6: {  	s15 =	simm.s32 $0x2580;
	s12 =	simm.s32 $0x1380;
	s7 =	smul.u32 $0x280, s11  }
0x7: {  	s1 =	sand.u32 $0x1, s1;
	[smem:$0x7FF] =	sst s3;
	s9 =	smul.u32 $0x50000, s11  }
0x8: {  	s4 =	sadd.s32 $0x16A00, s0;
	s5 =	sadd.s32 $0x2A00, s0;
	s11 =	smul.u32 $0x5000, s11  }
0x9: {  	s6 =	sadd.s32 $0xCA00, s0;
	s8 =	smul.u32 $0x2800, s1;
	_ =	strace $0x8000004A  }
0xa: {  	s16 =	ssub.s32 $0x2, s1;
	s13 =	smul.u32 $0x50, s1;
	s1 =	simm.s32 $0x2500  }
0xb: {  	s9 =	sshrl.u32 s9, $0x2;
	s10 =	sshrl.u32 s16, $0x1;
	s7 =	sadd.s32 s7, s8  }
0xc: {  	s9 =	sadd.s32 s9, s2;
	s17 =	ssub.s32 s16, s10;
	s16 =	simm.s32 $0x1280  }
0xd: {  	s8 =	simm.s32 $0x2600;
	s18 =	sadd.s32 $0x4000, s9;
	[dreg:$0x3] =	wrdreg s9  }
0xe: {  	s10 =	simm.s32 $0x2680;
	s19 =	sadd.s32 $0x8000, s9;
	[dreg:$0x4] =	wrdreg s18  }
0xf: {  	s7 =	sshll.u32 s7, $0x4;
	s20 =	sadd.s32 $0xC000, s9;
	[dreg:$0x5] =	wrdreg s19  }
0x10: {  	s21 =	sadd.s32 $0x10000, s9;
	s26 =	smax.u32 s17, $0x1;
	[dreg:$0x6] =	wrdreg s20  }
0x11: {  	s9 =	simm.s32 $0x1300;
	s0 =	sadd.s32 s7, s0;
	[dreg:$0x7] =	wrdreg s21  }
0x12: {  	[dreg:$0xd] =	wrdreg s26;
	s20 =	simm.s32 $0x2800;
	s22 =	sadd.s32 $0x3EA00, s0  }
0x13: {  	s21 =	simm.s32 $0x3;
	s23 =	sadd.s32 $0x3F200, s0;
	[dreg:$0x8] =	wrdreg s22  }
0x14: {  	s19 =	simm.s32 $0x100;
	s24 =	sadd.s32 $0x3FA00, s0;
	[dreg:$0x9] =	wrdreg s23  }
0x15: {  	s7 =	simm.s32 $0x2700;
	s25 =	sadd.s32 $0x40200, s0;
	[dreg:$0xa] =	wrdreg s24  }
0x16: {  	s26 =	simm.s32 $0x2780;
	s0 =	sadd.s32 $0x40A00, s0;
	[dreg:$0xb] =	wrdreg s25  }
0x17: {  	[dreg:$0xc] =	wrdreg s0;
	s22 =	simm.s32 $0x1400;
	s23 =	simm.s32 $0x80  }
0x18: {  	v0 =	vimm.f32 $0.0e+00;
	s24 =	simm.s32 $0x6800;
	s25 =	simm.s32 $0x1;
	s0 =	simm.s32 $0x0  }
.LBB2_1:
0x19: {  	[dreg:$0xe] =	wrdreg s0;
	s17 =	simm.s32 $0x0;
	s18 =	simm.s32 $0x200  }
.LBB2_2:
0x1a: {  	p0 =	sne.s32 s18, $0xFE00;
	[tilespmem:s17+$0x2870] =	vst v0  }
0x1b: {  	[tilespmem:s17+$0x2800] =	vst v0  }
0x1c: {  	[tilespmem:s17+$0x2810] =	vst v0  }
.Ltmp0:
0x1d: {  	[tilespmem:s17+$0x2820] =	vst v0;
	(pc) =	sbr.rel @p0 .LBB2_2-.Ltmp0, $4  }
0x1e: {  	[tilespmem:s17+$0x2830] =	vst v0  }
0x1f: {  	[tilespmem:s17+$0x2840] =	vst v0  }
0x20: {  	[tilespmem:s17+$0x2850] =	vst v0  }
0x21: {  	[tilespmem:s17+$0x2860] =	vst v0;
	s17 =	sshra.s32 s18, $0x2;
	s18 =	sadd.s32 $0x200, s18  }
0x22: {  	[tilespmem:s17+$0x2870] =	vst v0  }
0x23: {  	[tilespmem:s17+$0x2800] =	vst v0  }
0x24: {  	[tilespmem:s17+$0x2810] =	vst v0  }
0x25: {  	[tilespmem:s17+$0x2820] =	vst v0  }
0x26: {  	[tilespmem:s17+$0x2830] =	vst v0  }
0x27: {  	[tilespmem:s17+$0x2840] =	vst v0  }
0x28: {  	[tilespmem:s17+$0x2850] =	vst v0  }
0x29: {  	[tilespmem:s17+$0x2860] =	vst v0;
	s18 =	rddreg [dreg:$0x3]  }
0x2a: {  	[spmem:s18] =	stream.linear.scatter [tilespmem:s20], [sflag:$0x3], $0x4000, $0x38;
	[tilespmem:$0x1E800] =	vst v63  }
0x2b: {  	_ =	swait.ge [sflag:s21], $0x4000  }
0x2c: {  	[sflag:s21] =	ssyncset.done $0x0  }
0x2d: {  	s0 =	rddreg [dreg:$0x4];
	[sflag:s21] =	ssyncadd.s32 $0xFFFFC000  }
0x2e: {  	[spmem:s0] =	stream.linear.scatter [tilespmem:s20], [sflag:$0x3], $0x4000, $0x38;
	[tilespmem:$0x1E800] =	vst v63  }
0x2f: {  	_ =	swait.ge [sflag:s21], $0x4000  }
0x30: {  	[sflag:s21] =	ssyncset.done $0x0  }
0x31: {  	s18 =	rddreg [dreg:$0x5];
	[sflag:s21] =	ssyncadd.s32 $0xFFFFC000  }
0x32: {  	[spmem:s18] =	stream.linear.scatter [tilespmem:s20], [sflag:$0x3], $0x4000, $0x38;
	[tilespmem:$0x1E800] =	vst v63  }
0x33: {  	_ =	swait.ge [sflag:s21], $0x4000  }
0x34: {  	[sflag:s21] =	ssyncset.done $0x0  }
0x35: {  	s0 =	rddreg [dreg:$0x6];
	[sflag:s21] =	ssyncadd.s32 $0xFFFFC000  }
0x36: {  	[spmem:s0] =	stream.linear.scatter [tilespmem:s20], [sflag:$0x3], $0x4000, $0x38;
	[tilespmem:$0x1E800] =	vst v63  }
0x37: {  	_ =	swait.ge [sflag:s21], $0x4000  }
0x38: {  	[sflag:s21] =	ssyncset.done $0x0  }
0x39: {  	s18 =	rddreg [dreg:$0x7];
	[sflag:s21] =	ssyncadd.s32 $0xFFFFC000  }
0x3a: {  	[spmem:s18] =	stream.linear.scatter [tilespmem:s20], [sflag:$0x3], $0x4000, $0x38;
	[tilespmem:$0x1E800] =	vst v63  }
0x3b: {  	_ =	swait.ge [sflag:s21], $0x4000  }
0x3c: {  	[sflag:s21] =	ssyncset.done $0x0  }
0x3d: {  	s17 =	simm.s32 $0x0;
	[sflag:s21] =	ssyncadd.s32 $0xFFFFC000  }
0x3e: {  	p0 =	por $0x1, $0x1;
	s0 =	simm.s32 $0x1180;
	[bflag:$0x0] =	sbarrier.arrive $0xFFFF  }
.LBB2_4:
0x3f: {  	s17 =	sadd.s32 s13, s17  }
0x40: {  	s17 =	sshll.u32 s17, $0x7  }
0x41: {  	s17 =	sadd.s32 s11, s17  }
0x42: {  	s17 =	sshrl.u32 s17, $0x3  }
0x43: {  	s18 =	sadd.s32 s5, s17  }
0x44: {  	[tilespmem:s3], [sflag:$0x3] =	stream.linear.gather [hbm4b:s18+s3], $0x1400, $0x38;
	[tilespmem:$0x1E800] =	vst v63  }
0x45: {  	_ =	swait.ge [sflag:s21], $0x1400  }
0x46: {  	[sflag:s21] =	ssyncset.done $0x0  }
0x47: {  	s17 =	sadd.s32 s6, s17;
	[sflag:s21] =	ssyncadd.s32 $0xFFFFEC00  }
0x48: {  	[tilespmem:s22], [sflag:$0x3] =	stream.linear.gather [hbm4b:s17+s3], $0x1400, $0x38;
	[tilespmem:$0x1E800] =	vst v63  }
0x49: {  	_ =	swait.ge [sflag:s21], $0x1400  }
0x4a: {  	[sflag:s21] =	ssyncset.done $0x0  }
0x4b: {  	[sflag:s21] =	ssyncadd.s32 $0xFFFFEC00  }
0x4c: {  	[tilespmem:s20], [sflag:$0x1] =	stream.indirect.gather [hbm4b:s4+s23], $0x80, s3, s23, $0xb8;
	[tilespmem:$0x1E800] =	vst v63  }
0x4d: {  	_ = 	snop  }
0x4e: {  	[tilespmem:s24], [sflag:$0x2] =	stream.indirect.gather [hbm4b:s4+s23], $0x80, s23, s23, $0xb8;
	[tilespmem:$0x1E800] =	vst v63  }
0x4f: {  	_ =	swait.ge [sflag:s25], $0x4000  }
0x50: {  	[sflag:s25] =	ssyncset.done $0x0  }
0x51: {  	[sflag:s25] =	ssyncadd.s32 $0xFFFFC000  }
0x52: {  	[spmem:s2] =	stream.indirect.scatter.add.f32 [tilespmem:s20], [sflag:$0x3], $0x80, s22, s23, $0xb8;
	[tilespmem:$0x1E800] =	vst v63  }
0x53: {  	_ =	swait.ge [sflag:s21], $0x4000  }
0x54: {  	[sflag:s21] =	ssyncset.done $0x0  }
0x55: {  	[sflag:s21] =	ssyncadd.s32 $0xFFFFC000  }
0x56: {  	[tilespmem:s20], [sflag:$0x1] =	stream.indirect.gather [hbm4b:s4+s23], $0x80, s19, s23, $0xb8;
	[tilespmem:$0x1E800] =	vst v63  }
0x57: {  	_ =	swait.ge [sflag:s28], $0x4000  }
0x58: {  	[sflag:s28] =	ssyncset.done $0x0  }
0x59: {  	s18 =	simm.s32 $0x1480;
	[sflag:s28] =	ssyncadd.s32 $0xFFFFC000  }
0x5a: {  	[spmem:s2] =	stream.indirect.scatter.add.f32 [tilespmem:s24], [sflag:$0x3], $0x80, s18, s23, $0xb8;
	[tilespmem:$0x1E800] =	vst v63  }
0x5b: {  	_ =	swait.ge [sflag:s21], $0x4000  }
0x5c: {  	[sflag:s21] =	ssyncset.done $0x0  }
0x5d: {  	s18 =	simm.s32 $0x180;
	[sflag:s21] =	ssyncadd.s32 $0xFFFFC000  }
0x5e: {  	[tilespmem:s24], [sflag:$0x2] =	stream.indirect.gather [hbm4b:s4+s23], $0x80, s18, s23, $0xb8;
	[tilespmem:$0x1E800] =	vst v63  }
0x5f: {  	_ =	swait.ge [sflag:s25], $0x4000  }
0x60: {  	[sflag:s25] =	ssyncset.done $0x0  }
0x61: {  	s18 =	simm.s32 $0x1500;
	[sflag:s25] =	ssyncadd.s32 $0xFFFFC000  }
0x62: {  	[spmem:s2] =	stream.indirect.scatter.add.f32 [tilespmem:s20], [sflag:$0x3], $0x80, s18, s23, $0xb8;
	[tilespmem:$0x1E800] =	vst v63  }
0x63: {  	_ =	swait.ge [sflag:s21], $0x4000  }
0x64: {  	[sflag:s21] =	ssyncset.done $0x0  }
0x65: {  	s18 =	simm.s32 $0x200;
	[sflag:s21] =	ssyncadd.s32 $0xFFFFC000  }
0x66: {  	[tilespmem:s20], [sflag:$0x1] =	stream.indirect.gather [hbm4b:s4+s23], $0x80, s18, s23, $0xb8;
	[tilespmem:$0x1E800] =	vst v63  }
0x67: {  	_ =	swait.ge [sflag:s28], $0x4000  }
0x68: {  	[sflag:s28] =	ssyncset.done $0x0  }
0x69: {  	s18 =	simm.s32 $0x1580;
	[sflag:s28] =	ssyncadd.s32 $0xFFFFC000  }
0x6a: {  	[spmem:s2] =	stream.indirect.scatter.add.f32 [tilespmem:s24], [sflag:$0x3], $0x80, s18, s23, $0xb8;
	[tilespmem:$0x1E800] =	vst v63  }
0x6b: {  	_ =	swait.ge [sflag:s21], $0x4000  }
0x6c: {  	[sflag:s21] =	ssyncset.done $0x0  }
0x6d: {  	s18 =	simm.s32 $0x280;
	[sflag:s21] =	ssyncadd.s32 $0xFFFFC000  }
0x6e: {  	[tilespmem:s24], [sflag:$0x2] =	stream.indirect.gather [hbm4b:s4+s23], $0x80, s18, s23, $0xb8;
	[tilespmem:$0x1E800] =	vst v63  }
0x6f: {  	_ =	swait.ge [sflag:s25], $0x4000  }
0x70: {  	[sflag:s25] =	ssyncset.done $0x0  }
0x71: {  	s18 =	simm.s32 $0x1600;
	[sflag:s25] =	ssyncadd.s32 $0xFFFFC000  }
0x72: {  	[spmem:s2] =	stream.indirect.scatter.add.f32 [tilespmem:s20], [sflag:$0x3], $0x80, s18, s23, $0xb8;
	[tilespmem:$0x1E800] =	vst v63  }
0x73: {  	_ =	swait.ge [sflag:s21], $0x4000  }
0x74: {  	[sflag:s21] =	ssyncset.done $0x0  }
0x75: {  	s18 =	simm.s32 $0x300;
	[sflag:s21] =	ssyncadd.s32 $0xFFFFC000  }
0x76: {  	[tilespmem:s20], [sflag:$0x1] =	stream.indirect.gather [hbm4b:s4+s23], $0x80, s18, s23, $0xb8;
	[tilespmem:$0x1E800] =	vst v63  }
0x77: {  	_ =	swait.ge [sflag:s28], $0x4000  }
0x78: {  	[sflag:s28] =	ssyncset.done $0x0  }
0x79: {  	s18 =	simm.s32 $0x1680;
	[sflag:s28] =	ssyncadd.s32 $0xFFFFC000  }
0x7a: {  	[spmem:s2] =	stream.indirect.scatter.add.f32 [tilespmem:s24], [sflag:$0x3], $0x80, s18, s23, $0xb8;
	[tilespmem:$0x1E800] =	vst v63  }
0x7b: {  	_ =	swait.ge [sflag:s21], $0x4000  }
0x7c: {  	[sflag:s21] =	ssyncset.done $0x0  }
0x7d: {  	s18 =	simm.s32 $0x380;
	[sflag:s21] =	ssyncadd.s32 $0xFFFFC000  }
0x7e: {  	[tilespmem:s24], [sflag:$0x2] =	stream.indirect.gather [hbm4b:s4+s23], $0x80, s18, s23, $0xb8;
	[tilespmem:$0x1E800] =	vst v63  }
0x7f: {  	_ =	swait.ge [sflag:s25], $0x4000  }
0x80: {  	[sflag:s25] =	ssyncset.done $0x0  }
0x81: {  	s18 =	simm.s32 $0x1700;
	[sflag:s25] =	ssyncadd.s32 $0xFFFFC000  }
0x82: {  	[spmem:s2] =	stream.indirect.scatter.add.f32 [tilespmem:s20], [sflag:$0x3], $0x80, s18, s23, $0xb8;
	[tilespmem:$0x1E800] =	vst v63  }
0x83: {  	_ =	swait.ge [sflag:s21], $0x4000  }
0x84: {  	[sflag:s21] =	ssyncset.done $0x0  }
0x85: {  	s18 =	simm.s32 $0x400;
	[sflag:s21] =	ssyncadd.s32 $0xFFFFC000  }
0x86: {  	[tilespmem:s20], [sflag:$0x1] =	stream.indirect.gather [hbm4b:s4+s23], $0x80, s18, s23, $0xb8;
	[tilespmem:$0x1E800] =	vst v63  }
0x87: {  	_ =	swait.ge [sflag:s28], $0x4000  }
0x88: {  	[sflag:s28] =	ssyncset.done $0x0  }
0x89: {  	s18 =	simm.s32 $0x1780;
	[sflag:s28] =	ssyncadd.s32 $0xFFFFC000  }
0x8a: {  	[spmem:s2] =	stream.indirect.scatter.add.f32 [tilespmem:s24], [sflag:$0x3], $0x80, s18, s23, $0xb8;
	[tilespmem:$0x1E800] =	vst v63  }
0x8b: {  	_ =	swait.ge [sflag:s21], $0x4000  }
0x8c: {  	[sflag:s21] =	ssyncset.done $0x0  }
0x8d: {  	s18 =	simm.s32 $0x480;
	[sflag:s21] =	ssyncadd.s32 $0xFFFFC000  }
0x8e: {  	[tilespmem:s24], [sflag:$0x2] =	stream.indirect.gather [hbm4b:s4+s23], $0x80, s18, s23, $0xb8;
	[tilespmem:$0x1E800] =	vst v63  }
0x8f: {  	_ =	swait.ge [sflag:s25], $0x4000  }
0x90: {  	[sflag:s25] =	ssyncset.done $0x0  }
0x91: {  	s18 =	simm.s32 $0x1800;
	[sflag:s25] =	ssyncadd.s32 $0xFFFFC000  }
0x92: {  	[spmem:s2] =	stream.indirect.scatter.add.f32 [tilespmem:s20], [sflag:$0x3], $0x80, s18, s23, $0xb8;
	[tilespmem:$0x1E800] =	vst v63  }
0x93: {  	_ =	swait.ge [sflag:s21], $0x4000  }
0x94: {  	[sflag:s21] =	ssyncset.done $0x0  }
0x95: {  	s18 =	simm.s32 $0x500;
	[sflag:s21] =	ssyncadd.s32 $0xFFFFC000  }
0x96: {  	[tilespmem:s20], [sflag:$0x1] =	stream.indirect.gather [hbm4b:s4+s23], $0x80, s18, s23, $0xb8;
	[tilespmem:$0x1E800] =	vst v63  }
0x97: {  	_ =	swait.ge [sflag:s28], $0x4000  }
0x98: {  	[sflag:s28] =	ssyncset.done $0x0  }
0x99: {  	s18 =	simm.s32 $0x1880;
	[sflag:s28] =	ssyncadd.s32 $0xFFFFC000  }
0x9a: {  	[spmem:s2] =	stream.indirect.scatter.add.f32 [tilespmem:s24], [sflag:$0x3], $0x80, s18, s23, $0xb8;
	[tilespmem:$0x1E800] =	vst v63  }
0x9b: {  	_ =	swait.ge [sflag:s21], $0x4000  }
0x9c: {  	[sflag:s21] =	ssyncset.done $0x0  }
0x9d: {  	s18 =	simm.s32 $0x580;
	[sflag:s21] =	ssyncadd.s32 $0xFFFFC000  }
0x9e: {  	[tilespmem:s24], [sflag:$0x2] =	stream.indirect.gather [hbm4b:s4+s23], $0x80, s18, s23, $0xb8;
	[tilespmem:$0x1E800] =	vst v63  }
0x9f: {  	_ =	swait.ge [sflag:s25], $0x4000  }
0xa0: {  	[sflag:s25] =	ssyncset.done $0x0  }
0xa1: {  	s18 =	simm.s32 $0x1900;
	[sflag:s25] =	ssyncadd.s32 $0xFFFFC000  }
0xa2: {  	[spmem:s2] =	stream.indirect.scatter.add.f32 [tilespmem:s20], [sflag:$0x3], $0x80, s18, s23, $0xb8;
	[tilespmem:$0x1E800] =	vst v63  }
0xa3: {  	_ =	swait.ge [sflag:s21], $0x4000  }
0xa4: {  	[sflag:s21] =	ssyncset.done $0x0  }
0xa5: {  	s18 =	simm.s32 $0x600;
	[sflag:s21] =	ssyncadd.s32 $0xFFFFC000  }
0xa6: {  	[tilespmem:s20], [sflag:$0x1] =	stream.indirect.gather [hbm4b:s4+s23], $0x80, s18, s23, $0xb8;
	[tilespmem:$0x1E800] =	vst v63  }
0xa7: {  	_ =	swait.ge [sflag:s28], $0x4000  }
0xa8: {  	[sflag:s28] =	ssyncset.done $0x0  }
0xa9: {  	s18 =	simm.s32 $0x1980;
	[sflag:s28] =	ssyncadd.s32 $0xFFFFC000  }
0xaa: {  	[spmem:s2] =	stream.indirect.scatter.add.f32 [tilespmem:s24], [sflag:$0x3], $0x80, s18, s23, $0xb8;
	[tilespmem:$0x1E800] =	vst v63  }
0xab: {  	_ =	swait.ge [sflag:s21], $0x4000  }
0xac: {  	[sflag:s21] =	ssyncset.done $0x0  }
0xad: {  	s18 =	simm.s32 $0x680;
	[sflag:s21] =	ssyncadd.s32 $0xFFFFC000  }
0xae: {  	[tilespmem:s24], [sflag:$0x2] =	stream.indirect.gather [hbm4b:s4+s23], $0x80, s18, s23, $0xb8;
	[tilespmem:$0x1E800] =	vst v63  }
0xaf: {  	_ =	swait.ge [sflag:s25], $0x4000  }
0xb0: {  	[sflag:s25] =	ssyncset.done $0x0  }
0xb1: {  	s18 =	simm.s32 $0x1A00;
	[sflag:s25] =	ssyncadd.s32 $0xFFFFC000  }
0xb2: {  	[spmem:s2] =	stream.indirect.scatter.add.f32 [tilespmem:s20], [sflag:$0x3], $0x80, s18, s23, $0xb8;
	[tilespmem:$0x1E800] =	vst v63  }
0xb3: {  	_ =	swait.ge [sflag:s21], $0x4000  }
0xb4: {  	[sflag:s21] =	ssyncset.done $0x0  }
0xb5: {  	s18 =	simm.s32 $0x700;
	[sflag:s21] =	ssyncadd.s32 $0xFFFFC000  }
0xb6: {  	[tilespmem:s20], [sflag:$0x1] =	stream.indirect.gather [hbm4b:s4+s23], $0x80, s18, s23, $0xb8;
	[tilespmem:$0x1E800] =	vst v63  }
0xb7: {  	_ =	swait.ge [sflag:s28], $0x4000  }
0xb8: {  	[sflag:s28] =	ssyncset.done $0x0  }
0xb9: {  	s18 =	simm.s32 $0x1A80;
	[sflag:s28] =	ssyncadd.s32 $0xFFFFC000  }
0xba: {  	[spmem:s2] =	stream.indirect.scatter.add.f32 [tilespmem:s24], [sflag:$0x3], $0x80, s18, s23, $0xb8;
	[tilespmem:$0x1E800] =	vst v63  }
0xbb: {  	_ =	swait.ge [sflag:s21], $0x4000  }
0xbc: {  	[sflag:s21] =	ssyncset.done $0x0  }
0xbd: {  	s18 =	simm.s32 $0x780;
	[sflag:s21] =	ssyncadd.s32 $0xFFFFC000  }
0xbe: {  	[tilespmem:s24], [sflag:$0x2] =	stream.indirect.gather [hbm4b:s4+s23], $0x80, s18, s23, $0xb8;
	[tilespmem:$0x1E800] =	vst v63  }
0xbf: {  	_ =	swait.ge [sflag:s25], $0x4000  }
0xc0: {  	[sflag:s25] =	ssyncset.done $0x0  }
0xc1: {  	s18 =	simm.s32 $0x1B00;
	[sflag:s25] =	ssyncadd.s32 $0xFFFFC000  }
0xc2: {  	[spmem:s2] =	stream.indirect.scatter.add.f32 [tilespmem:s20], [sflag:$0x3], $0x80, s18, s23, $0xb8;
	[tilespmem:$0x1E800] =	vst v63  }
0xc3: {  	_ =	swait.ge [sflag:s21], $0x4000  }
0xc4: {  	[sflag:s21] =	ssyncset.done $0x0  }
0xc5: {  	s18 =	simm.s32 $0x800;
	[sflag:s21] =	ssyncadd.s32 $0xFFFFC000  }
0xc6: {  	[tilespmem:s20], [sflag:$0x1] =	stream.indirect.gather [hbm4b:s4+s23], $0x80, s18, s23, $0xb8;
	[tilespmem:$0x1E800] =	vst v63  }
0xc7: {  	_ =	swait.ge [sflag:s28], $0x4000  }
0xc8: {  	[sflag:s28] =	ssyncset.done $0x0  }
0xc9: {  	s18 =	simm.s32 $0x1B80;
	[sflag:s28] =	ssyncadd.s32 $0xFFFFC000  }
0xca: {  	[spmem:s2] =	stream.indirect.scatter.add.f32 [tilespmem:s24], [sflag:$0x3], $0x80, s18, s23, $0xb8;
	[tilespmem:$0x1E800] =	vst v63  }
0xcb: {  	_ =	swait.ge [sflag:s21], $0x4000  }
0xcc: {  	[sflag:s21] =	ssyncset.done $0x0  }
0xcd: {  	s18 =	simm.s32 $0x880;
	[sflag:s21] =	ssyncadd.s32 $0xFFFFC000  }
0xce: {  	[tilespmem:s24], [sflag:$0x2] =	stream.indirect.gather [hbm4b:s4+s23], $0x80, s18, s23, $0xb8;
	[tilespmem:$0x1E800] =	vst v63  }
0xcf: {  	_ =	swait.ge [sflag:s25], $0x4000  }
0xd0: {  	[sflag:s25] =	ssyncset.done $0x0  }
0xd1: {  	s18 =	simm.s32 $0x1C00;
	[sflag:s25] =	ssyncadd.s32 $0xFFFFC000  }
0xd2: {  	[spmem:s2] =	stream.indirect.scatter.add.f32 [tilespmem:s20], [sflag:$0x3], $0x80, s18, s23, $0xb8;
	[tilespmem:$0x1E800] =	vst v63  }
0xd3: {  	_ =	swait.ge [sflag:s21], $0x4000  }
0xd4: {  	[sflag:s21] =	ssyncset.done $0x0  }
0xd5: {  	s18 =	simm.s32 $0x900;
	[sflag:s21] =	ssyncadd.s32 $0xFFFFC000  }
0xd6: {  	[tilespmem:s20], [sflag:$0x1] =	stream.indirect.gather [hbm4b:s4+s23], $0x80, s18, s23, $0xb8;
	[tilespmem:$0x1E800] =	vst v63  }
0xd7: {  	_ =	swait.ge [sflag:s28], $0x4000  }
0xd8: {  	[sflag:s28] =	ssyncset.done $0x0  }
0xd9: {  	s18 =	simm.s32 $0x1C80;
	[sflag:s28] =	ssyncadd.s32 $0xFFFFC000  }
0xda: {  	[spmem:s2] =	stream.indirect.scatter.add.f32 [tilespmem:s24], [sflag:$0x3], $0x80, s18, s23, $0xb8;
	[tilespmem:$0x1E800] =	vst v63  }
0xdb: {  	_ =	swait.ge [sflag:s21], $0x4000  }
0xdc: {  	[sflag:s21] =	ssyncset.done $0x0  }
0xdd: {  	s18 =	simm.s32 $0x980;
	[sflag:s21] =	ssyncadd.s32 $0xFFFFC000  }
0xde: {  	[tilespmem:s24], [sflag:$0x2] =	stream.indirect.gather [hbm4b:s4+s23], $0x80, s18, s23, $0xb8;
	[tilespmem:$0x1E800] =	vst v63  }
0xdf: {  	_ =	swait.ge [sflag:s25], $0x4000  }
0xe0: {  	[sflag:s25] =	ssyncset.done $0x0  }
0xe1: {  	s18 =	simm.s32 $0x1D00;
	[sflag:s25] =	ssyncadd.s32 $0xFFFFC000  }
0xe2: {  	[spmem:s2] =	stream.indirect.scatter.add.f32 [tilespmem:s20], [sflag:$0x3], $0x80, s18, s23, $0xb8;
	[tilespmem:$0x1E800] =	vst v63  }
0xe3: {  	_ =	swait.ge [sflag:s21], $0x4000  }
0xe4: {  	[sflag:s21] =	ssyncset.done $0x0  }
0xe5: {  	s18 =	simm.s32 $0xA00;
	[sflag:s21] =	ssyncadd.s32 $0xFFFFC000  }
0xe6: {  	[tilespmem:s20], [sflag:$0x1] =	stream.indirect.gather [hbm4b:s4+s23], $0x80, s18, s23, $0xb8;
	[tilespmem:$0x1E800] =	vst v63  }
0xe7: {  	_ =	swait.ge [sflag:s28], $0x4000  }
0xe8: {  	[sflag:s28] =	ssyncset.done $0x0  }
0xe9: {  	s18 =	simm.s32 $0x1D80;
	[sflag:s28] =	ssyncadd.s32 $0xFFFFC000  }
0xea: {  	[spmem:s2] =	stream.indirect.scatter.add.f32 [tilespmem:s24], [sflag:$0x3], $0x80, s18, s23, $0xb8;
	[tilespmem:$0x1E800] =	vst v63  }
0xeb: {  	_ =	swait.ge [sflag:s21], $0x4000  }
0xec: {  	[sflag:s21] =	ssyncset.done $0x0  }
0xed: {  	s18 =	simm.s32 $0xA80;
	[sflag:s21] =	ssyncadd.s32 $0xFFFFC000  }
0xee: {  	[tilespmem:s24], [sflag:$0x2] =	stream.indirect.gather [hbm4b:s4+s23], $0x80, s18, s23, $0xb8;
	[tilespmem:$0x1E800] =	vst v63  }
0xef: {  	_ =	swait.ge [sflag:s25], $0x4000  }
0xf0: {  	[sflag:s25] =	ssyncset.done $0x0  }
0xf1: {  	s18 =	simm.s32 $0x1E00;
	[sflag:s25] =	ssyncadd.s32 $0xFFFFC000  }
0xf2: {  	[spmem:s2] =	stream.indirect.scatter.add.f32 [tilespmem:s20], [sflag:$0x3], $0x80, s18, s23, $0xb8;
	[tilespmem:$0x1E800] =	vst v63  }
0xf3: {  	_ =	swait.ge [sflag:s21], $0x4000  }
0xf4: {  	[sflag:s21] =	ssyncset.done $0x0  }
0xf5: {  	s18 =	simm.s32 $0xB00;
	[sflag:s21] =	ssyncadd.s32 $0xFFFFC000  }
0xf6: {  	[tilespmem:s20], [sflag:$0x1] =	stream.indirect.gather [hbm4b:s4+s23], $0x80, s18, s23, $0xb8;
	[tilespmem:$0x1E800] =	vst v63  }
0xf7: {  	_ =	swait.ge [sflag:s28], $0x4000  }
0xf8: {  	[sflag:s28] =	ssyncset.done $0x0  }
0xf9: {  	s18 =	simm.s32 $0x1E80;
	[sflag:s28] =	ssyncadd.s32 $0xFFFFC000  }
0xfa: {  	[spmem:s2] =	stream.indirect.scatter.add.f32 [tilespmem:s24], [sflag:$0x3], $0x80, s18, s23, $0xb8;
	[tilespmem:$0x1E800] =	vst v63  }
0xfb: {  	_ =	swait.ge [sflag:s21], $0x4000  }
0xfc: {  	[sflag:s21] =	ssyncset.done $0x0  }
0xfd: {  	s18 =	simm.s32 $0xB80;
	[sflag:s21] =	ssyncadd.s32 $0xFFFFC000  }
0xfe: {  	[tilespmem:s24], [sflag:$0x2] =	stream.indirect.gather [hbm4b:s4+s23], $0x80, s18, s23, $0xb8;
	[tilespmem:$0x1E800] =	vst v63  }
0xff: {  	_ =	swait.ge [sflag:s25], $0x4000  }
0x100: {  	[sflag:s25] =	ssyncset.done $0x0  }
0x101: {  	s18 =	simm.s32 $0x1F00;
	[sflag:s25] =	ssyncadd.s32 $0xFFFFC000  }
0x102: {  	[spmem:s2] =	stream.indirect.scatter.add.f32 [tilespmem:s20], [sflag:$0x3], $0x80, s18, s23, $0xb8;
	[tilespmem:$0x1E800] =	vst v63  }
0x103: {  	_ =	swait.ge [sflag:s21], $0x4000  }
0x104: {  	[sflag:s21] =	ssyncset.done $0x0  }
0x105: {  	s18 =	simm.s32 $0xC00;
	[sflag:s21] =	ssyncadd.s32 $0xFFFFC000  }
0x106: {  	[tilespmem:s20], [sflag:$0x1] =	stream.indirect.gather [hbm4b:s4+s23], $0x80, s18, s23, $0xb8;
	[tilespmem:$0x1E800] =	vst v63  }
0x107: {  	_ =	swait.ge [sflag:s28], $0x4000  }
0x108: {  	[sflag:s28] =	ssyncset.done $0x0  }
0x109: {  	s18 =	simm.s32 $0x1F80;
	[sflag:s28] =	ssyncadd.s32 $0xFFFFC000  }
0x10a: {  	[spmem:s2] =	stream.indirect.scatter.add.f32 [tilespmem:s24], [sflag:$0x3], $0x80, s18, s23, $0xb8;
	[tilespmem:$0x1E800] =	vst v63  }
0x10b: {  	_ =	swait.ge [sflag:s21], $0x4000  }
0x10c: {  	[sflag:s21] =	ssyncset.done $0x0  }
0x10d: {  	s18 =	simm.s32 $0xC80;
	[sflag:s21] =	ssyncadd.s32 $0xFFFFC000  }
0x10e: {  	[tilespmem:s24], [sflag:$0x2] =	stream.indirect.gather [hbm4b:s4+s23], $0x80, s18, s23, $0xb8;
	[tilespmem:$0x1E800] =	vst v63  }
0x10f: {  	_ =	swait.ge [sflag:s25], $0x4000  }
0x110: {  	[sflag:s25] =	ssyncset.done $0x0  }
0x111: {  	s18 =	simm.s32 $0x2000;
	[sflag:s25] =	ssyncadd.s32 $0xFFFFC000  }
0x112: {  	[spmem:s2] =	stream.indirect.scatter.add.f32 [tilespmem:s20], [sflag:$0x3], $0x80, s18, s23, $0xb8;
	[tilespmem:$0x1E800] =	vst v63  }
0x113: {  	_ =	swait.ge [sflag:s21], $0x4000  }
0x114: {  	[sflag:s21] =	ssyncset.done $0x0  }
0x115: {  	s18 =	simm.s32 $0xD00;
	[sflag:s21] =	ssyncadd.s32 $0xFFFFC000  }
0x116: {  	[tilespmem:s20], [sflag:$0x1] =	stream.indirect.gather [hbm4b:s4+s23], $0x80, s18, s23, $0xb8;
	[tilespmem:$0x1E800] =	vst v63  }
0x117: {  	_ =	swait.ge [sflag:s28], $0x4000  }
0x118: {  	[sflag:s28] =	ssyncset.done $0x0  }
0x119: {  	s18 =	simm.s32 $0x2080;
	[sflag:s28] =	ssyncadd.s32 $0xFFFFC000  }
0x11a: {  	[spmem:s2] =	stream.indirect.scatter.add.f32 [tilespmem:s24], [sflag:$0x3], $0x80, s18, s23, $0xb8;
	[tilespmem:$0x1E800] =	vst v63  }
0x11b: {  	_ =	swait.ge [sflag:s21], $0x4000  }
0x11c: {  	[sflag:s21] =	ssyncset.done $0x0  }
0x11d: {  	s18 =	simm.s32 $0xD80;
	[sflag:s21] =	ssyncadd.s32 $0xFFFFC000  }
0x11e: {  	[tilespmem:s24], [sflag:$0x2] =	stream.indirect.gather [hbm4b:s4+s23], $0x80, s18, s23, $0xb8;
	[tilespmem:$0x1E800] =	vst v63  }
0x11f: {  	_ =	swait.ge [sflag:s25], $0x4000  }
0x120: {  	[sflag:s25] =	ssyncset.done $0x0  }
0x121: {  	s18 =	simm.s32 $0x2100;
	[sflag:s25] =	ssyncadd.s32 $0xFFFFC000  }
0x122: {  	[spmem:s2] =	stream.indirect.scatter.add.f32 [tilespmem:s20], [sflag:$0x3], $0x80, s18, s23, $0xb8;
	[tilespmem:$0x1E800] =	vst v63  }
0x123: {  	_ =	swait.ge [sflag:s21], $0x4000  }
0x124: {  	[sflag:s21] =	ssyncset.done $0x0  }
0x125: {  	s18 =	simm.s32 $0xE00;
	[sflag:s21] =	ssyncadd.s32 $0xFFFFC000  }
0x126: {  	[tilespmem:s20], [sflag:$0x1] =	stream.indirect.gather [hbm4b:s4+s23], $0x80, s18, s23, $0xb8;
	[tilespmem:$0x1E800] =	vst v63  }
0x127: {  	_ =	swait.ge [sflag:s28], $0x4000  }
0x128: {  	[sflag:s28] =	ssyncset.done $0x0  }
0x129: {  	s18 =	simm.s32 $0x2180;
	[sflag:s28] =	ssyncadd.s32 $0xFFFFC000  }
0x12a: {  	[spmem:s2] =	stream.indirect.scatter.add.f32 [tilespmem:s24], [sflag:$0x3], $0x80, s18, s23, $0xb8;
	[tilespmem:$0x1E800] =	vst v63  }
0x12b: {  	_ =	swait.ge [sflag:s21], $0x4000  }
0x12c: {  	[sflag:s21] =	ssyncset.done $0x0  }
0x12d: {  	s18 =	simm.s32 $0xE80;
	[sflag:s21] =	ssyncadd.s32 $0xFFFFC000  }
0x12e: {  	[tilespmem:s24], [sflag:$0x2] =	stream.indirect.gather [hbm4b:s4+s23], $0x80, s18, s23, $0xb8;
	[tilespmem:$0x1E800] =	vst v63  }
0x12f: {  	_ =	swait.ge [sflag:s25], $0x4000  }
0x130: {  	[sflag:s25] =	ssyncset.done $0x0  }
0x131: {  	s18 =	simm.s32 $0x2200;
	[sflag:s25] =	ssyncadd.s32 $0xFFFFC000  }
0x132: {  	[spmem:s2] =	stream.indirect.scatter.add.f32 [tilespmem:s20], [sflag:$0x3], $0x80, s18, s23, $0xb8;
	[tilespmem:$0x1E800] =	vst v63  }
0x133: {  	_ =	swait.ge [sflag:s21], $0x4000  }
0x134: {  	[sflag:s21] =	ssyncset.done $0x0  }
0x135: {  	s18 =	simm.s32 $0xF00;
	[sflag:s21] =	ssyncadd.s32 $0xFFFFC000  }
0x136: {  	[tilespmem:s20], [sflag:$0x1] =	stream.indirect.gather [hbm4b:s4+s23], $0x80, s18, s23, $0xb8;
	[tilespmem:$0x1E800] =	vst v63  }
0x137: {  	_ =	swait.ge [sflag:s28], $0x4000  }
0x138: {  	[sflag:s28] =	ssyncset.done $0x0  }
0x139: {  	s18 =	simm.s32 $0x2280;
	[sflag:s28] =	ssyncadd.s32 $0xFFFFC000  }
0x13a: {  	[spmem:s2] =	stream.indirect.scatter.add.f32 [tilespmem:s24], [sflag:$0x3], $0x80, s18, s23, $0xb8;
	[tilespmem:$0x1E800] =	vst v63  }
0x13b: {  	_ =	swait.ge [sflag:s21], $0x4000  }
0x13c: {  	[sflag:s21] =	ssyncset.done $0x0  }
0x13d: {  	s18 =	simm.s32 $0xF80;
	[sflag:s21] =	ssyncadd.s32 $0xFFFFC000  }
0x13e: {  	[tilespmem:s24], [sflag:$0x2] =	stream.indirect.gather [hbm4b:s4+s23], $0x80, s18, s23, $0xb8;
	[tilespmem:$0x1E800] =	vst v63  }
0x13f: {  	_ =	swait.ge [sflag:s25], $0x4000  }
0x140: {  	[sflag:s25] =	ssyncset.done $0x0  }
0x141: {  	s18 =	simm.s32 $0x2300;
	[sflag:s25] =	ssyncadd.s32 $0xFFFFC000  }
0x142: {  	[spmem:s2] =	stream.indirect.scatter.add.f32 [tilespmem:s20], [sflag:$0x3], $0x80, s18, s23, $0xb8;
	[tilespmem:$0x1E800] =	vst v63  }
0x143: {  	_ =	swait.ge [sflag:s21], $0x4000  }
0x144: {  	[sflag:s21] =	ssyncset.done $0x0  }
0x145: {  	s18 =	simm.s32 $0x1000;
	[sflag:s21] =	ssyncadd.s32 $0xFFFFC000  }
0x146: {  	[tilespmem:s20], [sflag:$0x1] =	stream.indirect.gather [hbm4b:s4+s23], $0x80, s18, s23, $0xb8;
	[tilespmem:$0x1E800] =	vst v63  }
0x147: {  	_ =	swait.ge [sflag:s28], $0x4000  }
0x148: {  	[sflag:s28] =	ssyncset.done $0x0  }
0x149: {  	s18 =	simm.s32 $0x2380;
	[sflag:s28] =	ssyncadd.s32 $0xFFFFC000  }
0x14a: {  	[spmem:s2] =	stream.indirect.scatter.add.f32 [tilespmem:s24], [sflag:$0x3], $0x80, s18, s23, $0xb8;
	[tilespmem:$0x1E800] =	vst v63  }
0x14b: {  	_ =	swait.ge [sflag:s21], $0x4000  }
0x14c: {  	[sflag:s21] =	ssyncset.done $0x0  }
0x14d: {  	s18 =	simm.s32 $0x1080;
	[sflag:s21] =	ssyncadd.s32 $0xFFFFC000  }
0x14e: {  	[tilespmem:s24], [sflag:$0x2] =	stream.indirect.gather [hbm4b:s4+s23], $0x80, s18, s23, $0xb8;
	[tilespmem:$0x1E800] =	vst v63  }
0x14f: {  	_ =	swait.ge [sflag:s25], $0x4000  }
0x150: {  	[sflag:s25] =	ssyncset.done $0x0  }
0x151: {  	[sflag:s25] =	ssyncadd.s32 $0xFFFFC000  }
0x152: {  	[spmem:s2] =	stream.indirect.scatter.add.f32 [tilespmem:s20], [sflag:$0x3], $0x80, s29, s23, $0xb8;
	[tilespmem:$0x1E800] =	vst v63  }
0x153: {  	_ =	swait.ge [sflag:s21], $0x4000  }
0x154: {  	[sflag:s21] =	ssyncset.done $0x0  }
0x155: {  	[sflag:s21] =	ssyncadd.s32 $0xFFFFC000  }
0x156: {  	[tilespmem:s20], [sflag:$0x1] =	stream.indirect.gather [hbm4b:s4+s23], $0x80, s30, s23, $0xb8;
	[tilespmem:$0x1E800] =	vst v63  }
0x157: {  	_ =	swait.ge [sflag:s28], $0x4000  }
0x158: {  	[sflag:s28] =	ssyncset.done $0x0  }
0x159: {  	[sflag:s28] =	ssyncadd.s32 $0xFFFFC000  }
0x15a: {  	[spmem:s2] =	stream.indirect.scatter.add.f32 [tilespmem:s24], [sflag:$0x3], $0x80, s31, s23, $0xb8;
	[tilespmem:$0x1E800] =	vst v63  }
0x15b: {  	_ =	swait.ge [sflag:s21], $0x4000  }
0x15c: {  	[sflag:s21] =	ssyncset.done $0x0  }
0x15d: {  	[sflag:s21] =	ssyncadd.s32 $0xFFFFC000  }
0x15e: {  	[tilespmem:s24], [sflag:$0x2] =	stream.indirect.gather [hbm4b:s4+s23], $0x80, s0, s23, $0xb8;
	[tilespmem:$0x1E800] =	vst v63  }
0x15f: {  	_ =	swait.ge [sflag:s25], $0x4000  }
0x160: {  	[sflag:s25] =	ssyncset.done $0x0  }
0x161: {  	[sflag:s25] =	ssyncadd.s32 $0xFFFFC000  }
0x162: {  	[spmem:s2] =	stream.indirect.scatter.add.f32 [tilespmem:s20], [sflag:$0x3], $0x80, s1, s23, $0xb8;
	[tilespmem:$0x1E800] =	vst v63  }
0x163: {  	_ =	swait.ge [sflag:s21], $0x4000  }
0x164: {  	[sflag:s21] =	ssyncset.done $0x0  }
0x165: {  	[sflag:s21] =	ssyncadd.s32 $0xFFFFC000  }
0x166: {  	[tilespmem:s20], [sflag:$0x1] =	stream.indirect.gather [hbm4b:s4+s23], $0x80, s14, s23, $0xb8;
	[tilespmem:$0x1E800] =	vst v63  }
0x167: {  	_ =	swait.ge [sflag:s28], $0x4000  }
0x168: {  	[sflag:s28] =	ssyncset.done $0x0  }
0x169: {  	[sflag:s28] =	ssyncadd.s32 $0xFFFFC000  }
0x16a: {  	[spmem:s2] =	stream.indirect.scatter.add.f32 [tilespmem:s24], [sflag:$0x3], $0x80, s15, s23, $0xb8;
	[tilespmem:$0x1E800] =	vst v63  }
0x16b: {  	_ =	swait.ge [sflag:s21], $0x4000  }
0x16c: {  	[sflag:s21] =	ssyncset.done $0x0  }
0x16d: {  	[sflag:s21] =	ssyncadd.s32 $0xFFFFC000  }
0x16e: {  	[tilespmem:s24], [sflag:$0x2] =	stream.indirect.gather [hbm4b:s4+s23], $0x80, s16, s23, $0xb8;
	[tilespmem:$0x1E800] =	vst v63  }
0x16f: {  	_ =	swait.ge [sflag:s25], $0x4000  }
0x170: {  	[sflag:s25] =	ssyncset.done $0x0  }
0x171: {  	[sflag:s25] =	ssyncadd.s32 $0xFFFFC000  }
0x172: {  	[spmem:s2] =	stream.indirect.scatter.add.f32 [tilespmem:s20], [sflag:$0x3], $0x80, s8, s23, $0xb8;
	[tilespmem:$0x1E800] =	vst v63  }
0x173: {  	_ =	swait.ge [sflag:s21], $0x4000  }
0x174: {  	[sflag:s21] =	ssyncset.done $0x0  }
0x175: {  	[sflag:s21] =	ssyncadd.s32 $0xFFFFC000  }
0x176: {  	[tilespmem:s20], [sflag:$0x1] =	stream.indirect.gather [hbm4b:s4+s23], $0x80, s9, s23, $0xb8;
	[tilespmem:$0x1E800] =	vst v63  }
0x177: {  	_ =	swait.ge [sflag:s28], $0x4000  }
0x178: {  	[sflag:s28] =	ssyncset.done $0x0  }
0x179: {  	[sflag:s28] =	ssyncadd.s32 $0xFFFFC000  }
0x17a: {  	[spmem:s2] =	stream.indirect.scatter.add.f32 [tilespmem:s24], [sflag:$0x3], $0x80, s10, s23, $0xb8;
	[tilespmem:$0x1E800] =	vst v63  }
0x17b: {  	_ =	swait.ge [sflag:s21], $0x4000  }
0x17c: {  	[sflag:s21] =	ssyncset.done $0x0  }
0x17d: {  	[sflag:s21] =	ssyncadd.s32 $0xFFFFC000  }
0x17e: {  	[tilespmem:s24], [sflag:$0x2] =	stream.indirect.gather [hbm4b:s4+s23], $0x80, s12, s23, $0xb8;
	[tilespmem:$0x1E800] =	vst v63  }
0x17f: {  	_ =	swait.ge [sflag:s25], $0x4000  }
0x180: {  	[sflag:s25] =	ssyncset.done $0x0  }
0x181: {  	[sflag:s25] =	ssyncadd.s32 $0xFFFFC000  }
0x182: {  	[spmem:s2] =	stream.indirect.scatter.add.f32 [tilespmem:s20], [sflag:$0x3], $0x80, s7, s23, $0xb8;
	[tilespmem:$0x1E800] =	vst v63  }
0x183: {  	_ =	swait.ge [sflag:s21], $0x4000  }
0x184: {  	[sflag:s21] =	ssyncset.done $0x0  }
0x185: {  	[sflag:s21] =	ssyncadd.s32 $0xFFFFC000  }
0x186: {  	_ =	swait.ge [sflag:s28], $0x4000  }
0x187: {  	p1 =	por p0, p0;
	[sflag:s28] =	ssyncset.done $0x0  }
.Ltmp1:
0x188: {  	[sflag:s28] =	ssyncadd.s32 $0xFFFFC000;
	(pc) =	sbr.rel @p1 .LBB2_4-.Ltmp1, $4  }
0x189: {  	[spmem:s2] =	stream.indirect.scatter.add.f32 [tilespmem:s24], [sflag:$0x3], $0x80, s26, s23, $0xb8;
	[tilespmem:$0x1E800] =	vst v63  }
0x18a: {  	_ =	swait.ge [sflag:s21], $0x4000  }
0x18b: {  	[sflag:s21] =	ssyncset.done $0x0  }
0x18c: {  	p0 =	por $0x0, $0x0;
	s17 =	simm.s32 $0x28;
	[sflag:s21] =	ssyncadd.s32 $0xFFFFC000  }
0x18d: {  	s17 =	stileid.u32;
	[bflag:$0x0] =	sbarrier.arrive $0xFFFF  }
0x18e: {  	s17 =	sshll.u32 s17, $0x6;
	s18 =	rddreg [dreg:$0x3]  }
0x18f: {  	s19 =	rddreg [dreg:$0x8];
	s17 =	sor.u32 $0x1C03, s17;
	s18 =	sshrl.u32 s18, $0x3  }
0x190: {  	[hbm:s19], [sflag:s17] =	dma.local [spmem:s18], $0x800  }
0x191: {  	_ =	swait.ge [sflag:s21], $0x800  }
0x192: {  	[sflag:s21] =	ssyncset.done $0x0;
	s19 =	rddreg [dreg:$0x4]  }
0x193: {  	s0 =	rddreg [dreg:$0x9];
	[sflag:s21] =	ssyncadd.s32 $0xFFFFF800;
	s18 =	sshrl.u32 s19, $0x3  }
0x194: {  	[hbm:s0], [sflag:s17] =	dma.local [spmem:s18], $0x800  }
0x195: {  	_ =	swait.ge [sflag:s21], $0x800  }
0x196: {  	[sflag:s21] =	ssyncset.done $0x0;
	s19 =	rddreg [dreg:$0x5]  }
0x197: {  	s0 =	rddreg [dreg:$0xa];
	[sflag:s21] =	ssyncadd.s32 $0xFFFFF800;
	s18 =	sshrl.u32 s19, $0x3  }
0x198: {  	[hbm:s0], [sflag:s17] =	dma.local [spmem:s18], $0x800  }
0x199: {  	_ =	swait.ge [sflag:s21], $0x800  }
0x19a: {  	[sflag:s21] =	ssyncset.done $0x0;
	s19 =	rddreg [dreg:$0x6]  }
0x19b: {  	s0 =	rddreg [dreg:$0xb];
	[sflag:s21] =	ssyncadd.s32 $0xFFFFF800;
	s18 =	sshrl.u32 s19, $0x3  }
0x19c: {  	[hbm:s0], [sflag:s17] =	dma.local [spmem:s18], $0x800  }
0x19d: {  	_ =	swait.ge [sflag:s21], $0x800  }
0x19e: {  	[sflag:s21] =	ssyncset.done $0x0;
	s19 =	rddreg [dreg:$0x7]  }
0x19f: {  	s0 =	rddreg [dreg:$0xc];
	[sflag:s21] =	ssyncadd.s32 $0xFFFFF800;
	s18 =	sshrl.u32 s19, $0x3  }
0x1a0: {  	[hbm:s0], [sflag:s17] =	dma.local [spmem:s18], $0x800  }
0x1a1: {  	_ =	swait.ge [sflag:s21], $0x800  }
0x1a2: {  	s0 =	rddreg [dreg:$0xe]  }
0x1a3: {  	s18 =	rddreg [dreg:$0xd];
	s0 =	sadd.s32 $0x1, s0  }
0x1a4: {  	p0 =	sne.s32 s0, s18  }
.Ltmp2:
0x1a5: {  	_ = 	snop;
	(pc) =	sbr.rel @p0 .LBB2_1-.Ltmp2, $3  }
0x1a6: {  	_ =	sdelay $0x1  }
0x1a7: {  	[sflag:s21] =	ssyncset.done $0x0  }
0x1a8: {  	s19 =	simm.s32 $0x100;
	[sflag:s21] =	ssyncadd.s32 $0xFFFFF800  }
0x1a9: {  	_ =	sfence.sel $0x180000  }
0x1aa: {  	[bflag:$0x0] =	sbarrier.arrive $0xFFFF  }
0x1ab: {  	_ =	strace $0x9000004A  }
0x1ac: {  	s0 =	stileid.u32;
	[bflag:$0x2] =	sbarrier.arrive $0xFFFF  }
0x1ad: {  	p0 =	sne.s32 s0, $0x0;
	s0 =	rddreg [dreg:$0x2]  }
0x1ae: {  	s0 =	sadd.s32 @!p0 $0x100000, s0  }
0x1af: {  	[sflag:s0] =	ssyncadd.tile.s32 @!p0 $0x1;
	_ =	shalt  }
.Lfunc_end2:
_tile_overlayer_lowered:
.L_overlay_start_2:
0x1b0: {  	(tag) =	ssettag $0x2  }
0x1b1: {  	s0 =	rddreg [dreg:$0x0];
	s2 =	stileid.u32  }
0x1b2: {  	s1 =	rddreg [dreg:$0x1];
	p0 =	sne.s32 s2, $0x0  }
0x1b3: {  	s3 =	rddreg [dreg:$0x2];
	[bflag:$0x3] =	sbarrier.arrive $0xFFFF;
	s2 =	simm.s32 @!p0 $0x1C03  }
0x1b4: {  	[timem:s3], [sflag:s2] =	dma.local @!p0 [hbm:s0], s1  }
0x1b5: {  	s0 =	simm.s32 @!p0 $0x3  }
0x1b6: {  	_ =	swait.ge @!p0 [sflag:s0], s1  }
0x1b7: {  	s1 =	ssub.s32 @!p0 $0x0, s1;
	[sflag:s0] =	ssyncset.done @!p0 $0x0  }
0x1b8: {  	[sflag:s0] =	ssyncadd.s32 @!p0 s1  }
0x1b9: {  	[bflag:$0x3] =	sbarrier.arrive $0xFFFF  }
0x1ba: {  	_ =	shalt  }

</sc_bundles>
